<compile_context>
chip_gen: v7x
topology: tpu7x:2x2x1
jax: 0.10.2.dev20260603
libtpu: 0.0.44.dev20260713+nightly
codegen_flags: <defaults>
</compile_context>

<pallas_src>
import functools

import jax
import jax.numpy as jnp
from jax import lax
from jax.experimental import pallas as pl
from jax.experimental.pallas import tpu as pltpu
from jax.experimental.pallas import tpu_sc as plsc

_N_TOK = 100000
_EMB = 64
_ALPHA = 0.1
_HASH_A = (2654435761, 2246822519, 3266489917, 668265263)
_HASH_B = (374761393, 3144134277, 1013904223, 2773480762)

_NC, _NS, _LANES = 2, 16, 16
_NW = _NC * _NS
_C = 256

_OFF_X = 0
_OFF_Y = 1025
_OFF_W = 1794
_OFF_H = 2819
_SROWS = 3600
_OFFS = (_OFF_X, _OFF_X, _OFF_Y, _OFF_Y, _OFF_W, _OFF_H)


def _mlp_fold(X, Wm, A):

    def body(x_ref, w_ref, a_ref, o_ref):
        xw = lax.dot_general(
            x_ref[...], w_ref[...], (((1,), (1,)), ((), ())),
            preferred_element_type=jnp.float32)
        o_ref[...] = _ALPHA * (xw + a_ref[...])

    return pl.pallas_call(
        body, out_shape=jax.ShapeDtypeStruct(X.shape, jnp.float32))(X, Wm, A)


def _sc_lookup(idx_arrays, table, S, N):
    per_w = N // _NW
    n = per_w // _C
    assert per_w * _NW == N and n * _C == per_w and n % 2 == 0 and n > 4

    mesh = plsc.VectorSubcoreMesh(
        core_axis_name="c", subcore_axis_name="s",
        num_cores=_NC, num_subcores=_NS)

    @functools.partial(
        pl.kernel,
        out_type=jax.ShapeDtypeStruct((N, _EMB), jnp.float32),
        mesh=mesh,
        compiler_params=pltpu.CompilerParams(use_tc_tiling_on_sc=False),
        scratch_types=[
            pltpu.VMEM((2, 7, _C), jnp.int32),
            pltpu.VMEM((2, 10, _C), jnp.int32),
            pltpu.VMEM((2, _C, _EMB), jnp.float32),
            pltpu.VMEM((2, _C, _EMB), jnp.float32),
            pltpu.VMEM((2, _C, _EMB), jnp.float32),
            pltpu.SemaphoreType.DMA, pltpu.SemaphoreType.DMA,
            pltpu.SemaphoreType.DMA, pltpu.SemaphoreType.DMA,
            pltpu.SemaphoreType.DMA, pltpu.SemaphoreType.DMA,
            pltpu.SemaphoreType.DMA, pltpu.SemaphoreType.DMA,
        ],
    )
    def k(tok_h, x0_h, x1_h, y0_h, y1_h, w_h, h_h, table_h, s_h, out_h,
          in_v, idx_v, big_v, sm_v, out_v,
          sIn0, sIn1, sA0, sA1, sB0, sB1, sO0, sO1):
        sIn, sA, sB, sO = (sIn0, sIn1), (sA0, sA1), (sB0, sB1), (sO0, sO1)
        srcs = (tok_h, x0_h, x1_h, y0_h, y1_h, w_h, h_h)
        sid = lax.axis_index("s")
        wid = sid * _NC + lax.axis_index("c")
        w_base = wid * per_w

        def fire_in(i, p):
            for r, src in enumerate(srcs):
                pltpu.async_copy(
                    src.at[pl.ds(w_base + i * _C, _C)], in_v.at[p, r], sIn[p])

        def wait_in(i, p):
            for r, src in enumerate(srcs):
                pltpu.make_async_copy(
                    src.at[pl.ds(w_base + i * _C, _C)], in_v.at[p, r],
                    sIn[p]).wait()

        def idx_compute(p):
            def body(i, c):
                sl = pl.ds(i * _LANES, _LANES)
                t = in_v[p, 0, sl].astype(jnp.uint32)
                for j in range(4):
                    bk = (t * jnp.uint32(_HASH_A[j]) + jnp.uint32(_HASH_B[j])
                          ) % jnp.uint32(_N_TOK)
                    idx_v[p, j, sl] = bk.astype(jnp.int32)
                for kk in range(6):
                    idx_v[p, 4 + kk, sl] = in_v[p, 1 + kk, sl] + _OFFS[kk]
                return c
            lax.fori_loop(0, _C // _LANES, body, 0)

        def fire_A(p):
            pltpu.async_copy(table_h.at[idx_v.at[p, 0]], big_v.at[p], sA[p])
            pltpu.async_copy(s_h.at[idx_v.at[p, 4]], sm_v.at[p], sA[p])

        def wait_A(p):
            pltpu.make_async_copy(
                table_h.at[idx_v.at[p, 0]], big_v.at[p], sA[p]).wait()
            pltpu.make_async_copy(
                s_h.at[idx_v.at[p, 4]], sm_v.at[p], sA[p]).wait()

        def fire_B(p):
            for j in range(1, 4):
                pltpu.async_copy(
                    table_h.at[idx_v.at[p, j]], big_v.at[p], sB[p], add=True)
            for kk in range(1, 6):
                pltpu.async_copy(
                    s_h.at[idx_v.at[p, 4 + kk]], sm_v.at[p], sB[p], add=True)

        def wait_B(p):
            for j in range(1, 4):
                pltpu.make_async_copy(
                    table_h.at[idx_v.at[p, j]], big_v.at[p], sB[p]).wait()
            for kk in range(1, 6):
                pltpu.make_async_copy(
                    s_h.at[idx_v.at[p, 4 + kk]], sm_v.at[p], sB[p]).wait()

        def combine_fire_out(i, p):
            def body(t, c):
                for r in range(4):
                    sl = pl.ds(r * _LANES, _LANES)
                    out_v[p, t, sl] = (
                        big_v[p, t, sl] + jnp.maximum(sm_v[p, t, sl], 0.0))
                return c
            lax.fori_loop(0, _C, body, 0)
            pltpu.async_copy(
                out_v.at[p], out_h.at[pl.ds(w_base + i * _C, _C)], sO[p])

        def wait_out(i, p):
            pltpu.make_async_copy(
                out_v.at[p], out_h.at[pl.ds(w_base + i * _C, _C)], sO[p]).wait()

        fire_in(0, 0)
        fire_in(1, 1)
        wait_in(0, 0)
        idx_compute(0)
        fire_A(0)
        fire_in(2, 0)
        wait_in(1, 1)
        idx_compute(1)
        fire_A(1)
        wait_A(0)
        fire_B(0)

        def slot(i, p):
            q = 1 - p
            @pl.when(i + 1 < n)
            def _():
                wait_A(q)
                fire_B(q)
            @pl.when(i >= 2)
            def _():
                wait_out(i - 2, p)
            wait_B(p)
            combine_fire_out(i, p)
            @pl.when(i + 2 < n)
            def _():
                wait_in(i + 2, p)
                idx_compute(p)
                fire_A(p)
            @pl.when(i + 3 < n)
            def _():
                fire_in(i + 3, q)

        def pair(ii, c):
            slot(2 * ii, 0)
            slot(2 * ii + 1, 1)
            return c

        lax.fori_loop(0, n // 2, pair, 0)
        wait_out(n - 2, 0)
        wait_out(n - 1, 1)

    return k(*idx_arrays, table, S)


def kernel(tok, x0, y0, x1, y1, w, h, table, E_x, E_y, E_w, E_h, W, b):
    B_, L_ = tok.shape
    N = B_ * L_
    X = jnp.concatenate([E_x, E_y, E_w, E_h], axis=0)
    X = jnp.pad(X, ((0, _SROWS - X.shape[0]), (0, 0)))
    A = jnp.zeros((_SROWS, _EMB), jnp.float32).at[
        _OFF_H:_OFF_H + E_h.shape[0]].set(b)
    S = _mlp_fold(X, W, A)
    flat = lambda a: a.reshape(N).astype(jnp.int32)
    idx_arrays = (flat(tok), flat(x0), flat(x1), flat(y0), flat(y1),
                  flat(w), flat(h))
    out = _sc_lookup(idx_arrays, table, S, N)
    return out.reshape(B_, L_, _EMB)

# --- scband reference (transcript-rebuilt; emitter-appended) ---
"""Pipeline reference for scband-ocr-embedding-75222057222418 (READ-ONLY COPY).

The authoritative reference and input builder live on the scoring server;
editing this copy changes nothing except your own understanding.
"""

import jax, jax.numpy as jnp
import numpy as np

N_TOK = 100000
EMB = 64
IMG_W = 1024
IMG_H = 768
ALPHA = 0.1
B = 4096
L = 200
N_HASH = 4

HASH_A = jnp.array([2654435761, 2246822519, 3266489917, 668265263], dtype=jnp.uint32)
HASH_B = jnp.array([374761393, 3144134277, 1013904223, 2773480762], dtype=jnp.uint32)


def hash_buckets(tok):
    # tok: int32 [B, L] -> bucket ids int32 [B, L, N_HASH]
    t = tok.astype(jnp.uint32)[..., None]
    return ((t * HASH_A + HASH_B) % jnp.uint32(N_TOK)).astype(jnp.int32)


def setup_inputs(seed: int = 0) -> dict:
    key = jax.random.key(seed)
    ks = jax.random.split(key, 16)
    tok = jax.random.randint(ks[0], (B, L), 0, N_TOK)
    x0 = jax.random.randint(ks[1], (B, L), 0, IMG_W + 1)
    y0 = jax.random.randint(ks[2], (B, L), 0, IMG_H + 1)
    x1 = jax.random.randint(ks[3], (B, L), 0, IMG_W + 1)
    y1 = jax.random.randint(ks[4], (B, L), 0, IMG_H + 1)
    w = jax.random.randint(ks[5], (B, L), 0, IMG_W + 1)
    h = jax.random.randint(ks[6], (B, L), 0, IMG_H + 1)
    # HashEmbedding shared bucket table
    table = jax.random.normal(ks[7], (N_TOK, EMB), dtype=jnp.float32) * 0.02
    # bbox embedding tables (xavier uniform), padding_idx=0 row zeroed
    def xav_emb(k, n):
        lim = float(np.sqrt(6.0 / (n + EMB)))
        e = jax.random.uniform(k, (n, EMB), minval=-lim, maxval=lim, dtype=jnp.float32)
        return e.at[0].set(0.0)
    E_x = xav_emb(ks[8], IMG_W + 1)
    E_y = xav_emb(ks[9], IMG_H + 1)
    E_w = xav_emb(ks[10], IMG_W + 1)
    E_h = xav_emb(ks[11], IMG_H + 1)
    lim = float(np.sqrt(6.0 / (EMB + EMB)))
    W = jax.random.uniform(ks[12], (EMB, EMB), minval=-lim, maxval=lim, dtype=jnp.float32)
    b = jnp.full((EMB,), 0.01, dtype=jnp.float32)
    return {"tok": tok, "x0": x0, "y0": y0, "x1": x1, "y1": y1, "w": w, "h": h,
            "table": table, "E_x": E_x, "E_y": E_y, "E_w": E_w, "E_h": E_h,
            "W": W, "b": b}


def reference(tok, x0, y0, x1, y1, w, h, table, E_x, E_y, E_w, E_h, W, b):
    # HashEmbedding: 4 universal hash functions into a shared bucket table, summed
    bk = hash_buckets(tok)                      # [B, L, 4]
    tok_emb = jnp.take(table, bk, axis=0).sum(axis=2)   # [B, L, EMB]
    bbox = (jnp.take(E_x, x0, axis=0) + jnp.take(E_y, y0, axis=0)
            + jnp.take(E_x, x1, axis=0) + jnp.take(E_y, y1, axis=0)
            + jnp.take(E_w, w, axis=0) + jnp.take(E_h, h, axis=0))
    bbox_emb = jax.nn.relu(bbox @ W.T + b)
    return tok_emb + ALPHA * bbox_emb

if __name__ == "__main__":
    import jax
    _d = setup_inputs()
    print(jax.jit(kernel)(*tuple(_d.values())))

</pallas_src>

<mosaic_0001>
#map = affine_map<(d0, d1) -> (0)>
#map1 = affine_map<(d0, d1) -> (0, 0)>
module attributes {stable_mosaic.version = 14 : i64} {
  func.func @k(%arg0: i32, %arg1: i32, %arg2: memref<819200xi32, #tpu.memory_space<hbm>>, %arg3: memref<819200xi32, #tpu.memory_space<hbm>>, %arg4: memref<819200xi32, #tpu.memory_space<hbm>>, %arg5: memref<819200xi32, #tpu.memory_space<hbm>>, %arg6: memref<819200xi32, #tpu.memory_space<hbm>>, %arg7: memref<819200xi32, #tpu.memory_space<hbm>>, %arg8: memref<819200xi32, #tpu.memory_space<hbm>>, %arg9: memref<100000x64xf32, #tpu.memory_space<hbm>>, %arg10: memref<3600x64xf32, #tpu.memory_space<hbm>>, %arg11: memref<819200x64xf32, #tpu.memory_space<hbm>>, %arg12: memref<2x7x256xi32, #tpu.memory_space<vmem>>, %arg13: memref<2x10x256xi32, #tpu.memory_space<vmem>>, %arg14: memref<2x256x64xf32, #tpu.memory_space<vmem>>, %arg15: memref<2x256x64xf32, #tpu.memory_space<vmem>>, %arg16: memref<2x256x64xf32, #tpu.memory_space<vmem>>, %arg17: memref<!tpu.dma_semaphore, #tpu.memory_space<semaphore_mem>>, %arg18: memref<!tpu.dma_semaphore, #tpu.memory_space<semaphore_mem>>, %arg19: memref<!tpu.dma_semaphore, #tpu.memory_space<semaphore_mem>>, %arg20: memref<!tpu.dma_semaphore, #tpu.memory_space<semaphore_mem>>, %arg21: memref<!tpu.dma_semaphore, #tpu.memory_space<semaphore_mem>>, %arg22: memref<!tpu.dma_semaphore, #tpu.memory_space<semaphore_mem>>, %arg23: memref<!tpu.dma_semaphore, #tpu.memory_space<semaphore_mem>>, %arg24: memref<!tpu.dma_semaphore, #tpu.memory_space<semaphore_mem>>) attributes {dimension_semantics = [#tpu.dimension_semantics<core_parallel>, #tpu.dimension_semantics<subcore_parallel>], iteration_bounds = array<i64: 2, 16>, scalar_prefetch = 0 : i64, scratch_operands = 13 : i64, tpu.core_type = #tpu.core_type<sc_vector_subcore>, window_params = [{transform_indices = #map}, {transform_indices = #map}, {transform_indices = #map}, {transform_indices = #map}, {transform_indices = #map}, {transform_indices = #map}, {transform_indices = #map}, {transform_indices = #map1}, {transform_indices = #map1}, {transform_indices = #map1}]} {
    %mul3A = arith.constant 2 : i32
    %mul3A_0 = arith.muli %arg1, %mul3A : i32
    %add3A = arith.addi %mul3A_0, %arg0 : i32
    %mul3A_1 = arith.constant 25600 : i32
    %mul3A_2 = arith.muli %add3A, %mul3A_1 : i32
    %add3A_3 = arith.constant 0 : i32
    %add3A_4 = arith.addi %mul3A_2, %add3A_3 : i32
    %dma_start3A = arith.constant 0 : i32
    %dma_start3A_5 = arith.constant 0 : i32
    %dma_start3A_6 = arith.constant 0 : i32
    %dma_start3A_7 = tpu.memref_slice %arg12[%dma_start3A, %dma_start3A_5, %dma_start3A_6] : memref<2x7x256xi32, #tpu.memory_space<vmem>> -> memref<1x1x256xi32, #tpu.memory_space<vmem>>
    %dma_start3A_8 = tpu.memref_squeeze %dma_start3A_7 : memref<1x1x256xi32, #tpu.memory_space<vmem>> -> memref<256xi32, #tpu.memory_space<vmem>>
    %dma_start3A_9 = tpu.memref_slice %arg2[%add3A_4] : memref<819200xi32, #tpu.memory_space<hbm>> -> memref<256xi32, #tpu.memory_space<hbm>>
    %dma_start3A_10 = arith.constant 0 : i32
    %dma_start3A_11 = tpu.memref_slice %arg12[%dma_start3A, %dma_start3A_5, %dma_start3A_10] : memref<2x7x256xi32, #tpu.memory_space<vmem>> -> memref<1x1x256xi32, #tpu.memory_space<vmem>>
    %dma_start3A_12 = tpu.memref_squeeze %dma_start3A_11 : memref<1x1x256xi32, #tpu.memory_space<vmem>> -> memref<256xi32, #tpu.memory_space<vmem>>
    %dma_start3A_13 = tpu.memref_slice %arg2[%add3A_4] : memref<819200xi32, #tpu.memory_space<hbm>> -> memref<256xi32, #tpu.memory_space<hbm>>
    tpu.enqueue_dma source(%dma_start3A_13 : memref<256xi32, #tpu.memory_space<hbm>>) target(%dma_start3A_12 : memref<256xi32, #tpu.memory_space<vmem>>) target_semaphore(%arg17 : memref<!tpu.dma_semaphore, #tpu.memory_space<semaphore_mem>>)
    %add3A_14 = arith.constant 0 : i32
    %add3A_15 = arith.addi %mul3A_2, %add3A_14 : i32
    %dma_start3A_16 = arith.constant 0 : i32
    %dma_start3A_17 = arith.constant 1 : i32
    %dma_start3A_18 = arith.constant 0 : i32
    %dma_start3A_19 = tpu.memref_slice %arg12[%dma_start3A_16, %dma_start3A_17, %dma_start3A_18] : memref<2x7x256xi32, #tpu.memory_space<vmem>> -> memref<1x1x256xi32, #tpu.memory_space<vmem>>
    %dma_start3A_20 = tpu.memref_squeeze %dma_start3A_19 : memref<1x1x256xi32, #tpu.memory_space<vmem>> -> memref<256xi32, #tpu.memory_space<vmem>>
    %dma_start3A_21 = tpu.memref_slice %arg3[%add3A_15] : memref<819200xi32, #tpu.memory_space<hbm>> -> memref<256xi32, #tpu.memory_space<hbm>>
    %dma_start3A_22 = arith.constant 0 : i32
    %dma_start3A_23 = tpu.memref_slice %arg12[%dma_start3A_16, %dma_start3A_17, %dma_start3A_22] : memref<2x7x256xi32, #tpu.memory_space<vmem>> -> memref<1x1x256xi32, #tpu.memory_space<vmem>>
    %dma_start3A_24 = tpu.memref_squeeze %dma_start3A_23 : memref<1x1x256xi32, #tpu.memory_space<vmem>> -> memref<256xi32, #tpu.memory_space<vmem>>
    %dma_start3A_25 = tpu.memref_slice %arg3[%add3A_15] : memref<819200xi32, #tpu.memory_space<hbm>> -> memref<256xi32, #tpu.memory_space<hbm>>
    tpu.enqueue_dma source(%dma_start3A_25 : memref<256xi32, #tpu.memory_space<hbm>>) target(%dma_start3A_24 : memref<256xi32, #tpu.memory_space<vmem>>) target_semaphore(%arg17 : memref<!tpu.dma_semaphore, #tpu.memory_space<semaphore_mem>>)
    %add3A_26 = arith.constant 0 : i32
    %add3A_27 = arith.addi %mul3A_2, %add3A_26 : i32
    %dma_start3A_28 = arith.constant 0 : i32
    %dma_start3A_29 = arith.constant 2 : i32
    %dma_start3A_30 = arith.constant 0 : i32
    %dma_start3A_31 = tpu.memref_slice %arg12[%dma_start3A_28, %dma_start3A_29, %dma_start3A_30] : memref<2x7x256xi32, #tpu.memory_space<vmem>> -> memref<1x1x256xi32, #tpu.memory_space<vmem>>
    %dma_start3A_32 = tpu.memref_squeeze %dma_start3A_31 : memref<1x1x256xi32, #tpu.memory_space<vmem>> -> memref<256xi32, #tpu.memory_space<vmem>>
    %dma_start3A_33 = tpu.memref_slice %arg4[%add3A_27] : memref<819200xi32, #tpu.memory_space<hbm>> -> memref<256xi32, #tpu.memory_space<hbm>>
    %dma_start3A_34 = arith.constant 0 : i32
    %dma_start3A_35 = tpu.memref_slice %arg12[%dma_start3A_28, %dma_start3A_29, %dma_start3A_34] : memref<2x7x256xi32, #tpu.memory_space<vmem>> -> memref<1x1x256xi32, #tpu.memory_space<vmem>>
    %dma_start3A_36 = tpu.memref_squeeze %dma_start3A_35 : memref<1x1x256xi32, #tpu.memory_space<vmem>> -> memref<256xi32, #tpu.memory_space<vmem>>
    %dma_start3A_37 = tpu.memref_slice %arg4[%add3A_27] : memref<819200xi32, #tpu.memory_space<hbm>> -> memref<256xi32, #tpu.memory_space<hbm>>
    tpu.enqueue_dma source(%dma_start3A_37 : memref<256xi32, #tpu.memory_space<hbm>>) target(%dma_start3A_36 : memref<256xi32, #tpu.memory_space<vmem>>) target_semaphore(%arg17 : memref<!tpu.dma_semaphore, #tpu.memory_space<semaphore_mem>>)
    %add3A_38 = arith.constant 0 : i32
    %add3A_39 = arith.addi %mul3A_2, %add3A_38 : i32
    %dma_start3A_40 = arith.constant 0 : i32
    %dma_start3A_41 = arith.constant 3 : i32
    %dma_start3A_42 = arith.constant 0 : i32
    %dma_start3A_43 = tpu.memref_slice %arg12[%dma_start3A_40, %dma_start3A_41, %dma_start3A_42] : memref<2x7x256xi32, #tpu.memory_space<vmem>> -> memref<1x1x256xi32, #tpu.memory_space<vmem>>
    %dma_start3A_44 = tpu.memref_squeeze %dma_start3A_43 : memref<1x1x256xi32, #tpu.memory_space<vmem>> -> memref<256xi32, #tpu.memory_space<vmem>>
    %dma_start3A_45 = tpu.memref_slice %arg5[%add3A_39] : memref<819200xi32, #tpu.memory_space<hbm>> -> memref<256xi32, #tpu.memory_space<hbm>>
    %dma_start3A_46 = arith.constant 0 : i32
    %dma_start3A_47 = tpu.memref_slice %arg12[%dma_start3A_40, %dma_start3A_41, %dma_start3A_46] : memref<2x7x256xi32, #tpu.memory_space<vmem>> -> memref<1x1x256xi32, #tpu.memory_space<vmem>>
    %dma_start3A_48 = tpu.memref_squeeze %dma_start3A_47 : memref<1x1x256xi32, #tpu.memory_space<vmem>> -> memref<256xi32, #tpu.memory_space<vmem>>
    %dma_start3A_49 = tpu.memref_slice %arg5[%add3A_39] : memref<819200xi32, #tpu.memory_space<hbm>> -> memref<256xi32, #tpu.memory_space<hbm>>
    tpu.enqueue_dma source(%dma_start3A_49 : memref<256xi32, #tpu.memory_space<hbm>>) target(%dma_start3A_48 : memref<256xi32, #tpu.memory_space<vmem>>) target_semaphore(%arg17 : memref<!tpu.dma_semaphore, #tpu.memory_space<semaphore_mem>>)
    %add3A_50 = arith.constant 0 : i32
    %add3A_51 = arith.addi %mul3A_2, %add3A_50 : i32
    %dma_start3A_52 = arith.constant 0 : i32
    %dma_start3A_53 = arith.constant 4 : i32
    %dma_start3A_54 = arith.constant 0 : i32
    %dma_start3A_55 = tpu.memref_slice %arg12[%dma_start3A_52, %dma_start3A_53, %dma_start3A_54] : memref<2x7x256xi32, #tpu.memory_space<vmem>> -> memref<1x1x256xi32, #tpu.memory_space<vmem>>
    %dma_start3A_56 = tpu.memref_squeeze %dma_start3A_55 : memref<1x1x256xi32, #tpu.memory_space<vmem>> -> memref<256xi32, #tpu.memory_space<vmem>>
    %dma_start3A_57 = tpu.memref_slice %arg6[%add3A_51] : memref<819200xi32, #tpu.memory_space<hbm>> -> memref<256xi32, #tpu.memory_space<hbm>>
    %dma_start3A_58 = arith.constant 0 : i32
    %dma_start3A_59 = tpu.memref_slice %arg12[%dma_start3A_52, %dma_start3A_53, %dma_start3A_58] : memref<2x7x256xi32, #tpu.memory_space<vmem>> -> memref<1x1x256xi32, #tpu.memory_space<vmem>>
    %dma_start3A_60 = tpu.memref_squeeze %dma_start3A_59 : memref<1x1x256xi32, #tpu.memory_space<vmem>> -> memref<256xi32, #tpu.memory_space<vmem>>
    %dma_start3A_61 = tpu.memref_slice %arg6[%add3A_51] : memref<819200xi32, #tpu.memory_space<hbm>> -> memref<256xi32, #tpu.memory_space<hbm>>
    tpu.enqueue_dma source(%dma_start3A_61 : memref<256xi32, #tpu.memory_space<hbm>>) target(%dma_start3A_60 : memref<256xi32, #tpu.memory_space<vmem>>) target_semaphore(%arg17 : memref<!tpu.dma_semaphore, #tpu.memory_space<semaphore_mem>>)
    %add3A_62 = arith.constant 0 : i32
    %add3A_63 = arith.addi %mul3A_2, %add3A_62 : i32
    %dma_start3A_64 = arith.constant 0 : i32
    %dma_start3A_65 = arith.constant 5 : i32
    %dma_start3A_66 = arith.constant 0 : i32
    %dma_start3A_67 = tpu.memref_slice %arg12[%dma_start3A_64, %dma_start3A_65, %dma_start3A_66] : memref<2x7x256xi32, #tpu.memory_space<vmem>> -> memref<1x1x256xi32, #tpu.memory_space<vmem>>
    %dma_start3A_68 = tpu.memref_squeeze %dma_start3A_67 : memref<1x1x256xi32, #tpu.memory_space<vmem>> -> memref<256xi32, #tpu.memory_space<vmem>>
    %dma_start3A_69 = tpu.memref_slice %arg7[%add3A_63] : memref<819200xi32, #tpu.memory_space<hbm>> -> memref<256xi32, #tpu.memory_space<hbm>>
    %dma_start3A_70 = arith.constant 0 : i32
    %dma_start3A_71 = tpu.memref_slice %arg12[%dma_start3A_64, %dma_start3A_65, %dma_start3A_70] : memref<2x7x256xi32, #tpu.memory_space<vmem>> -> memref<1x1x256xi32, #tpu.memory_space<vmem>>
    %dma_start3A_72 = tpu.memref_squeeze %dma_start3A_71 : memref<1x1x256xi32, #tpu.memory_space<vmem>> -> memref<256xi32, #tpu.memory_space<vmem>>
    %dma_start3A_73 = tpu.memref_slice %arg7[%add3A_63] : memref<819200xi32, #tpu.memory_space<hbm>> -> memref<256xi32, #tpu.memory_space<hbm>>
    tpu.enqueue_dma source(%dma_start3A_73 : memref<256xi32, #tpu.memory_space<hbm>>) target(%dma_start3A_72 : memref<256xi32, #tpu.memory_space<vmem>>) target_semaphore(%arg17 : memref<!tpu.dma_semaphore, #tpu.memory_space<semaphore_mem>>)
    %add3A_74 = arith.constant 0 : i32
    %add3A_75 = arith.addi %mul3A_2, %add3A_74 : i32
    %dma_start3A_76 = arith.constant 0 : i32
    %dma_start3A_77 = arith.constant 6 : i32
    %dma_start3A_78 = arith.constant 0 : i32
    %dma_start3A_79 = tpu.memref_slice %arg12[%dma_start3A_76, %dma_start3A_77, %dma_start3A_78] : memref<2x7x256xi32, #tpu.memory_space<vmem>> -> memref<1x1x256xi32, #tpu.memory_space<vmem>>
    %dma_start3A_80 = tpu.memref_squeeze %dma_start3A_79 : memref<1x1x256xi32, #tpu.memory_space<vmem>> -> memref<256xi32, #tpu.memory_space<vmem>>
    %dma_start3A_81 = tpu.memref_slice %arg8[%add3A_75] : memref<819200xi32, #tpu.memory_space<hbm>> -> memref<256xi32, #tpu.memory_space<hbm>>
    %dma_start3A_82 = arith.constant 0 : i32
    %dma_start3A_83 = tpu.memref_slice %arg12[%dma_start3A_76, %dma_start3A_77, %dma_start3A_82] : memref<2x7x256xi32, #tpu.memory_space<vmem>> -> memref<1x1x256xi32, #tpu.memory_space<vmem>>
    %dma_start3A_84 = tpu.memref_squeeze %dma_start3A_83 : memref<1x1x256xi32, #tpu.memory_space<vmem>> -> memref<256xi32, #tpu.memory_space<vmem>>
    %dma_start3A_85 = tpu.memref_slice %arg8[%add3A_75] : memref<819200xi32, #tpu.memory_space<hbm>> -> memref<256xi32, #tpu.memory_space<hbm>>
    tpu.enqueue_dma source(%dma_start3A_85 : memref<256xi32, #tpu.memory_space<hbm>>) target(%dma_start3A_84 : memref<256xi32, #tpu.memory_space<vmem>>) target_semaphore(%arg17 : memref<!tpu.dma_semaphore, #tpu.memory_space<semaphore_mem>>)
    %add3A_86 = arith.constant 256 : i32
    %add3A_87 = arith.addi %mul3A_2, %add3A_86 : i32
    %dma_start3A_88 = arith.constant 1 : i32
    %dma_start3A_89 = arith.constant 0 : i32
    %dma_start3A_90 = arith.constant 0 : i32
    %dma_start3A_91 = tpu.memref_slice %arg12[%dma_start3A_88, %dma_start3A_89, %dma_start3A_90] : memref<2x7x256xi32, #tpu.memory_space<vmem>> -> memref<1x1x256xi32, #tpu.memory_space<vmem>>
    %dma_start3A_92 = tpu.memref_squeeze %dma_start3A_91 : memref<1x1x256xi32, #tpu.memory_space<vmem>> -> memref<256xi32, #tpu.memory_space<vmem>>
    %dma_start3A_93 = tpu.memref_slice %arg2[%add3A_87] : memref<819200xi32, #tpu.memory_space<hbm>> -> memref<256xi32, #tpu.memory_space<hbm>>
    %dma_start3A_94 = arith.constant 0 : i32
    %dma_start3A_95 = tpu.memref_slice %arg12[%dma_start3A_88, %dma_start3A_89, %dma_start3A_94] : memref<2x7x256xi32, #tpu.memory_space<vmem>> -> memref<1x1x256xi32, #tpu.memory_space<vmem>>
    %dma_start3A_96 = tpu.memref_squeeze %dma_start3A_95 : memref<1x1x256xi32, #tpu.memory_space<vmem>> -> memref<256xi32, #tpu.memory_space<vmem>>
    %dma_start3A_97 = tpu.memref_slice %arg2[%add3A_87] : memref<819200xi32, #tpu.memory_space<hbm>> -> memref<256xi32, #tpu.memory_space<hbm>>
    tpu.enqueue_dma source(%dma_start3A_97 : memref<256xi32, #tpu.memory_space<hbm>>) target(%dma_start3A_96 : memref<256xi32, #tpu.memory_space<vmem>>) target_semaphore(%arg18 : memref<!tpu.dma_semaphore, #tpu.memory_space<semaphore_mem>>)
    %add3A_98 = arith.constant 256 : i32
    %add3A_99 = arith.addi %mul3A_2, %add3A_98 : i32
    %dma_start3A_100 = arith.constant 1 : i32
    %dma_start3A_101 = arith.constant 1 : i32
    %dma_start3A_102 = arith.constant 0 : i32
    %dma_start3A_103 = tpu.memref_slice %arg12[%dma_start3A_100, %dma_start3A_101, %dma_start3A_102] : memref<2x7x256xi32, #tpu.memory_space<vmem>> -> memref<1x1x256xi32, #tpu.memory_space<vmem>>
    %dma_start3A_104 = tpu.memref_squeeze %dma_start3A_103 : memref<1x1x256xi32, #tpu.memory_space<vmem>> -> memref<256xi32, #tpu.memory_space<vmem>>
    %dma_start3A_105 = tpu.memref_slice %arg3[%add3A_99] : memref<819200xi32, #tpu.memory_space<hbm>> -> memref<256xi32, #tpu.memory_space<hbm>>
    %dma_start3A_106 = arith.constant 0 : i32
    %dma_start3A_107 = tpu.memref_slice %arg12[%dma_start3A_100, %dma_start3A_101, %dma_start3A_106] : memref<2x7x256xi32, #tpu.memory_space<vmem>> -> memref<1x1x256xi32, #tpu.memory_space<vmem>>
    %dma_start3A_108 = tpu.memref_squeeze %dma_start3A_107 : memref<1x1x256xi32, #tpu.memory_space<vmem>> -> memref<256xi32, #tpu.memory_space<vmem>>
    %dma_start3A_109 = tpu.memref_slice %arg3[%add3A_99] : memref<819200xi32, #tpu.memory_space<hbm>> -> memref<256xi32, #tpu.memory_space<hbm>>
    tpu.enqueue_dma source(%dma_start3A_109 : memref<256xi32, #tpu.memory_space<hbm>>) target(%dma_start3A_108 : memref<256xi32, #tpu.memory_space<vmem>>) target_semaphore(%arg18 : memref<!tpu.dma_semaphore, #tpu.memory_space<semaphore_mem>>)
    %add3A_110 = arith.constant 256 : i32
    %add3A_111 = arith.addi %mul3A_2, %add3A_110 : i32
    %dma_start3A_112 = arith.constant 1 : i32
    %dma_start3A_113 = arith.constant 2 : i32
    %dma_start3A_114 = arith.constant 0 : i32
    %dma_start3A_115 = tpu.memref_slice %arg12[%dma_start3A_112, %dma_start3A_113, %dma_start3A_114] : memref<2x7x256xi32, #tpu.memory_space<vmem>> -> memref<1x1x256xi32, #tpu.memory_space<vmem>>
    %dma_start3A_116 = tpu.memref_squeeze %dma_start3A_115 : memref<1x1x256xi32, #tpu.memory_space<vmem>> -> memref<256xi32, #tpu.memory_space<vmem>>
    %dma_start3A_117 = tpu.memref_slice %arg4[%add3A_111] : memref<819200xi32, #tpu.memory_space<hbm>> -> memref<256xi32, #tpu.memory_space<hbm>>
    %dma_start3A_118 = arith.constant 0 : i32
    %dma_start3A_119 = tpu.memref_slice %arg12[%dma_start3A_112, %dma_start3A_113, %dma_start3A_118] : memref<2x7x256xi32, #tpu.memory_space<vmem>> -> memref<1x1x256xi32, #tpu.memory_space<vmem>>
    %dma_start3A_120 = tpu.memref_squeeze %dma_start3A_119 : memref<1x1x256xi32, #tpu.memory_space<vmem>> -> memref<256xi32, #tpu.memory_space<vmem>>
    %dma_start3A_121 = tpu.memref_slice %arg4[%add3A_111] : memref<819200xi32, #tpu.memory_space<hbm>> -> memref<256xi32, #tpu.memory_space<hbm>>
    tpu.enqueue_dma source(%dma_start3A_121 : memref<256xi32, #tpu.memory_space<hbm>>) target(%dma_start3A_120 : memref<256xi32, #tpu.memory_space<vmem>>) target_semaphore(%arg18 : memref<!tpu.dma_semaphore, #tpu.memory_space<semaphore_mem>>)
    %add3A_122 = arith.constant 256 : i32
    %add3A_123 = arith.addi %mul3A_2, %add3A_122 : i32
    %dma_start3A_124 = arith.constant 1 : i32
    %dma_start3A_125 = arith.constant 3 : i32
    %dma_start3A_126 = arith.constant 0 : i32
    %dma_start3A_127 = tpu.memref_slice %arg12[%dma_start3A_124, %dma_start3A_125, %dma_start3A_126] : memref<2x7x256xi32, #tpu.memory_space<vmem>> -> memref<1x1x256xi32, #tpu.memory_space<vmem>>
    %dma_start3A_128 = tpu.memref_squeeze %dma_start3A_127 : memref<1x1x256xi32, #tpu.memory_space<vmem>> -> memref<256xi32, #tpu.memory_space<vmem>>
    %dma_start3A_129 = tpu.memref_slice %arg5[%add3A_123] : memref<819200xi32, #tpu.memory_space<hbm>> -> memref<256xi32, #tpu.memory_space<hbm>>
    %dma_start3A_130 = arith.constant 0 : i32
    %dma_start3A_131 = tpu.memref_slice %arg12[%dma_start3A_124, %dma_start3A_125, %dma_start3A_130] : memref<2x7x256xi32, #tpu.memory_space<vmem>> -> memref<1x1x256xi32, #tpu.memory_space<vmem>>
    %dma_start3A_132 = tpu.memref_squeeze %dma_start3A_131 : memref<1x1x256xi32, #tpu.memory_space<vmem>> -> memref<256xi32, #tpu.memory_space<vmem>>
    %dma_start3A_133 = tpu.memref_slice %arg5[%add3A_123] : memref<819200xi32, #tpu.memory_space<hbm>> -> memref<256xi32, #tpu.memory_space<hbm>>
    tpu.enqueue_dma source(%dma_start3A_133 : memref<256xi32, #tpu.memory_space<hbm>>) target(%dma_start3A_132 : memref<256xi32, #tpu.memory_space<vmem>>) target_semaphore(%arg18 : memref<!tpu.dma_semaphore, #tpu.memory_space<semaphore_mem>>)
    %add3A_134 = arith.constant 256 : i32
    %add3A_135 = arith.addi %mul3A_2, %add3A_134 : i32
    %dma_start3A_136 = arith.constant 1 : i32
    %dma_start3A_137 = arith.constant 4 : i32
    %dma_start3A_138 = arith.constant 0 : i32
    %dma_start3A_139 = tpu.memref_slice %arg12[%dma_start3A_136, %dma_start3A_137, %dma_start3A_138] : memref<2x7x256xi32, #tpu.memory_space<vmem>> -> memref<1x1x256xi32, #tpu.memory_space<vmem>>
    %dma_start3A_140 = tpu.memref_squeeze %dma_start3A_139 : memref<1x1x256xi32, #tpu.memory_space<vmem>> -> memref<256xi32, #tpu.memory_space<vmem>>
    %dma_start3A_141 = tpu.memref_slice %arg6[%add3A_135] : memref<819200xi32, #tpu.memory_space<hbm>> -> memref<256xi32, #tpu.memory_space<hbm>>
    %dma_start3A_142 = arith.constant 0 : i32
    %dma_start3A_143 = tpu.memref_slice %arg12[%dma_start3A_136, %dma_start3A_137, %dma_start3A_142] : memref<2x7x256xi32, #tpu.memory_space<vmem>> -> memref<1x1x256xi32, #tpu.memory_space<vmem>>
    %dma_start3A_144 = tpu.memref_squeeze %dma_start3A_143 : memref<1x1x256xi32, #tpu.memory_space<vmem>> -> memref<256xi32, #tpu.memory_space<vmem>>
    %dma_start3A_145 = tpu.memref_slice %arg6[%add3A_135] : memref<819200xi32, #tpu.memory_space<hbm>> -> memref<256xi32, #tpu.memory_space<hbm>>
    tpu.enqueue_dma source(%dma_start3A_145 : memref<256xi32, #tpu.memory_space<hbm>>) target(%dma_start3A_144 : memref<256xi32, #tpu.memory_space<vmem>>) target_semaphore(%arg18 : memref<!tpu.dma_semaphore, #tpu.memory_space<semaphore_mem>>)
    %add3A_146 = arith.constant 256 : i32
    %add3A_147 = arith.addi %mul3A_2, %add3A_146 : i32
    %dma_start3A_148 = arith.constant 1 : i32
    %dma_start3A_149 = arith.constant 5 : i32
    %dma_start3A_150 = arith.constant 0 : i32
    %dma_start3A_151 = tpu.memref_slice %arg12[%dma_start3A_148, %dma_start3A_149, %dma_start3A_150] : memref<2x7x256xi32, #tpu.memory_space<vmem>> -> memref<1x1x256xi32, #tpu.memory_space<vmem>>
    %dma_start3A_152 = tpu.memref_squeeze %dma_start3A_151 : memref<1x1x256xi32, #tpu.memory_space<vmem>> -> memref<256xi32, #tpu.memory_space<vmem>>
    %dma_start3A_153 = tpu.memref_slice %arg7[%add3A_147] : memref<819200xi32, #tpu.memory_space<hbm>> -> memref<256xi32, #tpu.memory_space<hbm>>
    %dma_start3A_154 = arith.constant 0 : i32
    %dma_start3A_155 = tpu.memref_slice %arg12[%dma_start3A_148, %dma_start3A_149, %dma_start3A_154] : memref<2x7x256xi32, #tpu.memory_space<vmem>> -> memref<1x1x256xi32, #tpu.memory_space<vmem>>
    %dma_start3A_156 = tpu.memref_squeeze %dma_start3A_155 : memref<1x1x256xi32, #tpu.memory_space<vmem>> -> memref<256xi32, #tpu.memory_space<vmem>>
    %dma_start3A_157 = tpu.memref_slice %arg7[%add3A_147] : memref<819200xi32, #tpu.memory_space<hbm>> -> memref<256xi32, #tpu.memory_space<hbm>>
    tpu.enqueue_dma source(%dma_start3A_157 : memref<256xi32, #tpu.memory_space<hbm>>) target(%dma_start3A_156 : memref<256xi32, #tpu.memory_space<vmem>>) target_semaphore(%arg18 : memref<!tpu.dma_semaphore, #tpu.memory_space<semaphore_mem>>)
    %add3A_158 = arith.constant 256 : i32
    %add3A_159 = arith.addi %mul3A_2, %add3A_158 : i32
    %dma_start3A_160 = arith.constant 1 : i32
    %dma_start3A_161 = arith.constant 6 : i32
    %dma_start3A_162 = arith.constant 0 : i32
    %dma_start3A_163 = tpu.memref_slice %arg12[%dma_start3A_160, %dma_start3A_161, %dma_start3A_162] : memref<2x7x256xi32, #tpu.memory_space<vmem>> -> memref<1x1x256xi32, #tpu.memory_space<vmem>>
    %dma_start3A_164 = tpu.memref_squeeze %dma_start3A_163 : memref<1x1x256xi32, #tpu.memory_space<vmem>> -> memref<256xi32, #tpu.memory_space<vmem>>
    %dma_start3A_165 = tpu.memref_slice %arg8[%add3A_159] : memref<819200xi32, #tpu.memory_space<hbm>> -> memref<256xi32, #tpu.memory_space<hbm>>
    %dma_start3A_166 = arith.constant 0 : i32
    %dma_start3A_167 = tpu.memref_slice %arg12[%dma_start3A_160, %dma_start3A_161, %dma_start3A_166] : memref<2x7x256xi32, #tpu.memory_space<vmem>> -> memref<1x1x256xi32, #tpu.memory_space<vmem>>
    %dma_start3A_168 = tpu.memref_squeeze %dma_start3A_167 : memref<1x1x256xi32, #tpu.memory_space<vmem>> -> memref<256xi32, #tpu.memory_space<vmem>>
    %dma_start3A_169 = tpu.memref_slice %arg8[%add3A_159] : memref<819200xi32, #tpu.memory_space<hbm>> -> memref<256xi32, #tpu.memory_space<hbm>>
    tpu.enqueue_dma source(%dma_start3A_169 : memref<256xi32, #tpu.memory_space<hbm>>) target(%dma_start3A_168 : memref<256xi32, #tpu.memory_space<vmem>>) target_semaphore(%arg18 : memref<!tpu.dma_semaphore, #tpu.memory_space<semaphore_mem>>)
    %add3A_170 = arith.constant 0 : i32
    %add3A_171 = arith.addi %mul3A_2, %add3A_170 : i32
    %dma_wait3A = arith.constant 0 : i32
    %dma_wait3A_172 = arith.constant 0 : i32
    %dma_wait3A_173 = arith.constant 0 : i32
    %dma_wait3A_174 = tpu.memref_slice %arg12[%dma_wait3A, %dma_wait3A_172, %dma_wait3A_173] : memref<2x7x256xi32, #tpu.memory_space<vmem>> -> memref<1x1x256xi32, #tpu.memory_space<vmem>>
    %dma_wait3A_175 = tpu.memref_squeeze %dma_wait3A_174 : memref<1x1x256xi32, #tpu.memory_space<vmem>> -> memref<256xi32, #tpu.memory_space<vmem>>
    %dma_wait3A_176 = tpu.memref_slice %arg2[%add3A_171] : memref<819200xi32, #tpu.memory_space<hbm>> -> memref<256xi32, #tpu.memory_space<hbm>>
    %dma_wait3A_177 = arith.constant 0 : i32
    %dma_wait3A_178 = tpu.memref_slice %arg12[%dma_wait3A, %dma_wait3A_172, %dma_wait3A_177] : memref<2x7x256xi32, #tpu.memory_space<vmem>> -> memref<1x1x256xi32, #tpu.memory_space<vmem>>
    %dma_wait3A_179 = tpu.memref_squeeze %dma_wait3A_178 : memref<1x1x256xi32, #tpu.memory_space<vmem>> -> memref<256xi32, #tpu.memory_space<vmem>>
    %dma_wait3A_180 = tpu.memref_slice %arg2[%add3A_171] : memref<819200xi32, #tpu.memory_space<hbm>> -> memref<256xi32, #tpu.memory_space<hbm>>
    tpu.wait_dma2 semaphore(%arg17 : memref<!tpu.dma_semaphore, #tpu.memory_space<semaphore_mem>>) src(%dma_wait3A_180 : memref<256xi32, #tpu.memory_space<hbm>>) dst(%dma_wait3A_179 : memref<256xi32, #tpu.memory_space<vmem>>)
    %add3A_181 = arith.constant 0 : i32
    %add3A_182 = arith.addi %mul3A_2, %add3A_181 : i32
    %dma_wait3A_183 = arith.constant 0 : i32
    %dma_wait3A_184 = arith.constant 1 : i32
    %dma_wait3A_185 = arith.constant 0 : i32
    %dma_wait3A_186 = tpu.memref_slice %arg12[%dma_wait3A_183, %dma_wait3A_184, %dma_wait3A_185] : memref<2x7x256xi32, #tpu.memory_space<vmem>> -> memref<1x1x256xi32, #tpu.memory_space<vmem>>
    %dma_wait3A_187 = tpu.memref_squeeze %dma_wait3A_186 : memref<1x1x256xi32, #tpu.memory_space<vmem>> -> memref<256xi32, #tpu.memory_space<vmem>>
    %dma_wait3A_188 = tpu.memref_slice %arg3[%add3A_182] : memref<819200xi32, #tpu.memory_space<hbm>> -> memref<256xi32, #tpu.memory_space<hbm>>
    %dma_wait3A_189 = arith.constant 0 : i32
    %dma_wait3A_190 = tpu.memref_slice %arg12[%dma_wait3A_183, %dma_wait3A_184, %dma_wait3A_189] : memref<2x7x256xi32, #tpu.memory_space<vmem>> -> memref<1x1x256xi32, #tpu.memory_space<vmem>>
    %dma_wait3A_191 = tpu.memref_squeeze %dma_wait3A_190 : memref<1x1x256xi32, #tpu.memory_space<vmem>> -> memref<256xi32, #tpu.memory_space<vmem>>
    %dma_wait3A_192 = tpu.memref_slice %arg3[%add3A_182] : memref<819200xi32, #tpu.memory_space<hbm>> -> memref<256xi32, #tpu.memory_space<hbm>>
    tpu.wait_dma2 semaphore(%arg17 : memref<!tpu.dma_semaphore, #tpu.memory_space<semaphore_mem>>) src(%dma_wait3A_192 : memref<256xi32, #tpu.memory_space<hbm>>) dst(%dma_wait3A_191 : memref<256xi32, #tpu.memory_space<vmem>>)
    %add3A_193 = arith.constant 0 : i32
    %add3A_194 = arith.addi %mul3A_2, %add3A_193 : i32
    %dma_wait3A_195 = arith.constant 0 : i32
    %dma_wait3A_196 = arith.constant 2 : i32
    %dma_wait3A_197 = arith.constant 0 : i32
    %dma_wait3A_198 = tpu.memref_slice %arg12[%dma_wait3A_195, %dma_wait3A_196, %dma_wait3A_197] : memref<2x7x256xi32, #tpu.memory_space<vmem>> -> memref<1x1x256xi32, #tpu.memory_space<vmem>>
    %dma_wait3A_199 = tpu.memref_squeeze %dma_wait3A_198 : memref<1x1x256xi32, #tpu.memory_space<vmem>> -> memref<256xi32, #tpu.memory_space<vmem>>
    %dma_wait3A_200 = tpu.memref_slice %arg4[%add3A_194] : memref<819200xi32, #tpu.memory_space<hbm>> -> memref<256xi32, #tpu.memory_space<hbm>>
    %dma_wait3A_201 = arith.constant 0 : i32
    %dma_wait3A_202 = tpu.memref_slice %arg12[%dma_wait3A_195, %dma_wait3A_196, %dma_wait3A_201] : memref<2x7x256xi32, #tpu.memory_space<vmem>> -> memref<1x1x256xi32, #tpu.memory_space<vmem>>
    %dma_wait3A_203 = tpu.memref_squeeze %dma_wait3A_202 : memref<1x1x256xi32, #tpu.memory_space<vmem>> -> memref<256xi32, #tpu.memory_space<vmem>>
    %dma_wait3A_204 = tpu.memref_slice %arg4[%add3A_194] : memref<819200xi32, #tpu.memory_space<hbm>> -> memref<256xi32, #tpu.memory_space<hbm>>
    tpu.wait_dma2 semaphore(%arg17 : memref<!tpu.dma_semaphore, #tpu.memory_space<semaphore_mem>>) src(%dma_wait3A_204 : memref<256xi32, #tpu.memory_space<hbm>>) dst(%dma_wait3A_203 : memref<256xi32, #tpu.memory_space<vmem>>)
    %add3A_205 = arith.constant 0 : i32
    %add3A_206 = arith.addi %mul3A_2, %add3A_205 : i32
    %dma_wait3A_207 = arith.constant 0 : i32
    %dma_wait3A_208 = arith.constant 3 : i32
    %dma_wait3A_209 = arith.constant 0 : i32
    %dma_wait3A_210 = tpu.memref_slice %arg12[%dma_wait3A_207, %dma_wait3A_208, %dma_wait3A_209] : memref<2x7x256xi32, #tpu.memory_space<vmem>> -> memref<1x1x256xi32, #tpu.memory_space<vmem>>
    %dma_wait3A_211 = tpu.memref_squeeze %dma_wait3A_210 : memref<1x1x256xi32, #tpu.memory_space<vmem>> -> memref<256xi32, #tpu.memory_space<vmem>>
    %dma_wait3A_212 = tpu.memref_slice %arg5[%add3A_206] : memref<819200xi32, #tpu.memory_space<hbm>> -> memref<256xi32, #tpu.memory_space<hbm>>
    %dma_wait3A_213 = arith.constant 0 : i32
    %dma_wait3A_214 = tpu.memref_slice %arg12[%dma_wait3A_207, %dma_wait3A_208, %dma_wait3A_213] : memref<2x7x256xi32, #tpu.memory_space<vmem>> -> memref<1x1x256xi32, #tpu.memory_space<vmem>>
    %dma_wait3A_215 = tpu.memref_squeeze %dma_wait3A_214 : memref<1x1x256xi32, #tpu.memory_space<vmem>> -> memref<256xi32, #tpu.memory_space<vmem>>
    %dma_wait3A_216 = tpu.memref_slice %arg5[%add3A_206] : memref<819200xi32, #tpu.memory_space<hbm>> -> memref<256xi32, #tpu.memory_space<hbm>>
    tpu.wait_dma2 semaphore(%arg17 : memref<!tpu.dma_semaphore, #tpu.memory_space<semaphore_mem>>) src(%dma_wait3A_216 : memref<256xi32, #tpu.memory_space<hbm>>) dst(%dma_wait3A_215 : memref<256xi32, #tpu.memory_space<vmem>>)
    %add3A_217 = arith.constant 0 : i32
    %add3A_218 = arith.addi %mul3A_2, %add3A_217 : i32
    %dma_wait3A_219 = arith.constant 0 : i32
    %dma_wait3A_220 = arith.constant 4 : i32
    %dma_wait3A_221 = arith.constant 0 : i32
    %dma_wait3A_222 = tpu.memref_slice %arg12[%dma_wait3A_219, %dma_wait3A_220, %dma_wait3A_221] : memref<2x7x256xi32, #tpu.memory_space<vmem>> -> memref<1x1x256xi32, #tpu.memory_space<vmem>>
    %dma_wait3A_223 = tpu.memref_squeeze %dma_wait3A_222 : memref<1x1x256xi32, #tpu.memory_space<vmem>> -> memref<256xi32, #tpu.memory_space<vmem>>
    %dma_wait3A_224 = tpu.memref_slice %arg6[%add3A_218] : memref<819200xi32, #tpu.memory_space<hbm>> -> memref<256xi32, #tpu.memory_space<hbm>>
    %dma_wait3A_225 = arith.constant 0 : i32
    %dma_wait3A_226 = tpu.memref_slice %arg12[%dma_wait3A_219, %dma_wait3A_220, %dma_wait3A_225] : memref<2x7x256xi32, #tpu.memory_space<vmem>> -> memref<1x1x256xi32, #tpu.memory_space<vmem>>
    %dma_wait3A_227 = tpu.memref_squeeze %dma_wait3A_226 : memref<1x1x256xi32, #tpu.memory_space<vmem>> -> memref<256xi32, #tpu.memory_space<vmem>>
    %dma_wait3A_228 = tpu.memref_slice %arg6[%add3A_218] : memref<819200xi32, #tpu.memory_space<hbm>> -> memref<256xi32, #tpu.memory_space<hbm>>
    tpu.wait_dma2 semaphore(%arg17 : memref<!tpu.dma_semaphore, #tpu.memory_space<semaphore_mem>>) src(%dma_wait3A_228 : memref<256xi32, #tpu.memory_space<hbm>>) dst(%dma_wait3A_227 : memref<256xi32, #tpu.memory_space<vmem>>)
    %add3A_229 = arith.constant 0 : i32
    %add3A_230 = arith.addi %mul3A_2, %add3A_229 : i32
    %dma_wait3A_231 = arith.constant 0 : i32
    %dma_wait3A_232 = arith.constant 5 : i32
    %dma_wait3A_233 = arith.constant 0 : i32
    %dma_wait3A_234 = tpu.memref_slice %arg12[%dma_wait3A_231, %dma_wait3A_232, %dma_wait3A_233] : memref<2x7x256xi32, #tpu.memory_space<vmem>> -> memref<1x1x256xi32, #tpu.memory_space<vmem>>
    %dma_wait3A_235 = tpu.memref_squeeze %dma_wait3A_234 : memref<1x1x256xi32, #tpu.memory_space<vmem>> -> memref<256xi32, #tpu.memory_space<vmem>>
    %dma_wait3A_236 = tpu.memref_slice %arg7[%add3A_230] : memref<819200xi32, #tpu.memory_space<hbm>> -> memref<256xi32, #tpu.memory_space<hbm>>
    %dma_wait3A_237 = arith.constant 0 : i32
    %dma_wait3A_238 = tpu.memref_slice %arg12[%dma_wait3A_231, %dma_wait3A_232, %dma_wait3A_237] : memref<2x7x256xi32, #tpu.memory_space<vmem>> -> memref<1x1x256xi32, #tpu.memory_space<vmem>>
    %dma_wait3A_239 = tpu.memref_squeeze %dma_wait3A_238 : memref<1x1x256xi32, #tpu.memory_space<vmem>> -> memref<256xi32, #tpu.memory_space<vmem>>
    %dma_wait3A_240 = tpu.memref_slice %arg7[%add3A_230] : memref<819200xi32, #tpu.memory_space<hbm>> -> memref<256xi32, #tpu.memory_space<hbm>>
    tpu.wait_dma2 semaphore(%arg17 : memref<!tpu.dma_semaphore, #tpu.memory_space<semaphore_mem>>) src(%dma_wait3A_240 : memref<256xi32, #tpu.memory_space<hbm>>) dst(%dma_wait3A_239 : memref<256xi32, #tpu.memory_space<vmem>>)
    %add3A_241 = arith.constant 0 : i32
    %add3A_242 = arith.addi %mul3A_2, %add3A_241 : i32
    %dma_wait3A_243 = arith.constant 0 : i32
    %dma_wait3A_244 = arith.constant 6 : i32
    %dma_wait3A_245 = arith.constant 0 : i32
    %dma_wait3A_246 = tpu.memref_slice %arg12[%dma_wait3A_243, %dma_wait3A_244, %dma_wait3A_245] : memref<2x7x256xi32, #tpu.memory_space<vmem>> -> memref<1x1x256xi32, #tpu.memory_space<vmem>>
    %dma_wait3A_247 = tpu.memref_squeeze %dma_wait3A_246 : memref<1x1x256xi32, #tpu.memory_space<vmem>> -> memref<256xi32, #tpu.memory_space<vmem>>
    %dma_wait3A_248 = tpu.memref_slice %arg8[%add3A_242] : memref<819200xi32, #tpu.memory_space<hbm>> -> memref<256xi32, #tpu.memory_space<hbm>>
    %dma_wait3A_249 = arith.constant 0 : i32
    %dma_wait3A_250 = tpu.memref_slice %arg12[%dma_wait3A_243, %dma_wait3A_244, %dma_wait3A_249] : memref<2x7x256xi32, #tpu.memory_space<vmem>> -> memref<1x1x256xi32, #tpu.memory_space<vmem>>
    %dma_wait3A_251 = tpu.memref_squeeze %dma_wait3A_250 : memref<1x1x256xi32, #tpu.memory_space<vmem>> -> memref<256xi32, #tpu.memory_space<vmem>>
    %dma_wait3A_252 = tpu.memref_slice %arg8[%add3A_242] : memref<819200xi32, #tpu.memory_space<hbm>> -> memref<256xi32, #tpu.memory_space<hbm>>
    tpu.wait_dma2 semaphore(%arg17 : memref<!tpu.dma_semaphore, #tpu.memory_space<semaphore_mem>>) src(%dma_wait3A_252 : memref<256xi32, #tpu.memory_space<hbm>>) dst(%dma_wait3A_251 : memref<256xi32, #tpu.memory_space<vmem>>)
    %scan3A = arith.constant 0 : i32
    %scan3A_253 = arith.constant 0 : i32
    %scan3A_254 = arith.constant 16 : i32
    %scan3A_255 = arith.addi %scan3A_253, %scan3A_254 : i32
    %scan3A_256 = arith.constant 1 : i32
    scf.for %scan3A_650 = %scan3A_253 to %scan3A_255 step %scan3A_256  : i32 {
      %mul3A_651 = arith.constant 16 : i32
      %mul3A_652 = arith.muli %scan3A_650, %mul3A_651 : i32
      %get3A = arith.constant 0 : i32
      %get3A_653 = arith.constant 0 : i32
      %get3A_654 = arith.index_cast %get3A : i32 to index
      %get3A_655 = arith.index_cast %get3A_653 : i32 to index
      %get3A_656 = arith.index_cast %mul3A_652 : i32 to index
      %get3A_657 = tpu.vector_load %arg12[%get3A_654, %get3A_655, %get3A_656] {strides = array<i32>} : memref<2x7x256xi32, #tpu.memory_space<vmem>>, vector<1x1x16xi32>,
      %get3A_658 = vector.shape_cast %get3A_657 : vector<1x1x16xi32> to vector<16xi32>
      %mul3A_659 = arith.constant -1640531535 : i32
      %mul3A_660 = vector.broadcast %mul3A_659 : i32 to vector<16xi32>
      %mul3A_661 = arith.muli %get3A_658, %mul3A_660 : vector<16xi32>
      %add3A_662 = arith.constant 374761393 : i32
      %add3A_663 = vector.broadcast %add3A_662 : i32 to vector<16xi32>
      %add3A_664 = arith.addi %mul3A_661, %add3A_663 : vector<16xi32>
      %jit3A = arith.constant 100000 : i32
      %eq3A = arith.constant 0 : i32
      %eq3A_665 = arith.cmpi eq, %jit3A, %eq3A : i32
      %jit3A_666 = arith.constant 1 : i32
      %select_n3A = arith.select %eq3A_665, %jit3A_666, %jit3A : i32
      %rem3A = vector.broadcast %select_n3A : i32 to vector<16xi32>
      %rem3A_667 = arith.remui %add3A_664, %rem3A : vector<16xi32>
      %ne3A = arith.constant 0 : i32
      %ne3A_668 = vector.broadcast %ne3A : i32 to vector<16xi32>
      %ne3A_669 = arith.cmpi ne, %rem3A_667, %ne3A_668 : vector<16xi32>
      %lt3A = arith.constant 0 : i32
      %lt3A_670 = vector.broadcast %lt3A : i32 to vector<16xi32>
      %lt3A_671 = arith.cmpi ult, %rem3A_667, %lt3A_670 : vector<16xi32>
      %lt3A_672 = arith.constant 0 : i32
      %lt3A_673 = arith.cmpi ult, %select_n3A, %lt3A_672 : i32
      %ne3A_674 = vector.broadcast %lt3A_673 : i1 to vector<16xi1>
      %ne3A_675 = vector.broadcast %ne3A_674 : vector<16xi1> to vector<16xi1>
      %ne3A_676 = arith.xori %lt3A_671, %ne3A_675 : vector<16xi1>
      %and3A = arith.andi %ne3A_676, %ne3A_669 : vector<16xi1>
      %add3A_677 = vector.broadcast %select_n3A : i32 to vector<16xi32>
      %add3A_678 = arith.addi %rem3A_667, %add3A_677 : vector<16xi32>
      %select_n3A_679 = arith.select %and3A, %add3A_678, %rem3A_667 : vector<16xi1>, vector<16xi32>
      %swap3A = arith.constant 0 : i32
      %swap3A_680 = arith.constant 0 : i32
      %swap3A_681 = arith.index_cast %swap3A : i32 to index
      %swap3A_682 = arith.index_cast %swap3A_680 : i32 to index
      %swap3A_683 = arith.index_cast %mul3A_652 : i32 to index
      %swap3A_684 = tpu.vector_load %arg13[%swap3A_681, %swap3A_682, %swap3A_683] {strides = array<i32>} : memref<2x10x256xi32, #tpu.memory_space<vmem>>, vector<1x1x16xi32>,
      %swap3A_685 = vector.shape_cast %swap3A_684 : vector<1x1x16xi32> to vector<16xi32>
      %swap3A_686 = vector.shape_cast %select_n3A_679 : vector<16xi32> to vector<1x1x16xi32>
      tpu.vector_store %arg13[%swap3A_681, %swap3A_682, %swap3A_683], %swap3A_686 {strides = array<i32>} : memref<2x10x256xi32, #tpu.memory_space<vmem>>, vector<1x1x16xi32>,
      %mul3A_687 = arith.constant -2048144777 : i32
      %mul3A_688 = vector.broadcast %mul3A_687 : i32 to vector<16xi32>
      %mul3A_689 = arith.muli %get3A_658, %mul3A_688 : vector<16xi32>
      %add3A_690 = arith.constant -1150833019 : i32
      %add3A_691 = vector.broadcast %add3A_690 : i32 to vector<16xi32>
      %add3A_692 = arith.addi %mul3A_689, %add3A_691 : vector<16xi32>
      %jit3A_693 = arith.constant 100000 : i32
      %eq3A_694 = arith.constant 0 : i32
      %eq3A_695 = arith.cmpi eq, %jit3A_693, %eq3A_694 : i32
      %jit3A_696 = arith.constant 1 : i32
      %select_n3A_697 = arith.select %eq3A_695, %jit3A_696, %jit3A_693 : i32
      %rem3A_698 = vector.broadcast %select_n3A_697 : i32 to vector<16xi32>
      %rem3A_699 = arith.remui %add3A_692, %rem3A_698 : vector<16xi32>
      %ne3A_700 = arith.constant 0 : i32
      %ne3A_701 = vector.broadcast %ne3A_700 : i32 to vector<16xi32>
      %ne3A_702 = arith.cmpi ne, %rem3A_699, %ne3A_701 : vector<16xi32>
      %lt3A_703 = arith.constant 0 : i32
      %lt3A_704 = vector.broadcast %lt3A_703 : i32 to vector<16xi32>
      %lt3A_705 = arith.cmpi ult, %rem3A_699, %lt3A_704 : vector<16xi32>
      %lt3A_706 = arith.constant 0 : i32
      %lt3A_707 = arith.cmpi ult, %select_n3A_697, %lt3A_706 : i32
      %ne3A_708 = vector.broadcast %lt3A_707 : i1 to vector<16xi1>
      %ne3A_709 = vector.broadcast %ne3A_708 : vector<16xi1> to vector<16xi1>
      %ne3A_710 = arith.xori %lt3A_705, %ne3A_709 : vector<16xi1>
      %and3A_711 = arith.andi %ne3A_710, %ne3A_702 : vector<16xi1>
      %add3A_712 = vector.broadcast %select_n3A_697 : i32 to vector<16xi32>
      %add3A_713 = arith.addi %rem3A_699, %add3A_712 : vector<16xi32>
      %select_n3A_714 = arith.select %and3A_711, %add3A_713, %rem3A_699 : vector<16xi1>, vector<16xi32>
      %swap3A_715 = arith.constant 0 : i32
      %swap3A_716 = arith.constant 1 : i32
      %swap3A_717 = arith.index_cast %swap3A_715 : i32 to index
      %swap3A_718 = arith.index_cast %swap3A_716 : i32 to index
      %swap3A_719 = arith.index_cast %mul3A_652 : i32 to index
      %swap3A_720 = tpu.vector_load %arg13[%swap3A_717, %swap3A_718, %swap3A_719] {strides = array<i32>} : memref<2x10x256xi32, #tpu.memory_space<vmem>>, vector<1x1x16xi32>,
      %swap3A_721 = vector.shape_cast %swap3A_720 : vector<1x1x16xi32> to vector<16xi32>
      %swap3A_722 = vector.shape_cast %select_n3A_714 : vector<16xi32> to vector<1x1x16xi32>
      tpu.vector_store %arg13[%swap3A_717, %swap3A_718, %swap3A_719], %swap3A_722 {strides = array<i32>} : memref<2x10x256xi32, #tpu.memory_space<vmem>>, vector<1x1x16xi32>,
      %mul3A_723 = arith.constant -1028477379 : i32
      %mul3A_724 = vector.broadcast %mul3A_723 : i32 to vector<16xi32>
      %mul3A_725 = arith.muli %get3A_658, %mul3A_724 : vector<16xi32>
      %add3A_726 = arith.constant 1013904223 : i32
      %add3A_727 = vector.broadcast %add3A_726 : i32 to vector<16xi32>
      %add3A_728 = arith.addi %mul3A_725, %add3A_727 : vector<16xi32>
      %jit3A_729 = arith.constant 100000 : i32
      %eq3A_730 = arith.constant 0 : i32
      %eq3A_731 = arith.cmpi eq, %jit3A_729, %eq3A_730 : i32
      %jit3A_732 = arith.constant 1 : i32
      %select_n3A_733 = arith.select %eq3A_731, %jit3A_732, %jit3A_729 : i32
      %rem3A_734 = vector.broadcast %select_n3A_733 : i32 to vector<16xi32>
      %rem3A_735 = arith.remui %add3A_728, %rem3A_734 : vector<16xi32>
      %ne3A_736 = arith.constant 0 : i32
      %ne3A_737 = vector.broadcast %ne3A_736 : i32 to vector<16xi32>
      %ne3A_738 = arith.cmpi ne, %rem3A_735, %ne3A_737 : vector<16xi32>
      %lt3A_739 = arith.constant 0 : i32
      %lt3A_740 = vector.broadcast %lt3A_739 : i32 to vector<16xi32>
      %lt3A_741 = arith.cmpi ult, %rem3A_735, %lt3A_740 : vector<16xi32>
      %lt3A_742 = arith.constant 0 : i32
      %lt3A_743 = arith.cmpi ult, %select_n3A_733, %lt3A_742 : i32
      %ne3A_744 = vector.broadcast %lt3A_743 : i1 to vector<16xi1>
      %ne3A_745 = vector.broadcast %ne3A_744 : vector<16xi1> to vector<16xi1>
      %ne3A_746 = arith.xori %lt3A_741, %ne3A_745 : vector<16xi1>
      %and3A_747 = arith.andi %ne3A_746, %ne3A_738 : vector<16xi1>
      %add3A_748 = vector.broadcast %select_n3A_733 : i32 to vector<16xi32>
      %add3A_749 = arith.addi %rem3A_735, %add3A_748 : vector<16xi32>
      %select_n3A_750 = arith.select %and3A_747, %add3A_749, %rem3A_735 : vector<16xi1>, vector<16xi32>
      %swap3A_751 = arith.constant 0 : i32
      %swap3A_752 = arith.constant 2 : i32
      %swap3A_753 = arith.index_cast %swap3A_751 : i32 to index
      %swap3A_754 = arith.index_cast %swap3A_752 : i32 to index
      %swap3A_755 = arith.index_cast %mul3A_652 : i32 to index
      %swap3A_756 = tpu.vector_load %arg13[%swap3A_753, %swap3A_754, %swap3A_755] {strides = array<i32>} : memref<2x10x256xi32, #tpu.memory_space<vmem>>, vector<1x1x16xi32>,
      %swap3A_757 = vector.shape_cast %swap3A_756 : vector<1x1x16xi32> to vector<16xi32>
      %swap3A_758 = vector.shape_cast %select_n3A_750 : vector<16xi32> to vector<1x1x16xi32>
      tpu.vector_store %arg13[%swap3A_753, %swap3A_754, %swap3A_755], %swap3A_758 {strides = array<i32>} : memref<2x10x256xi32, #tpu.memory_space<vmem>>, vector<1x1x16xi32>,
      %mul3A_759 = arith.constant 668265263 : i32
      %mul3A_760 = vector.broadcast %mul3A_759 : i32 to vector<16xi32>
      %mul3A_761 = arith.muli %get3A_658, %mul3A_760 : vector<16xi32>
      %add3A_762 = arith.constant -1521486534 : i32
      %add3A_763 = vector.broadcast %add3A_762 : i32 to vector<16xi32>
      %add3A_764 = arith.addi %mul3A_761, %add3A_763 : vector<16xi32>
      %jit3A_765 = arith.constant 100000 : i32
      %eq3A_766 = arith.constant 0 : i32
      %eq3A_767 = arith.cmpi eq, %jit3A_765, %eq3A_766 : i32
      %jit3A_768 = arith.constant 1 : i32
      %select_n3A_769 = arith.select %eq3A_767, %jit3A_768, %jit3A_765 : i32
      %rem3A_770 = vector.broadcast %select_n3A_769 : i32 to vector<16xi32>
      %rem3A_771 = arith.remui %add3A_764, %rem3A_770 : vector<16xi32>
      %ne3A_772 = arith.constant 0 : i32
      %ne3A_773 = vector.broadcast %ne3A_772 : i32 to vector<16xi32>
      %ne3A_774 = arith.cmpi ne, %rem3A_771, %ne3A_773 : vector<16xi32>
      %lt3A_775 = arith.constant 0 : i32
      %lt3A_776 = vector.broadcast %lt3A_775 : i32 to vector<16xi32>
      %lt3A_777 = arith.cmpi ult, %rem3A_771, %lt3A_776 : vector<16xi32>
      %lt3A_778 = arith.constant 0 : i32
      %lt3A_779 = arith.cmpi ult, %select_n3A_769, %lt3A_778 : i32
      %ne3A_780 = vector.broadcast %lt3A_779 : i1 to vector<16xi1>
      %ne3A_781 = vector.broadcast %ne3A_780 : vector<16xi1> to vector<16xi1>
      %ne3A_782 = arith.xori %lt3A_777, %ne3A_781 : vector<16xi1>
      %and3A_783 = arith.andi %ne3A_782, %ne3A_774 : vector<16xi1>
      %add3A_784 = vector.broadcast %select_n3A_769 : i32 to vector<16xi32>
      %add3A_785 = arith.addi %rem3A_771, %add3A_784 : vector<16xi32>
      %select_n3A_786 = arith.select %and3A_783, %add3A_785, %rem3A_771 : vector<16xi1>, vector<16xi32>
      %swap3A_787 = arith.constant 0 : i32
      %swap3A_788 = arith.constant 3 : i32
      %swap3A_789 = arith.index_cast %swap3A_787 : i32 to index
      %swap3A_790 = arith.index_cast %swap3A_788 : i32 to index
      %swap3A_791 = arith.index_cast %mul3A_652 : i32 to index
      %swap3A_792 = tpu.vector_load %arg13[%swap3A_789, %swap3A_790, %swap3A_791] {strides = array<i32>} : memref<2x10x256xi32, #tpu.memory_space<vmem>>, vector<1x1x16xi32>,
      %swap3A_793 = vector.shape_cast %swap3A_792 : vector<1x1x16xi32> to vector<16xi32>
      %swap3A_794 = vector.shape_cast %select_n3A_786 : vector<16xi32> to vector<1x1x16xi32>
      tpu.vector_store %arg13[%swap3A_789, %swap3A_790, %swap3A_791], %swap3A_794 {strides = array<i32>} : memref<2x10x256xi32, #tpu.memory_space<vmem>>, vector<1x1x16xi32>,
      %get3A_795 = arith.constant 0 : i32
      %get3A_796 = arith.constant 1 : i32
      %get3A_797 = arith.index_cast %get3A_795 : i32 to index
      %get3A_798 = arith.index_cast %get3A_796 : i32 to index
      %get3A_799 = arith.index_cast %mul3A_652 : i32 to index
      %get3A_800 = tpu.vector_load %arg12[%get3A_797, %get3A_798, %get3A_799] {strides = array<i32>} : memref<2x7x256xi32, #tpu.memory_space<vmem>>, vector<1x1x16xi32>,
      %get3A_801 = vector.shape_cast %get3A_800 : vector<1x1x16xi32> to vector<16xi32>
      %add3A_802 = arith.constant 0 : i32
      %add3A_803 = vector.broadcast %add3A_802 : i32 to vector<16xi32>
      %add3A_804 = arith.addi %get3A_801, %add3A_803 : vector<16xi32>
      %swap3A_805 = arith.constant 0 : i32
      %swap3A_806 = arith.constant 4 : i32
      %swap3A_807 = arith.index_cast %swap3A_805 : i32 to index
      %swap3A_808 = arith.index_cast %swap3A_806 : i32 to index
      %swap3A_809 = arith.index_cast %mul3A_652 : i32 to index
      %swap3A_810 = tpu.vector_load %arg13[%swap3A_807, %swap3A_808, %swap3A_809] {strides = array<i32>} : memref<2x10x256xi32, #tpu.memory_space<vmem>>, vector<1x1x16xi32>,
      %swap3A_811 = vector.shape_cast %swap3A_810 : vector<1x1x16xi32> to vector<16xi32>
      %swap3A_812 = vector.shape_cast %add3A_804 : vector<16xi32> to vector<1x1x16xi32>
      tpu.vector_store %arg13[%swap3A_807, %swap3A_808, %swap3A_809], %swap3A_812 {strides = array<i32>} : memref<2x10x256xi32, #tpu.memory_space<vmem>>, vector<1x1x16xi32>,
      %get3A_813 = arith.constant 0 : i32
      %get3A_814 = arith.constant 2 : i32
      %get3A_815 = arith.index_cast %get3A_813 : i32 to index
      %get3A_816 = arith.index_cast %get3A_814 : i32 to index
      %get3A_817 = arith.index_cast %mul3A_652 : i32 to index
      %get3A_818 = tpu.vector_load %arg12[%get3A_815, %get3A_816, %get3A_817] {strides = array<i32>} : memref<2x7x256xi32, #tpu.memory_space<vmem>>, vector<1x1x16xi32>,
      %get3A_819 = vector.shape_cast %get3A_818 : vector<1x1x16xi32> to vector<16xi32>
      %add3A_820 = arith.constant 0 : i32
      %add3A_821 = vector.broadcast %add3A_820 : i32 to vector<16xi32>
      %add3A_822 = arith.addi %get3A_819, %add3A_821 : vector<16xi32>
      %swap3A_823 = arith.constant 0 : i32
      %swap3A_824 = arith.constant 5 : i32
      %swap3A_825 = arith.index_cast %swap3A_823 : i32 to index
      %swap3A_826 = arith.index_cast %swap3A_824 : i32 to index
      %swap3A_827 = arith.index_cast %mul3A_652 : i32 to index
      %swap3A_828 = tpu.vector_load %arg13[%swap3A_825, %swap3A_826, %swap3A_827] {strides = array<i32>} : memref<2x10x256xi32, #tpu.memory_space<vmem>>, vector<1x1x16xi32>,
      %swap3A_829 = vector.shape_cast %swap3A_828 : vector<1x1x16xi32> to vector<16xi32>
      %swap3A_830 = vector.shape_cast %add3A_822 : vector<16xi32> to vector<1x1x16xi32>
      tpu.vector_store %arg13[%swap3A_825, %swap3A_826, %swap3A_827], %swap3A_830 {strides = array<i32>} : memref<2x10x256xi32, #tpu.memory_space<vmem>>, vector<1x1x16xi32>,
      %get3A_831 = arith.constant 0 : i32
      %get3A_832 = arith.constant 3 : i32
      %get3A_833 = arith.index_cast %get3A_831 : i32 to index
      %get3A_834 = arith.index_cast %get3A_832 : i32 to index
      %get3A_835 = arith.index_cast %mul3A_652 : i32 to index
      %get3A_836 = tpu.vector_load %arg12[%get3A_833, %get3A_834, %get3A_835] {strides = array<i32>} : memref<2x7x256xi32, #tpu.memory_space<vmem>>, vector<1x1x16xi32>,
      %get3A_837 = vector.shape_cast %get3A_836 : vector<1x1x16xi32> to vector<16xi32>
      %add3A_838 = arith.constant 1025 : i32
      %add3A_839 = vector.broadcast %add3A_838 : i32 to vector<16xi32>
      %add3A_840 = arith.addi %get3A_837, %add3A_839 : vector<16xi32>
      %swap3A_841 = arith.constant 0 : i32
      %swap3A_842 = arith.constant 6 : i32
      %swap3A_843 = arith.index_cast %swap3A_841 : i32 to index
      %swap3A_844 = arith.index_cast %swap3A_842 : i32 to index
      %swap3A_845 = arith.index_cast %mul3A_652 : i32 to index
      %swap3A_846 = tpu.vector_load %arg13[%swap3A_843, %swap3A_844, %swap3A_845] {strides = array<i32>} : memref<2x10x256xi32, #tpu.memory_space<vmem>>, vector<1x1x16xi32>,
      %swap3A_847 = vector.shape_cast %swap3A_846 : vector<1x1x16xi32> to vector<16xi32>
      %swap3A_848 = vector.shape_cast %add3A_840 : vector<16xi32> to vector<1x1x16xi32>
      tpu.vector_store %arg13[%swap3A_843, %swap3A_844, %swap3A_845], %swap3A_848 {strides = array<i32>} : memref<2x10x256xi32, #tpu.memory_space<vmem>>, vector<1x1x16xi32>,
      %get3A_849 = arith.constant 0 : i32
      %get3A_850 = arith.constant 4 : i32
      %get3A_851 = arith.index_cast %get3A_849 : i32 to index
      %get3A_852 = arith.index_cast %get3A_850 : i32 to index
      %get3A_853 = arith.index_cast %mul3A_652 : i32 to index
      %get3A_854 = tpu.vector_load %arg12[%get3A_851, %get3A_852, %get3A_853] {strides = array<i32>} : memref<2x7x256xi32, #tpu.memory_space<vmem>>, vector<1x1x16xi32>,
      %get3A_855 = vector.shape_cast %get3A_854 : vector<1x1x16xi32> to vector<16xi32>
      %add3A_856 = arith.constant 1025 : i32
      %add3A_857 = vector.broadcast %add3A_856 : i32 to vector<16xi32>
      %add3A_858 = arith.addi %get3A_855, %add3A_857 : vector<16xi32>
      %swap3A_859 = arith.constant 0 : i32
      %swap3A_860 = arith.constant 7 : i32
      %swap3A_861 = arith.index_cast %swap3A_859 : i32 to index
      %swap3A_862 = arith.index_cast %swap3A_860 : i32 to index
      %swap3A_863 = arith.index_cast %mul3A_652 : i32 to index
      %swap3A_864 = tpu.vector_load %arg13[%swap3A_861, %swap3A_862, %swap3A_863] {strides = array<i32>} : memref<2x10x256xi32, #tpu.memory_space<vmem>>, vector<1x1x16xi32>,
      %swap3A_865 = vector.shape_cast %swap3A_864 : vector<1x1x16xi32> to vector<16xi32>
      %swap3A_866 = vector.shape_cast %add3A_858 : vector<16xi32> to vector<1x1x16xi32>
      tpu.vector_store %arg13[%swap3A_861, %swap3A_862, %swap3A_863], %swap3A_866 {strides = array<i32>} : memref<2x10x256xi32, #tpu.memory_space<vmem>>, vector<1x1x16xi32>,
      %get3A_867 = arith.constant 0 : i32
      %get3A_868 = arith.constant 5 : i32
      %get3A_869 = arith.index_cast %get3A_867 : i32 to index
      %get3A_870 = arith.index_cast %get3A_868 : i32 to index
      %get3A_871 = arith.index_cast %mul3A_652 : i32 to index
      %get3A_872 = tpu.vector_load %arg12[%get3A_869, %get3A_870, %get3A_871] {strides = array<i32>} : memref<2x7x256xi32, #tpu.memory_space<vmem>>, vector<1x1x16xi32>,
      %get3A_873 = vector.shape_cast %get3A_872 : vector<1x1x16xi32> to vector<16xi32>
      %add3A_874 = arith.constant 1794 : i32
      %add3A_875 = vector.broadcast %add3A_874 : i32 to vector<16xi32>
      %add3A_876 = arith.addi %get3A_873, %add3A_875 : vector<16xi32>
      %swap3A_877 = arith.constant 0 : i32
      %swap3A_878 = arith.constant 8 : i32
      %swap3A_879 = arith.index_cast %swap3A_877 : i32 to index
      %swap3A_880 = arith.index_cast %swap3A_878 : i32 to index
      %swap3A_881 = arith.index_cast %mul3A_652 : i32 to index
      %swap3A_882 = tpu.vector_load %arg13[%swap3A_879, %swap3A_880, %swap3A_881] {strides = array<i32>} : memref<2x10x256xi32, #tpu.memory_space<vmem>>, vector<1x1x16xi32>,
      %swap3A_883 = vector.shape_cast %swap3A_882 : vector<1x1x16xi32> to vector<16xi32>
      %swap3A_884 = vector.shape_cast %add3A_876 : vector<16xi32> to vector<1x1x16xi32>
      tpu.vector_store %arg13[%swap3A_879, %swap3A_880, %swap3A_881], %swap3A_884 {strides = array<i32>} : memref<2x10x256xi32, #tpu.memory_space<vmem>>, vector<1x1x16xi32>,
      %get3A_885 = arith.constant 0 : i32
      %get3A_886 = arith.constant 6 : i32
      %get3A_887 = arith.index_cast %get3A_885 : i32 to index
      %get3A_888 = arith.index_cast %get3A_886 : i32 to index
      %get3A_889 = arith.index_cast %mul3A_652 : i32 to index
      %get3A_890 = tpu.vector_load %arg12[%get3A_887, %get3A_888, %get3A_889] {strides = array<i32>} : memref<2x7x256xi32, #tpu.memory_space<vmem>>, vector<1x1x16xi32>,
      %get3A_891 = vector.shape_cast %get3A_890 : vector<1x1x16xi32> to vector<16xi32>
      %add3A_892 = arith.constant 2819 : i32
      %add3A_893 = vector.broadcast %add3A_892 : i32 to vector<16xi32>
      %add3A_894 = arith.addi %get3A_891, %add3A_893 : vector<16xi32>
      %swap3A_895 = arith.constant 0 : i32
      %swap3A_896 = arith.constant 9 : i32
      %swap3A_897 = arith.index_cast %swap3A_895 : i32 to index
      %swap3A_898 = arith.index_cast %swap3A_896 : i32 to index
      %swap3A_899 = arith.index_cast %mul3A_652 : i32 to index
      %swap3A_900 = tpu.vector_load %arg13[%swap3A_897, %swap3A_898, %swap3A_899] {strides = array<i32>} : memref<2x10x256xi32, #tpu.memory_space<vmem>>, vector<1x1x16xi32>,
      %swap3A_901 = vector.shape_cast %swap3A_900 : vector<1x1x16xi32> to vector<16xi32>
      %swap3A_902 = vector.shape_cast %add3A_894 : vector<16xi32> to vector<1x1x16xi32>
      tpu.vector_store %arg13[%swap3A_897, %swap3A_898, %swap3A_899], %swap3A_902 {strides = array<i32>} : memref<2x10x256xi32, #tpu.memory_space<vmem>>, vector<1x1x16xi32>,
    }
    %scan3A_257 = arith.constant 16 : i32
    %dma_start3A_258 = arith.constant 0 : i32
    %dma_start3A_259 = arith.constant 0 : i32
    %dma_start3A_260 = arith.constant 0 : i32
    %dma_start3A_261 = arith.constant 0 : i32
    %dma_start3A_262 = arith.constant 0 : i32
    %dma_start3A_263 = tpu.memref_slice %arg14[%dma_start3A_260, %dma_start3A_261, %dma_start3A_262] : memref<2x256x64xf32, #tpu.memory_space<vmem>> -> memref<1x256x64xf32, #tpu.memory_space<vmem>>
    %dma_start3A_264 = tpu.memref_squeeze %dma_start3A_263 : memref<1x256x64xf32, #tpu.memory_space<vmem>> -> memref<256x64xf32, #tpu.memory_space<vmem>>
    %dma_start3A_265 = arith.constant 0 : i32
    %dma_start3A_266 = tpu.memref_slice %arg13[%dma_start3A_258, %dma_start3A_259, %dma_start3A_265] : memref<2x10x256xi32, #tpu.memory_space<vmem>> -> memref<1x1x256xi32, #tpu.memory_space<vmem>>
    %dma_start3A_267 = tpu.memref_squeeze %dma_start3A_266 : memref<1x1x256xi32, #tpu.memory_space<vmem>> -> memref<256xi32, #tpu.memory_space<vmem>>
    %dma_start3A_268 = arith.constant 0 : i32
    %dma_start3A_269 = arith.constant 0 : i32
    %dma_start3A_270 = tpu.memref_slice %arg9[%dma_start3A_268, %dma_start3A_269] : memref<100000x64xf32, #tpu.memory_space<hbm>> -> memref<100000x64xf32, #tpu.memory_space<hbm>>
    tpu.enqueue_indirect_dma source(%dma_start3A_270 : memref<100000x64xf32, #tpu.memory_space<hbm>>) target(%dma_start3A_264 : memref<256x64xf32, #tpu.memory_space<vmem>>) offsets(%dma_start3A_267 : memref<256xi32, #tpu.memory_space<vmem>>) semaphore(%arg19 : memref<!tpu.dma_semaphore, #tpu.memory_space<semaphore_mem>>)
    %dma_start3A_271 = arith.constant 0 : i32
    %dma_start3A_272 = arith.constant 4 : i32
    %dma_start3A_273 = arith.constant 0 : i32
    %dma_start3A_274 = arith.constant 0 : i32
    %dma_start3A_275 = arith.constant 0 : i32
    %dma_start3A_276 = tpu.memref_slice %arg15[%dma_start3A_273, %dma_start3A_274, %dma_start3A_275] : memref<2x256x64xf32, #tpu.memory_space<vmem>> -> memref<1x256x64xf32, #tpu.memory_space<vmem>>
    %dma_start3A_277 = tpu.memref_squeeze %dma_start3A_276 : memref<1x256x64xf32, #tpu.memory_space<vmem>> -> memref<256x64xf32, #tpu.memory_space<vmem>>
    %dma_start3A_278 = arith.constant 0 : i32
    %dma_start3A_279 = tpu.memref_slice %arg13[%dma_start3A_271, %dma_start3A_272, %dma_start3A_278] : memref<2x10x256xi32, #tpu.memory_space<vmem>> -> memref<1x1x256xi32, #tpu.memory_space<vmem>>
    %dma_start3A_280 = tpu.memref_squeeze %dma_start3A_279 : memref<1x1x256xi32, #tpu.memory_space<vmem>> -> memref<256xi32, #tpu.memory_space<vmem>>
    %dma_start3A_281 = arith.constant 0 : i32
    %dma_start3A_282 = arith.constant 0 : i32
    %dma_start3A_283 = tpu.memref_slice %arg10[%dma_start3A_281, %dma_start3A_282] : memref<3600x64xf32, #tpu.memory_space<hbm>> -> memref<3600x64xf32, #tpu.memory_space<hbm>>
    tpu.enqueue_indirect_dma source(%dma_start3A_283 : memref<3600x64xf32, #tpu.memory_space<hbm>>) target(%dma_start3A_277 : memref<256x64xf32, #tpu.memory_space<vmem>>) offsets(%dma_start3A_280 : memref<256xi32, #tpu.memory_space<vmem>>) semaphore(%arg19 : memref<!tpu.dma_semaphore, #tpu.memory_space<semaphore_mem>>)
    %add3A_284 = arith.constant 512 : i32
    %add3A_285 = arith.addi %mul3A_2, %add3A_284 : i32
    %dma_start3A_286 = arith.constant 0 : i32
    %dma_start3A_287 = arith.constant 0 : i32
    %dma_start3A_288 = arith.constant 0 : i32
    %dma_start3A_289 = tpu.memref_slice %arg12[%dma_start3A_286, %dma_start3A_287, %dma_start3A_288] : memref<2x7x256xi32, #tpu.memory_space<vmem>> -> memref<1x1x256xi32, #tpu.memory_space<vmem>>
    %dma_start3A_290 = tpu.memref_squeeze %dma_start3A_289 : memref<1x1x256xi32, #tpu.memory_space<vmem>> -> memref<256xi32, #tpu.memory_space<vmem>>
    %dma_start3A_291 = tpu.memref_slice %arg2[%add3A_285] : memref<819200xi32, #tpu.memory_space<hbm>> -> memref<256xi32, #tpu.memory_space<hbm>>
    %dma_start3A_292 = arith.constant 0 : i32
    %dma_start3A_293 = tpu.memref_slice %arg12[%dma_start3A_286, %dma_start3A_287, %dma_start3A_292] : memref<2x7x256xi32, #tpu.memory_space<vmem>> -> memref<1x1x256xi32, #tpu.memory_space<vmem>>
    %dma_start3A_294 = tpu.memref_squeeze %dma_start3A_293 : memref<1x1x256xi32, #tpu.memory_space<vmem>> -> memref<256xi32, #tpu.memory_space<vmem>>
    %dma_start3A_295 = tpu.memref_slice %arg2[%add3A_285] : memref<819200xi32, #tpu.memory_space<hbm>> -> memref<256xi32, #tpu.memory_space<hbm>>
    tpu.enqueue_dma source(%dma_start3A_295 : memref<256xi32, #tpu.memory_space<hbm>>) target(%dma_start3A_294 : memref<256xi32, #tpu.memory_space<vmem>>) target_semaphore(%arg17 : memref<!tpu.dma_semaphore, #tpu.memory_space<semaphore_mem>>)
    %add3A_296 = arith.constant 512 : i32
    %add3A_297 = arith.addi %mul3A_2, %add3A_296 : i32
    %dma_start3A_298 = arith.constant 0 : i32
    %dma_start3A_299 = arith.constant 1 : i32
    %dma_start3A_300 = arith.constant 0 : i32
    %dma_start3A_301 = tpu.memref_slice %arg12[%dma_start3A_298, %dma_start3A_299, %dma_start3A_300] : memref<2x7x256xi32, #tpu.memory_space<vmem>> -> memref<1x1x256xi32, #tpu.memory_space<vmem>>
    %dma_start3A_302 = tpu.memref_squeeze %dma_start3A_301 : memref<1x1x256xi32, #tpu.memory_space<vmem>> -> memref<256xi32, #tpu.memory_space<vmem>>
    %dma_start3A_303 = tpu.memref_slice %arg3[%add3A_297] : memref<819200xi32, #tpu.memory_space<hbm>> -> memref<256xi32, #tpu.memory_space<hbm>>
    %dma_start3A_304 = arith.constant 0 : i32
    %dma_start3A_305 = tpu.memref_slice %arg12[%dma_start3A_298, %dma_start3A_299, %dma_start3A_304] : memref<2x7x256xi32, #tpu.memory_space<vmem>> -> memref<1x1x256xi32, #tpu.memory_space<vmem>>
    %dma_start3A_306 = tpu.memref_squeeze %dma_start3A_305 : memref<1x1x256xi32, #tpu.memory_space<vmem>> -> memref<256xi32, #tpu.memory_space<vmem>>
    %dma_start3A_307 = tpu.memref_slice %arg3[%add3A_297] : memref<819200xi32, #tpu.memory_space<hbm>> -> memref<256xi32, #tpu.memory_space<hbm>>
    tpu.enqueue_dma source(%dma_start3A_307 : memref<256xi32, #tpu.memory_space<hbm>>) target(%dma_start3A_306 : memref<256xi32, #tpu.memory_space<vmem>>) target_semaphore(%arg17 : memref<!tpu.dma_semaphore, #tpu.memory_space<semaphore_mem>>)
    %add3A_308 = arith.constant 512 : i32
    %add3A_309 = arith.addi %mul3A_2, %add3A_308 : i32
    %dma_start3A_310 = arith.constant 0 : i32
    %dma_start3A_311 = arith.constant 2 : i32
    %dma_start3A_312 = arith.constant 0 : i32
    %dma_start3A_313 = tpu.memref_slice %arg12[%dma_start3A_310, %dma_start3A_311, %dma_start3A_312] : memref<2x7x256xi32, #tpu.memory_space<vmem>> -> memref<1x1x256xi32, #tpu.memory_space<vmem>>
    %dma_start3A_314 = tpu.memref_squeeze %dma_start3A_313 : memref<1x1x256xi32, #tpu.memory_space<vmem>> -> memref<256xi32, #tpu.memory_space<vmem>>
    %dma_start3A_315 = tpu.memref_slice %arg4[%add3A_309] : memref<819200xi32, #tpu.memory_space<hbm>> -> memref<256xi32, #tpu.memory_space<hbm>>
    %dma_start3A_316 = arith.constant 0 : i32
    %dma_start3A_317 = tpu.memref_slice %arg12[%dma_start3A_310, %dma_start3A_311, %dma_start3A_316] : memref<2x7x256xi32, #tpu.memory_space<vmem>> -> memref<1x1x256xi32, #tpu.memory_space<vmem>>
    %dma_start3A_318 = tpu.memref_squeeze %dma_start3A_317 : memref<1x1x256xi32, #tpu.memory_space<vmem>> -> memref<256xi32, #tpu.memory_space<vmem>>
    %dma_start3A_319 = tpu.memref_slice %arg4[%add3A_309] : memref<819200xi32, #tpu.memory_space<hbm>> -> memref<256xi32, #tpu.memory_space<hbm>>
    tpu.enqueue_dma source(%dma_start3A_319 : memref<256xi32, #tpu.memory_space<hbm>>) target(%dma_start3A_318 : memref<256xi32, #tpu.memory_space<vmem>>) target_semaphore(%arg17 : memref<!tpu.dma_semaphore, #tpu.memory_space<semaphore_mem>>)
    %add3A_320 = arith.constant 512 : i32
    %add3A_321 = arith.addi %mul3A_2, %add3A_320 : i32
    %dma_start3A_322 = arith.constant 0 : i32
    %dma_start3A_323 = arith.constant 3 : i32
    %dma_start3A_324 = arith.constant 0 : i32
    %dma_start3A_325 = tpu.memref_slice %arg12[%dma_start3A_322, %dma_start3A_323, %dma_start3A_324] : memref<2x7x256xi32, #tpu.memory_space<vmem>> -> memref<1x1x256xi32, #tpu.memory_space<vmem>>
    %dma_start3A_326 = tpu.memref_squeeze %dma_start3A_325 : memref<1x1x256xi32, #tpu.memory_space<vmem>> -> memref<256xi32, #tpu.memory_space<vmem>>
    %dma_start3A_327 = tpu.memref_slice %arg5[%add3A_321] : memref<819200xi32, #tpu.memory_space<hbm>> -> memref<256xi32, #tpu.memory_space<hbm>>
    %dma_start3A_328 = arith.constant 0 : i32
    %dma_start3A_329 = tpu.memref_slice %arg12[%dma_start3A_322, %dma_start3A_323, %dma_start3A_328] : memref<2x7x256xi32, #tpu.memory_space<vmem>> -> memref<1x1x256xi32, #tpu.memory_space<vmem>>
    %dma_start3A_330 = tpu.memref_squeeze %dma_start3A_329 : memref<1x1x256xi32, #tpu.memory_space<vmem>> -> memref<256xi32, #tpu.memory_space<vmem>>
    %dma_start3A_331 = tpu.memref_slice %arg5[%add3A_321] : memref<819200xi32, #tpu.memory_space<hbm>> -> memref<256xi32, #tpu.memory_space<hbm>>
    tpu.enqueue_dma source(%dma_start3A_331 : memref<256xi32, #tpu.memory_space<hbm>>) target(%dma_start3A_330 : memref<256xi32, #tpu.memory_space<vmem>>) target_semaphore(%arg17 : memref<!tpu.dma_semaphore, #tpu.memory_space<semaphore_mem>>)
    %add3A_332 = arith.constant 512 : i32
    %add3A_333 = arith.addi %mul3A_2, %add3A_332 : i32
    %dma_start3A_334 = arith.constant 0 : i32
    %dma_start3A_335 = arith.constant 4 : i32
    %dma_start3A_336 = arith.constant 0 : i32
    %dma_start3A_337 = tpu.memref_slice %arg12[%dma_start3A_334, %dma_start3A_335, %dma_start3A_336] : memref<2x7x256xi32, #tpu.memory_space<vmem>> -> memref<1x1x256xi32, #tpu.memory_space<vmem>>
    %dma_start3A_338 = tpu.memref_squeeze %dma_start3A_337 : memref<1x1x256xi32, #tpu.memory_space<vmem>> -> memref<256xi32, #tpu.memory_space<vmem>>
    %dma_start3A_339 = tpu.memref_slice %arg6[%add3A_333] : memref<819200xi32, #tpu.memory_space<hbm>> -> memref<256xi32, #tpu.memory_space<hbm>>
    %dma_start3A_340 = arith.constant 0 : i32
    %dma_start3A_341 = tpu.memref_slice %arg12[%dma_start3A_334, %dma_start3A_335, %dma_start3A_340] : memref<2x7x256xi32, #tpu.memory_space<vmem>> -> memref<1x1x256xi32, #tpu.memory_space<vmem>>
    %dma_start3A_342 = tpu.memref_squeeze %dma_start3A_341 : memref<1x1x256xi32, #tpu.memory_space<vmem>> -> memref<256xi32, #tpu.memory_space<vmem>>
    %dma_start3A_343 = tpu.memref_slice %arg6[%add3A_333] : memref<819200xi32, #tpu.memory_space<hbm>> -> memref<256xi32, #tpu.memory_space<hbm>>
    tpu.enqueue_dma source(%dma_start3A_343 : memref<256xi32, #tpu.memory_space<hbm>>) target(%dma_start3A_342 : memref<256xi32, #tpu.memory_space<vmem>>) target_semaphore(%arg17 : memref<!tpu.dma_semaphore, #tpu.memory_space<semaphore_mem>>)
    %add3A_344 = arith.constant 512 : i32
    %add3A_345 = arith.addi %mul3A_2, %add3A_344 : i32
    %dma_start3A_346 = arith.constant 0 : i32
    %dma_start3A_347 = arith.constant 5 : i32
    %dma_start3A_348 = arith.constant 0 : i32
    %dma_start3A_349 = tpu.memref_slice %arg12[%dma_start3A_346, %dma_start3A_347, %dma_start3A_348] : memref<2x7x256xi32, #tpu.memory_space<vmem>> -> memref<1x1x256xi32, #tpu.memory_space<vmem>>
    %dma_start3A_350 = tpu.memref_squeeze %dma_start3A_349 : memref<1x1x256xi32, #tpu.memory_space<vmem>> -> memref<256xi32, #tpu.memory_space<vmem>>
    %dma_start3A_351 = tpu.memref_slice %arg7[%add3A_345] : memref<819200xi32, #tpu.memory_space<hbm>> -> memref<256xi32, #tpu.memory_space<hbm>>
    %dma_start3A_352 = arith.constant 0 : i32
    %dma_start3A_353 = tpu.memref_slice %arg12[%dma_start3A_346, %dma_start3A_347, %dma_start3A_352] : memref<2x7x256xi32, #tpu.memory_space<vmem>> -> memref<1x1x256xi32, #tpu.memory_space<vmem>>
    %dma_start3A_354 = tpu.memref_squeeze %dma_start3A_353 : memref<1x1x256xi32, #tpu.memory_space<vmem>> -> memref<256xi32, #tpu.memory_space<vmem>>
    %dma_start3A_355 = tpu.memref_slice %arg7[%add3A_345] : memref<819200xi32, #tpu.memory_space<hbm>> -> memref<256xi32, #tpu.memory_space<hbm>>
    tpu.enqueue_dma source(%dma_start3A_355 : memref<256xi32, #tpu.memory_space<hbm>>) target(%dma_start3A_354 : memref<256xi32, #tpu.memory_space<vmem>>) target_semaphore(%arg17 : memref<!tpu.dma_semaphore, #tpu.memory_space<semaphore_mem>>)
    %add3A_356 = arith.constant 512 : i32
    %add3A_357 = arith.addi %mul3A_2, %add3A_356 : i32
    %dma_start3A_358 = arith.constant 0 : i32
    %dma_start3A_359 = arith.constant 6 : i32
    %dma_start3A_360 = arith.constant 0 : i32
    %dma_start3A_361 = tpu.memref_slice %arg12[%dma_start3A_358, %dma_start3A_359, %dma_start3A_360] : memref<2x7x256xi32, #tpu.memory_space<vmem>> -> memref<1x1x256xi32, #tpu.memory_space<vmem>>
    %dma_start3A_362 = tpu.memref_squeeze %dma_start3A_361 : memref<1x1x256xi32, #tpu.memory_space<vmem>> -> memref<256xi32, #tpu.memory_space<vmem>>
    %dma_start3A_363 = tpu.memref_slice %arg8[%add3A_357] : memref<819200xi32, #tpu.memory_space<hbm>> -> memref<256xi32, #tpu.memory_space<hbm>>
    %dma_start3A_364 = arith.constant 0 : i32
    %dma_start3A_365 = tpu.memref_slice %arg12[%dma_start3A_358, %dma_start3A_359, %dma_start3A_364] : memref<2x7x256xi32, #tpu.memory_space<vmem>> -> memref<1x1x256xi32, #tpu.memory_space<vmem>>
    %dma_start3A_366 = tpu.memref_squeeze %dma_start3A_365 : memref<1x1x256xi32, #tpu.memory_space<vmem>> -> memref<256xi32, #tpu.memory_space<vmem>>
    %dma_start3A_367 = tpu.memref_slice %arg8[%add3A_357] : memref<819200xi32, #tpu.memory_space<hbm>> -> memref<256xi32, #tpu.memory_space<hbm>>
    tpu.enqueue_dma source(%dma_start3A_367 : memref<256xi32, #tpu.memory_space<hbm>>) target(%dma_start3A_366 : memref<256xi32, #tpu.memory_space<vmem>>) target_semaphore(%arg17 : memref<!tpu.dma_semaphore, #tpu.memory_space<semaphore_mem>>)
    %add3A_368 = arith.constant 256 : i32
    %add3A_369 = arith.addi %mul3A_2, %add3A_368 : i32
    %dma_wait3A_370 = arith.constant 1 : i32
    %dma_wait3A_371 = arith.constant 0 : i32
    %dma_wait3A_372 = arith.constant 0 : i32
    %dma_wait3A_373 = tpu.memref_slice %arg12[%dma_wait3A_370, %dma_wait3A_371, %dma_wait3A_372] : memref<2x7x256xi32, #tpu.memory_space<vmem>> -> memref<1x1x256xi32, #tpu.memory_space<vmem>>
    %dma_wait3A_374 = tpu.memref_squeeze %dma_wait3A_373 : memref<1x1x256xi32, #tpu.memory_space<vmem>> -> memref<256xi32, #tpu.memory_space<vmem>>
    %dma_wait3A_375 = tpu.memref_slice %arg2[%add3A_369] : memref<819200xi32, #tpu.memory_space<hbm>> -> memref<256xi32, #tpu.memory_space<hbm>>
    %dma_wait3A_376 = arith.constant 0 : i32
    %dma_wait3A_377 = tpu.memref_slice %arg12[%dma_wait3A_370, %dma_wait3A_371, %dma_wait3A_376] : memref<2x7x256xi32, #tpu.memory_space<vmem>> -> memref<1x1x256xi32, #tpu.memory_space<vmem>>
    %dma_wait3A_378 = tpu.memref_squeeze %dma_wait3A_377 : memref<1x1x256xi32, #tpu.memory_space<vmem>> -> memref<256xi32, #tpu.memory_space<vmem>>
    %dma_wait3A_379 = tpu.memref_slice %arg2[%add3A_369] : memref<819200xi32, #tpu.memory_space<hbm>> -> memref<256xi32, #tpu.memory_space<hbm>>
    tpu.wait_dma2 semaphore(%arg18 : memref<!tpu.dma_semaphore, #tpu.memory_space<semaphore_mem>>) src(%dma_wait3A_379 : memref<256xi32, #tpu.memory_space<hbm>>) dst(%dma_wait3A_378 : memref<256xi32, #tpu.memory_space<vmem>>)
    %add3A_380 = arith.constant 256 : i32
    %add3A_381 = arith.addi %mul3A_2, %add3A_380 : i32
    %dma_wait3A_382 = arith.constant 1 : i32
    %dma_wait3A_383 = arith.constant 1 : i32
    %dma_wait3A_384 = arith.constant 0 : i32
    %dma_wait3A_385 = tpu.memref_slice %arg12[%dma_wait3A_382, %dma_wait3A_383, %dma_wait3A_384] : memref<2x7x256xi32, #tpu.memory_space<vmem>> -> memref<1x1x256xi32, #tpu.memory_space<vmem>>
    %dma_wait3A_386 = tpu.memref_squeeze %dma_wait3A_385 : memref<1x1x256xi32, #tpu.memory_space<vmem>> -> memref<256xi32, #tpu.memory_space<vmem>>
    %dma_wait3A_387 = tpu.memref_slice %arg3[%add3A_381] : memref<819200xi32, #tpu.memory_space<hbm>> -> memref<256xi32, #tpu.memory_space<hbm>>
    %dma_wait3A_388 = arith.constant 0 : i32
    %dma_wait3A_389 = tpu.memref_slice %arg12[%dma_wait3A_382, %dma_wait3A_383, %dma_wait3A_388] : memref<2x7x256xi32, #tpu.memory_space<vmem>> -> memref<1x1x256xi32, #tpu.memory_space<vmem>>
    %dma_wait3A_390 = tpu.memref_squeeze %dma_wait3A_389 : memref<1x1x256xi32, #tpu.memory_space<vmem>> -> memref<256xi32, #tpu.memory_space<vmem>>
    %dma_wait3A_391 = tpu.memref_slice %arg3[%add3A_381] : memref<819200xi32, #tpu.memory_space<hbm>> -> memref<256xi32, #tpu.memory_space<hbm>>
    tpu.wait_dma2 semaphore(%arg18 : memref<!tpu.dma_semaphore, #tpu.memory_space<semaphore_mem>>) src(%dma_wait3A_391 : memref<256xi32, #tpu.memory_space<hbm>>) dst(%dma_wait3A_390 : memref<256xi32, #tpu.memory_space<vmem>>)
    %add3A_392 = arith.constant 256 : i32
    %add3A_393 = arith.addi %mul3A_2, %add3A_392 : i32
    %dma_wait3A_394 = arith.constant 1 : i32
    %dma_wait3A_395 = arith.constant 2 : i32
    %dma_wait3A_396 = arith.constant 0 : i32
    %dma_wait3A_397 = tpu.memref_slice %arg12[%dma_wait3A_394, %dma_wait3A_395, %dma_wait3A_396] : memref<2x7x256xi32, #tpu.memory_space<vmem>> -> memref<1x1x256xi32, #tpu.memory_space<vmem>>
    %dma_wait3A_398 = tpu.memref_squeeze %dma_wait3A_397 : memref<1x1x256xi32, #tpu.memory_space<vmem>> -> memref<256xi32, #tpu.memory_space<vmem>>
    %dma_wait3A_399 = tpu.memref_slice %arg4[%add3A_393] : memref<819200xi32, #tpu.memory_space<hbm>> -> memref<256xi32, #tpu.memory_space<hbm>>
    %dma_wait3A_400 = arith.constant 0 : i32
    %dma_wait3A_401 = tpu.memref_slice %arg12[%dma_wait3A_394, %dma_wait3A_395, %dma_wait3A_400] : memref<2x7x256xi32, #tpu.memory_space<vmem>> -> memref<1x1x256xi32, #tpu.memory_space<vmem>>
    %dma_wait3A_402 = tpu.memref_squeeze %dma_wait3A_401 : memref<1x1x256xi32, #tpu.memory_space<vmem>> -> memref<256xi32, #tpu.memory_space<vmem>>
    %dma_wait3A_403 = tpu.memref_slice %arg4[%add3A_393] : memref<819200xi32, #tpu.memory_space<hbm>> -> memref<256xi32, #tpu.memory_space<hbm>>
    tpu.wait_dma2 semaphore(%arg18 : memref<!tpu.dma_semaphore, #tpu.memory_space<semaphore_mem>>) src(%dma_wait3A_403 : memref<256xi32, #tpu.memory_space<hbm>>) dst(%dma_wait3A_402 : memref<256xi32, #tpu.memory_space<vmem>>)
    %add3A_404 = arith.constant 256 : i32
    %add3A_405 = arith.addi %mul3A_2, %add3A_404 : i32
    %dma_wait3A_406 = arith.constant 1 : i32
    %dma_wait3A_407 = arith.constant 3 : i32
    %dma_wait3A_408 = arith.constant 0 : i32
    %dma_wait3A_409 = tpu.memref_slice %arg12[%dma_wait3A_406, %dma_wait3A_407, %dma_wait3A_408] : memref<2x7x256xi32, #tpu.memory_space<vmem>> -> memref<1x1x256xi32, #tpu.memory_space<vmem>>
    %dma_wait3A_410 = tpu.memref_squeeze %dma_wait3A_409 : memref<1x1x256xi32, #tpu.memory_space<vmem>> -> memref<256xi32, #tpu.memory_space<vmem>>
    %dma_wait3A_411 = tpu.memref_slice %arg5[%add3A_405] : memref<819200xi32, #tpu.memory_space<hbm>> -> memref<256xi32, #tpu.memory_space<hbm>>
    %dma_wait3A_412 = arith.constant 0 : i32
    %dma_wait3A_413 = tpu.memref_slice %arg12[%dma_wait3A_406, %dma_wait3A_407, %dma_wait3A_412] : memref<2x7x256xi32, #tpu.memory_space<vmem>> -> memref<1x1x256xi32, #tpu.memory_space<vmem>>
    %dma_wait3A_414 = tpu.memref_squeeze %dma_wait3A_413 : memref<1x1x256xi32, #tpu.memory_space<vmem>> -> memref<256xi32, #tpu.memory_space<vmem>>
    %dma_wait3A_415 = tpu.memref_slice %arg5[%add3A_405] : memref<819200xi32, #tpu.memory_space<hbm>> -> memref<256xi32, #tpu.memory_space<hbm>>
    tpu.wait_dma2 semaphore(%arg18 : memref<!tpu.dma_semaphore, #tpu.memory_space<semaphore_mem>>) src(%dma_wait3A_415 : memref<256xi32, #tpu.memory_space<hbm>>) dst(%dma_wait3A_414 : memref<256xi32, #tpu.memory_space<vmem>>)
    %add3A_416 = arith.constant 256 : i32
    %add3A_417 = arith.addi %mul3A_2, %add3A_416 : i32
    %dma_wait3A_418 = arith.constant 1 : i32
    %dma_wait3A_419 = arith.constant 4 : i32
    %dma_wait3A_420 = arith.constant 0 : i32
    %dma_wait3A_421 = tpu.memref_slice %arg12[%dma_wait3A_418, %dma_wait3A_419, %dma_wait3A_420] : memref<2x7x256xi32, #tpu.memory_space<vmem>> -> memref<1x1x256xi32, #tpu.memory_space<vmem>>
    %dma_wait3A_422 = tpu.memref_squeeze %dma_wait3A_421 : memref<1x1x256xi32, #tpu.memory_space<vmem>> -> memref<256xi32, #tpu.memory_space<vmem>>
    %dma_wait3A_423 = tpu.memref_slice %arg6[%add3A_417] : memref<819200xi32, #tpu.memory_space<hbm>> -> memref<256xi32, #tpu.memory_space<hbm>>
    %dma_wait3A_424 = arith.constant 0 : i32
    %dma_wait3A_425 = tpu.memref_slice %arg12[%dma_wait3A_418, %dma_wait3A_419, %dma_wait3A_424] : memref<2x7x256xi32, #tpu.memory_space<vmem>> -> memref<1x1x256xi32, #tpu.memory_space<vmem>>
    %dma_wait3A_426 = tpu.memref_squeeze %dma_wait3A_425 : memref<1x1x256xi32, #tpu.memory_space<vmem>> -> memref<256xi32, #tpu.memory_space<vmem>>
    %dma_wait3A_427 = tpu.memref_slice %arg6[%add3A_417] : memref<819200xi32, #tpu.memory_space<hbm>> -> memref<256xi32, #tpu.memory_space<hbm>>
    tpu.wait_dma2 semaphore(%arg18 : memref<!tpu.dma_semaphore, #tpu.memory_space<semaphore_mem>>) src(%dma_wait3A_427 : memref<256xi32, #tpu.memory_space<hbm>>) dst(%dma_wait3A_426 : memref<256xi32, #tpu.memory_space<vmem>>)
    %add3A_428 = arith.constant 256 : i32
    %add3A_429 = arith.addi %mul3A_2, %add3A_428 : i32
    %dma_wait3A_430 = arith.constant 1 : i32
    %dma_wait3A_431 = arith.constant 5 : i32
    %dma_wait3A_432 = arith.constant 0 : i32
    %dma_wait3A_433 = tpu.memref_slice %arg12[%dma_wait3A_430, %dma_wait3A_431, %dma_wait3A_432] : memref<2x7x256xi32, #tpu.memory_space<vmem>> -> memref<1x1x256xi32, #tpu.memory_space<vmem>>
    %dma_wait3A_434 = tpu.memref_squeeze %dma_wait3A_433 : memref<1x1x256xi32, #tpu.memory_space<vmem>> -> memref<256xi32, #tpu.memory_space<vmem>>
    %dma_wait3A_435 = tpu.memref_slice %arg7[%add3A_429] : memref<819200xi32, #tpu.memory_space<hbm>> -> memref<256xi32, #tpu.memory_space<hbm>>
    %dma_wait3A_436 = arith.constant 0 : i32
    %dma_wait3A_437 = tpu.memref_slice %arg12[%dma_wait3A_430, %dma_wait3A_431, %dma_wait3A_436] : memref<2x7x256xi32, #tpu.memory_space<vmem>> -> memref<1x1x256xi32, #tpu.memory_space<vmem>>
    %dma_wait3A_438 = tpu.memref_squeeze %dma_wait3A_437 : memref<1x1x256xi32, #tpu.memory_space<vmem>> -> memref<256xi32, #tpu.memory_space<vmem>>
    %dma_wait3A_439 = tpu.memref_slice %arg7[%add3A_429] : memref<819200xi32, #tpu.memory_space<hbm>> -> memref<256xi32, #tpu.memory_space<hbm>>
    tpu.wait_dma2 semaphore(%arg18 : memref<!tpu.dma_semaphore, #tpu.memory_space<semaphore_mem>>) src(%dma_wait3A_439 : memref<256xi32, #tpu.memory_space<hbm>>) dst(%dma_wait3A_438 : memref<256xi32, #tpu.memory_space<vmem>>)
    %add3A_440 = arith.constant 256 : i32
    %add3A_441 = arith.addi %mul3A_2, %add3A_440 : i32
    %dma_wait3A_442 = arith.constant 1 : i32
    %dma_wait3A_443 = arith.constant 6 : i32
    %dma_wait3A_444 = arith.constant 0 : i32
    %dma_wait3A_445 = tpu.memref_slice %arg12[%dma_wait3A_442, %dma_wait3A_443, %dma_wait3A_444] : memref<2x7x256xi32, #tpu.memory_space<vmem>> -> memref<1x1x256xi32, #tpu.memory_space<vmem>>
    %dma_wait3A_446 = tpu.memref_squeeze %dma_wait3A_445 : memref<1x1x256xi32, #tpu.memory_space<vmem>> -> memref<256xi32, #tpu.memory_space<vmem>>
    %dma_wait3A_447 = tpu.memref_slice %arg8[%add3A_441] : memref<819200xi32, #tpu.memory_space<hbm>> -> memref<256xi32, #tpu.memory_space<hbm>>
    %dma_wait3A_448 = arith.constant 0 : i32
    %dma_wait3A_449 = tpu.memref_slice %arg12[%dma_wait3A_442, %dma_wait3A_443, %dma_wait3A_448] : memref<2x7x256xi32, #tpu.memory_space<vmem>> -> memref<1x1x256xi32, #tpu.memory_space<vmem>>
    %dma_wait3A_450 = tpu.memref_squeeze %dma_wait3A_449 : memref<1x1x256xi32, #tpu.memory_space<vmem>> -> memref<256xi32, #tpu.memory_space<vmem>>
    %dma_wait3A_451 = tpu.memref_slice %arg8[%add3A_441] : memref<819200xi32, #tpu.memory_space<hbm>> -> memref<256xi32, #tpu.memory_space<hbm>>
    tpu.wait_dma2 semaphore(%arg18 : memref<!tpu.dma_semaphore, #tpu.memory_space<semaphore_mem>>) src(%dma_wait3A_451 : memref<256xi32, #tpu.memory_space<hbm>>) dst(%dma_wait3A_450 : memref<256xi32, #tpu.memory_space<vmem>>)
    %scan3A_452 = arith.constant 0 : i32
    %scan3A_453 = arith.constant 0 : i32
    %scan3A_454 = arith.constant 16 : i32
    %scan3A_455 = arith.addi %scan3A_453, %scan3A_454 : i32
    %scan3A_456 = arith.constant 1 : i32
    scf.for %scan3A_650 = %scan3A_453 to %scan3A_455 step %scan3A_456  : i32 {
      %mul3A_651 = arith.constant 16 : i32
      %mul3A_652 = arith.muli %scan3A_650, %mul3A_651 : i32
      %get3A = arith.constant 1 : i32
      %get3A_653 = arith.constant 0 : i32
      %get3A_654 = arith.index_cast %get3A : i32 to index
      %get3A_655 = arith.index_cast %get3A_653 : i32 to index
      %get3A_656 = arith.index_cast %mul3A_652 : i32 to index
      %get3A_657 = tpu.vector_load %arg12[%get3A_654, %get3A_655, %get3A_656] {strides = array<i32>} : memref<2x7x256xi32, #tpu.memory_space<vmem>>, vector<1x1x16xi32>,
      %get3A_658 = vector.shape_cast %get3A_657 : vector<1x1x16xi32> to vector<16xi32>
      %mul3A_659 = arith.constant -1640531535 : i32
      %mul3A_660 = vector.broadcast %mul3A_659 : i32 to vector<16xi32>
      %mul3A_661 = arith.muli %get3A_658, %mul3A_660 : vector<16xi32>
      %add3A_662 = arith.constant 374761393 : i32
      %add3A_663 = vector.broadcast %add3A_662 : i32 to vector<16xi32>
      %add3A_664 = arith.addi %mul3A_661, %add3A_663 : vector<16xi32>
      %jit3A = arith.constant 100000 : i32
      %eq3A = arith.constant 0 : i32
      %eq3A_665 = arith.cmpi eq, %jit3A, %eq3A : i32
      %jit3A_666 = arith.constant 1 : i32
      %select_n3A = arith.select %eq3A_665, %jit3A_666, %jit3A : i32
      %rem3A = vector.broadcast %select_n3A : i32 to vector<16xi32>
      %rem3A_667 = arith.remui %add3A_664, %rem3A : vector<16xi32>
      %ne3A = arith.constant 0 : i32
      %ne3A_668 = vector.broadcast %ne3A : i32 to vector<16xi32>
      %ne3A_669 = arith.cmpi ne, %rem3A_667, %ne3A_668 : vector<16xi32>
      %lt3A = arith.constant 0 : i32
      %lt3A_670 = vector.broadcast %lt3A : i32 to vector<16xi32>
      %lt3A_671 = arith.cmpi ult, %rem3A_667, %lt3A_670 : vector<16xi32>
      %lt3A_672 = arith.constant 0 : i32
      %lt3A_673 = arith.cmpi ult, %select_n3A, %lt3A_672 : i32
      %ne3A_674 = vector.broadcast %lt3A_673 : i1 to vector<16xi1>
      %ne3A_675 = vector.broadcast %ne3A_674 : vector<16xi1> to vector<16xi1>
      %ne3A_676 = arith.xori %lt3A_671, %ne3A_675 : vector<16xi1>
      %and3A = arith.andi %ne3A_676, %ne3A_669 : vector<16xi1>
      %add3A_677 = vector.broadcast %select_n3A : i32 to vector<16xi32>
      %add3A_678 = arith.addi %rem3A_667, %add3A_677 : vector<16xi32>
      %select_n3A_679 = arith.select %and3A, %add3A_678, %rem3A_667 : vector<16xi1>, vector<16xi32>
      %swap3A = arith.constant 1 : i32
      %swap3A_680 = arith.constant 0 : i32
      %swap3A_681 = arith.index_cast %swap3A : i32 to index
      %swap3A_682 = arith.index_cast %swap3A_680 : i32 to index
      %swap3A_683 = arith.index_cast %mul3A_652 : i32 to index
      %swap3A_684 = tpu.vector_load %arg13[%swap3A_681, %swap3A_682, %swap3A_683] {strides = array<i32>} : memref<2x10x256xi32, #tpu.memory_space<vmem>>, vector<1x1x16xi32>,
      %swap3A_685 = vector.shape_cast %swap3A_684 : vector<1x1x16xi32> to vector<16xi32>
      %swap3A_686 = vector.shape_cast %select_n3A_679 : vector<16xi32> to vector<1x1x16xi32>
      tpu.vector_store %arg13[%swap3A_681, %swap3A_682, %swap3A_683], %swap3A_686 {strides = array<i32>} : memref<2x10x256xi32, #tpu.memory_space<vmem>>, vector<1x1x16xi32>,
      %mul3A_687 = arith.constant -2048144777 : i32
      %mul3A_688 = vector.broadcast %mul3A_687 : i32 to vector<16xi32>
      %mul3A_689 = arith.muli %get3A_658, %mul3A_688 : vector<16xi32>
      %add3A_690 = arith.constant -1150833019 : i32
      %add3A_691 = vector.broadcast %add3A_690 : i32 to vector<16xi32>
      %add3A_692 = arith.addi %mul3A_689, %add3A_691 : vector<16xi32>
      %jit3A_693 = arith.constant 100000 : i32
      %eq3A_694 = arith.constant 0 : i32
      %eq3A_695 = arith.cmpi eq, %jit3A_693, %eq3A_694 : i32
      %jit3A_696 = arith.constant 1 : i32
      %select_n3A_697 = arith.select %eq3A_695, %jit3A_696, %jit3A_693 : i32
      %rem3A_698 = vector.broadcast %select_n3A_697 : i32 to vector<16xi32>
      %rem3A_699 = arith.remui %add3A_692, %rem3A_698 : vector<16xi32>
      %ne3A_700 = arith.constant 0 : i32
      %ne3A_701 = vector.broadcast %ne3A_700 : i32 to vector<16xi32>
      %ne3A_702 = arith.cmpi ne, %rem3A_699, %ne3A_701 : vector<16xi32>
      %lt3A_703 = arith.constant 0 : i32
      %lt3A_704 = vector.broadcast %lt3A_703 : i32 to vector<16xi32>
      %lt3A_705 = arith.cmpi ult, %rem3A_699, %lt3A_704 : vector<16xi32>
      %lt3A_706 = arith.constant 0 : i32
      %lt3A_707 = arith.cmpi ult, %select_n3A_697, %lt3A_706 : i32
      %ne3A_708 = vector.broadcast %lt3A_707 : i1 to vector<16xi1>
      %ne3A_709 = vector.broadcast %ne3A_708 : vector<16xi1> to vector<16xi1>
      %ne3A_710 = arith.xori %lt3A_705, %ne3A_709 : vector<16xi1>
      %and3A_711 = arith.andi %ne3A_710, %ne3A_702 : vector<16xi1>
      %add3A_712 = vector.broadcast %select_n3A_697 : i32 to vector<16xi32>
      %add3A_713 = arith.addi %rem3A_699, %add3A_712 : vector<16xi32>
      %select_n3A_714 = arith.select %and3A_711, %add3A_713, %rem3A_699 : vector<16xi1>, vector<16xi32>
      %swap3A_715 = arith.constant 1 : i32
      %swap3A_716 = arith.constant 1 : i32
      %swap3A_717 = arith.index_cast %swap3A_715 : i32 to index
      %swap3A_718 = arith.index_cast %swap3A_716 : i32 to index
      %swap3A_719 = arith.index_cast %mul3A_652 : i32 to index
      %swap3A_720 = tpu.vector_load %arg13[%swap3A_717, %swap3A_718, %swap3A_719] {strides = array<i32>} : memref<2x10x256xi32, #tpu.memory_space<vmem>>, vector<1x1x16xi32>,
      %swap3A_721 = vector.shape_cast %swap3A_720 : vector<1x1x16xi32> to vector<16xi32>
      %swap3A_722 = vector.shape_cast %select_n3A_714 : vector<16xi32> to vector<1x1x16xi32>
      tpu.vector_store %arg13[%swap3A_717, %swap3A_718, %swap3A_719], %swap3A_722 {strides = array<i32>} : memref<2x10x256xi32, #tpu.memory_space<vmem>>, vector<1x1x16xi32>,
      %mul3A_723 = arith.constant -1028477379 : i32
      %mul3A_724 = vector.broadcast %mul3A_723 : i32 to vector<16xi32>
      %mul3A_725 = arith.muli %get3A_658, %mul3A_724 : vector<16xi32>
      %add3A_726 = arith.constant 1013904223 : i32
      %add3A_727 = vector.broadcast %add3A_726 : i32 to vector<16xi32>
      %add3A_728 = arith.addi %mul3A_725, %add3A_727 : vector<16xi32>
      %jit3A_729 = arith.constant 100000 : i32
      %eq3A_730 = arith.constant 0 : i32
      %eq3A_731 = arith.cmpi eq, %jit3A_729, %eq3A_730 : i32
      %jit3A_732 = arith.constant 1 : i32
      %select_n3A_733 = arith.select %eq3A_731, %jit3A_732, %jit3A_729 : i32
      %rem3A_734 = vector.broadcast %select_n3A_733 : i32 to vector<16xi32>
      %rem3A_735 = arith.remui %add3A_728, %rem3A_734 : vector<16xi32>
      %ne3A_736 = arith.constant 0 : i32
      %ne3A_737 = vector.broadcast %ne3A_736 : i32 to vector<16xi32>
      %ne3A_738 = arith.cmpi ne, %rem3A_735, %ne3A_737 : vector<16xi32>
      %lt3A_739 = arith.constant 0 : i32
      %lt3A_740 = vector.broadcast %lt3A_739 : i32 to vector<16xi32>
      %lt3A_741 = arith.cmpi ult, %rem3A_735, %lt3A_740 : vector<16xi32>
      %lt3A_742 = arith.constant 0 : i32
      %lt3A_743 = arith.cmpi ult, %select_n3A_733, %lt3A_742 : i32
      %ne3A_744 = vector.broadcast %lt3A_743 : i1 to vector<16xi1>
      %ne3A_745 = vector.broadcast %ne3A_744 : vector<16xi1> to vector<16xi1>
      %ne3A_746 = arith.xori %lt3A_741, %ne3A_745 : vector<16xi1>
      %and3A_747 = arith.andi %ne3A_746, %ne3A_738 : vector<16xi1>
      %add3A_748 = vector.broadcast %select_n3A_733 : i32 to vector<16xi32>
      %add3A_749 = arith.addi %rem3A_735, %add3A_748 : vector<16xi32>
      %select_n3A_750 = arith.select %and3A_747, %add3A_749, %rem3A_735 : vector<16xi1>, vector<16xi32>
      %swap3A_751 = arith.constant 1 : i32
      %swap3A_752 = arith.constant 2 : i32
      %swap3A_753 = arith.index_cast %swap3A_751 : i32 to index
      %swap3A_754 = arith.index_cast %swap3A_752 : i32 to index
      %swap3A_755 = arith.index_cast %mul3A_652 : i32 to index
      %swap3A_756 = tpu.vector_load %arg13[%swap3A_753, %swap3A_754, %swap3A_755] {strides = array<i32>} : memref<2x10x256xi32, #tpu.memory_space<vmem>>, vector<1x1x16xi32>,
      %swap3A_757 = vector.shape_cast %swap3A_756 : vector<1x1x16xi32> to vector<16xi32>
      %swap3A_758 = vector.shape_cast %select_n3A_750 : vector<16xi32> to vector<1x1x16xi32>
      tpu.vector_store %arg13[%swap3A_753, %swap3A_754, %swap3A_755], %swap3A_758 {strides = array<i32>} : memref<2x10x256xi32, #tpu.memory_space<vmem>>, vector<1x1x16xi32>,
      %mul3A_759 = arith.constant 668265263 : i32
      %mul3A_760 = vector.broadcast %mul3A_759 : i32 to vector<16xi32>
      %mul3A_761 = arith.muli %get3A_658, %mul3A_760 : vector<16xi32>
      %add3A_762 = arith.constant -1521486534 : i32
      %add3A_763 = vector.broadcast %add3A_762 : i32 to vector<16xi32>
      %add3A_764 = arith.addi %mul3A_761, %add3A_763 : vector<16xi32>
      %jit3A_765 = arith.constant 100000 : i32
      %eq3A_766 = arith.constant 0 : i32
      %eq3A_767 = arith.cmpi eq, %jit3A_765, %eq3A_766 : i32
      %jit3A_768 = arith.constant 1 : i32
      %select_n3A_769 = arith.select %eq3A_767, %jit3A_768, %jit3A_765 : i32
      %rem3A_770 = vector.broadcast %select_n3A_769 : i32 to vector<16xi32>
      %rem3A_771 = arith.remui %add3A_764, %rem3A_770 : vector<16xi32>
      %ne3A_772 = arith.constant 0 : i32
      %ne3A_773 = vector.broadcast %ne3A_772 : i32 to vector<16xi32>
      %ne3A_774 = arith.cmpi ne, %rem3A_771, %ne3A_773 : vector<16xi32>
      %lt3A_775 = arith.constant 0 : i32
      %lt3A_776 = vector.broadcast %lt3A_775 : i32 to vector<16xi32>
      %lt3A_777 = arith.cmpi ult, %rem3A_771, %lt3A_776 : vector<16xi32>
      %lt3A_778 = arith.constant 0 : i32
      %lt3A_779 = arith.cmpi ult, %select_n3A_769, %lt3A_778 : i32
      %ne3A_780 = vector.broadcast %lt3A_779 : i1 to vector<16xi1>
      %ne3A_781 = vector.broadcast %ne3A_780 : vector<16xi1> to vector<16xi1>
      %ne3A_782 = arith.xori %lt3A_777, %ne3A_781 : vector<16xi1>
      %and3A_783 = arith.andi %ne3A_782, %ne3A_774 : vector<16xi1>
      %add3A_784 = vector.broadcast %select_n3A_769 : i32 to vector<16xi32>
      %add3A_785 = arith.addi %rem3A_771, %add3A_784 : vector<16xi32>
      %select_n3A_786 = arith.select %and3A_783, %add3A_785, %rem3A_771 : vector<16xi1>, vector<16xi32>
      %swap3A_787 = arith.constant 1 : i32
      %swap3A_788 = arith.constant 3 : i32
      %swap3A_789 = arith.index_cast %swap3A_787 : i32 to index
      %swap3A_790 = arith.index_cast %swap3A_788 : i32 to index
      %swap3A_791 = arith.index_cast %mul3A_652 : i32 to index
      %swap3A_792 = tpu.vector_load %arg13[%swap3A_789, %swap3A_790, %swap3A_791] {strides = array<i32>} : memref<2x10x256xi32, #tpu.memory_space<vmem>>, vector<1x1x16xi32>,
      %swap3A_793 = vector.shape_cast %swap3A_792 : vector<1x1x16xi32> to vector<16xi32>
      %swap3A_794 = vector.shape_cast %select_n3A_786 : vector<16xi32> to vector<1x1x16xi32>
      tpu.vector_store %arg13[%swap3A_789, %swap3A_790, %swap3A_791], %swap3A_794 {strides = array<i32>} : memref<2x10x256xi32, #tpu.memory_space<vmem>>, vector<1x1x16xi32>,
      %get3A_795 = arith.constant 1 : i32
      %get3A_796 = arith.constant 1 : i32
      %get3A_797 = arith.index_cast %get3A_795 : i32 to index
      %get3A_798 = arith.index_cast %get3A_796 : i32 to index
      %get3A_799 = arith.index_cast %mul3A_652 : i32 to index
      %get3A_800 = tpu.vector_load %arg12[%get3A_797, %get3A_798, %get3A_799] {strides = array<i32>} : memref<2x7x256xi32, #tpu.memory_space<vmem>>, vector<1x1x16xi32>,
      %get3A_801 = vector.shape_cast %get3A_800 : vector<1x1x16xi32> to vector<16xi32>
      %add3A_802 = arith.constant 0 : i32
      %add3A_803 = vector.broadcast %add3A_802 : i32 to vector<16xi32>
      %add3A_804 = arith.addi %get3A_801, %add3A_803 : vector<16xi32>
      %swap3A_805 = arith.constant 1 : i32
      %swap3A_806 = arith.constant 4 : i32
      %swap3A_807 = arith.index_cast %swap3A_805 : i32 to index
      %swap3A_808 = arith.index_cast %swap3A_806 : i32 to index
      %swap3A_809 = arith.index_cast %mul3A_652 : i32 to index
      %swap3A_810 = tpu.vector_load %arg13[%swap3A_807, %swap3A_808, %swap3A_809] {strides = array<i32>} : memref<2x10x256xi32, #tpu.memory_space<vmem>>, vector<1x1x16xi32>,
      %swap3A_811 = vector.shape_cast %swap3A_810 : vector<1x1x16xi32> to vector<16xi32>
      %swap3A_812 = vector.shape_cast %add3A_804 : vector<16xi32> to vector<1x1x16xi32>
      tpu.vector_store %arg13[%swap3A_807, %swap3A_808, %swap3A_809], %swap3A_812 {strides = array<i32>} : memref<2x10x256xi32, #tpu.memory_space<vmem>>, vector<1x1x16xi32>,
      %get3A_813 = arith.constant 1 : i32
      %get3A_814 = arith.constant 2 : i32
      %get3A_815 = arith.index_cast %get3A_813 : i32 to index
      %get3A_816 = arith.index_cast %get3A_814 : i32 to index
      %get3A_817 = arith.index_cast %mul3A_652 : i32 to index
      %get3A_818 = tpu.vector_load %arg12[%get3A_815, %get3A_816, %get3A_817] {strides = array<i32>} : memref<2x7x256xi32, #tpu.memory_space<vmem>>, vector<1x1x16xi32>,
      %get3A_819 = vector.shape_cast %get3A_818 : vector<1x1x16xi32> to vector<16xi32>
      %add3A_820 = arith.constant 0 : i32
      %add3A_821 = vector.broadcast %add3A_820 : i32 to vector<16xi32>
      %add3A_822 = arith.addi %get3A_819, %add3A_821 : vector<16xi32>
      %swap3A_823 = arith.constant 1 : i32
      %swap3A_824 = arith.constant 5 : i32
      %swap3A_825 = arith.index_cast %swap3A_823 : i32 to index
      %swap3A_826 = arith.index_cast %swap3A_824 : i32 to index
      %swap3A_827 = arith.index_cast %mul3A_652 : i32 to index
      %swap3A_828 = tpu.vector_load %arg13[%swap3A_825, %swap3A_826, %swap3A_827] {strides = array<i32>} : memref<2x10x256xi32, #tpu.memory_space<vmem>>, vector<1x1x16xi32>,
      %swap3A_829 = vector.shape_cast %swap3A_828 : vector<1x1x16xi32> to vector<16xi32>
      %swap3A_830 = vector.shape_cast %add3A_822 : vector<16xi32> to vector<1x1x16xi32>
      tpu.vector_store %arg13[%swap3A_825, %swap3A_826, %swap3A_827], %swap3A_830 {strides = array<i32>} : memref<2x10x256xi32, #tpu.memory_space<vmem>>, vector<1x1x16xi32>,
      %get3A_831 = arith.constant 1 : i32
      %get3A_832 = arith.constant 3 : i32
      %get3A_833 = arith.index_cast %get3A_831 : i32 to index
      %get3A_834 = arith.index_cast %get3A_832 : i32 to index
      %get3A_835 = arith.index_cast %mul3A_652 : i32 to index
      %get3A_836 = tpu.vector_load %arg12[%get3A_833, %get3A_834, %get3A_835] {strides = array<i32>} : memref<2x7x256xi32, #tpu.memory_space<vmem>>, vector<1x1x16xi32>,
      %get3A_837 = vector.shape_cast %get3A_836 : vector<1x1x16xi32> to vector<16xi32>
      %add3A_838 = arith.constant 1025 : i32
      %add3A_839 = vector.broadcast %add3A_838 : i32 to vector<16xi32>
      %add3A_840 = arith.addi %get3A_837, %add3A_839 : vector<16xi32>
      %swap3A_841 = arith.constant 1 : i32
      %swap3A_842 = arith.constant 6 : i32
      %swap3A_843 = arith.index_cast %swap3A_841 : i32 to index
      %swap3A_844 = arith.index_cast %swap3A_842 : i32 to index
      %swap3A_845 = arith.index_cast %mul3A_652 : i32 to index
      %swap3A_846 = tpu.vector_load %arg13[%swap3A_843, %swap3A_844, %swap3A_845] {strides = array<i32>} : memref<2x10x256xi32, #tpu.memory_space<vmem>>, vector<1x1x16xi32>,
      %swap3A_847 = vector.shape_cast %swap3A_846 : vector<1x1x16xi32> to vector<16xi32>
      %swap3A_848 = vector.shape_cast %add3A_840 : vector<16xi32> to vector<1x1x16xi32>
      tpu.vector_store %arg13[%swap3A_843, %swap3A_844, %swap3A_845], %swap3A_848 {strides = array<i32>} : memref<2x10x256xi32, #tpu.memory_space<vmem>>, vector<1x1x16xi32>,
      %get3A_849 = arith.constant 1 : i32
      %get3A_850 = arith.constant 4 : i32
      %get3A_851 = arith.index_cast %get3A_849 : i32 to index
      %get3A_852 = arith.index_cast %get3A_850 : i32 to index
      %get3A_853 = arith.index_cast %mul3A_652 : i32 to index
      %get3A_854 = tpu.vector_load %arg12[%get3A_851, %get3A_852, %get3A_853] {strides = array<i32>} : memref<2x7x256xi32, #tpu.memory_space<vmem>>, vector<1x1x16xi32>,
      %get3A_855 = vector.shape_cast %get3A_854 : vector<1x1x16xi32> to vector<16xi32>
      %add3A_856 = arith.constant 1025 : i32
      %add3A_857 = vector.broadcast %add3A_856 : i32 to vector<16xi32>
      %add3A_858 = arith.addi %get3A_855, %add3A_857 : vector<16xi32>
      %swap3A_859 = arith.constant 1 : i32
      %swap3A_860 = arith.constant 7 : i32
      %swap3A_861 = arith.index_cast %swap3A_859 : i32 to index
      %swap3A_862 = arith.index_cast %swap3A_860 : i32 to index
      %swap3A_863 = arith.index_cast %mul3A_652 : i32 to index
      %swap3A_864 = tpu.vector_load %arg13[%swap3A_861, %swap3A_862, %swap3A_863] {strides = array<i32>} : memref<2x10x256xi32, #tpu.memory_space<vmem>>, vector<1x1x16xi32>,
      %swap3A_865 = vector.shape_cast %swap3A_864 : vector<1x1x16xi32> to vector<16xi32>
      %swap3A_866 = vector.shape_cast %add3A_858 : vector<16xi32> to vector<1x1x16xi32>
      tpu.vector_store %arg13[%swap3A_861, %swap3A_862, %swap3A_863], %swap3A_866 {strides = array<i32>} : memref<2x10x256xi32, #tpu.memory_space<vmem>>, vector<1x1x16xi32>,
      %get3A_867 = arith.constant 1 : i32
      %get3A_868 = arith.constant 5 : i32
      %get3A_869 = arith.index_cast %get3A_867 : i32 to index
      %get3A_870 = arith.index_cast %get3A_868 : i32 to index
      %get3A_871 = arith.index_cast %mul3A_652 : i32 to index
      %get3A_872 = tpu.vector_load %arg12[%get3A_869, %get3A_870, %get3A_871] {strides = array<i32>} : memref<2x7x256xi32, #tpu.memory_space<vmem>>, vector<1x1x16xi32>,
      %get3A_873 = vector.shape_cast %get3A_872 : vector<1x1x16xi32> to vector<16xi32>
      %add3A_874 = arith.constant 1794 : i32
      %add3A_875 = vector.broadcast %add3A_874 : i32 to vector<16xi32>
      %add3A_876 = arith.addi %get3A_873, %add3A_875 : vector<16xi32>
      %swap3A_877 = arith.constant 1 : i32
      %swap3A_878 = arith.constant 8 : i32
      %swap3A_879 = arith.index_cast %swap3A_877 : i32 to index
      %swap3A_880 = arith.index_cast %swap3A_878 : i32 to index
      %swap3A_881 = arith.index_cast %mul3A_652 : i32 to index
      %swap3A_882 = tpu.vector_load %arg13[%swap3A_879, %swap3A_880, %swap3A_881] {strides = array<i32>} : memref<2x10x256xi32, #tpu.memory_space<vmem>>, vector<1x1x16xi32>,
      %swap3A_883 = vector.shape_cast %swap3A_882 : vector<1x1x16xi32> to vector<16xi32>
      %swap3A_884 = vector.shape_cast %add3A_876 : vector<16xi32> to vector<1x1x16xi32>
      tpu.vector_store %arg13[%swap3A_879, %swap3A_880, %swap3A_881], %swap3A_884 {strides = array<i32>} : memref<2x10x256xi32, #tpu.memory_space<vmem>>, vector<1x1x16xi32>,
      %get3A_885 = arith.constant 1 : i32
      %get3A_886 = arith.constant 6 : i32
      %get3A_887 = arith.index_cast %get3A_885 : i32 to index
      %get3A_888 = arith.index_cast %get3A_886 : i32 to index
      %get3A_889 = arith.index_cast %mul3A_652 : i32 to index
      %get3A_890 = tpu.vector_load %arg12[%get3A_887, %get3A_888, %get3A_889] {strides = array<i32>} : memref<2x7x256xi32, #tpu.memory_space<vmem>>, vector<1x1x16xi32>,
      %get3A_891 = vector.shape_cast %get3A_890 : vector<1x1x16xi32> to vector<16xi32>
      %add3A_892 = arith.constant 2819 : i32
      %add3A_893 = vector.broadcast %add3A_892 : i32 to vector<16xi32>
      %add3A_894 = arith.addi %get3A_891, %add3A_893 : vector<16xi32>
      %swap3A_895 = arith.constant 1 : i32
      %swap3A_896 = arith.constant 9 : i32
      %swap3A_897 = arith.index_cast %swap3A_895 : i32 to index
      %swap3A_898 = arith.index_cast %swap3A_896 : i32 to index
      %swap3A_899 = arith.index_cast %mul3A_652 : i32 to index
      %swap3A_900 = tpu.vector_load %arg13[%swap3A_897, %swap3A_898, %swap3A_899] {strides = array<i32>} : memref<2x10x256xi32, #tpu.memory_space<vmem>>, vector<1x1x16xi32>,
      %swap3A_901 = vector.shape_cast %swap3A_900 : vector<1x1x16xi32> to vector<16xi32>
      %swap3A_902 = vector.shape_cast %add3A_894 : vector<16xi32> to vector<1x1x16xi32>
      tpu.vector_store %arg13[%swap3A_897, %swap3A_898, %swap3A_899], %swap3A_902 {strides = array<i32>} : memref<2x10x256xi32, #tpu.memory_space<vmem>>, vector<1x1x16xi32>,
    }
    %scan3A_457 = arith.constant 16 : i32
    %dma_start3A_458 = arith.constant 1 : i32
    %dma_start3A_459 = arith.constant 0 : i32
    %dma_start3A_460 = arith.constant 1 : i32
    %dma_start3A_461 = arith.constant 0 : i32
    %dma_start3A_462 = arith.constant 0 : i32
    %dma_start3A_463 = tpu.memref_slice %arg14[%dma_start3A_460, %dma_start3A_461, %dma_start3A_462] : memref<2x256x64xf32, #tpu.memory_space<vmem>> -> memref<1x256x64xf32, #tpu.memory_space<vmem>>
    %dma_start3A_464 = tpu.memref_squeeze %dma_start3A_463 : memref<1x256x64xf32, #tpu.memory_space<vmem>> -> memref<256x64xf32, #tpu.memory_space<vmem>>
    %dma_start3A_465 = arith.constant 0 : i32
    %dma_start3A_466 = tpu.memref_slice %arg13[%dma_start3A_458, %dma_start3A_459, %dma_start3A_465] : memref<2x10x256xi32, #tpu.memory_space<vmem>> -> memref<1x1x256xi32, #tpu.memory_space<vmem>>
    %dma_start3A_467 = tpu.memref_squeeze %dma_start3A_466 : memref<1x1x256xi32, #tpu.memory_space<vmem>> -> memref<256xi32, #tpu.memory_space<vmem>>
    %dma_start3A_468 = arith.constant 0 : i32
    %dma_start3A_469 = arith.constant 0 : i32
    %dma_start3A_470 = tpu.memref_slice %arg9[%dma_start3A_468, %dma_start3A_469] : memref<100000x64xf32, #tpu.memory_space<hbm>> -> memref<100000x64xf32, #tpu.memory_space<hbm>>
    tpu.enqueue_indirect_dma source(%dma_start3A_470 : memref<100000x64xf32, #tpu.memory_space<hbm>>) target(%dma_start3A_464 : memref<256x64xf32, #tpu.memory_space<vmem>>) offsets(%dma_start3A_467 : memref<256xi32, #tpu.memory_space<vmem>>) semaphore(%arg20 : memref<!tpu.dma_semaphore, #tpu.memory_space<semaphore_mem>>)
    %dma_start3A_471 = arith.constant 1 : i32
    %dma_start3A_472 = arith.constant 4 : i32
    %dma_start3A_473 = arith.constant 1 : i32
    %dma_start3A_474 = arith.constant 0 : i32
    %dma_start3A_475 = arith.constant 0 : i32
    %dma_start3A_476 = tpu.memref_slice %arg15[%dma_start3A_473, %dma_start3A_474, %dma_start3A_475] : memref<2x256x64xf32, #tpu.memory_space<vmem>> -> memref<1x256x64xf32, #tpu.memory_space<vmem>>
    %dma_start3A_477 = tpu.memref_squeeze %dma_start3A_476 : memref<1x256x64xf32, #tpu.memory_space<vmem>> -> memref<256x64xf32, #tpu.memory_space<vmem>>
    %dma_start3A_478 = arith.constant 0 : i32
    %dma_start3A_479 = tpu.memref_slice %arg13[%dma_start3A_471, %dma_start3A_472, %dma_start3A_478] : memref<2x10x256xi32, #tpu.memory_space<vmem>> -> memref<1x1x256xi32, #tpu.memory_space<vmem>>
    %dma_start3A_480 = tpu.memref_squeeze %dma_start3A_479 : memref<1x1x256xi32, #tpu.memory_space<vmem>> -> memref<256xi32, #tpu.memory_space<vmem>>
    %dma_start3A_481 = arith.constant 0 : i32
    %dma_start3A_482 = arith.constant 0 : i32
    %dma_start3A_483 = tpu.memref_slice %arg10[%dma_start3A_481, %dma_start3A_482] : memref<3600x64xf32, #tpu.memory_space<hbm>> -> memref<3600x64xf32, #tpu.memory_space<hbm>>
    tpu.enqueue_indirect_dma source(%dma_start3A_483 : memref<3600x64xf32, #tpu.memory_space<hbm>>) target(%dma_start3A_477 : memref<256x64xf32, #tpu.memory_space<vmem>>) offsets(%dma_start3A_480 : memref<256xi32, #tpu.memory_space<vmem>>) semaphore(%arg20 : memref<!tpu.dma_semaphore, #tpu.memory_space<semaphore_mem>>)
    %dma_wait3A_484 = arith.constant 0 : i32
    %dma_wait3A_485 = arith.constant 0 : i32
    %dma_wait3A_486 = arith.constant 0 : i32
    %dma_wait3A_487 = arith.constant 0 : i32
    %dma_wait3A_488 = arith.constant 0 : i32
    %dma_wait3A_489 = tpu.memref_slice %arg14[%dma_wait3A_486, %dma_wait3A_487, %dma_wait3A_488] : memref<2x256x64xf32, #tpu.memory_space<vmem>> -> memref<1x256x64xf32, #tpu.memory_space<vmem>>
    %dma_wait3A_490 = tpu.memref_squeeze %dma_wait3A_489 : memref<1x256x64xf32, #tpu.memory_space<vmem>> -> memref<256x64xf32, #tpu.memory_space<vmem>>
    %dma_wait3A_491 = arith.constant 0 : i32
    %dma_wait3A_492 = tpu.memref_slice %arg13[%dma_wait3A_484, %dma_wait3A_485, %dma_wait3A_491] : memref<2x10x256xi32, #tpu.memory_space<vmem>> -> memref<1x1x256xi32, #tpu.memory_space<vmem>>
    %dma_wait3A_493 = tpu.memref_squeeze %dma_wait3A_492 : memref<1x1x256xi32, #tpu.memory_space<vmem>> -> memref<256xi32, #tpu.memory_space<vmem>>
    %dma_wait3A_494 = arith.constant 0 : i32
    %dma_wait3A_495 = arith.constant 0 : i32
    %dma_wait3A_496 = tpu.memref_slice %arg9[%dma_wait3A_494, %dma_wait3A_495] : memref<100000x64xf32, #tpu.memory_space<hbm>> -> memref<100000x64xf32, #tpu.memory_space<hbm>>
    tpu.wait_indirect_dma semaphore(%arg19 : memref<!tpu.dma_semaphore, #tpu.memory_space<semaphore_mem>>) src(%dma_wait3A_496 : memref<100000x64xf32, #tpu.memory_space<hbm>>) dst(%dma_wait3A_490 : memref<256x64xf32, #tpu.memory_space<vmem>>)
    %dma_wait3A_497 = arith.constant 0 : i32
    %dma_wait3A_498 = arith.constant 4 : i32
    %dma_wait3A_499 = arith.constant 0 : i32
    %dma_wait3A_500 = arith.constant 0 : i32
    %dma_wait3A_501 = arith.constant 0 : i32
    %dma_wait3A_502 = tpu.memref_slice %arg15[%dma_wait3A_499, %dma_wait3A_500, %dma_wait3A_501] : memref<2x256x64xf32, #tpu.memory_space<vmem>> -> memref<1x256x64xf32, #tpu.memory_space<vmem>>
    %dma_wait3A_503 = tpu.memref_squeeze %dma_wait3A_502 : memref<1x256x64xf32, #tpu.memory_space<vmem>> -> memref<256x64xf32, #tpu.memory_space<vmem>>
    %dma_wait3A_504 = arith.constant 0 : i32
    %dma_wait3A_505 = tpu.memref_slice %arg13[%dma_wait3A_497, %dma_wait3A_498, %dma_wait3A_504] : memref<2x10x256xi32, #tpu.memory_space<vmem>> -> memref<1x1x256xi32, #tpu.memory_space<vmem>>
    %dma_wait3A_506 = tpu.memref_squeeze %dma_wait3A_505 : memref<1x1x256xi32, #tpu.memory_space<vmem>> -> memref<256xi32, #tpu.memory_space<vmem>>
    %dma_wait3A_507 = arith.constant 0 : i32
    %dma_wait3A_508 = arith.constant 0 : i32
    %dma_wait3A_509 = tpu.memref_slice %arg10[%dma_wait3A_507, %dma_wait3A_508] : memref<3600x64xf32, #tpu.memory_space<hbm>> -> memref<3600x64xf32, #tpu.memory_space<hbm>>
    tpu.wait_indirect_dma semaphore(%arg19 : memref<!tpu.dma_semaphore, #tpu.memory_space<semaphore_mem>>) src(%dma_wait3A_509 : memref<3600x64xf32, #tpu.memory_space<hbm>>) dst(%dma_wait3A_503 : memref<256x64xf32, #tpu.memory_space<vmem>>)
    %dma_start3A_510 = arith.constant 0 : i32
    %dma_start3A_511 = arith.constant 1 : i32
    %dma_start3A_512 = arith.constant 0 : i32
    %dma_start3A_513 = arith.constant 0 : i32
    %dma_start3A_514 = arith.constant 0 : i32
    %dma_start3A_515 = tpu.memref_slice %arg14[%dma_start3A_512, %dma_start3A_513, %dma_start3A_514] : memref<2x256x64xf32, #tpu.memory_space<vmem>> -> memref<1x256x64xf32, #tpu.memory_space<vmem>>
    %dma_start3A_516 = tpu.memref_squeeze %dma_start3A_515 : memref<1x256x64xf32, #tpu.memory_space<vmem>> -> memref<256x64xf32, #tpu.memory_space<vmem>>
    %dma_start3A_517 = arith.constant 0 : i32
    %dma_start3A_518 = tpu.memref_slice %arg13[%dma_start3A_510, %dma_start3A_511, %dma_start3A_517] : memref<2x10x256xi32, #tpu.memory_space<vmem>> -> memref<1x1x256xi32, #tpu.memory_space<vmem>>
    %dma_start3A_519 = tpu.memref_squeeze %dma_start3A_518 : memref<1x1x256xi32, #tpu.memory_space<vmem>> -> memref<256xi32, #tpu.memory_space<vmem>>
    %dma_start3A_520 = arith.constant 0 : i32
    %dma_start3A_521 = arith.constant 0 : i32
    %dma_start3A_522 = tpu.memref_slice %arg9[%dma_start3A_520, %dma_start3A_521] : memref<100000x64xf32, #tpu.memory_space<hbm>> -> memref<100000x64xf32, #tpu.memory_space<hbm>>
    tpu.enqueue_indirect_dma source(%dma_start3A_522 : memref<100000x64xf32, #tpu.memory_space<hbm>>) target(%dma_start3A_516 : memref<256x64xf32, #tpu.memory_space<vmem>>) offsets(%dma_start3A_519 : memref<256xi32, #tpu.memory_space<vmem>>) semaphore(%arg21 : memref<!tpu.dma_semaphore, #tpu.memory_space<semaphore_mem>>) {add = true}
    %dma_start3A_523 = arith.constant 0 : i32
    %dma_start3A_524 = arith.constant 2 : i32
    %dma_start3A_525 = arith.constant 0 : i32
    %dma_start3A_526 = arith.constant 0 : i32
    %dma_start3A_527 = arith.constant 0 : i32
    %dma_start3A_528 = tpu.memref_slice %arg14[%dma_start3A_525, %dma_start3A_526, %dma_start3A_527] : memref<2x256x64xf32, #tpu.memory_space<vmem>> -> memref<1x256x64xf32, #tpu.memory_space<vmem>>
    %dma_start3A_529 = tpu.memref_squeeze %dma_start3A_528 : memref<1x256x64xf32, #tpu.memory_space<vmem>> -> memref<256x64xf32, #tpu.memory_space<vmem>>
    %dma_start3A_530 = arith.constant 0 : i32
    %dma_start3A_531 = tpu.memref_slice %arg13[%dma_start3A_523, %dma_start3A_524, %dma_start3A_530] : memref<2x10x256xi32, #tpu.memory_space<vmem>> -> memref<1x1x256xi32, #tpu.memory_space<vmem>>
    %dma_start3A_532 = tpu.memref_squeeze %dma_start3A_531 : memref<1x1x256xi32, #tpu.memory_space<vmem>> -> memref<256xi32, #tpu.memory_space<vmem>>
    %dma_start3A_533 = arith.constant 0 : i32
    %dma_start3A_534 = arith.constant 0 : i32
    %dma_start3A_535 = tpu.memref_slice %arg9[%dma_start3A_533, %dma_start3A_534] : memref<100000x64xf32, #tpu.memory_space<hbm>> -> memref<100000x64xf32, #tpu.memory_space<hbm>>
    tpu.enqueue_indirect_dma source(%dma_start3A_535 : memref<100000x64xf32, #tpu.memory_space<hbm>>) target(%dma_start3A_529 : memref<256x64xf32, #tpu.memory_space<vmem>>) offsets(%dma_start3A_532 : memref<256xi32, #tpu.memory_space<vmem>>) semaphore(%arg21 : memref<!tpu.dma_semaphore, #tpu.memory_space<semaphore_mem>>) {add = true}
    %dma_start3A_536 = arith.constant 0 : i32
    %dma_start3A_537 = arith.constant 3 : i32
    %dma_start3A_538 = arith.constant 0 : i32
    %dma_start3A_539 = arith.constant 0 : i32
    %dma_start3A_540 = arith.constant 0 : i32
    %dma_start3A_541 = tpu.memref_slice %arg14[%dma_start3A_538, %dma_start3A_539, %dma_start3A_540] : memref<2x256x64xf32, #tpu.memory_space<vmem>> -> memref<1x256x64xf32, #tpu.memory_space<vmem>>
    %dma_start3A_542 = tpu.memref_squeeze %dma_start3A_541 : memref<1x256x64xf32, #tpu.memory_space<vmem>> -> memref<256x64xf32, #tpu.memory_space<vmem>>
    %dma_start3A_543 = arith.constant 0 : i32
    %dma_start3A_544 = tpu.memref_slice %arg13[%dma_start3A_536, %dma_start3A_537, %dma_start3A_543] : memref<2x10x256xi32, #tpu.memory_space<vmem>> -> memref<1x1x256xi32, #tpu.memory_space<vmem>>
    %dma_start3A_545 = tpu.memref_squeeze %dma_start3A_544 : memref<1x1x256xi32, #tpu.memory_space<vmem>> -> memref<256xi32, #tpu.memory_space<vmem>>
    %dma_start3A_546 = arith.constant 0 : i32
    %dma_start3A_547 = arith.constant 0 : i32
    %dma_start3A_548 = tpu.memref_slice %arg9[%dma_start3A_546, %dma_start3A_547] : memref<100000x64xf32, #tpu.memory_space<hbm>> -> memref<100000x64xf32, #tpu.memory_space<hbm>>
    tpu.enqueue_indirect_dma source(%dma_start3A_548 : memref<100000x64xf32, #tpu.memory_space<hbm>>) target(%dma_start3A_542 : memref<256x64xf32, #tpu.memory_space<vmem>>) offsets(%dma_start3A_545 : memref<256xi32, #tpu.memory_space<vmem>>) semaphore(%arg21 : memref<!tpu.dma_semaphore, #tpu.memory_space<semaphore_mem>>) {add = true}
    %dma_start3A_549 = arith.constant 0 : i32
    %dma_start3A_550 = arith.constant 5 : i32
    %dma_start3A_551 = arith.constant 0 : i32
    %dma_start3A_552 = arith.constant 0 : i32
    %dma_start3A_553 = arith.constant 0 : i32
    %dma_start3A_554 = tpu.memref_slice %arg15[%dma_start3A_551, %dma_start3A_552, %dma_start3A_553] : memref<2x256x64xf32, #tpu.memory_space<vmem>> -> memref<1x256x64xf32, #tpu.memory_space<vmem>>
    %dma_start3A_555 = tpu.memref_squeeze %dma_start3A_554 : memref<1x256x64xf32, #tpu.memory_space<vmem>> -> memref<256x64xf32, #tpu.memory_space<vmem>>
    %dma_start3A_556 = arith.constant 0 : i32
    %dma_start3A_557 = tpu.memref_slice %arg13[%dma_start3A_549, %dma_start3A_550, %dma_start3A_556] : memref<2x10x256xi32, #tpu.memory_space<vmem>> -> memref<1x1x256xi32, #tpu.memory_space<vmem>>
    %dma_start3A_558 = tpu.memref_squeeze %dma_start3A_557 : memref<1x1x256xi32, #tpu.memory_space<vmem>> -> memref<256xi32, #tpu.memory_space<vmem>>
    %dma_start3A_559 = arith.constant 0 : i32
    %dma_start3A_560 = arith.constant 0 : i32
    %dma_start3A_561 = tpu.memref_slice %arg10[%dma_start3A_559, %dma_start3A_560] : memref<3600x64xf32, #tpu.memory_space<hbm>> -> memref<3600x64xf32, #tpu.memory_space<hbm>>
    tpu.enqueue_indirect_dma source(%dma_start3A_561 : memref<3600x64xf32, #tpu.memory_space<hbm>>) target(%dma_start3A_555 : memref<256x64xf32, #tpu.memory_space<vmem>>) offsets(%dma_start3A_558 : memref<256xi32, #tpu.memory_space<vmem>>) semaphore(%arg21 : memref<!tpu.dma_semaphore, #tpu.memory_space<semaphore_mem>>) {add = true}
    %dma_start3A_562 = arith.constant 0 : i32
    %dma_start3A_563 = arith.constant 6 : i32
    %dma_start3A_564 = arith.constant 0 : i32
    %dma_start3A_565 = arith.constant 0 : i32
    %dma_start3A_566 = arith.constant 0 : i32
    %dma_start3A_567 = tpu.memref_slice %arg15[%dma_start3A_564, %dma_start3A_565, %dma_start3A_566] : memref<2x256x64xf32, #tpu.memory_space<vmem>> -> memref<1x256x64xf32, #tpu.memory_space<vmem>>
    %dma_start3A_568 = tpu.memref_squeeze %dma_start3A_567 : memref<1x256x64xf32, #tpu.memory_space<vmem>> -> memref<256x64xf32, #tpu.memory_space<vmem>>
    %dma_start3A_569 = arith.constant 0 : i32
    %dma_start3A_570 = tpu.memref_slice %arg13[%dma_start3A_562, %dma_start3A_563, %dma_start3A_569] : memref<2x10x256xi32, #tpu.memory_space<vmem>> -> memref<1x1x256xi32, #tpu.memory_space<vmem>>
    %dma_start3A_571 = tpu.memref_squeeze %dma_start3A_570 : memref<1x1x256xi32, #tpu.memory_space<vmem>> -> memref<256xi32, #tpu.memory_space<vmem>>
    %dma_start3A_572 = arith.constant 0 : i32
    %dma_start3A_573 = arith.constant 0 : i32
    %dma_start3A_574 = tpu.memref_slice %arg10[%dma_start3A_572, %dma_start3A_573] : memref<3600x64xf32, #tpu.memory_space<hbm>> -> memref<3600x64xf32, #tpu.memory_space<hbm>>
    tpu.enqueue_indirect_dma source(%dma_start3A_574 : memref<3600x64xf32, #tpu.memory_space<hbm>>) target(%dma_start3A_568 : memref<256x64xf32, #tpu.memory_space<vmem>>) offsets(%dma_start3A_571 : memref<256xi32, #tpu.memory_space<vmem>>) semaphore(%arg21 : memref<!tpu.dma_semaphore, #tpu.memory_space<semaphore_mem>>) {add = true}
    %dma_start3A_575 = arith.constant 0 : i32
    %dma_start3A_576 = arith.constant 7 : i32
    %dma_start3A_577 = arith.constant 0 : i32
    %dma_start3A_578 = arith.constant 0 : i32
    %dma_start3A_579 = arith.constant 0 : i32
    %dma_start3A_580 = tpu.memref_slice %arg15[%dma_start3A_577, %dma_start3A_578, %dma_start3A_579] : memref<2x256x64xf32, #tpu.memory_space<vmem>> -> memref<1x256x64xf32, #tpu.memory_space<vmem>>
    %dma_start3A_581 = tpu.memref_squeeze %dma_start3A_580 : memref<1x256x64xf32, #tpu.memory_space<vmem>> -> memref<256x64xf32, #tpu.memory_space<vmem>>
    %dma_start3A_582 = arith.constant 0 : i32
    %dma_start3A_583 = tpu.memref_slice %arg13[%dma_start3A_575, %dma_start3A_576, %dma_start3A_582] : memref<2x10x256xi32, #tpu.memory_space<vmem>> -> memref<1x1x256xi32, #tpu.memory_space<vmem>>
    %dma_start3A_584 = tpu.memref_squeeze %dma_start3A_583 : memref<1x1x256xi32, #tpu.memory_space<vmem>> -> memref<256xi32, #tpu.memory_space<vmem>>
    %dma_start3A_585 = arith.constant 0 : i32
    %dma_start3A_586 = arith.constant 0 : i32
    %dma_start3A_587 = tpu.memref_slice %arg10[%dma_start3A_585, %dma_start3A_586] : memref<3600x64xf32, #tpu.memory_space<hbm>> -> memref<3600x64xf32, #tpu.memory_space<hbm>>
    tpu.enqueue_indirect_dma source(%dma_start3A_587 : memref<3600x64xf32, #tpu.memory_space<hbm>>) target(%dma_start3A_581 : memref<256x64xf32, #tpu.memory_space<vmem>>) offsets(%dma_start3A_584 : memref<256xi32, #tpu.memory_space<vmem>>) semaphore(%arg21 : memref<!tpu.dma_semaphore, #tpu.memory_space<semaphore_mem>>) {add = true}
    %dma_start3A_588 = arith.constant 0 : i32
    %dma_start3A_589 = arith.constant 8 : i32
    %dma_start3A_590 = arith.constant 0 : i32
    %dma_start3A_591 = arith.constant 0 : i32
    %dma_start3A_592 = arith.constant 0 : i32
    %dma_start3A_593 = tpu.memref_slice %arg15[%dma_start3A_590, %dma_start3A_591, %dma_start3A_592] : memref<2x256x64xf32, #tpu.memory_space<vmem>> -> memref<1x256x64xf32, #tpu.memory_space<vmem>>
    %dma_start3A_594 = tpu.memref_squeeze %dma_start3A_593 : memref<1x256x64xf32, #tpu.memory_space<vmem>> -> memref<256x64xf32, #tpu.memory_space<vmem>>
    %dma_start3A_595 = arith.constant 0 : i32
    %dma_start3A_596 = tpu.memref_slice %arg13[%dma_start3A_588, %dma_start3A_589, %dma_start3A_595] : memref<2x10x256xi32, #tpu.memory_space<vmem>> -> memref<1x1x256xi32, #tpu.memory_space<vmem>>
    %dma_start3A_597 = tpu.memref_squeeze %dma_start3A_596 : memref<1x1x256xi32, #tpu.memory_space<vmem>> -> memref<256xi32, #tpu.memory_space<vmem>>
    %dma_start3A_598 = arith.constant 0 : i32
    %dma_start3A_599 = arith.constant 0 : i32
    %dma_start3A_600 = tpu.memref_slice %arg10[%dma_start3A_598, %dma_start3A_599] : memref<3600x64xf32, #tpu.memory_space<hbm>> -> memref<3600x64xf32, #tpu.memory_space<hbm>>
    tpu.enqueue_indirect_dma source(%dma_start3A_600 : memref<3600x64xf32, #tpu.memory_space<hbm>>) target(%dma_start3A_594 : memref<256x64xf32, #tpu.memory_space<vmem>>) offsets(%dma_start3A_597 : memref<256xi32, #tpu.memory_space<vmem>>) semaphore(%arg21 : memref<!tpu.dma_semaphore, #tpu.memory_space<semaphore_mem>>) {add = true}
    %dma_start3A_601 = arith.constant 0 : i32
    %dma_start3A_602 = arith.constant 9 : i32
    %dma_start3A_603 = arith.constant 0 : i32
    %dma_start3A_604 = arith.constant 0 : i32
    %dma_start3A_605 = arith.constant 0 : i32
    %dma_start3A_606 = tpu.memref_slice %arg15[%dma_start3A_603, %dma_start3A_604, %dma_start3A_605] : memref<2x256x64xf32, #tpu.memory_space<vmem>> -> memref<1x256x64xf32, #tpu.memory_space<vmem>>
    %dma_start3A_607 = tpu.memref_squeeze %dma_start3A_606 : memref<1x256x64xf32, #tpu.memory_space<vmem>> -> memref<256x64xf32, #tpu.memory_space<vmem>>
    %dma_start3A_608 = arith.constant 0 : i32
    %dma_start3A_609 = tpu.memref_slice %arg13[%dma_start3A_601, %dma_start3A_602, %dma_start3A_608] : memref<2x10x256xi32, #tpu.memory_space<vmem>> -> memref<1x1x256xi32, #tpu.memory_space<vmem>>
    %dma_start3A_610 = tpu.memref_squeeze %dma_start3A_609 : memref<1x1x256xi32, #tpu.memory_space<vmem>> -> memref<256xi32, #tpu.memory_space<vmem>>
    %dma_start3A_611 = arith.constant 0 : i32
    %dma_start3A_612 = arith.constant 0 : i32
    %dma_start3A_613 = tpu.memref_slice %arg10[%dma_start3A_611, %dma_start3A_612] : memref<3600x64xf32, #tpu.memory_space<hbm>> -> memref<3600x64xf32, #tpu.memory_space<hbm>>
    tpu.enqueue_indirect_dma source(%dma_start3A_613 : memref<3600x64xf32, #tpu.memory_space<hbm>>) target(%dma_start3A_607 : memref<256x64xf32, #tpu.memory_space<vmem>>) offsets(%dma_start3A_610 : memref<256xi32, #tpu.memory_space<vmem>>) semaphore(%arg21 : memref<!tpu.dma_semaphore, #tpu.memory_space<semaphore_mem>>) {add = true}
    %scan3A_614 = arith.constant 0 : i32
    %scan3A_615 = arith.constant 0 : i32
    %scan3A_616 = arith.constant 50 : i32
    %scan3A_617 = arith.addi %scan3A_615, %scan3A_616 : i32
    %scan3A_618 = arith.constant 1 : i32
    scf.for %scan3A_650 = %scan3A_615 to %scan3A_617 step %scan3A_618  : i32 {
      %mul3A_651 = arith.constant 2 : i32
      %mul3A_652 = arith.muli %mul3A_651, %scan3A_650 : i32
      %add3A_653 = arith.constant 1 : i32
      %add3A_654 = arith.addi %mul3A_652, %add3A_653 : i32
      %lt3A = arith.constant 100 : i32
      %lt3A_655 = arith.cmpi slt, %add3A_654, %lt3A : i32
      %convert_element_type3A = arith.extui %lt3A_655 : i1 to i32
      %cond3A = arith.constant 0 : i32
      %cond3A_656 = arith.cmpi ne, %convert_element_type3A, %cond3A : i32
      scf.if %cond3A_656 {
        %dma_wait3A_957 = arith.constant 1 : i32
        %dma_wait3A_958 = arith.constant 0 : i32
        %dma_wait3A_959 = arith.constant 1 : i32
        %dma_wait3A_960 = arith.constant 0 : i32
        %dma_wait3A_961 = arith.constant 0 : i32
        %dma_wait3A_962 = tpu.memref_slice %arg14[%dma_wait3A_959, %dma_wait3A_960, %dma_wait3A_961] : memref<2x256x64xf32, #tpu.memory_space<vmem>> -> memref<1x256x64xf32, #tpu.memory_space<vmem>>
        %dma_wait3A_963 = tpu.memref_squeeze %dma_wait3A_962 : memref<1x256x64xf32, #tpu.memory_space<vmem>> -> memref<256x64xf32, #tpu.memory_space<vmem>>
        %dma_wait3A_964 = arith.constant 0 : i32
        %dma_wait3A_965 = tpu.memref_slice %arg13[%dma_wait3A_957, %dma_wait3A_958, %dma_wait3A_964] : memref<2x10x256xi32, #tpu.memory_space<vmem>> -> memref<1x1x256xi32, #tpu.memory_space<vmem>>
        %dma_wait3A_966 = tpu.memref_squeeze %dma_wait3A_965 : memref<1x1x256xi32, #tpu.memory_space<vmem>> -> memref<256xi32, #tpu.memory_space<vmem>>
        %dma_wait3A_967 = arith.constant 0 : i32
        %dma_wait3A_968 = arith.constant 0 : i32
        %dma_wait3A_969 = tpu.memref_slice %arg9[%dma_wait3A_967, %dma_wait3A_968] : memref<100000x64xf32, #tpu.memory_space<hbm>> -> memref<100000x64xf32, #tpu.memory_space<hbm>>
        tpu.wait_indirect_dma semaphore(%arg20 : memref<!tpu.dma_semaphore, #tpu.memory_space<semaphore_mem>>) src(%dma_wait3A_969 : memref<100000x64xf32, #tpu.memory_space<hbm>>) dst(%dma_wait3A_963 : memref<256x64xf32, #tpu.memory_space<vmem>>)
        %dma_wait3A_970 = arith.constant 1 : i32
        %dma_wait3A_971 = arith.constant 4 : i32
        %dma_wait3A_972 = arith.constant 1 : i32
        %dma_wait3A_973 = arith.constant 0 : i32
        %dma_wait3A_974 = arith.constant 0 : i32
        %dma_wait3A_975 = tpu.memref_slice %arg15[%dma_wait3A_972, %dma_wait3A_973, %dma_wait3A_974] : memref<2x256x64xf32, #tpu.memory_space<vmem>> -> memref<1x256x64xf32, #tpu.memory_space<vmem>>
        %dma_wait3A_976 = tpu.memref_squeeze %dma_wait3A_975 : memref<1x256x64xf32, #tpu.memory_space<vmem>> -> memref<256x64xf32, #tpu.memory_space<vmem>>
        %dma_wait3A_977 = arith.constant 0 : i32
        %dma_wait3A_978 = tpu.memref_slice %arg13[%dma_wait3A_970, %dma_wait3A_971, %dma_wait3A_977] : memref<2x10x256xi32, #tpu.memory_space<vmem>> -> memref<1x1x256xi32, #tpu.memory_space<vmem>>
        %dma_wait3A_979 = tpu.memref_squeeze %dma_wait3A_978 : memref<1x1x256xi32, #tpu.memory_space<vmem>> -> memref<256xi32, #tpu.memory_space<vmem>>
        %dma_wait3A_980 = arith.constant 0 : i32
        %dma_wait3A_981 = arith.constant 0 : i32
        %dma_wait3A_982 = tpu.memref_slice %arg10[%dma_wait3A_980, %dma_wait3A_981] : memref<3600x64xf32, #tpu.memory_space<hbm>> -> memref<3600x64xf32, #tpu.memory_space<hbm>>
        tpu.wait_indirect_dma semaphore(%arg20 : memref<!tpu.dma_semaphore, #tpu.memory_space<semaphore_mem>>) src(%dma_wait3A_982 : memref<3600x64xf32, #tpu.memory_space<hbm>>) dst(%dma_wait3A_976 : memref<256x64xf32, #tpu.memory_space<vmem>>)
        %dma_start3A_983 = arith.constant 1 : i32
        %dma_start3A_984 = arith.constant 1 : i32
        %dma_start3A_985 = arith.constant 1 : i32
        %dma_start3A_986 = arith.constant 0 : i32
        %dma_start3A_987 = arith.constant 0 : i32
        %dma_start3A_988 = tpu.memref_slice %arg14[%dma_start3A_985, %dma_start3A_986, %dma_start3A_987] : memref<2x256x64xf32, #tpu.memory_space<vmem>> -> memref<1x256x64xf32, #tpu.memory_space<vmem>>
        %dma_start3A_989 = tpu.memref_squeeze %dma_start3A_988 : memref<1x256x64xf32, #tpu.memory_space<vmem>> -> memref<256x64xf32, #tpu.memory_space<vmem>>
        %dma_start3A_990 = arith.constant 0 : i32
        %dma_start3A_991 = tpu.memref_slice %arg13[%dma_start3A_983, %dma_start3A_984, %dma_start3A_990] : memref<2x10x256xi32, #tpu.memory_space<vmem>> -> memref<1x1x256xi32, #tpu.memory_space<vmem>>
        %dma_start3A_992 = tpu.memref_squeeze %dma_start3A_991 : memref<1x1x256xi32, #tpu.memory_space<vmem>> -> memref<256xi32, #tpu.memory_space<vmem>>
        %dma_start3A_993 = arith.constant 0 : i32
        %dma_start3A_994 = arith.constant 0 : i32
        %dma_start3A_995 = tpu.memref_slice %arg9[%dma_start3A_993, %dma_start3A_994] : memref<100000x64xf32, #tpu.memory_space<hbm>> -> memref<100000x64xf32, #tpu.memory_space<hbm>>
        tpu.enqueue_indirect_dma source(%dma_start3A_995 : memref<100000x64xf32, #tpu.memory_space<hbm>>) target(%dma_start3A_989 : memref<256x64xf32, #tpu.memory_space<vmem>>) offsets(%dma_start3A_992 : memref<256xi32, #tpu.memory_space<vmem>>) semaphore(%arg22 : memref<!tpu.dma_semaphore, #tpu.memory_space<semaphore_mem>>) {add = true}
        %dma_start3A_996 = arith.constant 1 : i32
        %dma_start3A_997 = arith.constant 2 : i32
        %dma_start3A_998 = arith.constant 1 : i32
        %dma_start3A_999 = arith.constant 0 : i32
        %dma_start3A_1000 = arith.constant 0 : i32
        %dma_start3A_1001 = tpu.memref_slice %arg14[%dma_start3A_998, %dma_start3A_999, %dma_start3A_1000] : memref<2x256x64xf32, #tpu.memory_space<vmem>> -> memref<1x256x64xf32, #tpu.memory_space<vmem>>
        %dma_start3A_1002 = tpu.memref_squeeze %dma_start3A_1001 : memref<1x256x64xf32, #tpu.memory_space<vmem>> -> memref<256x64xf32, #tpu.memory_space<vmem>>
        %dma_start3A_1003 = arith.constant 0 : i32
        %dma_start3A_1004 = tpu.memref_slice %arg13[%dma_start3A_996, %dma_start3A_997, %dma_start3A_1003] : memref<2x10x256xi32, #tpu.memory_space<vmem>> -> memref<1x1x256xi32, #tpu.memory_space<vmem>>
        %dma_start3A_1005 = tpu.memref_squeeze %dma_start3A_1004 : memref<1x1x256xi32, #tpu.memory_space<vmem>> -> memref<256xi32, #tpu.memory_space<vmem>>
        %dma_start3A_1006 = arith.constant 0 : i32
        %dma_start3A_1007 = arith.constant 0 : i32
        %dma_start3A_1008 = tpu.memref_slice %arg9[%dma_start3A_1006, %dma_start3A_1007] : memref<100000x64xf32, #tpu.memory_space<hbm>> -> memref<100000x64xf32, #tpu.memory_space<hbm>>
        tpu.enqueue_indirect_dma source(%dma_start3A_1008 : memref<100000x64xf32, #tpu.memory_space<hbm>>) target(%dma_start3A_1002 : memref<256x64xf32, #tpu.memory_space<vmem>>) offsets(%dma_start3A_1005 : memref<256xi32, #tpu.memory_space<vmem>>) semaphore(%arg22 : memref<!tpu.dma_semaphore, #tpu.memory_space<semaphore_mem>>) {add = true}
        %dma_start3A_1009 = arith.constant 1 : i32
        %dma_start3A_1010 = arith.constant 3 : i32
        %dma_start3A_1011 = arith.constant 1 : i32
        %dma_start3A_1012 = arith.constant 0 : i32
        %dma_start3A_1013 = arith.constant 0 : i32
        %dma_start3A_1014 = tpu.memref_slice %arg14[%dma_start3A_1011, %dma_start3A_1012, %dma_start3A_1013] : memref<2x256x64xf32, #tpu.memory_space<vmem>> -> memref<1x256x64xf32, #tpu.memory_space<vmem>>
        %dma_start3A_1015 = tpu.memref_squeeze %dma_start3A_1014 : memref<1x256x64xf32, #tpu.memory_space<vmem>> -> memref<256x64xf32, #tpu.memory_space<vmem>>
        %dma_start3A_1016 = arith.constant 0 : i32
        %dma_start3A_1017 = tpu.memref_slice %arg13[%dma_start3A_1009, %dma_start3A_1010, %dma_start3A_1016] : memref<2x10x256xi32, #tpu.memory_space<vmem>> -> memref<1x1x256xi32, #tpu.memory_space<vmem>>
        %dma_start3A_1018 = tpu.memref_squeeze %dma_start3A_1017 : memref<1x1x256xi32, #tpu.memory_space<vmem>> -> memref<256xi32, #tpu.memory_space<vmem>>
        %dma_start3A_1019 = arith.constant 0 : i32
        %dma_start3A_1020 = arith.constant 0 : i32
        %dma_start3A_1021 = tpu.memref_slice %arg9[%dma_start3A_1019, %dma_start3A_1020] : memref<100000x64xf32, #tpu.memory_space<hbm>> -> memref<100000x64xf32, #tpu.memory_space<hbm>>
        tpu.enqueue_indirect_dma source(%dma_start3A_1021 : memref<100000x64xf32, #tpu.memory_space<hbm>>) target(%dma_start3A_1015 : memref<256x64xf32, #tpu.memory_space<vmem>>) offsets(%dma_start3A_1018 : memref<256xi32, #tpu.memory_space<vmem>>) semaphore(%arg22 : memref<!tpu.dma_semaphore, #tpu.memory_space<semaphore_mem>>) {add = true}
        %dma_start3A_1022 = arith.constant 1 : i32
        %dma_start3A_1023 = arith.constant 5 : i32
        %dma_start3A_1024 = arith.constant 1 : i32
        %dma_start3A_1025 = arith.constant 0 : i32
        %dma_start3A_1026 = arith.constant 0 : i32
        %dma_start3A_1027 = tpu.memref_slice %arg15[%dma_start3A_1024, %dma_start3A_1025, %dma_start3A_1026] : memref<2x256x64xf32, #tpu.memory_space<vmem>> -> memref<1x256x64xf32, #tpu.memory_space<vmem>>
        %dma_start3A_1028 = tpu.memref_squeeze %dma_start3A_1027 : memref<1x256x64xf32, #tpu.memory_space<vmem>> -> memref<256x64xf32, #tpu.memory_space<vmem>>
        %dma_start3A_1029 = arith.constant 0 : i32
        %dma_start3A_1030 = tpu.memref_slice %arg13[%dma_start3A_1022, %dma_start3A_1023, %dma_start3A_1029] : memref<2x10x256xi32, #tpu.memory_space<vmem>> -> memref<1x1x256xi32, #tpu.memory_space<vmem>>
        %dma_start3A_1031 = tpu.memref_squeeze %dma_start3A_1030 : memref<1x1x256xi32, #tpu.memory_space<vmem>> -> memref<256xi32, #tpu.memory_space<vmem>>
        %dma_start3A_1032 = arith.constant 0 : i32
        %dma_start3A_1033 = arith.constant 0 : i32
        %dma_start3A_1034 = tpu.memref_slice %arg10[%dma_start3A_1032, %dma_start3A_1033] : memref<3600x64xf32, #tpu.memory_space<hbm>> -> memref<3600x64xf32, #tpu.memory_space<hbm>>
        tpu.enqueue_indirect_dma source(%dma_start3A_1034 : memref<3600x64xf32, #tpu.memory_space<hbm>>) target(%dma_start3A_1028 : memref<256x64xf32, #tpu.memory_space<vmem>>) offsets(%dma_start3A_1031 : memref<256xi32, #tpu.memory_space<vmem>>) semaphore(%arg22 : memref<!tpu.dma_semaphore, #tpu.memory_space<semaphore_mem>>) {add = true}
        %dma_start3A_1035 = arith.constant 1 : i32
        %dma_start3A_1036 = arith.constant 6 : i32
        %dma_start3A_1037 = arith.constant 1 : i32
        %dma_start3A_1038 = arith.constant 0 : i32
        %dma_start3A_1039 = arith.constant 0 : i32
        %dma_start3A_1040 = tpu.memref_slice %arg15[%dma_start3A_1037, %dma_start3A_1038, %dma_start3A_1039] : memref<2x256x64xf32, #tpu.memory_space<vmem>> -> memref<1x256x64xf32, #tpu.memory_space<vmem>>
        %dma_start3A_1041 = tpu.memref_squeeze %dma_start3A_1040 : memref<1x256x64xf32, #tpu.memory_space<vmem>> -> memref<256x64xf32, #tpu.memory_space<vmem>>
        %dma_start3A_1042 = arith.constant 0 : i32
        %dma_start3A_1043 = tpu.memref_slice %arg13[%dma_start3A_1035, %dma_start3A_1036, %dma_start3A_1042] : memref<2x10x256xi32, #tpu.memory_space<vmem>> -> memref<1x1x256xi32, #tpu.memory_space<vmem>>
        %dma_start3A_1044 = tpu.memref_squeeze %dma_start3A_1043 : memref<1x1x256xi32, #tpu.memory_space<vmem>> -> memref<256xi32, #tpu.memory_space<vmem>>
        %dma_start3A_1045 = arith.constant 0 : i32
        %dma_start3A_1046 = arith.constant 0 : i32
        %dma_start3A_1047 = tpu.memref_slice %arg10[%dma_start3A_1045, %dma_start3A_1046] : memref<3600x64xf32, #tpu.memory_space<hbm>> -> memref<3600x64xf32, #tpu.memory_space<hbm>>
        tpu.enqueue_indirect_dma source(%dma_start3A_1047 : memref<3600x64xf32, #tpu.memory_space<hbm>>) target(%dma_start3A_1041 : memref<256x64xf32, #tpu.memory_space<vmem>>) offsets(%dma_start3A_1044 : memref<256xi32, #tpu.memory_space<vmem>>) semaphore(%arg22 : memref<!tpu.dma_semaphore, #tpu.memory_space<semaphore_mem>>) {add = true}
        %dma_start3A_1048 = arith.constant 1 : i32
        %dma_start3A_1049 = arith.constant 7 : i32
        %dma_start3A_1050 = arith.constant 1 : i32
        %dma_start3A_1051 = arith.constant 0 : i32
        %dma_start3A_1052 = arith.constant 0 : i32
        %dma_start3A_1053 = tpu.memref_slice %arg15[%dma_start3A_1050, %dma_start3A_1051, %dma_start3A_1052] : memref<2x256x64xf32, #tpu.memory_space<vmem>> -> memref<1x256x64xf32, #tpu.memory_space<vmem>>
        %dma_start3A_1054 = tpu.memref_squeeze %dma_start3A_1053 : memref<1x256x64xf32, #tpu.memory_space<vmem>> -> memref<256x64xf32, #tpu.memory_space<vmem>>
        %dma_start3A_1055 = arith.constant 0 : i32
        %dma_start3A_1056 = tpu.memref_slice %arg13[%dma_start3A_1048, %dma_start3A_1049, %dma_start3A_1055] : memref<2x10x256xi32, #tpu.memory_space<vmem>> -> memref<1x1x256xi32, #tpu.memory_space<vmem>>
        %dma_start3A_1057 = tpu.memref_squeeze %dma_start3A_1056 : memref<1x1x256xi32, #tpu.memory_space<vmem>> -> memref<256xi32, #tpu.memory_space<vmem>>
        %dma_start3A_1058 = arith.constant 0 : i32
        %dma_start3A_1059 = arith.constant 0 : i32
        %dma_start3A_1060 = tpu.memref_slice %arg10[%dma_start3A_1058, %dma_start3A_1059] : memref<3600x64xf32, #tpu.memory_space<hbm>> -> memref<3600x64xf32, #tpu.memory_space<hbm>>
        tpu.enqueue_indirect_dma source(%dma_start3A_1060 : memref<3600x64xf32, #tpu.memory_space<hbm>>) target(%dma_start3A_1054 : memref<256x64xf32, #tpu.memory_space<vmem>>) offsets(%dma_start3A_1057 : memref<256xi32, #tpu.memory_space<vmem>>) semaphore(%arg22 : memref<!tpu.dma_semaphore, #tpu.memory_space<semaphore_mem>>) {add = true}
        %dma_start3A_1061 = arith.constant 1 : i32
        %dma_start3A_1062 = arith.constant 8 : i32
        %dma_start3A_1063 = arith.constant 1 : i32
        %dma_start3A_1064 = arith.constant 0 : i32
        %dma_start3A_1065 = arith.constant 0 : i32
        %dma_start3A_1066 = tpu.memref_slice %arg15[%dma_start3A_1063, %dma_start3A_1064, %dma_start3A_1065] : memref<2x256x64xf32, #tpu.memory_space<vmem>> -> memref<1x256x64xf32, #tpu.memory_space<vmem>>
        %dma_start3A_1067 = tpu.memref_squeeze %dma_start3A_1066 : memref<1x256x64xf32, #tpu.memory_space<vmem>> -> memref<256x64xf32, #tpu.memory_space<vmem>>
        %dma_start3A_1068 = arith.constant 0 : i32
        %dma_start3A_1069 = tpu.memref_slice %arg13[%dma_start3A_1061, %dma_start3A_1062, %dma_start3A_1068] : memref<2x10x256xi32, #tpu.memory_space<vmem>> -> memref<1x1x256xi32, #tpu.memory_space<vmem>>
        %dma_start3A_1070 = tpu.memref_squeeze %dma_start3A_1069 : memref<1x1x256xi32, #tpu.memory_space<vmem>> -> memref<256xi32, #tpu.memory_space<vmem>>
        %dma_start3A_1071 = arith.constant 0 : i32
        %dma_start3A_1072 = arith.constant 0 : i32
        %dma_start3A_1073 = tpu.memref_slice %arg10[%dma_start3A_1071, %dma_start3A_1072] : memref<3600x64xf32, #tpu.memory_space<hbm>> -> memref<3600x64xf32, #tpu.memory_space<hbm>>
        tpu.enqueue_indirect_dma source(%dma_start3A_1073 : memref<3600x64xf32, #tpu.memory_space<hbm>>) target(%dma_start3A_1067 : memref<256x64xf32, #tpu.memory_space<vmem>>) offsets(%dma_start3A_1070 : memref<256xi32, #tpu.memory_space<vmem>>) semaphore(%arg22 : memref<!tpu.dma_semaphore, #tpu.memory_space<semaphore_mem>>) {add = true}
        %dma_start3A_1074 = arith.constant 1 : i32
        %dma_start3A_1075 = arith.constant 9 : i32
        %dma_start3A_1076 = arith.constant 1 : i32
        %dma_start3A_1077 = arith.constant 0 : i32
        %dma_start3A_1078 = arith.constant 0 : i32
        %dma_start3A_1079 = tpu.memref_slice %arg15[%dma_start3A_1076, %dma_start3A_1077, %dma_start3A_1078] : memref<2x256x64xf32, #tpu.memory_space<vmem>> -> memref<1x256x64xf32, #tpu.memory_space<vmem>>
        %dma_start3A_1080 = tpu.memref_squeeze %dma_start3A_1079 : memref<1x256x64xf32, #tpu.memory_space<vmem>> -> memref<256x64xf32, #tpu.memory_space<vmem>>
        %dma_start3A_1081 = arith.constant 0 : i32
        %dma_start3A_1082 = tpu.memref_slice %arg13[%dma_start3A_1074, %dma_start3A_1075, %dma_start3A_1081] : memref<2x10x256xi32, #tpu.memory_space<vmem>> -> memref<1x1x256xi32, #tpu.memory_space<vmem>>
        %dma_start3A_1083 = tpu.memref_squeeze %dma_start3A_1082 : memref<1x1x256xi32, #tpu.memory_space<vmem>> -> memref<256xi32, #tpu.memory_space<vmem>>
        %dma_start3A_1084 = arith.constant 0 : i32
        %dma_start3A_1085 = arith.constant 0 : i32
        %dma_start3A_1086 = tpu.memref_slice %arg10[%dma_start3A_1084, %dma_start3A_1085] : memref<3600x64xf32, #tpu.memory_space<hbm>> -> memref<3600x64xf32, #tpu.memory_space<hbm>>
        tpu.enqueue_indirect_dma source(%dma_start3A_1086 : memref<3600x64xf32, #tpu.memory_space<hbm>>) target(%dma_start3A_1080 : memref<256x64xf32, #tpu.memory_space<vmem>>) offsets(%dma_start3A_1083 : memref<256xi32, #tpu.memory_space<vmem>>) semaphore(%arg22 : memref<!tpu.dma_semaphore, #tpu.memory_space<semaphore_mem>>) {add = true}
      } else {
      }
      %ge3A = arith.constant 2 : i32
      %ge3A_657 = arith.cmpi sge, %mul3A_652, %ge3A : i32
      %convert_element_type3A_658 = arith.extui %ge3A_657 : i1 to i32
      %cond3A_659 = arith.constant 0 : i32
      %cond3A_660 = arith.cmpi ne, %convert_element_type3A_658, %cond3A_659 : i32
      scf.if %cond3A_660 {
        %sub3A = arith.constant 2 : i32
        %sub3A_957 = arith.subi %mul3A_652, %sub3A : i32
        %mul3A_958 = arith.constant 256 : i32
        %mul3A_959 = arith.muli %sub3A_957, %mul3A_958 : i32
        %add3A_960 = arith.addi %mul3A_2, %mul3A_959 : i32
        %dma_wait3A_961 = arith.constant 0 : i32
        %dma_wait3A_962 = arith.constant 0 : i32
        %dma_wait3A_963 = arith.constant 0 : i32
        %dma_wait3A_964 = tpu.memref_slice %arg16[%dma_wait3A_961, %dma_wait3A_962, %dma_wait3A_963] : memref<2x256x64xf32, #tpu.memory_space<vmem>> -> memref<1x256x64xf32, #tpu.memory_space<vmem>>
        %dma_wait3A_965 = tpu.memref_squeeze %dma_wait3A_964 : memref<1x256x64xf32, #tpu.memory_space<vmem>> -> memref<256x64xf32, #tpu.memory_space<vmem>>
        %dma_wait3A_966 = arith.constant 0 : i32
        %dma_wait3A_967 = tpu.memref_slice %arg11[%add3A_960, %dma_wait3A_966] : memref<819200x64xf32, #tpu.memory_space<hbm>> -> memref<256x64xf32, #tpu.memory_space<hbm>>
        %dma_wait3A_968 = arith.constant 0 : i32
        %dma_wait3A_969 = tpu.memref_slice %arg11[%add3A_960, %dma_wait3A_968] : memref<819200x64xf32, #tpu.memory_space<hbm>> -> memref<256x64xf32, #tpu.memory_space<hbm>>
        %dma_wait3A_970 = arith.constant 0 : i32
        %dma_wait3A_971 = arith.constant 0 : i32
        %dma_wait3A_972 = tpu.memref_slice %arg16[%dma_wait3A_961, %dma_wait3A_970, %dma_wait3A_971] : memref<2x256x64xf32, #tpu.memory_space<vmem>> -> memref<1x256x64xf32, #tpu.memory_space<vmem>>
        %dma_wait3A_973 = tpu.memref_squeeze %dma_wait3A_972 : memref<1x256x64xf32, #tpu.memory_space<vmem>> -> memref<256x64xf32, #tpu.memory_space<vmem>>
        tpu.wait_dma2 semaphore(%arg23 : memref<!tpu.dma_semaphore, #tpu.memory_space<semaphore_mem>>) src(%dma_wait3A_973 : memref<256x64xf32, #tpu.memory_space<vmem>>) dst(%dma_wait3A_969 : memref<256x64xf32, #tpu.memory_space<hbm>>)
      } else {
      }
      %dma_wait3A_661 = arith.constant 0 : i32
      %dma_wait3A_662 = arith.constant 1 : i32
      %dma_wait3A_663 = arith.constant 0 : i32
      %dma_wait3A_664 = arith.constant 0 : i32
      %dma_wait3A_665 = arith.constant 0 : i32
      %dma_wait3A_666 = tpu.memref_slice %arg14[%dma_wait3A_663, %dma_wait3A_664, %dma_wait3A_665] : memref<2x256x64xf32, #tpu.memory_space<vmem>> -> memref<1x256x64xf32, #tpu.memory_space<vmem>>
      %dma_wait3A_667 = tpu.memref_squeeze %dma_wait3A_666 : memref<1x256x64xf32, #tpu.memory_space<vmem>> -> memref<256x64xf32, #tpu.memory_space<vmem>>
      %dma_wait3A_668 = arith.constant 0 : i32
      %dma_wait3A_669 = tpu.memref_slice %arg13[%dma_wait3A_661, %dma_wait3A_662, %dma_wait3A_668] : memref<2x10x256xi32, #tpu.memory_space<vmem>> -> memref<1x1x256xi32, #tpu.memory_space<vmem>>
      %dma_wait3A_670 = tpu.memref_squeeze %dma_wait3A_669 : memref<1x1x256xi32, #tpu.memory_space<vmem>> -> memref<256xi32, #tpu.memory_space<vmem>>
      %dma_wait3A_671 = arith.constant 0 : i32
      %dma_wait3A_672 = arith.constant 0 : i32
      %dma_wait3A_673 = tpu.memref_slice %arg9[%dma_wait3A_671, %dma_wait3A_672] : memref<100000x64xf32, #tpu.memory_space<hbm>> -> memref<100000x64xf32, #tpu.memory_space<hbm>>
      tpu.wait_indirect_dma semaphore(%arg21 : memref<!tpu.dma_semaphore, #tpu.memory_space<semaphore_mem>>) src(%dma_wait3A_673 : memref<100000x64xf32, #tpu.memory_space<hbm>>) dst(%dma_wait3A_667 : memref<256x64xf32, #tpu.memory_space<vmem>>)
      %dma_wait3A_674 = arith.constant 0 : i32
      %dma_wait3A_675 = arith.constant 2 : i32
      %dma_wait3A_676 = arith.constant 0 : i32
      %dma_wait3A_677 = arith.constant 0 : i32
      %dma_wait3A_678 = arith.constant 0 : i32
      %dma_wait3A_679 = tpu.memref_slice %arg14[%dma_wait3A_676, %dma_wait3A_677, %dma_wait3A_678] : memref<2x256x64xf32, #tpu.memory_space<vmem>> -> memref<1x256x64xf32, #tpu.memory_space<vmem>>
      %dma_wait3A_680 = tpu.memref_squeeze %dma_wait3A_679 : memref<1x256x64xf32, #tpu.memory_space<vmem>> -> memref<256x64xf32, #tpu.memory_space<vmem>>
      %dma_wait3A_681 = arith.constant 0 : i32
      %dma_wait3A_682 = tpu.memref_slice %arg13[%dma_wait3A_674, %dma_wait3A_675, %dma_wait3A_681] : memref<2x10x256xi32, #tpu.memory_space<vmem>> -> memref<1x1x256xi32, #tpu.memory_space<vmem>>
      %dma_wait3A_683 = tpu.memref_squeeze %dma_wait3A_682 : memref<1x1x256xi32, #tpu.memory_space<vmem>> -> memref<256xi32, #tpu.memory_space<vmem>>
      %dma_wait3A_684 = arith.constant 0 : i32
      %dma_wait3A_685 = arith.constant 0 : i32
      %dma_wait3A_686 = tpu.memref_slice %arg9[%dma_wait3A_684, %dma_wait3A_685] : memref<100000x64xf32, #tpu.memory_space<hbm>> -> memref<100000x64xf32, #tpu.memory_space<hbm>>
      tpu.wait_indirect_dma semaphore(%arg21 : memref<!tpu.dma_semaphore, #tpu.memory_space<semaphore_mem>>) src(%dma_wait3A_686 : memref<100000x64xf32, #tpu.memory_space<hbm>>) dst(%dma_wait3A_680 : memref<256x64xf32, #tpu.memory_space<vmem>>)
      %dma_wait3A_687 = arith.constant 0 : i32
      %dma_wait3A_688 = arith.constant 3 : i32
      %dma_wait3A_689 = arith.constant 0 : i32
      %dma_wait3A_690 = arith.constant 0 : i32
      %dma_wait3A_691 = arith.constant 0 : i32
      %dma_wait3A_692 = tpu.memref_slice %arg14[%dma_wait3A_689, %dma_wait3A_690, %dma_wait3A_691] : memref<2x256x64xf32, #tpu.memory_space<vmem>> -> memref<1x256x64xf32, #tpu.memory_space<vmem>>
      %dma_wait3A_693 = tpu.memref_squeeze %dma_wait3A_692 : memref<1x256x64xf32, #tpu.memory_space<vmem>> -> memref<256x64xf32, #tpu.memory_space<vmem>>
      %dma_wait3A_694 = arith.constant 0 : i32
      %dma_wait3A_695 = tpu.memref_slice %arg13[%dma_wait3A_687, %dma_wait3A_688, %dma_wait3A_694] : memref<2x10x256xi32, #tpu.memory_space<vmem>> -> memref<1x1x256xi32, #tpu.memory_space<vmem>>
      %dma_wait3A_696 = tpu.memref_squeeze %dma_wait3A_695 : memref<1x1x256xi32, #tpu.memory_space<vmem>> -> memref<256xi32, #tpu.memory_space<vmem>>
      %dma_wait3A_697 = arith.constant 0 : i32
      %dma_wait3A_698 = arith.constant 0 : i32
      %dma_wait3A_699 = tpu.memref_slice %arg9[%dma_wait3A_697, %dma_wait3A_698] : memref<100000x64xf32, #tpu.memory_space<hbm>> -> memref<100000x64xf32, #tpu.memory_space<hbm>>
      tpu.wait_indirect_dma semaphore(%arg21 : memref<!tpu.dma_semaphore, #tpu.memory_space<semaphore_mem>>) src(%dma_wait3A_699 : memref<100000x64xf32, #tpu.memory_space<hbm>>) dst(%dma_wait3A_693 : memref<256x64xf32, #tpu.memory_space<vmem>>)
      %dma_wait3A_700 = arith.constant 0 : i32
      %dma_wait3A_701 = arith.constant 5 : i32
      %dma_wait3A_702 = arith.constant 0 : i32
      %dma_wait3A_703 = arith.constant 0 : i32
      %dma_wait3A_704 = arith.constant 0 : i32
      %dma_wait3A_705 = tpu.memref_slice %arg15[%dma_wait3A_702, %dma_wait3A_703, %dma_wait3A_704] : memref<2x256x64xf32, #tpu.memory_space<vmem>> -> memref<1x256x64xf32, #tpu.memory_space<vmem>>
      %dma_wait3A_706 = tpu.memref_squeeze %dma_wait3A_705 : memref<1x256x64xf32, #tpu.memory_space<vmem>> -> memref<256x64xf32, #tpu.memory_space<vmem>>
      %dma_wait3A_707 = arith.constant 0 : i32
      %dma_wait3A_708 = tpu.memref_slice %arg13[%dma_wait3A_700, %dma_wait3A_701, %dma_wait3A_707] : memref<2x10x256xi32, #tpu.memory_space<vmem>> -> memref<1x1x256xi32, #tpu.memory_space<vmem>>
      %dma_wait3A_709 = tpu.memref_squeeze %dma_wait3A_708 : memref<1x1x256xi32, #tpu.memory_space<vmem>> -> memref<256xi32, #tpu.memory_space<vmem>>
      %dma_wait3A_710 = arith.constant 0 : i32
      %dma_wait3A_711 = arith.constant 0 : i32
      %dma_wait3A_712 = tpu.memref_slice %arg10[%dma_wait3A_710, %dma_wait3A_711] : memref<3600x64xf32, #tpu.memory_space<hbm>> -> memref<3600x64xf32, #tpu.memory_space<hbm>>
      tpu.wait_indirect_dma semaphore(%arg21 : memref<!tpu.dma_semaphore, #tpu.memory_space<semaphore_mem>>) src(%dma_wait3A_712 : memref<3600x64xf32, #tpu.memory_space<hbm>>) dst(%dma_wait3A_706 : memref<256x64xf32, #tpu.memory_space<vmem>>)
      %dma_wait3A_713 = arith.constant 0 : i32
      %dma_wait3A_714 = arith.constant 6 : i32
      %dma_wait3A_715 = arith.constant 0 : i32
      %dma_wait3A_716 = arith.constant 0 : i32
      %dma_wait3A_717 = arith.constant 0 : i32
      %dma_wait3A_718 = tpu.memref_slice %arg15[%dma_wait3A_715, %dma_wait3A_716, %dma_wait3A_717] : memref<2x256x64xf32, #tpu.memory_space<vmem>> -> memref<1x256x64xf32, #tpu.memory_space<vmem>>
      %dma_wait3A_719 = tpu.memref_squeeze %dma_wait3A_718 : memref<1x256x64xf32, #tpu.memory_space<vmem>> -> memref<256x64xf32, #tpu.memory_space<vmem>>
      %dma_wait3A_720 = arith.constant 0 : i32
      %dma_wait3A_721 = tpu.memref_slice %arg13[%dma_wait3A_713, %dma_wait3A_714, %dma_wait3A_720] : memref<2x10x256xi32, #tpu.memory_space<vmem>> -> memref<1x1x256xi32, #tpu.memory_space<vmem>>
      %dma_wait3A_722 = tpu.memref_squeeze %dma_wait3A_721 : memref<1x1x256xi32, #tpu.memory_space<vmem>> -> memref<256xi32, #tpu.memory_space<vmem>>
      %dma_wait3A_723 = arith.constant 0 : i32
      %dma_wait3A_724 = arith.constant 0 : i32
      %dma_wait3A_725 = tpu.memref_slice %arg10[%dma_wait3A_723, %dma_wait3A_724] : memref<3600x64xf32, #tpu.memory_space<hbm>> -> memref<3600x64xf32, #tpu.memory_space<hbm>>
      tpu.wait_indirect_dma semaphore(%arg21 : memref<!tpu.dma_semaphore, #tpu.memory_space<semaphore_mem>>) src(%dma_wait3A_725 : memref<3600x64xf32, #tpu.memory_space<hbm>>) dst(%dma_wait3A_719 : memref<256x64xf32, #tpu.memory_space<vmem>>)
      %dma_wait3A_726 = arith.constant 0 : i32
      %dma_wait3A_727 = arith.constant 7 : i32
      %dma_wait3A_728 = arith.constant 0 : i32
      %dma_wait3A_729 = arith.constant 0 : i32
      %dma_wait3A_730 = arith.constant 0 : i32
      %dma_wait3A_731 = tpu.memref_slice %arg15[%dma_wait3A_728, %dma_wait3A_729, %dma_wait3A_730] : memref<2x256x64xf32, #tpu.memory_space<vmem>> -> memref<1x256x64xf32, #tpu.memory_space<vmem>>
      %dma_wait3A_732 = tpu.memref_squeeze %dma_wait3A_731 : memref<1x256x64xf32, #tpu.memory_space<vmem>> -> memref<256x64xf32, #tpu.memory_space<vmem>>
      %dma_wait3A_733 = arith.constant 0 : i32
      %dma_wait3A_734 = tpu.memref_slice %arg13[%dma_wait3A_726, %dma_wait3A_727, %dma_wait3A_733] : memref<2x10x256xi32, #tpu.memory_space<vmem>> -> memref<1x1x256xi32, #tpu.memory_space<vmem>>
      %dma_wait3A_735 = tpu.memref_squeeze %dma_wait3A_734 : memref<1x1x256xi32, #tpu.memory_space<vmem>> -> memref<256xi32, #tpu.memory_space<vmem>>
      %dma_wait3A_736 = arith.constant 0 : i32
      %dma_wait3A_737 = arith.constant 0 : i32
      %dma_wait3A_738 = tpu.memref_slice %arg10[%dma_wait3A_736, %dma_wait3A_737] : memref<3600x64xf32, #tpu.memory_space<hbm>> -> memref<3600x64xf32, #tpu.memory_space<hbm>>
      tpu.wait_indirect_dma semaphore(%arg21 : memref<!tpu.dma_semaphore, #tpu.memory_space<semaphore_mem>>) src(%dma_wait3A_738 : memref<3600x64xf32, #tpu.memory_space<hbm>>) dst(%dma_wait3A_732 : memref<256x64xf32, #tpu.memory_space<vmem>>)
      %dma_wait3A_739 = arith.constant 0 : i32
      %dma_wait3A_740 = arith.constant 8 : i32
      %dma_wait3A_741 = arith.constant 0 : i32
      %dma_wait3A_742 = arith.constant 0 : i32
      %dma_wait3A_743 = arith.constant 0 : i32
      %dma_wait3A_744 = tpu.memref_slice %arg15[%dma_wait3A_741, %dma_wait3A_742, %dma_wait3A_743] : memref<2x256x64xf32, #tpu.memory_space<vmem>> -> memref<1x256x64xf32, #tpu.memory_space<vmem>>
      %dma_wait3A_745 = tpu.memref_squeeze %dma_wait3A_744 : memref<1x256x64xf32, #tpu.memory_space<vmem>> -> memref<256x64xf32, #tpu.memory_space<vmem>>
      %dma_wait3A_746 = arith.constant 0 : i32
      %dma_wait3A_747 = tpu.memref_slice %arg13[%dma_wait3A_739, %dma_wait3A_740, %dma_wait3A_746] : memref<2x10x256xi32, #tpu.memory_space<vmem>> -> memref<1x1x256xi32, #tpu.memory_space<vmem>>
      %dma_wait3A_748 = tpu.memref_squeeze %dma_wait3A_747 : memref<1x1x256xi32, #tpu.memory_space<vmem>> -> memref<256xi32, #tpu.memory_space<vmem>>
      %dma_wait3A_749 = arith.constant 0 : i32
      %dma_wait3A_750 = arith.constant 0 : i32
      %dma_wait3A_751 = tpu.memref_slice %arg10[%dma_wait3A_749, %dma_wait3A_750] : memref<3600x64xf32, #tpu.memory_space<hbm>> -> memref<3600x64xf32, #tpu.memory_space<hbm>>
      tpu.wait_indirect_dma semaphore(%arg21 : memref<!tpu.dma_semaphore, #tpu.memory_space<semaphore_mem>>) src(%dma_wait3A_751 : memref<3600x64xf32, #tpu.memory_space<hbm>>) dst(%dma_wait3A_745 : memref<256x64xf32, #tpu.memory_space<vmem>>)
      %dma_wait3A_752 = arith.constant 0 : i32
      %dma_wait3A_753 = arith.constant 9 : i32
      %dma_wait3A_754 = arith.constant 0 : i32
      %dma_wait3A_755 = arith.constant 0 : i32
      %dma_wait3A_756 = arith.constant 0 : i32
      %dma_wait3A_757 = tpu.memref_slice %arg15[%dma_wait3A_754, %dma_wait3A_755, %dma_wait3A_756] : memref<2x256x64xf32, #tpu.memory_space<vmem>> -> memref<1x256x64xf32, #tpu.memory_space<vmem>>
      %dma_wait3A_758 = tpu.memref_squeeze %dma_wait3A_757 : memref<1x256x64xf32, #tpu.memory_space<vmem>> -> memref<256x64xf32, #tpu.memory_space<vmem>>
      %dma_wait3A_759 = arith.constant 0 : i32
      %dma_wait3A_760 = tpu.memref_slice %arg13[%dma_wait3A_752, %dma_wait3A_753, %dma_wait3A_759] : memref<2x10x256xi32, #tpu.memory_space<vmem>> -> memref<1x1x256xi32, #tpu.memory_space<vmem>>
      %dma_wait3A_761 = tpu.memref_squeeze %dma_wait3A_760 : memref<1x1x256xi32, #tpu.memory_space<vmem>> -> memref<256xi32, #tpu.memory_space<vmem>>
      %dma_wait3A_762 = arith.constant 0 : i32
      %dma_wait3A_763 = arith.constant 0 : i32
      %dma_wait3A_764 = tpu.memref_slice %arg10[%dma_wait3A_762, %dma_wait3A_763] : memref<3600x64xf32, #tpu.memory_space<hbm>> -> memref<3600x64xf32, #tpu.memory_space<hbm>>
      tpu.wait_indirect_dma semaphore(%arg21 : memref<!tpu.dma_semaphore, #tpu.memory_space<semaphore_mem>>) src(%dma_wait3A_764 : memref<3600x64xf32, #tpu.memory_space<hbm>>) dst(%dma_wait3A_758 : memref<256x64xf32, #tpu.memory_space<vmem>>)
      %scan3A_765 = arith.constant 0 : i32
      %scan3A_766 = arith.constant 0 : i32
      %scan3A_767 = arith.constant 256 : i32
      %scan3A_768 = arith.addi %scan3A_766, %scan3A_767 : i32
      %scan3A_769 = arith.constant 1 : i32
      scf.for %scan3A_957 = %scan3A_766 to %scan3A_768 step %scan3A_769  : i32 {
        %get3A = arith.constant 0 : i32
        %get3A_958 = arith.index_cast %get3A : i32 to index
        %get3A_959 = arith.index_cast %scan3A_957 : i32 to index
        %get3A_960 = arith.constant 0 : index
        %get3A_961 = tpu.vector_load %arg14[%get3A_958, %get3A_959, %get3A_960] {strides = array<i32>} : memref<2x256x64xf32, #tpu.memory_space<vmem>>, vector<1x1x16xf32>,
        %get3A_962 = vector.shape_cast %get3A_961 : vector<1x1x16xf32> to vector<16xf32>
        %get3A_963 = arith.constant 0 : i32
        %get3A_964 = arith.index_cast %get3A_963 : i32 to index
        %get3A_965 = arith.index_cast %scan3A_957 : i32 to index
        %get3A_966 = arith.constant 0 : index
        %get3A_967 = tpu.vector_load %arg15[%get3A_964, %get3A_965, %get3A_966] {strides = array<i32>} : memref<2x256x64xf32, #tpu.memory_space<vmem>>, vector<1x1x16xf32>,
        %get3A_968 = vector.shape_cast %get3A_967 : vector<1x1x16xf32> to vector<16xf32>
        %max3A = arith.constant 0.000000e+00 : f32
        %max3A_969 = vector.broadcast %max3A : f32 to vector<16xf32>
        %max3A_970 = arith.maximumf %get3A_968, %max3A_969 : vector<16xf32>
        %add3A_971 = arith.addf %get3A_962, %max3A_970 : vector<16xf32>
        %swap3A = arith.constant 0 : i32
        %swap3A_972 = arith.index_cast %swap3A : i32 to index
        %swap3A_973 = arith.index_cast %scan3A_957 : i32 to index
        %swap3A_974 = arith.constant 0 : index
        %swap3A_975 = tpu.vector_load %arg16[%swap3A_972, %swap3A_973, %swap3A_974] {strides = array<i32>} : memref<2x256x64xf32, #tpu.memory_space<vmem>>, vector<1x1x16xf32>,
        %swap3A_976 = vector.shape_cast %swap3A_975 : vector<1x1x16xf32> to vector<16xf32>
        %swap3A_977 = vector.shape_cast %add3A_971 : vector<16xf32> to vector<1x1x16xf32>
        tpu.vector_store %arg16[%swap3A_972, %swap3A_973, %swap3A_974], %swap3A_977 {strides = array<i32>} : memref<2x256x64xf32, #tpu.memory_space<vmem>>, vector<1x1x16xf32>,
        %get3A_978 = arith.constant 0 : i32
        %get3A_979 = arith.index_cast %get3A_978 : i32 to index
        %get3A_980 = arith.index_cast %scan3A_957 : i32 to index
        %get3A_981 = arith.constant 16 : index
        %get3A_982 = tpu.vector_load %arg14[%get3A_979, %get3A_980, %get3A_981] {strides = array<i32>} : memref<2x256x64xf32, #tpu.memory_space<vmem>>, vector<1x1x16xf32>,
        %get3A_983 = vector.shape_cast %get3A_982 : vector<1x1x16xf32> to vector<16xf32>
        %get3A_984 = arith.constant 0 : i32
        %get3A_985 = arith.index_cast %get3A_984 : i32 to index
        %get3A_986 = arith.index_cast %scan3A_957 : i32 to index
        %get3A_987 = arith.constant 16 : index
        %get3A_988 = tpu.vector_load %arg15[%get3A_985, %get3A_986, %get3A_987] {strides = array<i32>} : memref<2x256x64xf32, #tpu.memory_space<vmem>>, vector<1x1x16xf32>,
        %get3A_989 = vector.shape_cast %get3A_988 : vector<1x1x16xf32> to vector<16xf32>
        %max3A_990 = arith.constant 0.000000e+00 : f32
        %max3A_991 = vector.broadcast %max3A_990 : f32 to vector<16xf32>
        %max3A_992 = arith.maximumf %get3A_989, %max3A_991 : vector<16xf32>
        %add3A_993 = arith.addf %get3A_983, %max3A_992 : vector<16xf32>
        %swap3A_994 = arith.constant 0 : i32
        %swap3A_995 = arith.index_cast %swap3A_994 : i32 to index
        %swap3A_996 = arith.index_cast %scan3A_957 : i32 to index
        %swap3A_997 = arith.constant 16 : index
        %swap3A_998 = tpu.vector_load %arg16[%swap3A_995, %swap3A_996, %swap3A_997] {strides = array<i32>} : memref<2x256x64xf32, #tpu.memory_space<vmem>>, vector<1x1x16xf32>,
        %swap3A_999 = vector.shape_cast %swap3A_998 : vector<1x1x16xf32> to vector<16xf32>
        %swap3A_1000 = vector.shape_cast %add3A_993 : vector<16xf32> to vector<1x1x16xf32>
        tpu.vector_store %arg16[%swap3A_995, %swap3A_996, %swap3A_997], %swap3A_1000 {strides = array<i32>} : memref<2x256x64xf32, #tpu.memory_space<vmem>>, vector<1x1x16xf32>,
        %get3A_1001 = arith.constant 0 : i32
        %get3A_1002 = arith.index_cast %get3A_1001 : i32 to index
        %get3A_1003 = arith.index_cast %scan3A_957 : i32 to index
        %get3A_1004 = arith.constant 32 : index
        %get3A_1005 = tpu.vector_load %arg14[%get3A_1002, %get3A_1003, %get3A_1004] {strides = array<i32>} : memref<2x256x64xf32, #tpu.memory_space<vmem>>, vector<1x1x16xf32>,
        %get3A_1006 = vector.shape_cast %get3A_1005 : vector<1x1x16xf32> to vector<16xf32>
        %get3A_1007 = arith.constant 0 : i32
        %get3A_1008 = arith.index_cast %get3A_1007 : i32 to index
        %get3A_1009 = arith.index_cast %scan3A_957 : i32 to index
        %get3A_1010 = arith.constant 32 : index
        %get3A_1011 = tpu.vector_load %arg15[%get3A_1008, %get3A_1009, %get3A_1010] {strides = array<i32>} : memref<2x256x64xf32, #tpu.memory_space<vmem>>, vector<1x1x16xf32>,
        %get3A_1012 = vector.shape_cast %get3A_1011 : vector<1x1x16xf32> to vector<16xf32>
        %max3A_1013 = arith.constant 0.000000e+00 : f32
        %max3A_1014 = vector.broadcast %max3A_1013 : f32 to vector<16xf32>
        %max3A_1015 = arith.maximumf %get3A_1012, %max3A_1014 : vector<16xf32>
        %add3A_1016 = arith.addf %get3A_1006, %max3A_1015 : vector<16xf32>
        %swap3A_1017 = arith.constant 0 : i32
        %swap3A_1018 = arith.index_cast %swap3A_1017 : i32 to index
        %swap3A_1019 = arith.index_cast %scan3A_957 : i32 to index
        %swap3A_1020 = arith.constant 32 : index
        %swap3A_1021 = tpu.vector_load %arg16[%swap3A_1018, %swap3A_1019, %swap3A_1020] {strides = array<i32>} : memref<2x256x64xf32, #tpu.memory_space<vmem>>, vector<1x1x16xf32>,
        %swap3A_1022 = vector.shape_cast %swap3A_1021 : vector<1x1x16xf32> to vector<16xf32>
        %swap3A_1023 = vector.shape_cast %add3A_1016 : vector<16xf32> to vector<1x1x16xf32>
        tpu.vector_store %arg16[%swap3A_1018, %swap3A_1019, %swap3A_1020], %swap3A_1023 {strides = array<i32>} : memref<2x256x64xf32, #tpu.memory_space<vmem>>, vector<1x1x16xf32>,
        %get3A_1024 = arith.constant 0 : i32
        %get3A_1025 = arith.index_cast %get3A_1024 : i32 to index
        %get3A_1026 = arith.index_cast %scan3A_957 : i32 to index
        %get3A_1027 = arith.constant 48 : index
        %get3A_1028 = tpu.vector_load %arg14[%get3A_1025, %get3A_1026, %get3A_1027] {strides = array<i32>} : memref<2x256x64xf32, #tpu.memory_space<vmem>>, vector<1x1x16xf32>,
        %get3A_1029 = vector.shape_cast %get3A_1028 : vector<1x1x16xf32> to vector<16xf32>
        %get3A_1030 = arith.constant 0 : i32
        %get3A_1031 = arith.index_cast %get3A_1030 : i32 to index
        %get3A_1032 = arith.index_cast %scan3A_957 : i32 to index
        %get3A_1033 = arith.constant 48 : index
        %get3A_1034 = tpu.vector_load %arg15[%get3A_1031, %get3A_1032, %get3A_1033] {strides = array<i32>} : memref<2x256x64xf32, #tpu.memory_space<vmem>>, vector<1x1x16xf32>,
        %get3A_1035 = vector.shape_cast %get3A_1034 : vector<1x1x16xf32> to vector<16xf32>
        %max3A_1036 = arith.constant 0.000000e+00 : f32
        %max3A_1037 = vector.broadcast %max3A_1036 : f32 to vector<16xf32>
        %max3A_1038 = arith.maximumf %get3A_1035, %max3A_1037 : vector<16xf32>
        %add3A_1039 = arith.addf %get3A_1029, %max3A_1038 : vector<16xf32>
        %swap3A_1040 = arith.constant 0 : i32
        %swap3A_1041 = arith.index_cast %swap3A_1040 : i32 to index
        %swap3A_1042 = arith.index_cast %scan3A_957 : i32 to index
        %swap3A_1043 = arith.constant 48 : index
        %swap3A_1044 = tpu.vector_load %arg16[%swap3A_1041, %swap3A_1042, %swap3A_1043] {strides = array<i32>} : memref<2x256x64xf32, #tpu.memory_space<vmem>>, vector<1x1x16xf32>,
        %swap3A_1045 = vector.shape_cast %swap3A_1044 : vector<1x1x16xf32> to vector<16xf32>
        %swap3A_1046 = vector.shape_cast %add3A_1039 : vector<16xf32> to vector<1x1x16xf32>
        tpu.vector_store %arg16[%swap3A_1041, %swap3A_1042, %swap3A_1043], %swap3A_1046 {strides = array<i32>} : memref<2x256x64xf32, #tpu.memory_space<vmem>>, vector<1x1x16xf32>,
      }
      %scan3A_770 = arith.constant 256 : i32
      %mul3A_771 = arith.constant 256 : i32
      %mul3A_772 = arith.muli %mul3A_652, %mul3A_771 : i32
      %add3A_773 = arith.addi %mul3A_2, %mul3A_772 : i32
      %dma_start3A_774 = arith.constant 0 : i32
      %dma_start3A_775 = arith.constant 0 : i32
      %dma_start3A_776 = arith.constant 0 : i32
      %dma_start3A_777 = tpu.memref_slice %arg16[%dma_start3A_774, %dma_start3A_775, %dma_start3A_776] : memref<2x256x64xf32, #tpu.memory_space<vmem>> -> memref<1x256x64xf32, #tpu.memory_space<vmem>>
      %dma_start3A_778 = tpu.memref_squeeze %dma_start3A_777 : memref<1x256x64xf32, #tpu.memory_space<vmem>> -> memref<256x64xf32, #tpu.memory_space<vmem>>
      %dma_start3A_779 = arith.constant 0 : i32
      %dma_start3A_780 = tpu.memref_slice %arg11[%add3A_773, %dma_start3A_779] : memref<819200x64xf32, #tpu.memory_space<hbm>> -> memref<256x64xf32, #tpu.memory_space<hbm>>
      %dma_start3A_781 = arith.constant 0 : i32
      %dma_start3A_782 = tpu.memref_slice %arg11[%add3A_773, %dma_start3A_781] : memref<819200x64xf32, #tpu.memory_space<hbm>> -> memref<256x64xf32, #tpu.memory_space<hbm>>
      %dma_start3A_783 = arith.constant 0 : i32
      %dma_start3A_784 = arith.constant 0 : i32
      %dma_start3A_785 = tpu.memref_slice %arg16[%dma_start3A_774, %dma_start3A_783, %dma_start3A_784] : memref<2x256x64xf32, #tpu.memory_space<vmem>> -> memref<1x256x64xf32, #tpu.memory_space<vmem>>
      %dma_start3A_786 = tpu.memref_squeeze %dma_start3A_785 : memref<1x256x64xf32, #tpu.memory_space<vmem>> -> memref<256x64xf32, #tpu.memory_space<vmem>>
      tpu.enqueue_dma source(%dma_start3A_786 : memref<256x64xf32, #tpu.memory_space<vmem>>) target(%dma_start3A_782 : memref<256x64xf32, #tpu.memory_space<hbm>>) target_semaphore(%arg23 : memref<!tpu.dma_semaphore, #tpu.memory_space<semaphore_mem>>)
      %add3A_787 = arith.constant 2 : i32
      %add3A_788 = arith.addi %mul3A_652, %add3A_787 : i32
      %lt3A_789 = arith.constant 100 : i32
      %lt3A_790 = arith.cmpi slt, %add3A_788, %lt3A_789 : i32
      %convert_element_type3A_791 = arith.extui %lt3A_790 : i1 to i32
      %cond3A_792 = arith.constant 0 : i32
      %cond3A_793 = arith.cmpi ne, %convert_element_type3A_791, %cond3A_792 : i32
      scf.if %cond3A_793 {
        %add3A_957 = arith.constant 2 : i32
        %add3A_958 = arith.addi %mul3A_652, %add3A_957 : i32
        %mul3A_959 = arith.constant 256 : i32
        %mul3A_960 = arith.muli %add3A_958, %mul3A_959 : i32
        %add3A_961 = arith.addi %mul3A_2, %mul3A_960 : i32
        %dma_wait3A_962 = arith.constant 0 : i32
        %dma_wait3A_963 = arith.constant 0 : i32
        %dma_wait3A_964 = arith.constant 0 : i32
        %dma_wait3A_965 = tpu.memref_slice %arg12[%dma_wait3A_962, %dma_wait3A_963, %dma_wait3A_964] : memref<2x7x256xi32, #tpu.memory_space<vmem>> -> memref<1x1x256xi32, #tpu.memory_space<vmem>>
        %dma_wait3A_966 = tpu.memref_squeeze %dma_wait3A_965 : memref<1x1x256xi32, #tpu.memory_space<vmem>> -> memref<256xi32, #tpu.memory_space<vmem>>
        %dma_wait3A_967 = tpu.memref_slice %arg2[%add3A_961] : memref<819200xi32, #tpu.memory_space<hbm>> -> memref<256xi32, #tpu.memory_space<hbm>>
        %dma_wait3A_968 = arith.constant 0 : i32
        %dma_wait3A_969 = tpu.memref_slice %arg12[%dma_wait3A_962, %dma_wait3A_963, %dma_wait3A_968] : memref<2x7x256xi32, #tpu.memory_space<vmem>> -> memref<1x1x256xi32, #tpu.memory_space<vmem>>
        %dma_wait3A_970 = tpu.memref_squeeze %dma_wait3A_969 : memref<1x1x256xi32, #tpu.memory_space<vmem>> -> memref<256xi32, #tpu.memory_space<vmem>>
        %dma_wait3A_971 = tpu.memref_slice %arg2[%add3A_961] : memref<819200xi32, #tpu.memory_space<hbm>> -> memref<256xi32, #tpu.memory_space<hbm>>
        tpu.wait_dma2 semaphore(%arg17 : memref<!tpu.dma_semaphore, #tpu.memory_space<semaphore_mem>>) src(%dma_wait3A_971 : memref<256xi32, #tpu.memory_space<hbm>>) dst(%dma_wait3A_970 : memref<256xi32, #tpu.memory_space<vmem>>)
        %mul3A_972 = arith.constant 256 : i32
        %mul3A_973 = arith.muli %add3A_958, %mul3A_972 : i32
        %add3A_974 = arith.addi %mul3A_2, %mul3A_973 : i32
        %dma_wait3A_975 = arith.constant 0 : i32
        %dma_wait3A_976 = arith.constant 1 : i32
        %dma_wait3A_977 = arith.constant 0 : i32
        %dma_wait3A_978 = tpu.memref_slice %arg12[%dma_wait3A_975, %dma_wait3A_976, %dma_wait3A_977] : memref<2x7x256xi32, #tpu.memory_space<vmem>> -> memref<1x1x256xi32, #tpu.memory_space<vmem>>
        %dma_wait3A_979 = tpu.memref_squeeze %dma_wait3A_978 : memref<1x1x256xi32, #tpu.memory_space<vmem>> -> memref<256xi32, #tpu.memory_space<vmem>>
        %dma_wait3A_980 = tpu.memref_slice %arg3[%add3A_974] : memref<819200xi32, #tpu.memory_space<hbm>> -> memref<256xi32, #tpu.memory_space<hbm>>
        %dma_wait3A_981 = arith.constant 0 : i32
        %dma_wait3A_982 = tpu.memref_slice %arg12[%dma_wait3A_975, %dma_wait3A_976, %dma_wait3A_981] : memref<2x7x256xi32, #tpu.memory_space<vmem>> -> memref<1x1x256xi32, #tpu.memory_space<vmem>>
        %dma_wait3A_983 = tpu.memref_squeeze %dma_wait3A_982 : memref<1x1x256xi32, #tpu.memory_space<vmem>> -> memref<256xi32, #tpu.memory_space<vmem>>
        %dma_wait3A_984 = tpu.memref_slice %arg3[%add3A_974] : memref<819200xi32, #tpu.memory_space<hbm>> -> memref<256xi32, #tpu.memory_space<hbm>>
        tpu.wait_dma2 semaphore(%arg17 : memref<!tpu.dma_semaphore, #tpu.memory_space<semaphore_mem>>) src(%dma_wait3A_984 : memref<256xi32, #tpu.memory_space<hbm>>) dst(%dma_wait3A_983 : memref<256xi32, #tpu.memory_space<vmem>>)
        %mul3A_985 = arith.constant 256 : i32
        %mul3A_986 = arith.muli %add3A_958, %mul3A_985 : i32
        %add3A_987 = arith.addi %mul3A_2, %mul3A_986 : i32
        %dma_wait3A_988 = arith.constant 0 : i32
        %dma_wait3A_989 = arith.constant 2 : i32
        %dma_wait3A_990 = arith.constant 0 : i32
        %dma_wait3A_991 = tpu.memref_slice %arg12[%dma_wait3A_988, %dma_wait3A_989, %dma_wait3A_990] : memref<2x7x256xi32, #tpu.memory_space<vmem>> -> memref<1x1x256xi32, #tpu.memory_space<vmem>>
        %dma_wait3A_992 = tpu.memref_squeeze %dma_wait3A_991 : memref<1x1x256xi32, #tpu.memory_space<vmem>> -> memref<256xi32, #tpu.memory_space<vmem>>
        %dma_wait3A_993 = tpu.memref_slice %arg4[%add3A_987] : memref<819200xi32, #tpu.memory_space<hbm>> -> memref<256xi32, #tpu.memory_space<hbm>>
        %dma_wait3A_994 = arith.constant 0 : i32
        %dma_wait3A_995 = tpu.memref_slice %arg12[%dma_wait3A_988, %dma_wait3A_989, %dma_wait3A_994] : memref<2x7x256xi32, #tpu.memory_space<vmem>> -> memref<1x1x256xi32, #tpu.memory_space<vmem>>
        %dma_wait3A_996 = tpu.memref_squeeze %dma_wait3A_995 : memref<1x1x256xi32, #tpu.memory_space<vmem>> -> memref<256xi32, #tpu.memory_space<vmem>>
        %dma_wait3A_997 = tpu.memref_slice %arg4[%add3A_987] : memref<819200xi32, #tpu.memory_space<hbm>> -> memref<256xi32, #tpu.memory_space<hbm>>
        tpu.wait_dma2 semaphore(%arg17 : memref<!tpu.dma_semaphore, #tpu.memory_space<semaphore_mem>>) src(%dma_wait3A_997 : memref<256xi32, #tpu.memory_space<hbm>>) dst(%dma_wait3A_996 : memref<256xi32, #tpu.memory_space<vmem>>)
        %mul3A_998 = arith.constant 256 : i32
        %mul3A_999 = arith.muli %add3A_958, %mul3A_998 : i32
        %add3A_1000 = arith.addi %mul3A_2, %mul3A_999 : i32
        %dma_wait3A_1001 = arith.constant 0 : i32
        %dma_wait3A_1002 = arith.constant 3 : i32
        %dma_wait3A_1003 = arith.constant 0 : i32
        %dma_wait3A_1004 = tpu.memref_slice %arg12[%dma_wait3A_1001, %dma_wait3A_1002, %dma_wait3A_1003] : memref<2x7x256xi32, #tpu.memory_space<vmem>> -> memref<1x1x256xi32, #tpu.memory_space<vmem>>
        %dma_wait3A_1005 = tpu.memref_squeeze %dma_wait3A_1004 : memref<1x1x256xi32, #tpu.memory_space<vmem>> -> memref<256xi32, #tpu.memory_space<vmem>>
        %dma_wait3A_1006 = tpu.memref_slice %arg5[%add3A_1000] : memref<819200xi32, #tpu.memory_space<hbm>> -> memref<256xi32, #tpu.memory_space<hbm>>
        %dma_wait3A_1007 = arith.constant 0 : i32
        %dma_wait3A_1008 = tpu.memref_slice %arg12[%dma_wait3A_1001, %dma_wait3A_1002, %dma_wait3A_1007] : memref<2x7x256xi32, #tpu.memory_space<vmem>> -> memref<1x1x256xi32, #tpu.memory_space<vmem>>
        %dma_wait3A_1009 = tpu.memref_squeeze %dma_wait3A_1008 : memref<1x1x256xi32, #tpu.memory_space<vmem>> -> memref<256xi32, #tpu.memory_space<vmem>>
        %dma_wait3A_1010 = tpu.memref_slice %arg5[%add3A_1000] : memref<819200xi32, #tpu.memory_space<hbm>> -> memref<256xi32, #tpu.memory_space<hbm>>
        tpu.wait_dma2 semaphore(%arg17 : memref<!tpu.dma_semaphore, #tpu.memory_space<semaphore_mem>>) src(%dma_wait3A_1010 : memref<256xi32, #tpu.memory_space<hbm>>) dst(%dma_wait3A_1009 : memref<256xi32, #tpu.memory_space<vmem>>)
        %mul3A_1011 = arith.constant 256 : i32
        %mul3A_1012 = arith.muli %add3A_958, %mul3A_1011 : i32
        %add3A_1013 = arith.addi %mul3A_2, %mul3A_1012 : i32
        %dma_wait3A_1014 = arith.constant 0 : i32
        %dma_wait3A_1015 = arith.constant 4 : i32
        %dma_wait3A_1016 = arith.constant 0 : i32
        %dma_wait3A_1017 = tpu.memref_slice %arg12[%dma_wait3A_1014, %dma_wait3A_1015, %dma_wait3A_1016] : memref<2x7x256xi32, #tpu.memory_space<vmem>> -> memref<1x1x256xi32, #tpu.memory_space<vmem>>
        %dma_wait3A_1018 = tpu.memref_squeeze %dma_wait3A_1017 : memref<1x1x256xi32, #tpu.memory_space<vmem>> -> memref<256xi32, #tpu.memory_space<vmem>>
        %dma_wait3A_1019 = tpu.memref_slice %arg6[%add3A_1013] : memref<819200xi32, #tpu.memory_space<hbm>> -> memref<256xi32, #tpu.memory_space<hbm>>
        %dma_wait3A_1020 = arith.constant 0 : i32
        %dma_wait3A_1021 = tpu.memref_slice %arg12[%dma_wait3A_1014, %dma_wait3A_1015, %dma_wait3A_1020] : memref<2x7x256xi32, #tpu.memory_space<vmem>> -> memref<1x1x256xi32, #tpu.memory_space<vmem>>
        %dma_wait3A_1022 = tpu.memref_squeeze %dma_wait3A_1021 : memref<1x1x256xi32, #tpu.memory_space<vmem>> -> memref<256xi32, #tpu.memory_space<vmem>>
        %dma_wait3A_1023 = tpu.memref_slice %arg6[%add3A_1013] : memref<819200xi32, #tpu.memory_space<hbm>> -> memref<256xi32, #tpu.memory_space<hbm>>
        tpu.wait_dma2 semaphore(%arg17 : memref<!tpu.dma_semaphore, #tpu.memory_space<semaphore_mem>>) src(%dma_wait3A_1023 : memref<256xi32, #tpu.memory_space<hbm>>) dst(%dma_wait3A_1022 : memref<256xi32, #tpu.memory_space<vmem>>)
        %mul3A_1024 = arith.constant 256 : i32
        %mul3A_1025 = arith.muli %add3A_958, %mul3A_1024 : i32
        %add3A_1026 = arith.addi %mul3A_2, %mul3A_1025 : i32
        %dma_wait3A_1027 = arith.constant 0 : i32
        %dma_wait3A_1028 = arith.constant 5 : i32
        %dma_wait3A_1029 = arith.constant 0 : i32
        %dma_wait3A_1030 = tpu.memref_slice %arg12[%dma_wait3A_1027, %dma_wait3A_1028, %dma_wait3A_1029] : memref<2x7x256xi32, #tpu.memory_space<vmem>> -> memref<1x1x256xi32, #tpu.memory_space<vmem>>
        %dma_wait3A_1031 = tpu.memref_squeeze %dma_wait3A_1030 : memref<1x1x256xi32, #tpu.memory_space<vmem>> -> memref<256xi32, #tpu.memory_space<vmem>>
        %dma_wait3A_1032 = tpu.memref_slice %arg7[%add3A_1026] : memref<819200xi32, #tpu.memory_space<hbm>> -> memref<256xi32, #tpu.memory_space<hbm>>
        %dma_wait3A_1033 = arith.constant 0 : i32
        %dma_wait3A_1034 = tpu.memref_slice %arg12[%dma_wait3A_1027, %dma_wait3A_1028, %dma_wait3A_1033] : memref<2x7x256xi32, #tpu.memory_space<vmem>> -> memref<1x1x256xi32, #tpu.memory_space<vmem>>
        %dma_wait3A_1035 = tpu.memref_squeeze %dma_wait3A_1034 : memref<1x1x256xi32, #tpu.memory_space<vmem>> -> memref<256xi32, #tpu.memory_space<vmem>>
        %dma_wait3A_1036 = tpu.memref_slice %arg7[%add3A_1026] : memref<819200xi32, #tpu.memory_space<hbm>> -> memref<256xi32, #tpu.memory_space<hbm>>
        tpu.wait_dma2 semaphore(%arg17 : memref<!tpu.dma_semaphore, #tpu.memory_space<semaphore_mem>>) src(%dma_wait3A_1036 : memref<256xi32, #tpu.memory_space<hbm>>) dst(%dma_wait3A_1035 : memref<256xi32, #tpu.memory_space<vmem>>)
        %mul3A_1037 = arith.constant 256 : i32
        %mul3A_1038 = arith.muli %add3A_958, %mul3A_1037 : i32
        %add3A_1039 = arith.addi %mul3A_2, %mul3A_1038 : i32
        %dma_wait3A_1040 = arith.constant 0 : i32
        %dma_wait3A_1041 = arith.constant 6 : i32
        %dma_wait3A_1042 = arith.constant 0 : i32
        %dma_wait3A_1043 = tpu.memref_slice %arg12[%dma_wait3A_1040, %dma_wait3A_1041, %dma_wait3A_1042] : memref<2x7x256xi32, #tpu.memory_space<vmem>> -> memref<1x1x256xi32, #tpu.memory_space<vmem>>
        %dma_wait3A_1044 = tpu.memref_squeeze %dma_wait3A_1043 : memref<1x1x256xi32, #tpu.memory_space<vmem>> -> memref<256xi32, #tpu.memory_space<vmem>>
        %dma_wait3A_1045 = tpu.memref_slice %arg8[%add3A_1039] : memref<819200xi32, #tpu.memory_space<hbm>> -> memref<256xi32, #tpu.memory_space<hbm>>
        %dma_wait3A_1046 = arith.constant 0 : i32
        %dma_wait3A_1047 = tpu.memref_slice %arg12[%dma_wait3A_1040, %dma_wait3A_1041, %dma_wait3A_1046] : memref<2x7x256xi32, #tpu.memory_space<vmem>> -> memref<1x1x256xi32, #tpu.memory_space<vmem>>
        %dma_wait3A_1048 = tpu.memref_squeeze %dma_wait3A_1047 : memref<1x1x256xi32, #tpu.memory_space<vmem>> -> memref<256xi32, #tpu.memory_space<vmem>>
        %dma_wait3A_1049 = tpu.memref_slice %arg8[%add3A_1039] : memref<819200xi32, #tpu.memory_space<hbm>> -> memref<256xi32, #tpu.memory_space<hbm>>
        tpu.wait_dma2 semaphore(%arg17 : memref<!tpu.dma_semaphore, #tpu.memory_space<semaphore_mem>>) src(%dma_wait3A_1049 : memref<256xi32, #tpu.memory_space<hbm>>) dst(%dma_wait3A_1048 : memref<256xi32, #tpu.memory_space<vmem>>)
        %scan3A_1050 = arith.constant 0 : i32
        %scan3A_1051 = arith.constant 0 : i32
        %scan3A_1052 = arith.constant 16 : i32
        %scan3A_1053 = arith.addi %scan3A_1051, %scan3A_1052 : i32
        %scan3A_1054 = arith.constant 1 : i32
        scf.for %scan3A_1082 = %scan3A_1051 to %scan3A_1053 step %scan3A_1054  : i32 {
          %mul3A_1083 = arith.constant 16 : i32
          %mul3A_1084 = arith.muli %scan3A_1082, %mul3A_1083 : i32
          %get3A = arith.constant 0 : i32
          %get3A_1085 = arith.constant 0 : i32
          %get3A_1086 = arith.index_cast %get3A : i32 to index
          %get3A_1087 = arith.index_cast %get3A_1085 : i32 to index
          %get3A_1088 = arith.index_cast %mul3A_1084 : i32 to index
          %get3A_1089 = tpu.vector_load %arg12[%get3A_1086, %get3A_1087, %get3A_1088] {strides = array<i32>} : memref<2x7x256xi32, #tpu.memory_space<vmem>>, vector<1x1x16xi32>,
          %get3A_1090 = vector.shape_cast %get3A_1089 : vector<1x1x16xi32> to vector<16xi32>
          %mul3A_1091 = arith.constant -1640531535 : i32
          %mul3A_1092 = vector.broadcast %mul3A_1091 : i32 to vector<16xi32>
          %mul3A_1093 = arith.muli %get3A_1090, %mul3A_1092 : vector<16xi32>
          %add3A_1094 = arith.constant 374761393 : i32
          %add3A_1095 = vector.broadcast %add3A_1094 : i32 to vector<16xi32>
          %add3A_1096 = arith.addi %mul3A_1093, %add3A_1095 : vector<16xi32>
          %jit3A = arith.constant 100000 : i32
          %eq3A = arith.constant 0 : i32
          %eq3A_1097 = arith.cmpi eq, %jit3A, %eq3A : i32
          %jit3A_1098 = arith.constant 1 : i32
          %select_n3A = arith.select %eq3A_1097, %jit3A_1098, %jit3A : i32
          %rem3A = vector.broadcast %select_n3A : i32 to vector<16xi32>
          %rem3A_1099 = arith.remui %add3A_1096, %rem3A : vector<16xi32>
          %ne3A = arith.constant 0 : i32
          %ne3A_1100 = vector.broadcast %ne3A : i32 to vector<16xi32>
          %ne3A_1101 = arith.cmpi ne, %rem3A_1099, %ne3A_1100 : vector<16xi32>
          %lt3A_1102 = arith.constant 0 : i32
          %lt3A_1103 = vector.broadcast %lt3A_1102 : i32 to vector<16xi32>
          %lt3A_1104 = arith.cmpi ult, %rem3A_1099, %lt3A_1103 : vector<16xi32>
          %lt3A_1105 = arith.constant 0 : i32
          %lt3A_1106 = arith.cmpi ult, %select_n3A, %lt3A_1105 : i32
          %ne3A_1107 = vector.broadcast %lt3A_1106 : i1 to vector<16xi1>
          %ne3A_1108 = vector.broadcast %ne3A_1107 : vector<16xi1> to vector<16xi1>
          %ne3A_1109 = arith.xori %lt3A_1104, %ne3A_1108 : vector<16xi1>
          %and3A = arith.andi %ne3A_1109, %ne3A_1101 : vector<16xi1>
          %add3A_1110 = vector.broadcast %select_n3A : i32 to vector<16xi32>
          %add3A_1111 = arith.addi %rem3A_1099, %add3A_1110 : vector<16xi32>
          %select_n3A_1112 = arith.select %and3A, %add3A_1111, %rem3A_1099 : vector<16xi1>, vector<16xi32>
          %swap3A = arith.constant 0 : i32
          %swap3A_1113 = arith.constant 0 : i32
          %swap3A_1114 = arith.index_cast %swap3A : i32 to index
          %swap3A_1115 = arith.index_cast %swap3A_1113 : i32 to index
          %swap3A_1116 = arith.index_cast %mul3A_1084 : i32 to index
          %swap3A_1117 = tpu.vector_load %arg13[%swap3A_1114, %swap3A_1115, %swap3A_1116] {strides = array<i32>} : memref<2x10x256xi32, #tpu.memory_space<vmem>>, vector<1x1x16xi32>,
          %swap3A_1118 = vector.shape_cast %swap3A_1117 : vector<1x1x16xi32> to vector<16xi32>
          %swap3A_1119 = vector.shape_cast %select_n3A_1112 : vector<16xi32> to vector<1x1x16xi32>
          tpu.vector_store %arg13[%swap3A_1114, %swap3A_1115, %swap3A_1116], %swap3A_1119 {strides = array<i32>} : memref<2x10x256xi32, #tpu.memory_space<vmem>>, vector<1x1x16xi32>,
          %mul3A_1120 = arith.constant -2048144777 : i32
          %mul3A_1121 = vector.broadcast %mul3A_1120 : i32 to vector<16xi32>
          %mul3A_1122 = arith.muli %get3A_1090, %mul3A_1121 : vector<16xi32>
          %add3A_1123 = arith.constant -1150833019 : i32
          %add3A_1124 = vector.broadcast %add3A_1123 : i32 to vector<16xi32>
          %add3A_1125 = arith.addi %mul3A_1122, %add3A_1124 : vector<16xi32>
          %jit3A_1126 = arith.constant 100000 : i32
          %eq3A_1127 = arith.constant 0 : i32
          %eq3A_1128 = arith.cmpi eq, %jit3A_1126, %eq3A_1127 : i32
          %jit3A_1129 = arith.constant 1 : i32
          %select_n3A_1130 = arith.select %eq3A_1128, %jit3A_1129, %jit3A_1126 : i32
          %rem3A_1131 = vector.broadcast %select_n3A_1130 : i32 to vector<16xi32>
          %rem3A_1132 = arith.remui %add3A_1125, %rem3A_1131 : vector<16xi32>
          %ne3A_1133 = arith.constant 0 : i32
          %ne3A_1134 = vector.broadcast %ne3A_1133 : i32 to vector<16xi32>
          %ne3A_1135 = arith.cmpi ne, %rem3A_1132, %ne3A_1134 : vector<16xi32>
          %lt3A_1136 = arith.constant 0 : i32
          %lt3A_1137 = vector.broadcast %lt3A_1136 : i32 to vector<16xi32>
          %lt3A_1138 = arith.cmpi ult, %rem3A_1132, %lt3A_1137 : vector<16xi32>
          %lt3A_1139 = arith.constant 0 : i32
          %lt3A_1140 = arith.cmpi ult, %select_n3A_1130, %lt3A_1139 : i32
          %ne3A_1141 = vector.broadcast %lt3A_1140 : i1 to vector<16xi1>
          %ne3A_1142 = vector.broadcast %ne3A_1141 : vector<16xi1> to vector<16xi1>
          %ne3A_1143 = arith.xori %lt3A_1138, %ne3A_1142 : vector<16xi1>
          %and3A_1144 = arith.andi %ne3A_1143, %ne3A_1135 : vector<16xi1>
          %add3A_1145 = vector.broadcast %select_n3A_1130 : i32 to vector<16xi32>
          %add3A_1146 = arith.addi %rem3A_1132, %add3A_1145 : vector<16xi32>
          %select_n3A_1147 = arith.select %and3A_1144, %add3A_1146, %rem3A_1132 : vector<16xi1>, vector<16xi32>
          %swap3A_1148 = arith.constant 0 : i32
          %swap3A_1149 = arith.constant 1 : i32
          %swap3A_1150 = arith.index_cast %swap3A_1148 : i32 to index
          %swap3A_1151 = arith.index_cast %swap3A_1149 : i32 to index
          %swap3A_1152 = arith.index_cast %mul3A_1084 : i32 to index
          %swap3A_1153 = tpu.vector_load %arg13[%swap3A_1150, %swap3A_1151, %swap3A_1152] {strides = array<i32>} : memref<2x10x256xi32, #tpu.memory_space<vmem>>, vector<1x1x16xi32>,
          %swap3A_1154 = vector.shape_cast %swap3A_1153 : vector<1x1x16xi32> to vector<16xi32>
          %swap3A_1155 = vector.shape_cast %select_n3A_1147 : vector<16xi32> to vector<1x1x16xi32>
          tpu.vector_store %arg13[%swap3A_1150, %swap3A_1151, %swap3A_1152], %swap3A_1155 {strides = array<i32>} : memref<2x10x256xi32, #tpu.memory_space<vmem>>, vector<1x1x16xi32>,
          %mul3A_1156 = arith.constant -1028477379 : i32
          %mul3A_1157 = vector.broadcast %mul3A_1156 : i32 to vector<16xi32>
          %mul3A_1158 = arith.muli %get3A_1090, %mul3A_1157 : vector<16xi32>
          %add3A_1159 = arith.constant 1013904223 : i32
          %add3A_1160 = vector.broadcast %add3A_1159 : i32 to vector<16xi32>
          %add3A_1161 = arith.addi %mul3A_1158, %add3A_1160 : vector<16xi32>
          %jit3A_1162 = arith.constant 100000 : i32
          %eq3A_1163 = arith.constant 0 : i32
          %eq3A_1164 = arith.cmpi eq, %jit3A_1162, %eq3A_1163 : i32
          %jit3A_1165 = arith.constant 1 : i32
          %select_n3A_1166 = arith.select %eq3A_1164, %jit3A_1165, %jit3A_1162 : i32
          %rem3A_1167 = vector.broadcast %select_n3A_1166 : i32 to vector<16xi32>
          %rem3A_1168 = arith.remui %add3A_1161, %rem3A_1167 : vector<16xi32>
          %ne3A_1169 = arith.constant 0 : i32
          %ne3A_1170 = vector.broadcast %ne3A_1169 : i32 to vector<16xi32>
          %ne3A_1171 = arith.cmpi ne, %rem3A_1168, %ne3A_1170 : vector<16xi32>
          %lt3A_1172 = arith.constant 0 : i32
          %lt3A_1173 = vector.broadcast %lt3A_1172 : i32 to vector<16xi32>
          %lt3A_1174 = arith.cmpi ult, %rem3A_1168, %lt3A_1173 : vector<16xi32>
          %lt3A_1175 = arith.constant 0 : i32
          %lt3A_1176 = arith.cmpi ult, %select_n3A_1166, %lt3A_1175 : i32
          %ne3A_1177 = vector.broadcast %lt3A_1176 : i1 to vector<16xi1>
          %ne3A_1178 = vector.broadcast %ne3A_1177 : vector<16xi1> to vector<16xi1>
          %ne3A_1179 = arith.xori %lt3A_1174, %ne3A_1178 : vector<16xi1>
          %and3A_1180 = arith.andi %ne3A_1179, %ne3A_1171 : vector<16xi1>
          %add3A_1181 = vector.broadcast %select_n3A_1166 : i32 to vector<16xi32>
          %add3A_1182 = arith.addi %rem3A_1168, %add3A_1181 : vector<16xi32>
          %select_n3A_1183 = arith.select %and3A_1180, %add3A_1182, %rem3A_1168 : vector<16xi1>, vector<16xi32>
          %swap3A_1184 = arith.constant 0 : i32
          %swap3A_1185 = arith.constant 2 : i32
          %swap3A_1186 = arith.index_cast %swap3A_1184 : i32 to index
          %swap3A_1187 = arith.index_cast %swap3A_1185 : i32 to index
          %swap3A_1188 = arith.index_cast %mul3A_1084 : i32 to index
          %swap3A_1189 = tpu.vector_load %arg13[%swap3A_1186, %swap3A_1187, %swap3A_1188] {strides = array<i32>} : memref<2x10x256xi32, #tpu.memory_space<vmem>>, vector<1x1x16xi32>,
          %swap3A_1190 = vector.shape_cast %swap3A_1189 : vector<1x1x16xi32> to vector<16xi32>
          %swap3A_1191 = vector.shape_cast %select_n3A_1183 : vector<16xi32> to vector<1x1x16xi32>
          tpu.vector_store %arg13[%swap3A_1186, %swap3A_1187, %swap3A_1188], %swap3A_1191 {strides = array<i32>} : memref<2x10x256xi32, #tpu.memory_space<vmem>>, vector<1x1x16xi32>,
          %mul3A_1192 = arith.constant 668265263 : i32
          %mul3A_1193 = vector.broadcast %mul3A_1192 : i32 to vector<16xi32>
          %mul3A_1194 = arith.muli %get3A_1090, %mul3A_1193 : vector<16xi32>
          %add3A_1195 = arith.constant -1521486534 : i32
          %add3A_1196 = vector.broadcast %add3A_1195 : i32 to vector<16xi32>
          %add3A_1197 = arith.addi %mul3A_1194, %add3A_1196 : vector<16xi32>
          %jit3A_1198 = arith.constant 100000 : i32
          %eq3A_1199 = arith.constant 0 : i32
          %eq3A_1200 = arith.cmpi eq, %jit3A_1198, %eq3A_1199 : i32
          %jit3A_1201 = arith.constant 1 : i32
          %select_n3A_1202 = arith.select %eq3A_1200, %jit3A_1201, %jit3A_1198 : i32
          %rem3A_1203 = vector.broadcast %select_n3A_1202 : i32 to vector<16xi32>
          %rem3A_1204 = arith.remui %add3A_1197, %rem3A_1203 : vector<16xi32>
          %ne3A_1205 = arith.constant 0 : i32
          %ne3A_1206 = vector.broadcast %ne3A_1205 : i32 to vector<16xi32>
          %ne3A_1207 = arith.cmpi ne, %rem3A_1204, %ne3A_1206 : vector<16xi32>
          %lt3A_1208 = arith.constant 0 : i32
          %lt3A_1209 = vector.broadcast %lt3A_1208 : i32 to vector<16xi32>
          %lt3A_1210 = arith.cmpi ult, %rem3A_1204, %lt3A_1209 : vector<16xi32>
          %lt3A_1211 = arith.constant 0 : i32
          %lt3A_1212 = arith.cmpi ult, %select_n3A_1202, %lt3A_1211 : i32
          %ne3A_1213 = vector.broadcast %lt3A_1212 : i1 to vector<16xi1>
          %ne3A_1214 = vector.broadcast %ne3A_1213 : vector<16xi1> to vector<16xi1>
          %ne3A_1215 = arith.xori %lt3A_1210, %ne3A_1214 : vector<16xi1>
          %and3A_1216 = arith.andi %ne3A_1215, %ne3A_1207 : vector<16xi1>
          %add3A_1217 = vector.broadcast %select_n3A_1202 : i32 to vector<16xi32>
          %add3A_1218 = arith.addi %rem3A_1204, %add3A_1217 : vector<16xi32>
          %select_n3A_1219 = arith.select %and3A_1216, %add3A_1218, %rem3A_1204 : vector<16xi1>, vector<16xi32>
          %swap3A_1220 = arith.constant 0 : i32
          %swap3A_1221 = arith.constant 3 : i32
          %swap3A_1222 = arith.index_cast %swap3A_1220 : i32 to index
          %swap3A_1223 = arith.index_cast %swap3A_1221 : i32 to index
          %swap3A_1224 = arith.index_cast %mul3A_1084 : i32 to index
          %swap3A_1225 = tpu.vector_load %arg13[%swap3A_1222, %swap3A_1223, %swap3A_1224] {strides = array<i32>} : memref<2x10x256xi32, #tpu.memory_space<vmem>>, vector<1x1x16xi32>,
          %swap3A_1226 = vector.shape_cast %swap3A_1225 : vector<1x1x16xi32> to vector<16xi32>
          %swap3A_1227 = vector.shape_cast %select_n3A_1219 : vector<16xi32> to vector<1x1x16xi32>
          tpu.vector_store %arg13[%swap3A_1222, %swap3A_1223, %swap3A_1224], %swap3A_1227 {strides = array<i32>} : memref<2x10x256xi32, #tpu.memory_space<vmem>>, vector<1x1x16xi32>,
          %get3A_1228 = arith.constant 0 : i32
          %get3A_1229 = arith.constant 1 : i32
          %get3A_1230 = arith.index_cast %get3A_1228 : i32 to index
          %get3A_1231 = arith.index_cast %get3A_1229 : i32 to index
          %get3A_1232 = arith.index_cast %mul3A_1084 : i32 to index
          %get3A_1233 = tpu.vector_load %arg12[%get3A_1230, %get3A_1231, %get3A_1232] {strides = array<i32>} : memref<2x7x256xi32, #tpu.memory_space<vmem>>, vector<1x1x16xi32>,
          %get3A_1234 = vector.shape_cast %get3A_1233 : vector<1x1x16xi32> to vector<16xi32>
          %add3A_1235 = arith.constant 0 : i32
          %add3A_1236 = vector.broadcast %add3A_1235 : i32 to vector<16xi32>
          %add3A_1237 = arith.addi %get3A_1234, %add3A_1236 : vector<16xi32>
          %swap3A_1238 = arith.constant 0 : i32
          %swap3A_1239 = arith.constant 4 : i32
          %swap3A_1240 = arith.index_cast %swap3A_1238 : i32 to index
          %swap3A_1241 = arith.index_cast %swap3A_1239 : i32 to index
          %swap3A_1242 = arith.index_cast %mul3A_1084 : i32 to index
          %swap3A_1243 = tpu.vector_load %arg13[%swap3A_1240, %swap3A_1241, %swap3A_1242] {strides = array<i32>} : memref<2x10x256xi32, #tpu.memory_space<vmem>>, vector<1x1x16xi32>,
          %swap3A_1244 = vector.shape_cast %swap3A_1243 : vector<1x1x16xi32> to vector<16xi32>
          %swap3A_1245 = vector.shape_cast %add3A_1237 : vector<16xi32> to vector<1x1x16xi32>
          tpu.vector_store %arg13[%swap3A_1240, %swap3A_1241, %swap3A_1242], %swap3A_1245 {strides = array<i32>} : memref<2x10x256xi32, #tpu.memory_space<vmem>>, vector<1x1x16xi32>,
          %get3A_1246 = arith.constant 0 : i32
          %get3A_1247 = arith.constant 2 : i32
          %get3A_1248 = arith.index_cast %get3A_1246 : i32 to index
          %get3A_1249 = arith.index_cast %get3A_1247 : i32 to index
          %get3A_1250 = arith.index_cast %mul3A_1084 : i32 to index
          %get3A_1251 = tpu.vector_load %arg12[%get3A_1248, %get3A_1249, %get3A_1250] {strides = array<i32>} : memref<2x7x256xi32, #tpu.memory_space<vmem>>, vector<1x1x16xi32>,
          %get3A_1252 = vector.shape_cast %get3A_1251 : vector<1x1x16xi32> to vector<16xi32>
          %add3A_1253 = arith.constant 0 : i32
          %add3A_1254 = vector.broadcast %add3A_1253 : i32 to vector<16xi32>
          %add3A_1255 = arith.addi %get3A_1252, %add3A_1254 : vector<16xi32>
          %swap3A_1256 = arith.constant 0 : i32
          %swap3A_1257 = arith.constant 5 : i32
          %swap3A_1258 = arith.index_cast %swap3A_1256 : i32 to index
          %swap3A_1259 = arith.index_cast %swap3A_1257 : i32 to index
          %swap3A_1260 = arith.index_cast %mul3A_1084 : i32 to index
          %swap3A_1261 = tpu.vector_load %arg13[%swap3A_1258, %swap3A_1259, %swap3A_1260] {strides = array<i32>} : memref<2x10x256xi32, #tpu.memory_space<vmem>>, vector<1x1x16xi32>,
          %swap3A_1262 = vector.shape_cast %swap3A_1261 : vector<1x1x16xi32> to vector<16xi32>
          %swap3A_1263 = vector.shape_cast %add3A_1255 : vector<16xi32> to vector<1x1x16xi32>
          tpu.vector_store %arg13[%swap3A_1258, %swap3A_1259, %swap3A_1260], %swap3A_1263 {strides = array<i32>} : memref<2x10x256xi32, #tpu.memory_space<vmem>>, vector<1x1x16xi32>,
          %get3A_1264 = arith.constant 0 : i32
          %get3A_1265 = arith.constant 3 : i32
          %get3A_1266 = arith.index_cast %get3A_1264 : i32 to index
          %get3A_1267 = arith.index_cast %get3A_1265 : i32 to index
          %get3A_1268 = arith.index_cast %mul3A_1084 : i32 to index
          %get3A_1269 = tpu.vector_load %arg12[%get3A_1266, %get3A_1267, %get3A_1268] {strides = array<i32>} : memref<2x7x256xi32, #tpu.memory_space<vmem>>, vector<1x1x16xi32>,
          %get3A_1270 = vector.shape_cast %get3A_1269 : vector<1x1x16xi32> to vector<16xi32>
          %add3A_1271 = arith.constant 1025 : i32
          %add3A_1272 = vector.broadcast %add3A_1271 : i32 to vector<16xi32>
          %add3A_1273 = arith.addi %get3A_1270, %add3A_1272 : vector<16xi32>
          %swap3A_1274 = arith.constant 0 : i32
          %swap3A_1275 = arith.constant 6 : i32
          %swap3A_1276 = arith.index_cast %swap3A_1274 : i32 to index
          %swap3A_1277 = arith.index_cast %swap3A_1275 : i32 to index
          %swap3A_1278 = arith.index_cast %mul3A_1084 : i32 to index
          %swap3A_1279 = tpu.vector_load %arg13[%swap3A_1276, %swap3A_1277, %swap3A_1278] {strides = array<i32>} : memref<2x10x256xi32, #tpu.memory_space<vmem>>, vector<1x1x16xi32>,
          %swap3A_1280 = vector.shape_cast %swap3A_1279 : vector<1x1x16xi32> to vector<16xi32>
          %swap3A_1281 = vector.shape_cast %add3A_1273 : vector<16xi32> to vector<1x1x16xi32>
          tpu.vector_store %arg13[%swap3A_1276, %swap3A_1277, %swap3A_1278], %swap3A_1281 {strides = array<i32>} : memref<2x10x256xi32, #tpu.memory_space<vmem>>, vector<1x1x16xi32>,
          %get3A_1282 = arith.constant 0 : i32
          %get3A_1283 = arith.constant 4 : i32
          %get3A_1284 = arith.index_cast %get3A_1282 : i32 to index
          %get3A_1285 = arith.index_cast %get3A_1283 : i32 to index
          %get3A_1286 = arith.index_cast %mul3A_1084 : i32 to index
          %get3A_1287 = tpu.vector_load %arg12[%get3A_1284, %get3A_1285, %get3A_1286] {strides = array<i32>} : memref<2x7x256xi32, #tpu.memory_space<vmem>>, vector<1x1x16xi32>,
          %get3A_1288 = vector.shape_cast %get3A_1287 : vector<1x1x16xi32> to vector<16xi32>
          %add3A_1289 = arith.constant 1025 : i32
          %add3A_1290 = vector.broadcast %add3A_1289 : i32 to vector<16xi32>
          %add3A_1291 = arith.addi %get3A_1288, %add3A_1290 : vector<16xi32>
          %swap3A_1292 = arith.constant 0 : i32
          %swap3A_1293 = arith.constant 7 : i32
          %swap3A_1294 = arith.index_cast %swap3A_1292 : i32 to index
          %swap3A_1295 = arith.index_cast %swap3A_1293 : i32 to index
          %swap3A_1296 = arith.index_cast %mul3A_1084 : i32 to index
          %swap3A_1297 = tpu.vector_load %arg13[%swap3A_1294, %swap3A_1295, %swap3A_1296] {strides = array<i32>} : memref<2x10x256xi32, #tpu.memory_space<vmem>>, vector<1x1x16xi32>,
          %swap3A_1298 = vector.shape_cast %swap3A_1297 : vector<1x1x16xi32> to vector<16xi32>
          %swap3A_1299 = vector.shape_cast %add3A_1291 : vector<16xi32> to vector<1x1x16xi32>
          tpu.vector_store %arg13[%swap3A_1294, %swap3A_1295, %swap3A_1296], %swap3A_1299 {strides = array<i32>} : memref<2x10x256xi32, #tpu.memory_space<vmem>>, vector<1x1x16xi32>,
          %get3A_1300 = arith.constant 0 : i32
          %get3A_1301 = arith.constant 5 : i32
          %get3A_1302 = arith.index_cast %get3A_1300 : i32 to index
          %get3A_1303 = arith.index_cast %get3A_1301 : i32 to index
          %get3A_1304 = arith.index_cast %mul3A_1084 : i32 to index
          %get3A_1305 = tpu.vector_load %arg12[%get3A_1302, %get3A_1303, %get3A_1304] {strides = array<i32>} : memref<2x7x256xi32, #tpu.memory_space<vmem>>, vector<1x1x16xi32>,
          %get3A_1306 = vector.shape_cast %get3A_1305 : vector<1x1x16xi32> to vector<16xi32>
          %add3A_1307 = arith.constant 1794 : i32
          %add3A_1308 = vector.broadcast %add3A_1307 : i32 to vector<16xi32>
          %add3A_1309 = arith.addi %get3A_1306, %add3A_1308 : vector<16xi32>
          %swap3A_1310 = arith.constant 0 : i32
          %swap3A_1311 = arith.constant 8 : i32
          %swap3A_1312 = arith.index_cast %swap3A_1310 : i32 to index
          %swap3A_1313 = arith.index_cast %swap3A_1311 : i32 to index
          %swap3A_1314 = arith.index_cast %mul3A_1084 : i32 to index
          %swap3A_1315 = tpu.vector_load %arg13[%swap3A_1312, %swap3A_1313, %swap3A_1314] {strides = array<i32>} : memref<2x10x256xi32, #tpu.memory_space<vmem>>, vector<1x1x16xi32>,
          %swap3A_1316 = vector.shape_cast %swap3A_1315 : vector<1x1x16xi32> to vector<16xi32>
          %swap3A_1317 = vector.shape_cast %add3A_1309 : vector<16xi32> to vector<1x1x16xi32>
          tpu.vector_store %arg13[%swap3A_1312, %swap3A_1313, %swap3A_1314], %swap3A_1317 {strides = array<i32>} : memref<2x10x256xi32, #tpu.memory_space<vmem>>, vector<1x1x16xi32>,
          %get3A_1318 = arith.constant 0 : i32
          %get3A_1319 = arith.constant 6 : i32
          %get3A_1320 = arith.index_cast %get3A_1318 : i32 to index
          %get3A_1321 = arith.index_cast %get3A_1319 : i32 to index
          %get3A_1322 = arith.index_cast %mul3A_1084 : i32 to index
          %get3A_1323 = tpu.vector_load %arg12[%get3A_1320, %get3A_1321, %get3A_1322] {strides = array<i32>} : memref<2x7x256xi32, #tpu.memory_space<vmem>>, vector<1x1x16xi32>,
          %get3A_1324 = vector.shape_cast %get3A_1323 : vector<1x1x16xi32> to vector<16xi32>
          %add3A_1325 = arith.constant 2819 : i32
          %add3A_1326 = vector.broadcast %add3A_1325 : i32 to vector<16xi32>
          %add3A_1327 = arith.addi %get3A_1324, %add3A_1326 : vector<16xi32>
          %swap3A_1328 = arith.constant 0 : i32
          %swap3A_1329 = arith.constant 9 : i32
          %swap3A_1330 = arith.index_cast %swap3A_1328 : i32 to index
          %swap3A_1331 = arith.index_cast %swap3A_1329 : i32 to index
          %swap3A_1332 = arith.index_cast %mul3A_1084 : i32 to index
          %swap3A_1333 = tpu.vector_load %arg13[%swap3A_1330, %swap3A_1331, %swap3A_1332] {strides = array<i32>} : memref<2x10x256xi32, #tpu.memory_space<vmem>>, vector<1x1x16xi32>,
          %swap3A_1334 = vector.shape_cast %swap3A_1333 : vector<1x1x16xi32> to vector<16xi32>
          %swap3A_1335 = vector.shape_cast %add3A_1327 : vector<16xi32> to vector<1x1x16xi32>
          tpu.vector_store %arg13[%swap3A_1330, %swap3A_1331, %swap3A_1332], %swap3A_1335 {strides = array<i32>} : memref<2x10x256xi32, #tpu.memory_space<vmem>>, vector<1x1x16xi32>,
        }
        %scan3A_1055 = arith.constant 16 : i32
        %dma_start3A_1056 = arith.constant 0 : i32
        %dma_start3A_1057 = arith.constant 0 : i32
        %dma_start3A_1058 = arith.constant 0 : i32
        %dma_start3A_1059 = arith.constant 0 : i32
        %dma_start3A_1060 = arith.constant 0 : i32
        %dma_start3A_1061 = tpu.memref_slice %arg14[%dma_start3A_1058, %dma_start3A_1059, %dma_start3A_1060] : memref<2x256x64xf32, #tpu.memory_space<vmem>> -> memref<1x256x64xf32, #tpu.memory_space<vmem>>
        %dma_start3A_1062 = tpu.memref_squeeze %dma_start3A_1061 : memref<1x256x64xf32, #tpu.memory_space<vmem>> -> memref<256x64xf32, #tpu.memory_space<vmem>>
        %dma_start3A_1063 = arith.constant 0 : i32
        %dma_start3A_1064 = tpu.memref_slice %arg13[%dma_start3A_1056, %dma_start3A_1057, %dma_start3A_1063] : memref<2x10x256xi32, #tpu.memory_space<vmem>> -> memref<1x1x256xi32, #tpu.memory_space<vmem>>
        %dma_start3A_1065 = tpu.memref_squeeze %dma_start3A_1064 : memref<1x1x256xi32, #tpu.memory_space<vmem>> -> memref<256xi32, #tpu.memory_space<vmem>>
        %dma_start3A_1066 = arith.constant 0 : i32
        %dma_start3A_1067 = arith.constant 0 : i32
        %dma_start3A_1068 = tpu.memref_slice %arg9[%dma_start3A_1066, %dma_start3A_1067] : memref<100000x64xf32, #tpu.memory_space<hbm>> -> memref<100000x64xf32, #tpu.memory_space<hbm>>
        tpu.enqueue_indirect_dma source(%dma_start3A_1068 : memref<100000x64xf32, #tpu.memory_space<hbm>>) target(%dma_start3A_1062 : memref<256x64xf32, #tpu.memory_space<vmem>>) offsets(%dma_start3A_1065 : memref<256xi32, #tpu.memory_space<vmem>>) semaphore(%arg19 : memref<!tpu.dma_semaphore, #tpu.memory_space<semaphore_mem>>)
        %dma_start3A_1069 = arith.constant 0 : i32
        %dma_start3A_1070 = arith.constant 4 : i32
        %dma_start3A_1071 = arith.constant 0 : i32
        %dma_start3A_1072 = arith.constant 0 : i32
        %dma_start3A_1073 = arith.constant 0 : i32
        %dma_start3A_1074 = tpu.memref_slice %arg15[%dma_start3A_1071, %dma_start3A_1072, %dma_start3A_1073] : memref<2x256x64xf32, #tpu.memory_space<vmem>> -> memref<1x256x64xf32, #tpu.memory_space<vmem>>
        %dma_start3A_1075 = tpu.memref_squeeze %dma_start3A_1074 : memref<1x256x64xf32, #tpu.memory_space<vmem>> -> memref<256x64xf32, #tpu.memory_space<vmem>>
        %dma_start3A_1076 = arith.constant 0 : i32
        %dma_start3A_1077 = tpu.memref_slice %arg13[%dma_start3A_1069, %dma_start3A_1070, %dma_start3A_1076] : memref<2x10x256xi32, #tpu.memory_space<vmem>> -> memref<1x1x256xi32, #tpu.memory_space<vmem>>
        %dma_start3A_1078 = tpu.memref_squeeze %dma_start3A_1077 : memref<1x1x256xi32, #tpu.memory_space<vmem>> -> memref<256xi32, #tpu.memory_space<vmem>>
        %dma_start3A_1079 = arith.constant 0 : i32
        %dma_start3A_1080 = arith.constant 0 : i32
        %dma_start3A_1081 = tpu.memref_slice %arg10[%dma_start3A_1079, %dma_start3A_1080] : memref<3600x64xf32, #tpu.memory_space<hbm>> -> memref<3600x64xf32, #tpu.memory_space<hbm>>
        tpu.enqueue_indirect_dma source(%dma_start3A_1081 : memref<3600x64xf32, #tpu.memory_space<hbm>>) target(%dma_start3A_1075 : memref<256x64xf32, #tpu.memory_space<vmem>>) offsets(%dma_start3A_1078 : memref<256xi32, #tpu.memory_space<vmem>>) semaphore(%arg19 : memref<!tpu.dma_semaphore, #tpu.memory_space<semaphore_mem>>)
      } else {
      }
      %add3A_794 = arith.constant 3 : i32
      %add3A_795 = arith.addi %mul3A_652, %add3A_794 : i32
      %lt3A_796 = arith.constant 100 : i32
      %lt3A_797 = arith.cmpi slt, %add3A_795, %lt3A_796 : i32
      %convert_element_type3A_798 = arith.extui %lt3A_797 : i1 to i32
      %cond3A_799 = arith.constant 0 : i32
      %cond3A_800 = arith.cmpi ne, %convert_element_type3A_798, %cond3A_799 : i32
      scf.if %cond3A_800 {
        %add3A_957 = arith.constant 3 : i32
        %add3A_958 = arith.addi %mul3A_652, %add3A_957 : i32
        %mul3A_959 = arith.constant 256 : i32
        %mul3A_960 = arith.muli %add3A_958, %mul3A_959 : i32
        %add3A_961 = arith.addi %mul3A_2, %mul3A_960 : i32
        %dma_start3A_962 = arith.constant 1 : i32
        %dma_start3A_963 = arith.constant 0 : i32
        %dma_start3A_964 = arith.constant 0 : i32
        %dma_start3A_965 = tpu.memref_slice %arg12[%dma_start3A_962, %dma_start3A_963, %dma_start3A_964] : memref<2x7x256xi32, #tpu.memory_space<vmem>> -> memref<1x1x256xi32, #tpu.memory_space<vmem>>
        %dma_start3A_966 = tpu.memref_squeeze %dma_start3A_965 : memref<1x1x256xi32, #tpu.memory_space<vmem>> -> memref<256xi32, #tpu.memory_space<vmem>>
        %dma_start3A_967 = tpu.memref_slice %arg2[%add3A_961] : memref<819200xi32, #tpu.memory_space<hbm>> -> memref<256xi32, #tpu.memory_space<hbm>>
        %dma_start3A_968 = arith.constant 0 : i32
        %dma_start3A_969 = tpu.memref_slice %arg12[%dma_start3A_962, %dma_start3A_963, %dma_start3A_968] : memref<2x7x256xi32, #tpu.memory_space<vmem>> -> memref<1x1x256xi32, #tpu.memory_space<vmem>>
        %dma_start3A_970 = tpu.memref_squeeze %dma_start3A_969 : memref<1x1x256xi32, #tpu.memory_space<vmem>> -> memref<256xi32, #tpu.memory_space<vmem>>
        %dma_start3A_971 = tpu.memref_slice %arg2[%add3A_961] : memref<819200xi32, #tpu.memory_space<hbm>> -> memref<256xi32, #tpu.memory_space<hbm>>
        tpu.enqueue_dma source(%dma_start3A_971 : memref<256xi32, #tpu.memory_space<hbm>>) target(%dma_start3A_970 : memref<256xi32, #tpu.memory_space<vmem>>) target_semaphore(%arg18 : memref<!tpu.dma_semaphore, #tpu.memory_space<semaphore_mem>>)
        %mul3A_972 = arith.constant 256 : i32
        %mul3A_973 = arith.muli %add3A_958, %mul3A_972 : i32
        %add3A_974 = arith.addi %mul3A_2, %mul3A_973 : i32
        %dma_start3A_975 = arith.constant 1 : i32
        %dma_start3A_976 = arith.constant 1 : i32
        %dma_start3A_977 = arith.constant 0 : i32
        %dma_start3A_978 = tpu.memref_slice %arg12[%dma_start3A_975, %dma_start3A_976, %dma_start3A_977] : memref<2x7x256xi32, #tpu.memory_space<vmem>> -> memref<1x1x256xi32, #tpu.memory_space<vmem>>
        %dma_start3A_979 = tpu.memref_squeeze %dma_start3A_978 : memref<1x1x256xi32, #tpu.memory_space<vmem>> -> memref<256xi32, #tpu.memory_space<vmem>>
        %dma_start3A_980 = tpu.memref_slice %arg3[%add3A_974] : memref<819200xi32, #tpu.memory_space<hbm>> -> memref<256xi32, #tpu.memory_space<hbm>>
        %dma_start3A_981 = arith.constant 0 : i32
        %dma_start3A_982 = tpu.memref_slice %arg12[%dma_start3A_975, %dma_start3A_976, %dma_start3A_981] : memref<2x7x256xi32, #tpu.memory_space<vmem>> -> memref<1x1x256xi32, #tpu.memory_space<vmem>>
        %dma_start3A_983 = tpu.memref_squeeze %dma_start3A_982 : memref<1x1x256xi32, #tpu.memory_space<vmem>> -> memref<256xi32, #tpu.memory_space<vmem>>
        %dma_start3A_984 = tpu.memref_slice %arg3[%add3A_974] : memref<819200xi32, #tpu.memory_space<hbm>> -> memref<256xi32, #tpu.memory_space<hbm>>
        tpu.enqueue_dma source(%dma_start3A_984 : memref<256xi32, #tpu.memory_space<hbm>>) target(%dma_start3A_983 : memref<256xi32, #tpu.memory_space<vmem>>) target_semaphore(%arg18 : memref<!tpu.dma_semaphore, #tpu.memory_space<semaphore_mem>>)
        %mul3A_985 = arith.constant 256 : i32
        %mul3A_986 = arith.muli %add3A_958, %mul3A_985 : i32
        %add3A_987 = arith.addi %mul3A_2, %mul3A_986 : i32
        %dma_start3A_988 = arith.constant 1 : i32
        %dma_start3A_989 = arith.constant 2 : i32
        %dma_start3A_990 = arith.constant 0 : i32
        %dma_start3A_991 = tpu.memref_slice %arg12[%dma_start3A_988, %dma_start3A_989, %dma_start3A_990] : memref<2x7x256xi32, #tpu.memory_space<vmem>> -> memref<1x1x256xi32, #tpu.memory_space<vmem>>
        %dma_start3A_992 = tpu.memref_squeeze %dma_start3A_991 : memref<1x1x256xi32, #tpu.memory_space<vmem>> -> memref<256xi32, #tpu.memory_space<vmem>>
        %dma_start3A_993 = tpu.memref_slice %arg4[%add3A_987] : memref<819200xi32, #tpu.memory_space<hbm>> -> memref<256xi32, #tpu.memory_space<hbm>>
        %dma_start3A_994 = arith.constant 0 : i32
        %dma_start3A_995 = tpu.memref_slice %arg12[%dma_start3A_988, %dma_start3A_989, %dma_start3A_994] : memref<2x7x256xi32, #tpu.memory_space<vmem>> -> memref<1x1x256xi32, #tpu.memory_space<vmem>>
        %dma_start3A_996 = tpu.memref_squeeze %dma_start3A_995 : memref<1x1x256xi32, #tpu.memory_space<vmem>> -> memref<256xi32, #tpu.memory_space<vmem>>
        %dma_start3A_997 = tpu.memref_slice %arg4[%add3A_987] : memref<819200xi32, #tpu.memory_space<hbm>> -> memref<256xi32, #tpu.memory_space<hbm>>
        tpu.enqueue_dma source(%dma_start3A_997 : memref<256xi32, #tpu.memory_space<hbm>>) target(%dma_start3A_996 : memref<256xi32, #tpu.memory_space<vmem>>) target_semaphore(%arg18 : memref<!tpu.dma_semaphore, #tpu.memory_space<semaphore_mem>>)
        %mul3A_998 = arith.constant 256 : i32
        %mul3A_999 = arith.muli %add3A_958, %mul3A_998 : i32
        %add3A_1000 = arith.addi %mul3A_2, %mul3A_999 : i32
        %dma_start3A_1001 = arith.constant 1 : i32
        %dma_start3A_1002 = arith.constant 3 : i32
        %dma_start3A_1003 = arith.constant 0 : i32
        %dma_start3A_1004 = tpu.memref_slice %arg12[%dma_start3A_1001, %dma_start3A_1002, %dma_start3A_1003] : memref<2x7x256xi32, #tpu.memory_space<vmem>> -> memref<1x1x256xi32, #tpu.memory_space<vmem>>
        %dma_start3A_1005 = tpu.memref_squeeze %dma_start3A_1004 : memref<1x1x256xi32, #tpu.memory_space<vmem>> -> memref<256xi32, #tpu.memory_space<vmem>>
        %dma_start3A_1006 = tpu.memref_slice %arg5[%add3A_1000] : memref<819200xi32, #tpu.memory_space<hbm>> -> memref<256xi32, #tpu.memory_space<hbm>>
        %dma_start3A_1007 = arith.constant 0 : i32
        %dma_start3A_1008 = tpu.memref_slice %arg12[%dma_start3A_1001, %dma_start3A_1002, %dma_start3A_1007] : memref<2x7x256xi32, #tpu.memory_space<vmem>> -> memref<1x1x256xi32, #tpu.memory_space<vmem>>
        %dma_start3A_1009 = tpu.memref_squeeze %dma_start3A_1008 : memref<1x1x256xi32, #tpu.memory_space<vmem>> -> memref<256xi32, #tpu.memory_space<vmem>>
        %dma_start3A_1010 = tpu.memref_slice %arg5[%add3A_1000] : memref<819200xi32, #tpu.memory_space<hbm>> -> memref<256xi32, #tpu.memory_space<hbm>>
        tpu.enqueue_dma source(%dma_start3A_1010 : memref<256xi32, #tpu.memory_space<hbm>>) target(%dma_start3A_1009 : memref<256xi32, #tpu.memory_space<vmem>>) target_semaphore(%arg18 : memref<!tpu.dma_semaphore, #tpu.memory_space<semaphore_mem>>)
        %mul3A_1011 = arith.constant 256 : i32
        %mul3A_1012 = arith.muli %add3A_958, %mul3A_1011 : i32
        %add3A_1013 = arith.addi %mul3A_2, %mul3A_1012 : i32
        %dma_start3A_1014 = arith.constant 1 : i32
        %dma_start3A_1015 = arith.constant 4 : i32
        %dma_start3A_1016 = arith.constant 0 : i32
        %dma_start3A_1017 = tpu.memref_slice %arg12[%dma_start3A_1014, %dma_start3A_1015, %dma_start3A_1016] : memref<2x7x256xi32, #tpu.memory_space<vmem>> -> memref<1x1x256xi32, #tpu.memory_space<vmem>>
        %dma_start3A_1018 = tpu.memref_squeeze %dma_start3A_1017 : memref<1x1x256xi32, #tpu.memory_space<vmem>> -> memref<256xi32, #tpu.memory_space<vmem>>
        %dma_start3A_1019 = tpu.memref_slice %arg6[%add3A_1013] : memref<819200xi32, #tpu.memory_space<hbm>> -> memref<256xi32, #tpu.memory_space<hbm>>
        %dma_start3A_1020 = arith.constant 0 : i32
        %dma_start3A_1021 = tpu.memref_slice %arg12[%dma_start3A_1014, %dma_start3A_1015, %dma_start3A_1020] : memref<2x7x256xi32, #tpu.memory_space<vmem>> -> memref<1x1x256xi32, #tpu.memory_space<vmem>>
        %dma_start3A_1022 = tpu.memref_squeeze %dma_start3A_1021 : memref<1x1x256xi32, #tpu.memory_space<vmem>> -> memref<256xi32, #tpu.memory_space<vmem>>
        %dma_start3A_1023 = tpu.memref_slice %arg6[%add3A_1013] : memref<819200xi32, #tpu.memory_space<hbm>> -> memref<256xi32, #tpu.memory_space<hbm>>
        tpu.enqueue_dma source(%dma_start3A_1023 : memref<256xi32, #tpu.memory_space<hbm>>) target(%dma_start3A_1022 : memref<256xi32, #tpu.memory_space<vmem>>) target_semaphore(%arg18 : memref<!tpu.dma_semaphore, #tpu.memory_space<semaphore_mem>>)
        %mul3A_1024 = arith.constant 256 : i32
        %mul3A_1025 = arith.muli %add3A_958, %mul3A_1024 : i32
        %add3A_1026 = arith.addi %mul3A_2, %mul3A_1025 : i32
        %dma_start3A_1027 = arith.constant 1 : i32
        %dma_start3A_1028 = arith.constant 5 : i32
        %dma_start3A_1029 = arith.constant 0 : i32
        %dma_start3A_1030 = tpu.memref_slice %arg12[%dma_start3A_1027, %dma_start3A_1028, %dma_start3A_1029] : memref<2x7x256xi32, #tpu.memory_space<vmem>> -> memref<1x1x256xi32, #tpu.memory_space<vmem>>
        %dma_start3A_1031 = tpu.memref_squeeze %dma_start3A_1030 : memref<1x1x256xi32, #tpu.memory_space<vmem>> -> memref<256xi32, #tpu.memory_space<vmem>>
        %dma_start3A_1032 = tpu.memref_slice %arg7[%add3A_1026] : memref<819200xi32, #tpu.memory_space<hbm>> -> memref<256xi32, #tpu.memory_space<hbm>>
        %dma_start3A_1033 = arith.constant 0 : i32
        %dma_start3A_1034 = tpu.memref_slice %arg12[%dma_start3A_1027, %dma_start3A_1028, %dma_start3A_1033] : memref<2x7x256xi32, #tpu.memory_space<vmem>> -> memref<1x1x256xi32, #tpu.memory_space<vmem>>
        %dma_start3A_1035 = tpu.memref_squeeze %dma_start3A_1034 : memref<1x1x256xi32, #tpu.memory_space<vmem>> -> memref<256xi32, #tpu.memory_space<vmem>>
        %dma_start3A_1036 = tpu.memref_slice %arg7[%add3A_1026] : memref<819200xi32, #tpu.memory_space<hbm>> -> memref<256xi32, #tpu.memory_space<hbm>>
        tpu.enqueue_dma source(%dma_start3A_1036 : memref<256xi32, #tpu.memory_space<hbm>>) target(%dma_start3A_1035 : memref<256xi32, #tpu.memory_space<vmem>>) target_semaphore(%arg18 : memref<!tpu.dma_semaphore, #tpu.memory_space<semaphore_mem>>)
        %mul3A_1037 = arith.constant 256 : i32
        %mul3A_1038 = arith.muli %add3A_958, %mul3A_1037 : i32
        %add3A_1039 = arith.addi %mul3A_2, %mul3A_1038 : i32
        %dma_start3A_1040 = arith.constant 1 : i32
        %dma_start3A_1041 = arith.constant 6 : i32
        %dma_start3A_1042 = arith.constant 0 : i32
        %dma_start3A_1043 = tpu.memref_slice %arg12[%dma_start3A_1040, %dma_start3A_1041, %dma_start3A_1042] : memref<2x7x256xi32, #tpu.memory_space<vmem>> -> memref<1x1x256xi32, #tpu.memory_space<vmem>>
        %dma_start3A_1044 = tpu.memref_squeeze %dma_start3A_1043 : memref<1x1x256xi32, #tpu.memory_space<vmem>> -> memref<256xi32, #tpu.memory_space<vmem>>
        %dma_start3A_1045 = tpu.memref_slice %arg8[%add3A_1039] : memref<819200xi32, #tpu.memory_space<hbm>> -> memref<256xi32, #tpu.memory_space<hbm>>
        %dma_start3A_1046 = arith.constant 0 : i32
        %dma_start3A_1047 = tpu.memref_slice %arg12[%dma_start3A_1040, %dma_start3A_1041, %dma_start3A_1046] : memref<2x7x256xi32, #tpu.memory_space<vmem>> -> memref<1x1x256xi32, #tpu.memory_space<vmem>>
        %dma_start3A_1048 = tpu.memref_squeeze %dma_start3A_1047 : memref<1x1x256xi32, #tpu.memory_space<vmem>> -> memref<256xi32, #tpu.memory_space<vmem>>
        %dma_start3A_1049 = tpu.memref_slice %arg8[%add3A_1039] : memref<819200xi32, #tpu.memory_space<hbm>> -> memref<256xi32, #tpu.memory_space<hbm>>
        tpu.enqueue_dma source(%dma_start3A_1049 : memref<256xi32, #tpu.memory_space<hbm>>) target(%dma_start3A_1048 : memref<256xi32, #tpu.memory_space<vmem>>) target_semaphore(%arg18 : memref<!tpu.dma_semaphore, #tpu.memory_space<semaphore_mem>>)
      } else {
      }
      %mul3A_801 = arith.constant 2 : i32
      %mul3A_802 = arith.muli %mul3A_801, %scan3A_650 : i32
      %add3A_803 = arith.constant 1 : i32
      %add3A_804 = arith.addi %mul3A_802, %add3A_803 : i32
      %add3A_805 = arith.constant 1 : i32
      %add3A_806 = arith.addi %add3A_804, %add3A_805 : i32
      %lt3A_807 = arith.constant 100 : i32
      %lt3A_808 = arith.cmpi slt, %add3A_806, %lt3A_807 : i32
      %convert_element_type3A_809 = arith.extui %lt3A_808 : i1 to i32
      %cond3A_810 = arith.constant 0 : i32
      %cond3A_811 = arith.cmpi ne, %convert_element_type3A_809, %cond3A_810 : i32
      scf.if %cond3A_811 {
        %dma_wait3A_957 = arith.constant 0 : i32
        %dma_wait3A_958 = arith.constant 0 : i32
        %dma_wait3A_959 = arith.constant 0 : i32
        %dma_wait3A_960 = arith.constant 0 : i32
        %dma_wait3A_961 = arith.constant 0 : i32
        %dma_wait3A_962 = tpu.memref_slice %arg14[%dma_wait3A_959, %dma_wait3A_960, %dma_wait3A_961] : memref<2x256x64xf32, #tpu.memory_space<vmem>> -> memref<1x256x64xf32, #tpu.memory_space<vmem>>
        %dma_wait3A_963 = tpu.memref_squeeze %dma_wait3A_962 : memref<1x256x64xf32, #tpu.memory_space<vmem>> -> memref<256x64xf32, #tpu.memory_space<vmem>>
        %dma_wait3A_964 = arith.constant 0 : i32
        %dma_wait3A_965 = tpu.memref_slice %arg13[%dma_wait3A_957, %dma_wait3A_958, %dma_wait3A_964] : memref<2x10x256xi32, #tpu.memory_space<vmem>> -> memref<1x1x256xi32, #tpu.memory_space<vmem>>
        %dma_wait3A_966 = tpu.memref_squeeze %dma_wait3A_965 : memref<1x1x256xi32, #tpu.memory_space<vmem>> -> memref<256xi32, #tpu.memory_space<vmem>>
        %dma_wait3A_967 = arith.constant 0 : i32
        %dma_wait3A_968 = arith.constant 0 : i32
        %dma_wait3A_969 = tpu.memref_slice %arg9[%dma_wait3A_967, %dma_wait3A_968] : memref<100000x64xf32, #tpu.memory_space<hbm>> -> memref<100000x64xf32, #tpu.memory_space<hbm>>
        tpu.wait_indirect_dma semaphore(%arg19 : memref<!tpu.dma_semaphore, #tpu.memory_space<semaphore_mem>>) src(%dma_wait3A_969 : memref<100000x64xf32, #tpu.memory_space<hbm>>) dst(%dma_wait3A_963 : memref<256x64xf32, #tpu.memory_space<vmem>>)
        %dma_wait3A_970 = arith.constant 0 : i32
        %dma_wait3A_971 = arith.constant 4 : i32
        %dma_wait3A_972 = arith.constant 0 : i32
        %dma_wait3A_973 = arith.constant 0 : i32
        %dma_wait3A_974 = arith.constant 0 : i32
        %dma_wait3A_975 = tpu.memref_slice %arg15[%dma_wait3A_972, %dma_wait3A_973, %dma_wait3A_974] : memref<2x256x64xf32, #tpu.memory_space<vmem>> -> memref<1x256x64xf32, #tpu.memory_space<vmem>>
        %dma_wait3A_976 = tpu.memref_squeeze %dma_wait3A_975 : memref<1x256x64xf32, #tpu.memory_space<vmem>> -> memref<256x64xf32, #tpu.memory_space<vmem>>
        %dma_wait3A_977 = arith.constant 0 : i32
        %dma_wait3A_978 = tpu.memref_slice %arg13[%dma_wait3A_970, %dma_wait3A_971, %dma_wait3A_977] : memref<2x10x256xi32, #tpu.memory_space<vmem>> -> memref<1x1x256xi32, #tpu.memory_space<vmem>>
        %dma_wait3A_979 = tpu.memref_squeeze %dma_wait3A_978 : memref<1x1x256xi32, #tpu.memory_space<vmem>> -> memref<256xi32, #tpu.memory_space<vmem>>
        %dma_wait3A_980 = arith.constant 0 : i32
        %dma_wait3A_981 = arith.constant 0 : i32
        %dma_wait3A_982 = tpu.memref_slice %arg10[%dma_wait3A_980, %dma_wait3A_981] : memref<3600x64xf32, #tpu.memory_space<hbm>> -> memref<3600x64xf32, #tpu.memory_space<hbm>>
        tpu.wait_indirect_dma semaphore(%arg19 : memref<!tpu.dma_semaphore, #tpu.memory_space<semaphore_mem>>) src(%dma_wait3A_982 : memref<3600x64xf32, #tpu.memory_space<hbm>>) dst(%dma_wait3A_976 : memref<256x64xf32, #tpu.memory_space<vmem>>)
        %dma_start3A_983 = arith.constant 0 : i32
        %dma_start3A_984 = arith.constant 1 : i32
        %dma_start3A_985 = arith.constant 0 : i32
        %dma_start3A_986 = arith.constant 0 : i32
        %dma_start3A_987 = arith.constant 0 : i32
        %dma_start3A_988 = tpu.memref_slice %arg14[%dma_start3A_985, %dma_start3A_986, %dma_start3A_987] : memref<2x256x64xf32, #tpu.memory_space<vmem>> -> memref<1x256x64xf32, #tpu.memory_space<vmem>>
        %dma_start3A_989 = tpu.memref_squeeze %dma_start3A_988 : memref<1x256x64xf32, #tpu.memory_space<vmem>> -> memref<256x64xf32, #tpu.memory_space<vmem>>
        %dma_start3A_990 = arith.constant 0 : i32
        %dma_start3A_991 = tpu.memref_slice %arg13[%dma_start3A_983, %dma_start3A_984, %dma_start3A_990] : memref<2x10x256xi32, #tpu.memory_space<vmem>> -> memref<1x1x256xi32, #tpu.memory_space<vmem>>
        %dma_start3A_992 = tpu.memref_squeeze %dma_start3A_991 : memref<1x1x256xi32, #tpu.memory_space<vmem>> -> memref<256xi32, #tpu.memory_space<vmem>>
        %dma_start3A_993 = arith.constant 0 : i32
        %dma_start3A_994 = arith.constant 0 : i32
        %dma_start3A_995 = tpu.memref_slice %arg9[%dma_start3A_993, %dma_start3A_994] : memref<100000x64xf32, #tpu.memory_space<hbm>> -> memref<100000x64xf32, #tpu.memory_space<hbm>>
        tpu.enqueue_indirect_dma source(%dma_start3A_995 : memref<100000x64xf32, #tpu.memory_space<hbm>>) target(%dma_start3A_989 : memref<256x64xf32, #tpu.memory_space<vmem>>) offsets(%dma_start3A_992 : memref<256xi32, #tpu.memory_space<vmem>>) semaphore(%arg21 : memref<!tpu.dma_semaphore, #tpu.memory_space<semaphore_mem>>) {add = true}
        %dma_start3A_996 = arith.constant 0 : i32
        %dma_start3A_997 = arith.constant 2 : i32
        %dma_start3A_998 = arith.constant 0 : i32
        %dma_start3A_999 = arith.constant 0 : i32
        %dma_start3A_1000 = arith.constant 0 : i32
        %dma_start3A_1001 = tpu.memref_slice %arg14[%dma_start3A_998, %dma_start3A_999, %dma_start3A_1000] : memref<2x256x64xf32, #tpu.memory_space<vmem>> -> memref<1x256x64xf32, #tpu.memory_space<vmem>>
        %dma_start3A_1002 = tpu.memref_squeeze %dma_start3A_1001 : memref<1x256x64xf32, #tpu.memory_space<vmem>> -> memref<256x64xf32, #tpu.memory_space<vmem>>
        %dma_start3A_1003 = arith.constant 0 : i32
        %dma_start3A_1004 = tpu.memref_slice %arg13[%dma_start3A_996, %dma_start3A_997, %dma_start3A_1003] : memref<2x10x256xi32, #tpu.memory_space<vmem>> -> memref<1x1x256xi32, #tpu.memory_space<vmem>>
        %dma_start3A_1005 = tpu.memref_squeeze %dma_start3A_1004 : memref<1x1x256xi32, #tpu.memory_space<vmem>> -> memref<256xi32, #tpu.memory_space<vmem>>
        %dma_start3A_1006 = arith.constant 0 : i32
        %dma_start3A_1007 = arith.constant 0 : i32
        %dma_start3A_1008 = tpu.memref_slice %arg9[%dma_start3A_1006, %dma_start3A_1007] : memref<100000x64xf32, #tpu.memory_space<hbm>> -> memref<100000x64xf32, #tpu.memory_space<hbm>>
        tpu.enqueue_indirect_dma source(%dma_start3A_1008 : memref<100000x64xf32, #tpu.memory_space<hbm>>) target(%dma_start3A_1002 : memref<256x64xf32, #tpu.memory_space<vmem>>) offsets(%dma_start3A_1005 : memref<256xi32, #tpu.memory_space<vmem>>) semaphore(%arg21 : memref<!tpu.dma_semaphore, #tpu.memory_space<semaphore_mem>>) {add = true}
        %dma_start3A_1009 = arith.constant 0 : i32
        %dma_start3A_1010 = arith.constant 3 : i32
        %dma_start3A_1011 = arith.constant 0 : i32
        %dma_start3A_1012 = arith.constant 0 : i32
        %dma_start3A_1013 = arith.constant 0 : i32
        %dma_start3A_1014 = tpu.memref_slice %arg14[%dma_start3A_1011, %dma_start3A_1012, %dma_start3A_1013] : memref<2x256x64xf32, #tpu.memory_space<vmem>> -> memref<1x256x64xf32, #tpu.memory_space<vmem>>
        %dma_start3A_1015 = tpu.memref_squeeze %dma_start3A_1014 : memref<1x256x64xf32, #tpu.memory_space<vmem>> -> memref<256x64xf32, #tpu.memory_space<vmem>>
        %dma_start3A_1016 = arith.constant 0 : i32
        %dma_start3A_1017 = tpu.memref_slice %arg13[%dma_start3A_1009, %dma_start3A_1010, %dma_start3A_1016] : memref<2x10x256xi32, #tpu.memory_space<vmem>> -> memref<1x1x256xi32, #tpu.memory_space<vmem>>
        %dma_start3A_1018 = tpu.memref_squeeze %dma_start3A_1017 : memref<1x1x256xi32, #tpu.memory_space<vmem>> -> memref<256xi32, #tpu.memory_space<vmem>>
        %dma_start3A_1019 = arith.constant 0 : i32
        %dma_start3A_1020 = arith.constant 0 : i32
        %dma_start3A_1021 = tpu.memref_slice %arg9[%dma_start3A_1019, %dma_start3A_1020] : memref<100000x64xf32, #tpu.memory_space<hbm>> -> memref<100000x64xf32, #tpu.memory_space<hbm>>
        tpu.enqueue_indirect_dma source(%dma_start3A_1021 : memref<100000x64xf32, #tpu.memory_space<hbm>>) target(%dma_start3A_1015 : memref<256x64xf32, #tpu.memory_space<vmem>>) offsets(%dma_start3A_1018 : memref<256xi32, #tpu.memory_space<vmem>>) semaphore(%arg21 : memref<!tpu.dma_semaphore, #tpu.memory_space<semaphore_mem>>) {add = true}
        %dma_start3A_1022 = arith.constant 0 : i32
        %dma_start3A_1023 = arith.constant 5 : i32
        %dma_start3A_1024 = arith.constant 0 : i32
        %dma_start3A_1025 = arith.constant 0 : i32
        %dma_start3A_1026 = arith.constant 0 : i32
        %dma_start3A_1027 = tpu.memref_slice %arg15[%dma_start3A_1024, %dma_start3A_1025, %dma_start3A_1026] : memref<2x256x64xf32, #tpu.memory_space<vmem>> -> memref<1x256x64xf32, #tpu.memory_space<vmem>>
        %dma_start3A_1028 = tpu.memref_squeeze %dma_start3A_1027 : memref<1x256x64xf32, #tpu.memory_space<vmem>> -> memref<256x64xf32, #tpu.memory_space<vmem>>
        %dma_start3A_1029 = arith.constant 0 : i32
        %dma_start3A_1030 = tpu.memref_slice %arg13[%dma_start3A_1022, %dma_start3A_1023, %dma_start3A_1029] : memref<2x10x256xi32, #tpu.memory_space<vmem>> -> memref<1x1x256xi32, #tpu.memory_space<vmem>>
        %dma_start3A_1031 = tpu.memref_squeeze %dma_start3A_1030 : memref<1x1x256xi32, #tpu.memory_space<vmem>> -> memref<256xi32, #tpu.memory_space<vmem>>
        %dma_start3A_1032 = arith.constant 0 : i32
        %dma_start3A_1033 = arith.constant 0 : i32
        %dma_start3A_1034 = tpu.memref_slice %arg10[%dma_start3A_1032, %dma_start3A_1033] : memref<3600x64xf32, #tpu.memory_space<hbm>> -> memref<3600x64xf32, #tpu.memory_space<hbm>>
        tpu.enqueue_indirect_dma source(%dma_start3A_1034 : memref<3600x64xf32, #tpu.memory_space<hbm>>) target(%dma_start3A_1028 : memref<256x64xf32, #tpu.memory_space<vmem>>) offsets(%dma_start3A_1031 : memref<256xi32, #tpu.memory_space<vmem>>) semaphore(%arg21 : memref<!tpu.dma_semaphore, #tpu.memory_space<semaphore_mem>>) {add = true}
        %dma_start3A_1035 = arith.constant 0 : i32
        %dma_start3A_1036 = arith.constant 6 : i32
        %dma_start3A_1037 = arith.constant 0 : i32
        %dma_start3A_1038 = arith.constant 0 : i32
        %dma_start3A_1039 = arith.constant 0 : i32
        %dma_start3A_1040 = tpu.memref_slice %arg15[%dma_start3A_1037, %dma_start3A_1038, %dma_start3A_1039] : memref<2x256x64xf32, #tpu.memory_space<vmem>> -> memref<1x256x64xf32, #tpu.memory_space<vmem>>
        %dma_start3A_1041 = tpu.memref_squeeze %dma_start3A_1040 : memref<1x256x64xf32, #tpu.memory_space<vmem>> -> memref<256x64xf32, #tpu.memory_space<vmem>>
        %dma_start3A_1042 = arith.constant 0 : i32
        %dma_start3A_1043 = tpu.memref_slice %arg13[%dma_start3A_1035, %dma_start3A_1036, %dma_start3A_1042] : memref<2x10x256xi32, #tpu.memory_space<vmem>> -> memref<1x1x256xi32, #tpu.memory_space<vmem>>
        %dma_start3A_1044 = tpu.memref_squeeze %dma_start3A_1043 : memref<1x1x256xi32, #tpu.memory_space<vmem>> -> memref<256xi32, #tpu.memory_space<vmem>>
        %dma_start3A_1045 = arith.constant 0 : i32
        %dma_start3A_1046 = arith.constant 0 : i32
        %dma_start3A_1047 = tpu.memref_slice %arg10[%dma_start3A_1045, %dma_start3A_1046] : memref<3600x64xf32, #tpu.memory_space<hbm>> -> memref<3600x64xf32, #tpu.memory_space<hbm>>
        tpu.enqueue_indirect_dma source(%dma_start3A_1047 : memref<3600x64xf32, #tpu.memory_space<hbm>>) target(%dma_start3A_1041 : memref<256x64xf32, #tpu.memory_space<vmem>>) offsets(%dma_start3A_1044 : memref<256xi32, #tpu.memory_space<vmem>>) semaphore(%arg21 : memref<!tpu.dma_semaphore, #tpu.memory_space<semaphore_mem>>) {add = true}
        %dma_start3A_1048 = arith.constant 0 : i32
        %dma_start3A_1049 = arith.constant 7 : i32
        %dma_start3A_1050 = arith.constant 0 : i32
        %dma_start3A_1051 = arith.constant 0 : i32
        %dma_start3A_1052 = arith.constant 0 : i32
        %dma_start3A_1053 = tpu.memref_slice %arg15[%dma_start3A_1050, %dma_start3A_1051, %dma_start3A_1052] : memref<2x256x64xf32, #tpu.memory_space<vmem>> -> memref<1x256x64xf32, #tpu.memory_space<vmem>>
        %dma_start3A_1054 = tpu.memref_squeeze %dma_start3A_1053 : memref<1x256x64xf32, #tpu.memory_space<vmem>> -> memref<256x64xf32, #tpu.memory_space<vmem>>
        %dma_start3A_1055 = arith.constant 0 : i32
        %dma_start3A_1056 = tpu.memref_slice %arg13[%dma_start3A_1048, %dma_start3A_1049, %dma_start3A_1055] : memref<2x10x256xi32, #tpu.memory_space<vmem>> -> memref<1x1x256xi32, #tpu.memory_space<vmem>>
        %dma_start3A_1057 = tpu.memref_squeeze %dma_start3A_1056 : memref<1x1x256xi32, #tpu.memory_space<vmem>> -> memref<256xi32, #tpu.memory_space<vmem>>
        %dma_start3A_1058 = arith.constant 0 : i32
        %dma_start3A_1059 = arith.constant 0 : i32
        %dma_start3A_1060 = tpu.memref_slice %arg10[%dma_start3A_1058, %dma_start3A_1059] : memref<3600x64xf32, #tpu.memory_space<hbm>> -> memref<3600x64xf32, #tpu.memory_space<hbm>>
        tpu.enqueue_indirect_dma source(%dma_start3A_1060 : memref<3600x64xf32, #tpu.memory_space<hbm>>) target(%dma_start3A_1054 : memref<256x64xf32, #tpu.memory_space<vmem>>) offsets(%dma_start3A_1057 : memref<256xi32, #tpu.memory_space<vmem>>) semaphore(%arg21 : memref<!tpu.dma_semaphore, #tpu.memory_space<semaphore_mem>>) {add = true}
        %dma_start3A_1061 = arith.constant 0 : i32
        %dma_start3A_1062 = arith.constant 8 : i32
        %dma_start3A_1063 = arith.constant 0 : i32
        %dma_start3A_1064 = arith.constant 0 : i32
        %dma_start3A_1065 = arith.constant 0 : i32
        %dma_start3A_1066 = tpu.memref_slice %arg15[%dma_start3A_1063, %dma_start3A_1064, %dma_start3A_1065] : memref<2x256x64xf32, #tpu.memory_space<vmem>> -> memref<1x256x64xf32, #tpu.memory_space<vmem>>
        %dma_start3A_1067 = tpu.memref_squeeze %dma_start3A_1066 : memref<1x256x64xf32, #tpu.memory_space<vmem>> -> memref<256x64xf32, #tpu.memory_space<vmem>>
        %dma_start3A_1068 = arith.constant 0 : i32
        %dma_start3A_1069 = tpu.memref_slice %arg13[%dma_start3A_1061, %dma_start3A_1062, %dma_start3A_1068] : memref<2x10x256xi32, #tpu.memory_space<vmem>> -> memref<1x1x256xi32, #tpu.memory_space<vmem>>
        %dma_start3A_1070 = tpu.memref_squeeze %dma_start3A_1069 : memref<1x1x256xi32, #tpu.memory_space<vmem>> -> memref<256xi32, #tpu.memory_space<vmem>>
        %dma_start3A_1071 = arith.constant 0 : i32
        %dma_start3A_1072 = arith.constant 0 : i32
        %dma_start3A_1073 = tpu.memref_slice %arg10[%dma_start3A_1071, %dma_start3A_1072] : memref<3600x64xf32, #tpu.memory_space<hbm>> -> memref<3600x64xf32, #tpu.memory_space<hbm>>
        tpu.enqueue_indirect_dma source(%dma_start3A_1073 : memref<3600x64xf32, #tpu.memory_space<hbm>>) target(%dma_start3A_1067 : memref<256x64xf32, #tpu.memory_space<vmem>>) offsets(%dma_start3A_1070 : memref<256xi32, #tpu.memory_space<vmem>>) semaphore(%arg21 : memref<!tpu.dma_semaphore, #tpu.memory_space<semaphore_mem>>) {add = true}
        %dma_start3A_1074 = arith.constant 0 : i32
        %dma_start3A_1075 = arith.constant 9 : i32
        %dma_start3A_1076 = arith.constant 0 : i32
        %dma_start3A_1077 = arith.constant 0 : i32
        %dma_start3A_1078 = arith.constant 0 : i32
        %dma_start3A_1079 = tpu.memref_slice %arg15[%dma_start3A_1076, %dma_start3A_1077, %dma_start3A_1078] : memref<2x256x64xf32, #tpu.memory_space<vmem>> -> memref<1x256x64xf32, #tpu.memory_space<vmem>>
        %dma_start3A_1080 = tpu.memref_squeeze %dma_start3A_1079 : memref<1x256x64xf32, #tpu.memory_space<vmem>> -> memref<256x64xf32, #tpu.memory_space<vmem>>
        %dma_start3A_1081 = arith.constant 0 : i32
        %dma_start3A_1082 = tpu.memref_slice %arg13[%dma_start3A_1074, %dma_start3A_1075, %dma_start3A_1081] : memref<2x10x256xi32, #tpu.memory_space<vmem>> -> memref<1x1x256xi32, #tpu.memory_space<vmem>>
        %dma_start3A_1083 = tpu.memref_squeeze %dma_start3A_1082 : memref<1x1x256xi32, #tpu.memory_space<vmem>> -> memref<256xi32, #tpu.memory_space<vmem>>
        %dma_start3A_1084 = arith.constant 0 : i32
        %dma_start3A_1085 = arith.constant 0 : i32
        %dma_start3A_1086 = tpu.memref_slice %arg10[%dma_start3A_1084, %dma_start3A_1085] : memref<3600x64xf32, #tpu.memory_space<hbm>> -> memref<3600x64xf32, #tpu.memory_space<hbm>>
        tpu.enqueue_indirect_dma source(%dma_start3A_1086 : memref<3600x64xf32, #tpu.memory_space<hbm>>) target(%dma_start3A_1080 : memref<256x64xf32, #tpu.memory_space<vmem>>) offsets(%dma_start3A_1083 : memref<256xi32, #tpu.memory_space<vmem>>) semaphore(%arg21 : memref<!tpu.dma_semaphore, #tpu.memory_space<semaphore_mem>>) {add = true}
      } else {
      }
      %ge3A_812 = arith.constant 2 : i32
      %ge3A_813 = arith.cmpi sge, %add3A_804, %ge3A_812 : i32
      %convert_element_type3A_814 = arith.extui %ge3A_813 : i1 to i32
      %cond3A_815 = arith.constant 0 : i32
      %cond3A_816 = arith.cmpi ne, %convert_element_type3A_814, %cond3A_815 : i32
      scf.if %cond3A_816 {
        %sub3A = arith.constant 2 : i32
        %sub3A_957 = arith.subi %add3A_804, %sub3A : i32
        %mul3A_958 = arith.constant 256 : i32
        %mul3A_959 = arith.muli %sub3A_957, %mul3A_958 : i32
        %add3A_960 = arith.addi %mul3A_2, %mul3A_959 : i32
        %dma_wait3A_961 = arith.constant 1 : i32
        %dma_wait3A_962 = arith.constant 0 : i32
        %dma_wait3A_963 = arith.constant 0 : i32
        %dma_wait3A_964 = tpu.memref_slice %arg16[%dma_wait3A_961, %dma_wait3A_962, %dma_wait3A_963] : memref<2x256x64xf32, #tpu.memory_space<vmem>> -> memref<1x256x64xf32, #tpu.memory_space<vmem>>
        %dma_wait3A_965 = tpu.memref_squeeze %dma_wait3A_964 : memref<1x256x64xf32, #tpu.memory_space<vmem>> -> memref<256x64xf32, #tpu.memory_space<vmem>>
        %dma_wait3A_966 = arith.constant 0 : i32
        %dma_wait3A_967 = tpu.memref_slice %arg11[%add3A_960, %dma_wait3A_966] : memref<819200x64xf32, #tpu.memory_space<hbm>> -> memref<256x64xf32, #tpu.memory_space<hbm>>
        %dma_wait3A_968 = arith.constant 0 : i32
        %dma_wait3A_969 = tpu.memref_slice %arg11[%add3A_960, %dma_wait3A_968] : memref<819200x64xf32, #tpu.memory_space<hbm>> -> memref<256x64xf32, #tpu.memory_space<hbm>>
        %dma_wait3A_970 = arith.constant 0 : i32
        %dma_wait3A_971 = arith.constant 0 : i32
        %dma_wait3A_972 = tpu.memref_slice %arg16[%dma_wait3A_961, %dma_wait3A_970, %dma_wait3A_971] : memref<2x256x64xf32, #tpu.memory_space<vmem>> -> memref<1x256x64xf32, #tpu.memory_space<vmem>>
        %dma_wait3A_973 = tpu.memref_squeeze %dma_wait3A_972 : memref<1x256x64xf32, #tpu.memory_space<vmem>> -> memref<256x64xf32, #tpu.memory_space<vmem>>
        tpu.wait_dma2 semaphore(%arg24 : memref<!tpu.dma_semaphore, #tpu.memory_space<semaphore_mem>>) src(%dma_wait3A_973 : memref<256x64xf32, #tpu.memory_space<vmem>>) dst(%dma_wait3A_969 : memref<256x64xf32, #tpu.memory_space<hbm>>)
      } else {
      }
      %dma_wait3A_817 = arith.constant 1 : i32
      %dma_wait3A_818 = arith.constant 1 : i32
      %dma_wait3A_819 = arith.constant 1 : i32
      %dma_wait3A_820 = arith.constant 0 : i32
      %dma_wait3A_821 = arith.constant 0 : i32
      %dma_wait3A_822 = tpu.memref_slice %arg14[%dma_wait3A_819, %dma_wait3A_820, %dma_wait3A_821] : memref<2x256x64xf32, #tpu.memory_space<vmem>> -> memref<1x256x64xf32, #tpu.memory_space<vmem>>
      %dma_wait3A_823 = tpu.memref_squeeze %dma_wait3A_822 : memref<1x256x64xf32, #tpu.memory_space<vmem>> -> memref<256x64xf32, #tpu.memory_space<vmem>>
      %dma_wait3A_824 = arith.constant 0 : i32
      %dma_wait3A_825 = tpu.memref_slice %arg13[%dma_wait3A_817, %dma_wait3A_818, %dma_wait3A_824] : memref<2x10x256xi32, #tpu.memory_space<vmem>> -> memref<1x1x256xi32, #tpu.memory_space<vmem>>
      %dma_wait3A_826 = tpu.memref_squeeze %dma_wait3A_825 : memref<1x1x256xi32, #tpu.memory_space<vmem>> -> memref<256xi32, #tpu.memory_space<vmem>>
      %dma_wait3A_827 = arith.constant 0 : i32
      %dma_wait3A_828 = arith.constant 0 : i32
      %dma_wait3A_829 = tpu.memref_slice %arg9[%dma_wait3A_827, %dma_wait3A_828] : memref<100000x64xf32, #tpu.memory_space<hbm>> -> memref<100000x64xf32, #tpu.memory_space<hbm>>
      tpu.wait_indirect_dma semaphore(%arg22 : memref<!tpu.dma_semaphore, #tpu.memory_space<semaphore_mem>>) src(%dma_wait3A_829 : memref<100000x64xf32, #tpu.memory_space<hbm>>) dst(%dma_wait3A_823 : memref<256x64xf32, #tpu.memory_space<vmem>>)
      %dma_wait3A_830 = arith.constant 1 : i32
      %dma_wait3A_831 = arith.constant 2 : i32
      %dma_wait3A_832 = arith.constant 1 : i32
      %dma_wait3A_833 = arith.constant 0 : i32
      %dma_wait3A_834 = arith.constant 0 : i32
      %dma_wait3A_835 = tpu.memref_slice %arg14[%dma_wait3A_832, %dma_wait3A_833, %dma_wait3A_834] : memref<2x256x64xf32, #tpu.memory_space<vmem>> -> memref<1x256x64xf32, #tpu.memory_space<vmem>>
      %dma_wait3A_836 = tpu.memref_squeeze %dma_wait3A_835 : memref<1x256x64xf32, #tpu.memory_space<vmem>> -> memref<256x64xf32, #tpu.memory_space<vmem>>
      %dma_wait3A_837 = arith.constant 0 : i32
      %dma_wait3A_838 = tpu.memref_slice %arg13[%dma_wait3A_830, %dma_wait3A_831, %dma_wait3A_837] : memref<2x10x256xi32, #tpu.memory_space<vmem>> -> memref<1x1x256xi32, #tpu.memory_space<vmem>>
      %dma_wait3A_839 = tpu.memref_squeeze %dma_wait3A_838 : memref<1x1x256xi32, #tpu.memory_space<vmem>> -> memref<256xi32, #tpu.memory_space<vmem>>
      %dma_wait3A_840 = arith.constant 0 : i32
      %dma_wait3A_841 = arith.constant 0 : i32
      %dma_wait3A_842 = tpu.memref_slice %arg9[%dma_wait3A_840, %dma_wait3A_841] : memref<100000x64xf32, #tpu.memory_space<hbm>> -> memref<100000x64xf32, #tpu.memory_space<hbm>>
      tpu.wait_indirect_dma semaphore(%arg22 : memref<!tpu.dma_semaphore, #tpu.memory_space<semaphore_mem>>) src(%dma_wait3A_842 : memref<100000x64xf32, #tpu.memory_space<hbm>>) dst(%dma_wait3A_836 : memref<256x64xf32, #tpu.memory_space<vmem>>)
      %dma_wait3A_843 = arith.constant 1 : i32
      %dma_wait3A_844 = arith.constant 3 : i32
      %dma_wait3A_845 = arith.constant 1 : i32
      %dma_wait3A_846 = arith.constant 0 : i32
      %dma_wait3A_847 = arith.constant 0 : i32
      %dma_wait3A_848 = tpu.memref_slice %arg14[%dma_wait3A_845, %dma_wait3A_846, %dma_wait3A_847] : memref<2x256x64xf32, #tpu.memory_space<vmem>> -> memref<1x256x64xf32, #tpu.memory_space<vmem>>
      %dma_wait3A_849 = tpu.memref_squeeze %dma_wait3A_848 : memref<1x256x64xf32, #tpu.memory_space<vmem>> -> memref<256x64xf32, #tpu.memory_space<vmem>>
      %dma_wait3A_850 = arith.constant 0 : i32
      %dma_wait3A_851 = tpu.memref_slice %arg13[%dma_wait3A_843, %dma_wait3A_844, %dma_wait3A_850] : memref<2x10x256xi32, #tpu.memory_space<vmem>> -> memref<1x1x256xi32, #tpu.memory_space<vmem>>
      %dma_wait3A_852 = tpu.memref_squeeze %dma_wait3A_851 : memref<1x1x256xi32, #tpu.memory_space<vmem>> -> memref<256xi32, #tpu.memory_space<vmem>>
      %dma_wait3A_853 = arith.constant 0 : i32
      %dma_wait3A_854 = arith.constant 0 : i32
      %dma_wait3A_855 = tpu.memref_slice %arg9[%dma_wait3A_853, %dma_wait3A_854] : memref<100000x64xf32, #tpu.memory_space<hbm>> -> memref<100000x64xf32, #tpu.memory_space<hbm>>
      tpu.wait_indirect_dma semaphore(%arg22 : memref<!tpu.dma_semaphore, #tpu.memory_space<semaphore_mem>>) src(%dma_wait3A_855 : memref<100000x64xf32, #tpu.memory_space<hbm>>) dst(%dma_wait3A_849 : memref<256x64xf32, #tpu.memory_space<vmem>>)
      %dma_wait3A_856 = arith.constant 1 : i32
      %dma_wait3A_857 = arith.constant 5 : i32
      %dma_wait3A_858 = arith.constant 1 : i32
      %dma_wait3A_859 = arith.constant 0 : i32
      %dma_wait3A_860 = arith.constant 0 : i32
      %dma_wait3A_861 = tpu.memref_slice %arg15[%dma_wait3A_858, %dma_wait3A_859, %dma_wait3A_860] : memref<2x256x64xf32, #tpu.memory_space<vmem>> -> memref<1x256x64xf32, #tpu.memory_space<vmem>>
      %dma_wait3A_862 = tpu.memref_squeeze %dma_wait3A_861 : memref<1x256x64xf32, #tpu.memory_space<vmem>> -> memref<256x64xf32, #tpu.memory_space<vmem>>
      %dma_wait3A_863 = arith.constant 0 : i32
      %dma_wait3A_864 = tpu.memref_slice %arg13[%dma_wait3A_856, %dma_wait3A_857, %dma_wait3A_863] : memref<2x10x256xi32, #tpu.memory_space<vmem>> -> memref<1x1x256xi32, #tpu.memory_space<vmem>>
      %dma_wait3A_865 = tpu.memref_squeeze %dma_wait3A_864 : memref<1x1x256xi32, #tpu.memory_space<vmem>> -> memref<256xi32, #tpu.memory_space<vmem>>
      %dma_wait3A_866 = arith.constant 0 : i32
      %dma_wait3A_867 = arith.constant 0 : i32
      %dma_wait3A_868 = tpu.memref_slice %arg10[%dma_wait3A_866, %dma_wait3A_867] : memref<3600x64xf32, #tpu.memory_space<hbm>> -> memref<3600x64xf32, #tpu.memory_space<hbm>>
      tpu.wait_indirect_dma semaphore(%arg22 : memref<!tpu.dma_semaphore, #tpu.memory_space<semaphore_mem>>) src(%dma_wait3A_868 : memref<3600x64xf32, #tpu.memory_space<hbm>>) dst(%dma_wait3A_862 : memref<256x64xf32, #tpu.memory_space<vmem>>)
      %dma_wait3A_869 = arith.constant 1 : i32
      %dma_wait3A_870 = arith.constant 6 : i32
      %dma_wait3A_871 = arith.constant 1 : i32
      %dma_wait3A_872 = arith.constant 0 : i32
      %dma_wait3A_873 = arith.constant 0 : i32
      %dma_wait3A_874 = tpu.memref_slice %arg15[%dma_wait3A_871, %dma_wait3A_872, %dma_wait3A_873] : memref<2x256x64xf32, #tpu.memory_space<vmem>> -> memref<1x256x64xf32, #tpu.memory_space<vmem>>
      %dma_wait3A_875 = tpu.memref_squeeze %dma_wait3A_874 : memref<1x256x64xf32, #tpu.memory_space<vmem>> -> memref<256x64xf32, #tpu.memory_space<vmem>>
      %dma_wait3A_876 = arith.constant 0 : i32
      %dma_wait3A_877 = tpu.memref_slice %arg13[%dma_wait3A_869, %dma_wait3A_870, %dma_wait3A_876] : memref<2x10x256xi32, #tpu.memory_space<vmem>> -> memref<1x1x256xi32, #tpu.memory_space<vmem>>
      %dma_wait3A_878 = tpu.memref_squeeze %dma_wait3A_877 : memref<1x1x256xi32, #tpu.memory_space<vmem>> -> memref<256xi32, #tpu.memory_space<vmem>>
      %dma_wait3A_879 = arith.constant 0 : i32
      %dma_wait3A_880 = arith.constant 0 : i32
      %dma_wait3A_881 = tpu.memref_slice %arg10[%dma_wait3A_879, %dma_wait3A_880] : memref<3600x64xf32, #tpu.memory_space<hbm>> -> memref<3600x64xf32, #tpu.memory_space<hbm>>
      tpu.wait_indirect_dma semaphore(%arg22 : memref<!tpu.dma_semaphore, #tpu.memory_space<semaphore_mem>>) src(%dma_wait3A_881 : memref<3600x64xf32, #tpu.memory_space<hbm>>) dst(%dma_wait3A_875 : memref<256x64xf32, #tpu.memory_space<vmem>>)
      %dma_wait3A_882 = arith.constant 1 : i32
      %dma_wait3A_883 = arith.constant 7 : i32
      %dma_wait3A_884 = arith.constant 1 : i32
      %dma_wait3A_885 = arith.constant 0 : i32
      %dma_wait3A_886 = arith.constant 0 : i32
      %dma_wait3A_887 = tpu.memref_slice %arg15[%dma_wait3A_884, %dma_wait3A_885, %dma_wait3A_886] : memref<2x256x64xf32, #tpu.memory_space<vmem>> -> memref<1x256x64xf32, #tpu.memory_space<vmem>>
      %dma_wait3A_888 = tpu.memref_squeeze %dma_wait3A_887 : memref<1x256x64xf32, #tpu.memory_space<vmem>> -> memref<256x64xf32, #tpu.memory_space<vmem>>
      %dma_wait3A_889 = arith.constant 0 : i32
      %dma_wait3A_890 = tpu.memref_slice %arg13[%dma_wait3A_882, %dma_wait3A_883, %dma_wait3A_889] : memref<2x10x256xi32, #tpu.memory_space<vmem>> -> memref<1x1x256xi32, #tpu.memory_space<vmem>>
      %dma_wait3A_891 = tpu.memref_squeeze %dma_wait3A_890 : memref<1x1x256xi32, #tpu.memory_space<vmem>> -> memref<256xi32, #tpu.memory_space<vmem>>
      %dma_wait3A_892 = arith.constant 0 : i32
      %dma_wait3A_893 = arith.constant 0 : i32
      %dma_wait3A_894 = tpu.memref_slice %arg10[%dma_wait3A_892, %dma_wait3A_893] : memref<3600x64xf32, #tpu.memory_space<hbm>> -> memref<3600x64xf32, #tpu.memory_space<hbm>>
      tpu.wait_indirect_dma semaphore(%arg22 : memref<!tpu.dma_semaphore, #tpu.memory_space<semaphore_mem>>) src(%dma_wait3A_894 : memref<3600x64xf32, #tpu.memory_space<hbm>>) dst(%dma_wait3A_888 : memref<256x64xf32, #tpu.memory_space<vmem>>)
      %dma_wait3A_895 = arith.constant 1 : i32
      %dma_wait3A_896 = arith.constant 8 : i32
      %dma_wait3A_897 = arith.constant 1 : i32
      %dma_wait3A_898 = arith.constant 0 : i32
      %dma_wait3A_899 = arith.constant 0 : i32
      %dma_wait3A_900 = tpu.memref_slice %arg15[%dma_wait3A_897, %dma_wait3A_898, %dma_wait3A_899] : memref<2x256x64xf32, #tpu.memory_space<vmem>> -> memref<1x256x64xf32, #tpu.memory_space<vmem>>
      %dma_wait3A_901 = tpu.memref_squeeze %dma_wait3A_900 : memref<1x256x64xf32, #tpu.memory_space<vmem>> -> memref<256x64xf32, #tpu.memory_space<vmem>>
      %dma_wait3A_902 = arith.constant 0 : i32
      %dma_wait3A_903 = tpu.memref_slice %arg13[%dma_wait3A_895, %dma_wait3A_896, %dma_wait3A_902] : memref<2x10x256xi32, #tpu.memory_space<vmem>> -> memref<1x1x256xi32, #tpu.memory_space<vmem>>
      %dma_wait3A_904 = tpu.memref_squeeze %dma_wait3A_903 : memref<1x1x256xi32, #tpu.memory_space<vmem>> -> memref<256xi32, #tpu.memory_space<vmem>>
      %dma_wait3A_905 = arith.constant 0 : i32
      %dma_wait3A_906 = arith.constant 0 : i32
      %dma_wait3A_907 = tpu.memref_slice %arg10[%dma_wait3A_905, %dma_wait3A_906] : memref<3600x64xf32, #tpu.memory_space<hbm>> -> memref<3600x64xf32, #tpu.memory_space<hbm>>
      tpu.wait_indirect_dma semaphore(%arg22 : memref<!tpu.dma_semaphore, #tpu.memory_space<semaphore_mem>>) src(%dma_wait3A_907 : memref<3600x64xf32, #tpu.memory_space<hbm>>) dst(%dma_wait3A_901 : memref<256x64xf32, #tpu.memory_space<vmem>>)
      %dma_wait3A_908 = arith.constant 1 : i32
      %dma_wait3A_909 = arith.constant 9 : i32
      %dma_wait3A_910 = arith.constant 1 : i32
      %dma_wait3A_911 = arith.constant 0 : i32
      %dma_wait3A_912 = arith.constant 0 : i32
      %dma_wait3A_913 = tpu.memref_slice %arg15[%dma_wait3A_910, %dma_wait3A_911, %dma_wait3A_912] : memref<2x256x64xf32, #tpu.memory_space<vmem>> -> memref<1x256x64xf32, #tpu.memory_space<vmem>>
      %dma_wait3A_914 = tpu.memref_squeeze %dma_wait3A_913 : memref<1x256x64xf32, #tpu.memory_space<vmem>> -> memref<256x64xf32, #tpu.memory_space<vmem>>
      %dma_wait3A_915 = arith.constant 0 : i32
      %dma_wait3A_916 = tpu.memref_slice %arg13[%dma_wait3A_908, %dma_wait3A_909, %dma_wait3A_915] : memref<2x10x256xi32, #tpu.memory_space<vmem>> -> memref<1x1x256xi32, #tpu.memory_space<vmem>>
      %dma_wait3A_917 = tpu.memref_squeeze %dma_wait3A_916 : memref<1x1x256xi32, #tpu.memory_space<vmem>> -> memref<256xi32, #tpu.memory_space<vmem>>
      %dma_wait3A_918 = arith.constant 0 : i32
      %dma_wait3A_919 = arith.constant 0 : i32
      %dma_wait3A_920 = tpu.memref_slice %arg10[%dma_wait3A_918, %dma_wait3A_919] : memref<3600x64xf32, #tpu.memory_space<hbm>> -> memref<3600x64xf32, #tpu.memory_space<hbm>>
      tpu.wait_indirect_dma semaphore(%arg22 : memref<!tpu.dma_semaphore, #tpu.memory_space<semaphore_mem>>) src(%dma_wait3A_920 : memref<3600x64xf32, #tpu.memory_space<hbm>>) dst(%dma_wait3A_914 : memref<256x64xf32, #tpu.memory_space<vmem>>)
      %scan3A_921 = arith.constant 0 : i32
      %scan3A_922 = arith.constant 0 : i32
      %scan3A_923 = arith.constant 256 : i32
      %scan3A_924 = arith.addi %scan3A_922, %scan3A_923 : i32
      %scan3A_925 = arith.constant 1 : i32
      scf.for %scan3A_957 = %scan3A_922 to %scan3A_924 step %scan3A_925  : i32 {
        %get3A = arith.constant 1 : i32
        %get3A_958 = arith.index_cast %get3A : i32 to index
        %get3A_959 = arith.index_cast %scan3A_957 : i32 to index
        %get3A_960 = arith.constant 0 : index
        %get3A_961 = tpu.vector_load %arg14[%get3A_958, %get3A_959, %get3A_960] {strides = array<i32>} : memref<2x256x64xf32, #tpu.memory_space<vmem>>, vector<1x1x16xf32>,
        %get3A_962 = vector.shape_cast %get3A_961 : vector<1x1x16xf32> to vector<16xf32>
        %get3A_963 = arith.constant 1 : i32
        %get3A_964 = arith.index_cast %get3A_963 : i32 to index
        %get3A_965 = arith.index_cast %scan3A_957 : i32 to index
        %get3A_966 = arith.constant 0 : index
        %get3A_967 = tpu.vector_load %arg15[%get3A_964, %get3A_965, %get3A_966] {strides = array<i32>} : memref<2x256x64xf32, #tpu.memory_space<vmem>>, vector<1x1x16xf32>,
        %get3A_968 = vector.shape_cast %get3A_967 : vector<1x1x16xf32> to vector<16xf32>
        %max3A = arith.constant 0.000000e+00 : f32
        %max3A_969 = vector.broadcast %max3A : f32 to vector<16xf32>
        %max3A_970 = arith.maximumf %get3A_968, %max3A_969 : vector<16xf32>
        %add3A_971 = arith.addf %get3A_962, %max3A_970 : vector<16xf32>
        %swap3A = arith.constant 1 : i32
        %swap3A_972 = arith.index_cast %swap3A : i32 to index
        %swap3A_973 = arith.index_cast %scan3A_957 : i32 to index
        %swap3A_974 = arith.constant 0 : index
        %swap3A_975 = tpu.vector_load %arg16[%swap3A_972, %swap3A_973, %swap3A_974] {strides = array<i32>} : memref<2x256x64xf32, #tpu.memory_space<vmem>>, vector<1x1x16xf32>,
        %swap3A_976 = vector.shape_cast %swap3A_975 : vector<1x1x16xf32> to vector<16xf32>
        %swap3A_977 = vector.shape_cast %add3A_971 : vector<16xf32> to vector<1x1x16xf32>
        tpu.vector_store %arg16[%swap3A_972, %swap3A_973, %swap3A_974], %swap3A_977 {strides = array<i32>} : memref<2x256x64xf32, #tpu.memory_space<vmem>>, vector<1x1x16xf32>,
        %get3A_978 = arith.constant 1 : i32
        %get3A_979 = arith.index_cast %get3A_978 : i32 to index
        %get3A_980 = arith.index_cast %scan3A_957 : i32 to index
        %get3A_981 = arith.constant 16 : index
        %get3A_982 = tpu.vector_load %arg14[%get3A_979, %get3A_980, %get3A_981] {strides = array<i32>} : memref<2x256x64xf32, #tpu.memory_space<vmem>>, vector<1x1x16xf32>,
        %get3A_983 = vector.shape_cast %get3A_982 : vector<1x1x16xf32> to vector<16xf32>
        %get3A_984 = arith.constant 1 : i32
        %get3A_985 = arith.index_cast %get3A_984 : i32 to index
        %get3A_986 = arith.index_cast %scan3A_957 : i32 to index
        %get3A_987 = arith.constant 16 : index
        %get3A_988 = tpu.vector_load %arg15[%get3A_985, %get3A_986, %get3A_987] {strides = array<i32>} : memref<2x256x64xf32, #tpu.memory_space<vmem>>, vector<1x1x16xf32>,
        %get3A_989 = vector.shape_cast %get3A_988 : vector<1x1x16xf32> to vector<16xf32>
        %max3A_990 = arith.constant 0.000000e+00 : f32
        %max3A_991 = vector.broadcast %max3A_990 : f32 to vector<16xf32>
        %max3A_992 = arith.maximumf %get3A_989, %max3A_991 : vector<16xf32>
        %add3A_993 = arith.addf %get3A_983, %max3A_992 : vector<16xf32>
        %swap3A_994 = arith.constant 1 : i32
        %swap3A_995 = arith.index_cast %swap3A_994 : i32 to index
        %swap3A_996 = arith.index_cast %scan3A_957 : i32 to index
        %swap3A_997 = arith.constant 16 : index
        %swap3A_998 = tpu.vector_load %arg16[%swap3A_995, %swap3A_996, %swap3A_997] {strides = array<i32>} : memref<2x256x64xf32, #tpu.memory_space<vmem>>, vector<1x1x16xf32>,
        %swap3A_999 = vector.shape_cast %swap3A_998 : vector<1x1x16xf32> to vector<16xf32>
        %swap3A_1000 = vector.shape_cast %add3A_993 : vector<16xf32> to vector<1x1x16xf32>
        tpu.vector_store %arg16[%swap3A_995, %swap3A_996, %swap3A_997], %swap3A_1000 {strides = array<i32>} : memref<2x256x64xf32, #tpu.memory_space<vmem>>, vector<1x1x16xf32>,
        %get3A_1001 = arith.constant 1 : i32
        %get3A_1002 = arith.index_cast %get3A_1001 : i32 to index
        %get3A_1003 = arith.index_cast %scan3A_957 : i32 to index
        %get3A_1004 = arith.constant 32 : index
        %get3A_1005 = tpu.vector_load %arg14[%get3A_1002, %get3A_1003, %get3A_1004] {strides = array<i32>} : memref<2x256x64xf32, #tpu.memory_space<vmem>>, vector<1x1x16xf32>,
        %get3A_1006 = vector.shape_cast %get3A_1005 : vector<1x1x16xf32> to vector<16xf32>
        %get3A_1007 = arith.constant 1 : i32
        %get3A_1008 = arith.index_cast %get3A_1007 : i32 to index
        %get3A_1009 = arith.index_cast %scan3A_957 : i32 to index
        %get3A_1010 = arith.constant 32 : index
        %get3A_1011 = tpu.vector_load %arg15[%get3A_1008, %get3A_1009, %get3A_1010] {strides = array<i32>} : memref<2x256x64xf32, #tpu.memory_space<vmem>>, vector<1x1x16xf32>,
        %get3A_1012 = vector.shape_cast %get3A_1011 : vector<1x1x16xf32> to vector<16xf32>
        %max3A_1013 = arith.constant 0.000000e+00 : f32
        %max3A_1014 = vector.broadcast %max3A_1013 : f32 to vector<16xf32>
        %max3A_1015 = arith.maximumf %get3A_1012, %max3A_1014 : vector<16xf32>
        %add3A_1016 = arith.addf %get3A_1006, %max3A_1015 : vector<16xf32>
        %swap3A_1017 = arith.constant 1 : i32
        %swap3A_1018 = arith.index_cast %swap3A_1017 : i32 to index
        %swap3A_1019 = arith.index_cast %scan3A_957 : i32 to index
        %swap3A_1020 = arith.constant 32 : index
        %swap3A_1021 = tpu.vector_load %arg16[%swap3A_1018, %swap3A_1019, %swap3A_1020] {strides = array<i32>} : memref<2x256x64xf32, #tpu.memory_space<vmem>>, vector<1x1x16xf32>,
        %swap3A_1022 = vector.shape_cast %swap3A_1021 : vector<1x1x16xf32> to vector<16xf32>
        %swap3A_1023 = vector.shape_cast %add3A_1016 : vector<16xf32> to vector<1x1x16xf32>
        tpu.vector_store %arg16[%swap3A_1018, %swap3A_1019, %swap3A_1020], %swap3A_1023 {strides = array<i32>} : memref<2x256x64xf32, #tpu.memory_space<vmem>>, vector<1x1x16xf32>,
        %get3A_1024 = arith.constant 1 : i32
        %get3A_1025 = arith.index_cast %get3A_1024 : i32 to index
        %get3A_1026 = arith.index_cast %scan3A_957 : i32 to index
        %get3A_1027 = arith.constant 48 : index
        %get3A_1028 = tpu.vector_load %arg14[%get3A_1025, %get3A_1026, %get3A_1027] {strides = array<i32>} : memref<2x256x64xf32, #tpu.memory_space<vmem>>, vector<1x1x16xf32>,
        %get3A_1029 = vector.shape_cast %get3A_1028 : vector<1x1x16xf32> to vector<16xf32>
        %get3A_1030 = arith.constant 1 : i32
        %get3A_1031 = arith.index_cast %get3A_1030 : i32 to index
        %get3A_1032 = arith.index_cast %scan3A_957 : i32 to index
        %get3A_1033 = arith.constant 48 : index
        %get3A_1034 = tpu.vector_load %arg15[%get3A_1031, %get3A_1032, %get3A_1033] {strides = array<i32>} : memref<2x256x64xf32, #tpu.memory_space<vmem>>, vector<1x1x16xf32>,
        %get3A_1035 = vector.shape_cast %get3A_1034 : vector<1x1x16xf32> to vector<16xf32>
        %max3A_1036 = arith.constant 0.000000e+00 : f32
        %max3A_1037 = vector.broadcast %max3A_1036 : f32 to vector<16xf32>
        %max3A_1038 = arith.maximumf %get3A_1035, %max3A_1037 : vector<16xf32>
        %add3A_1039 = arith.addf %get3A_1029, %max3A_1038 : vector<16xf32>
        %swap3A_1040 = arith.constant 1 : i32
        %swap3A_1041 = arith.index_cast %swap3A_1040 : i32 to index
        %swap3A_1042 = arith.index_cast %scan3A_957 : i32 to index
        %swap3A_1043 = arith.constant 48 : index
        %swap3A_1044 = tpu.vector_load %arg16[%swap3A_1041, %swap3A_1042, %swap3A_1043] {strides = array<i32>} : memref<2x256x64xf32, #tpu.memory_space<vmem>>, vector<1x1x16xf32>,
        %swap3A_1045 = vector.shape_cast %swap3A_1044 : vector<1x1x16xf32> to vector<16xf32>
        %swap3A_1046 = vector.shape_cast %add3A_1039 : vector<16xf32> to vector<1x1x16xf32>
        tpu.vector_store %arg16[%swap3A_1041, %swap3A_1042, %swap3A_1043], %swap3A_1046 {strides = array<i32>} : memref<2x256x64xf32, #tpu.memory_space<vmem>>, vector<1x1x16xf32>,
      }
      %scan3A_926 = arith.constant 256 : i32
      %mul3A_927 = arith.constant 256 : i32
      %mul3A_928 = arith.muli %add3A_804, %mul3A_927 : i32
      %add3A_929 = arith.addi %mul3A_2, %mul3A_928 : i32
      %dma_start3A_930 = arith.constant 1 : i32
      %dma_start3A_931 = arith.constant 0 : i32
      %dma_start3A_932 = arith.constant 0 : i32
      %dma_start3A_933 = tpu.memref_slice %arg16[%dma_start3A_930, %dma_start3A_931, %dma_start3A_932] : memref<2x256x64xf32, #tpu.memory_space<vmem>> -> memref<1x256x64xf32, #tpu.memory_space<vmem>>
      %dma_start3A_934 = tpu.memref_squeeze %dma_start3A_933 : memref<1x256x64xf32, #tpu.memory_space<vmem>> -> memref<256x64xf32, #tpu.memory_space<vmem>>
      %dma_start3A_935 = arith.constant 0 : i32
      %dma_start3A_936 = tpu.memref_slice %arg11[%add3A_929, %dma_start3A_935] : memref<819200x64xf32, #tpu.memory_space<hbm>> -> memref<256x64xf32, #tpu.memory_space<hbm>>
      %dma_start3A_937 = arith.constant 0 : i32
      %dma_start3A_938 = tpu.memref_slice %arg11[%add3A_929, %dma_start3A_937] : memref<819200x64xf32, #tpu.memory_space<hbm>> -> memref<256x64xf32, #tpu.memory_space<hbm>>
      %dma_start3A_939 = arith.constant 0 : i32
      %dma_start3A_940 = arith.constant 0 : i32
      %dma_start3A_941 = tpu.memref_slice %arg16[%dma_start3A_930, %dma_start3A_939, %dma_start3A_940] : memref<2x256x64xf32, #tpu.memory_space<vmem>> -> memref<1x256x64xf32, #tpu.memory_space<vmem>>
      %dma_start3A_942 = tpu.memref_squeeze %dma_start3A_941 : memref<1x256x64xf32, #tpu.memory_space<vmem>> -> memref<256x64xf32, #tpu.memory_space<vmem>>
      tpu.enqueue_dma source(%dma_start3A_942 : memref<256x64xf32, #tpu.memory_space<vmem>>) target(%dma_start3A_938 : memref<256x64xf32, #tpu.memory_space<hbm>>) target_semaphore(%arg24 : memref<!tpu.dma_semaphore, #tpu.memory_space<semaphore_mem>>)
      %add3A_943 = arith.constant 2 : i32
      %add3A_944 = arith.addi %add3A_804, %add3A_943 : i32
      %lt3A_945 = arith.constant 100 : i32
      %lt3A_946 = arith.cmpi slt, %add3A_944, %lt3A_945 : i32
      %convert_element_type3A_947 = arith.extui %lt3A_946 : i1 to i32
      %cond3A_948 = arith.constant 0 : i32
      %cond3A_949 = arith.cmpi ne, %convert_element_type3A_947, %cond3A_948 : i32
      scf.if %cond3A_949 {
        %add3A_957 = arith.constant 2 : i32
        %add3A_958 = arith.addi %add3A_804, %add3A_957 : i32
        %mul3A_959 = arith.constant 256 : i32
        %mul3A_960 = arith.muli %add3A_958, %mul3A_959 : i32
        %add3A_961 = arith.addi %mul3A_2, %mul3A_960 : i32
        %dma_wait3A_962 = arith.constant 1 : i32
        %dma_wait3A_963 = arith.constant 0 : i32
        %dma_wait3A_964 = arith.constant 0 : i32
        %dma_wait3A_965 = tpu.memref_slice %arg12[%dma_wait3A_962, %dma_wait3A_963, %dma_wait3A_964] : memref<2x7x256xi32, #tpu.memory_space<vmem>> -> memref<1x1x256xi32, #tpu.memory_space<vmem>>
        %dma_wait3A_966 = tpu.memref_squeeze %dma_wait3A_965 : memref<1x1x256xi32, #tpu.memory_space<vmem>> -> memref<256xi32, #tpu.memory_space<vmem>>
        %dma_wait3A_967 = tpu.memref_slice %arg2[%add3A_961] : memref<819200xi32, #tpu.memory_space<hbm>> -> memref<256xi32, #tpu.memory_space<hbm>>
        %dma_wait3A_968 = arith.constant 0 : i32
        %dma_wait3A_969 = tpu.memref_slice %arg12[%dma_wait3A_962, %dma_wait3A_963, %dma_wait3A_968] : memref<2x7x256xi32, #tpu.memory_space<vmem>> -> memref<1x1x256xi32, #tpu.memory_space<vmem>>
        %dma_wait3A_970 = tpu.memref_squeeze %dma_wait3A_969 : memref<1x1x256xi32, #tpu.memory_space<vmem>> -> memref<256xi32, #tpu.memory_space<vmem>>
        %dma_wait3A_971 = tpu.memref_slice %arg2[%add3A_961] : memref<819200xi32, #tpu.memory_space<hbm>> -> memref<256xi32, #tpu.memory_space<hbm>>
        tpu.wait_dma2 semaphore(%arg18 : memref<!tpu.dma_semaphore, #tpu.memory_space<semaphore_mem>>) src(%dma_wait3A_971 : memref<256xi32, #tpu.memory_space<hbm>>) dst(%dma_wait3A_970 : memref<256xi32, #tpu.memory_space<vmem>>)
        %mul3A_972 = arith.constant 256 : i32
        %mul3A_973 = arith.muli %add3A_958, %mul3A_972 : i32
        %add3A_974 = arith.addi %mul3A_2, %mul3A_973 : i32
        %dma_wait3A_975 = arith.constant 1 : i32
        %dma_wait3A_976 = arith.constant 1 : i32
        %dma_wait3A_977 = arith.constant 0 : i32
        %dma_wait3A_978 = tpu.memref_slice %arg12[%dma_wait3A_975, %dma_wait3A_976, %dma_wait3A_977] : memref<2x7x256xi32, #tpu.memory_space<vmem>> -> memref<1x1x256xi32, #tpu.memory_space<vmem>>
        %dma_wait3A_979 = tpu.memref_squeeze %dma_wait3A_978 : memref<1x1x256xi32, #tpu.memory_space<vmem>> -> memref<256xi32, #tpu.memory_space<vmem>>
        %dma_wait3A_980 = tpu.memref_slice %arg3[%add3A_974] : memref<819200xi32, #tpu.memory_space<hbm>> -> memref<256xi32, #tpu.memory_space<hbm>>
        %dma_wait3A_981 = arith.constant 0 : i32
        %dma_wait3A_982 = tpu.memref_slice %arg12[%dma_wait3A_975, %dma_wait3A_976, %dma_wait3A_981] : memref<2x7x256xi32, #tpu.memory_space<vmem>> -> memref<1x1x256xi32, #tpu.memory_space<vmem>>
        %dma_wait3A_983 = tpu.memref_squeeze %dma_wait3A_982 : memref<1x1x256xi32, #tpu.memory_space<vmem>> -> memref<256xi32, #tpu.memory_space<vmem>>
        %dma_wait3A_984 = tpu.memref_slice %arg3[%add3A_974] : memref<819200xi32, #tpu.memory_space<hbm>> -> memref<256xi32, #tpu.memory_space<hbm>>
        tpu.wait_dma2 semaphore(%arg18 : memref<!tpu.dma_semaphore, #tpu.memory_space<semaphore_mem>>) src(%dma_wait3A_984 : memref<256xi32, #tpu.memory_space<hbm>>) dst(%dma_wait3A_983 : memref<256xi32, #tpu.memory_space<vmem>>)
        %mul3A_985 = arith.constant 256 : i32
        %mul3A_986 = arith.muli %add3A_958, %mul3A_985 : i32
        %add3A_987 = arith.addi %mul3A_2, %mul3A_986 : i32
        %dma_wait3A_988 = arith.constant 1 : i32
        %dma_wait3A_989 = arith.constant 2 : i32
        %dma_wait3A_990 = arith.constant 0 : i32
        %dma_wait3A_991 = tpu.memref_slice %arg12[%dma_wait3A_988, %dma_wait3A_989, %dma_wait3A_990] : memref<2x7x256xi32, #tpu.memory_space<vmem>> -> memref<1x1x256xi32, #tpu.memory_space<vmem>>
        %dma_wait3A_992 = tpu.memref_squeeze %dma_wait3A_991 : memref<1x1x256xi32, #tpu.memory_space<vmem>> -> memref<256xi32, #tpu.memory_space<vmem>>
        %dma_wait3A_993 = tpu.memref_slice %arg4[%add3A_987] : memref<819200xi32, #tpu.memory_space<hbm>> -> memref<256xi32, #tpu.memory_space<hbm>>
        %dma_wait3A_994 = arith.constant 0 : i32
        %dma_wait3A_995 = tpu.memref_slice %arg12[%dma_wait3A_988, %dma_wait3A_989, %dma_wait3A_994] : memref<2x7x256xi32, #tpu.memory_space<vmem>> -> memref<1x1x256xi32, #tpu.memory_space<vmem>>
        %dma_wait3A_996 = tpu.memref_squeeze %dma_wait3A_995 : memref<1x1x256xi32, #tpu.memory_space<vmem>> -> memref<256xi32, #tpu.memory_space<vmem>>
        %dma_wait3A_997 = tpu.memref_slice %arg4[%add3A_987] : memref<819200xi32, #tpu.memory_space<hbm>> -> memref<256xi32, #tpu.memory_space<hbm>>
        tpu.wait_dma2 semaphore(%arg18 : memref<!tpu.dma_semaphore, #tpu.memory_space<semaphore_mem>>) src(%dma_wait3A_997 : memref<256xi32, #tpu.memory_space<hbm>>) dst(%dma_wait3A_996 : memref<256xi32, #tpu.memory_space<vmem>>)
        %mul3A_998 = arith.constant 256 : i32
        %mul3A_999 = arith.muli %add3A_958, %mul3A_998 : i32
        %add3A_1000 = arith.addi %mul3A_2, %mul3A_999 : i32
        %dma_wait3A_1001 = arith.constant 1 : i32
        %dma_wait3A_1002 = arith.constant 3 : i32
        %dma_wait3A_1003 = arith.constant 0 : i32
        %dma_wait3A_1004 = tpu.memref_slice %arg12[%dma_wait3A_1001, %dma_wait3A_1002, %dma_wait3A_1003] : memref<2x7x256xi32, #tpu.memory_space<vmem>> -> memref<1x1x256xi32, #tpu.memory_space<vmem>>
        %dma_wait3A_1005 = tpu.memref_squeeze %dma_wait3A_1004 : memref<1x1x256xi32, #tpu.memory_space<vmem>> -> memref<256xi32, #tpu.memory_space<vmem>>
        %dma_wait3A_1006 = tpu.memref_slice %arg5[%add3A_1000] : memref<819200xi32, #tpu.memory_space<hbm>> -> memref<256xi32, #tpu.memory_space<hbm>>
        %dma_wait3A_1007 = arith.constant 0 : i32
        %dma_wait3A_1008 = tpu.memref_slice %arg12[%dma_wait3A_1001, %dma_wait3A_1002, %dma_wait3A_1007] : memref<2x7x256xi32, #tpu.memory_space<vmem>> -> memref<1x1x256xi32, #tpu.memory_space<vmem>>
        %dma_wait3A_1009 = tpu.memref_squeeze %dma_wait3A_1008 : memref<1x1x256xi32, #tpu.memory_space<vmem>> -> memref<256xi32, #tpu.memory_space<vmem>>
        %dma_wait3A_1010 = tpu.memref_slice %arg5[%add3A_1000] : memref<819200xi32, #tpu.memory_space<hbm>> -> memref<256xi32, #tpu.memory_space<hbm>>
        tpu.wait_dma2 semaphore(%arg18 : memref<!tpu.dma_semaphore, #tpu.memory_space<semaphore_mem>>) src(%dma_wait3A_1010 : memref<256xi32, #tpu.memory_space<hbm>>) dst(%dma_wait3A_1009 : memref<256xi32, #tpu.memory_space<vmem>>)
        %mul3A_1011 = arith.constant 256 : i32
        %mul3A_1012 = arith.muli %add3A_958, %mul3A_1011 : i32
        %add3A_1013 = arith.addi %mul3A_2, %mul3A_1012 : i32
        %dma_wait3A_1014 = arith.constant 1 : i32
        %dma_wait3A_1015 = arith.constant 4 : i32
        %dma_wait3A_1016 = arith.constant 0 : i32
        %dma_wait3A_1017 = tpu.memref_slice %arg12[%dma_wait3A_1014, %dma_wait3A_1015, %dma_wait3A_1016] : memref<2x7x256xi32, #tpu.memory_space<vmem>> -> memref<1x1x256xi32, #tpu.memory_space<vmem>>
        %dma_wait3A_1018 = tpu.memref_squeeze %dma_wait3A_1017 : memref<1x1x256xi32, #tpu.memory_space<vmem>> -> memref<256xi32, #tpu.memory_space<vmem>>
        %dma_wait3A_1019 = tpu.memref_slice %arg6[%add3A_1013] : memref<819200xi32, #tpu.memory_space<hbm>> -> memref<256xi32, #tpu.memory_space<hbm>>
        %dma_wait3A_1020 = arith.constant 0 : i32
        %dma_wait3A_1021 = tpu.memref_slice %arg12[%dma_wait3A_1014, %dma_wait3A_1015, %dma_wait3A_1020] : memref<2x7x256xi32, #tpu.memory_space<vmem>> -> memref<1x1x256xi32, #tpu.memory_space<vmem>>
        %dma_wait3A_1022 = tpu.memref_squeeze %dma_wait3A_1021 : memref<1x1x256xi32, #tpu.memory_space<vmem>> -> memref<256xi32, #tpu.memory_space<vmem>>
        %dma_wait3A_1023 = tpu.memref_slice %arg6[%add3A_1013] : memref<819200xi32, #tpu.memory_space<hbm>> -> memref<256xi32, #tpu.memory_space<hbm>>
        tpu.wait_dma2 semaphore(%arg18 : memref<!tpu.dma_semaphore, #tpu.memory_space<semaphore_mem>>) src(%dma_wait3A_1023 : memref<256xi32, #tpu.memory_space<hbm>>) dst(%dma_wait3A_1022 : memref<256xi32, #tpu.memory_space<vmem>>)
        %mul3A_1024 = arith.constant 256 : i32
        %mul3A_1025 = arith.muli %add3A_958, %mul3A_1024 : i32
        %add3A_1026 = arith.addi %mul3A_2, %mul3A_1025 : i32
        %dma_wait3A_1027 = arith.constant 1 : i32
        %dma_wait3A_1028 = arith.constant 5 : i32
        %dma_wait3A_1029 = arith.constant 0 : i32
        %dma_wait3A_1030 = tpu.memref_slice %arg12[%dma_wait3A_1027, %dma_wait3A_1028, %dma_wait3A_1029] : memref<2x7x256xi32, #tpu.memory_space<vmem>> -> memref<1x1x256xi32, #tpu.memory_space<vmem>>
        %dma_wait3A_1031 = tpu.memref_squeeze %dma_wait3A_1030 : memref<1x1x256xi32, #tpu.memory_space<vmem>> -> memref<256xi32, #tpu.memory_space<vmem>>
        %dma_wait3A_1032 = tpu.memref_slice %arg7[%add3A_1026] : memref<819200xi32, #tpu.memory_space<hbm>> -> memref<256xi32, #tpu.memory_space<hbm>>
        %dma_wait3A_1033 = arith.constant 0 : i32
        %dma_wait3A_1034 = tpu.memref_slice %arg12[%dma_wait3A_1027, %dma_wait3A_1028, %dma_wait3A_1033] : memref<2x7x256xi32, #tpu.memory_space<vmem>> -> memref<1x1x256xi32, #tpu.memory_space<vmem>>
        %dma_wait3A_1035 = tpu.memref_squeeze %dma_wait3A_1034 : memref<1x1x256xi32, #tpu.memory_space<vmem>> -> memref<256xi32, #tpu.memory_space<vmem>>
        %dma_wait3A_1036 = tpu.memref_slice %arg7[%add3A_1026] : memref<819200xi32, #tpu.memory_space<hbm>> -> memref<256xi32, #tpu.memory_space<hbm>>
        tpu.wait_dma2 semaphore(%arg18 : memref<!tpu.dma_semaphore, #tpu.memory_space<semaphore_mem>>) src(%dma_wait3A_1036 : memref<256xi32, #tpu.memory_space<hbm>>) dst(%dma_wait3A_1035 : memref<256xi32, #tpu.memory_space<vmem>>)
        %mul3A_1037 = arith.constant 256 : i32
        %mul3A_1038 = arith.muli %add3A_958, %mul3A_1037 : i32
        %add3A_1039 = arith.addi %mul3A_2, %mul3A_1038 : i32
        %dma_wait3A_1040 = arith.constant 1 : i32
        %dma_wait3A_1041 = arith.constant 6 : i32
        %dma_wait3A_1042 = arith.constant 0 : i32
        %dma_wait3A_1043 = tpu.memref_slice %arg12[%dma_wait3A_1040, %dma_wait3A_1041, %dma_wait3A_1042] : memref<2x7x256xi32, #tpu.memory_space<vmem>> -> memref<1x1x256xi32, #tpu.memory_space<vmem>>
        %dma_wait3A_1044 = tpu.memref_squeeze %dma_wait3A_1043 : memref<1x1x256xi32, #tpu.memory_space<vmem>> -> memref<256xi32, #tpu.memory_space<vmem>>
        %dma_wait3A_1045 = tpu.memref_slice %arg8[%add3A_1039] : memref<819200xi32, #tpu.memory_space<hbm>> -> memref<256xi32, #tpu.memory_space<hbm>>
        %dma_wait3A_1046 = arith.constant 0 : i32
        %dma_wait3A_1047 = tpu.memref_slice %arg12[%dma_wait3A_1040, %dma_wait3A_1041, %dma_wait3A_1046] : memref<2x7x256xi32, #tpu.memory_space<vmem>> -> memref<1x1x256xi32, #tpu.memory_space<vmem>>
        %dma_wait3A_1048 = tpu.memref_squeeze %dma_wait3A_1047 : memref<1x1x256xi32, #tpu.memory_space<vmem>> -> memref<256xi32, #tpu.memory_space<vmem>>
        %dma_wait3A_1049 = tpu.memref_slice %arg8[%add3A_1039] : memref<819200xi32, #tpu.memory_space<hbm>> -> memref<256xi32, #tpu.memory_space<hbm>>
        tpu.wait_dma2 semaphore(%arg18 : memref<!tpu.dma_semaphore, #tpu.memory_space<semaphore_mem>>) src(%dma_wait3A_1049 : memref<256xi32, #tpu.memory_space<hbm>>) dst(%dma_wait3A_1048 : memref<256xi32, #tpu.memory_space<vmem>>)
        %scan3A_1050 = arith.constant 0 : i32
        %scan3A_1051 = arith.constant 0 : i32
        %scan3A_1052 = arith.constant 16 : i32
        %scan3A_1053 = arith.addi %scan3A_1051, %scan3A_1052 : i32
        %scan3A_1054 = arith.constant 1 : i32
        scf.for %scan3A_1082 = %scan3A_1051 to %scan3A_1053 step %scan3A_1054  : i32 {
          %mul3A_1083 = arith.constant 16 : i32
          %mul3A_1084 = arith.muli %scan3A_1082, %mul3A_1083 : i32
          %get3A = arith.constant 1 : i32
          %get3A_1085 = arith.constant 0 : i32
          %get3A_1086 = arith.index_cast %get3A : i32 to index
          %get3A_1087 = arith.index_cast %get3A_1085 : i32 to index
          %get3A_1088 = arith.index_cast %mul3A_1084 : i32 to index
          %get3A_1089 = tpu.vector_load %arg12[%get3A_1086, %get3A_1087, %get3A_1088] {strides = array<i32>} : memref<2x7x256xi32, #tpu.memory_space<vmem>>, vector<1x1x16xi32>,
          %get3A_1090 = vector.shape_cast %get3A_1089 : vector<1x1x16xi32> to vector<16xi32>
          %mul3A_1091 = arith.constant -1640531535 : i32
          %mul3A_1092 = vector.broadcast %mul3A_1091 : i32 to vector<16xi32>
          %mul3A_1093 = arith.muli %get3A_1090, %mul3A_1092 : vector<16xi32>
          %add3A_1094 = arith.constant 374761393 : i32
          %add3A_1095 = vector.broadcast %add3A_1094 : i32 to vector<16xi32>
          %add3A_1096 = arith.addi %mul3A_1093, %add3A_1095 : vector<16xi32>
          %jit3A = arith.constant 100000 : i32
          %eq3A = arith.constant 0 : i32
          %eq3A_1097 = arith.cmpi eq, %jit3A, %eq3A : i32
          %jit3A_1098 = arith.constant 1 : i32
          %select_n3A = arith.select %eq3A_1097, %jit3A_1098, %jit3A : i32
          %rem3A = vector.broadcast %select_n3A : i32 to vector<16xi32>
          %rem3A_1099 = arith.remui %add3A_1096, %rem3A : vector<16xi32>
          %ne3A = arith.constant 0 : i32
          %ne3A_1100 = vector.broadcast %ne3A : i32 to vector<16xi32>
          %ne3A_1101 = arith.cmpi ne, %rem3A_1099, %ne3A_1100 : vector<16xi32>
          %lt3A_1102 = arith.constant 0 : i32
          %lt3A_1103 = vector.broadcast %lt3A_1102 : i32 to vector<16xi32>
          %lt3A_1104 = arith.cmpi ult, %rem3A_1099, %lt3A_1103 : vector<16xi32>
          %lt3A_1105 = arith.constant 0 : i32
          %lt3A_1106 = arith.cmpi ult, %select_n3A, %lt3A_1105 : i32
          %ne3A_1107 = vector.broadcast %lt3A_1106 : i1 to vector<16xi1>
          %ne3A_1108 = vector.broadcast %ne3A_1107 : vector<16xi1> to vector<16xi1>
          %ne3A_1109 = arith.xori %lt3A_1104, %ne3A_1108 : vector<16xi1>
          %and3A = arith.andi %ne3A_1109, %ne3A_1101 : vector<16xi1>
          %add3A_1110 = vector.broadcast %select_n3A : i32 to vector<16xi32>
          %add3A_1111 = arith.addi %rem3A_1099, %add3A_1110 : vector<16xi32>
          %select_n3A_1112 = arith.select %and3A, %add3A_1111, %rem3A_1099 : vector<16xi1>, vector<16xi32>
          %swap3A = arith.constant 1 : i32
          %swap3A_1113 = arith.constant 0 : i32
          %swap3A_1114 = arith.index_cast %swap3A : i32 to index
          %swap3A_1115 = arith.index_cast %swap3A_1113 : i32 to index
          %swap3A_1116 = arith.index_cast %mul3A_1084 : i32 to index
          %swap3A_1117 = tpu.vector_load %arg13[%swap3A_1114, %swap3A_1115, %swap3A_1116] {strides = array<i32>} : memref<2x10x256xi32, #tpu.memory_space<vmem>>, vector<1x1x16xi32>,
          %swap3A_1118 = vector.shape_cast %swap3A_1117 : vector<1x1x16xi32> to vector<16xi32>
          %swap3A_1119 = vector.shape_cast %select_n3A_1112 : vector<16xi32> to vector<1x1x16xi32>
          tpu.vector_store %arg13[%swap3A_1114, %swap3A_1115, %swap3A_1116], %swap3A_1119 {strides = array<i32>} : memref<2x10x256xi32, #tpu.memory_space<vmem>>, vector<1x1x16xi32>,
          %mul3A_1120 = arith.constant -2048144777 : i32
          %mul3A_1121 = vector.broadcast %mul3A_1120 : i32 to vector<16xi32>
          %mul3A_1122 = arith.muli %get3A_1090, %mul3A_1121 : vector<16xi32>
          %add3A_1123 = arith.constant -1150833019 : i32
          %add3A_1124 = vector.broadcast %add3A_1123 : i32 to vector<16xi32>
          %add3A_1125 = arith.addi %mul3A_1122, %add3A_1124 : vector<16xi32>
          %jit3A_1126 = arith.constant 100000 : i32
          %eq3A_1127 = arith.constant 0 : i32
          %eq3A_1128 = arith.cmpi eq, %jit3A_1126, %eq3A_1127 : i32
          %jit3A_1129 = arith.constant 1 : i32
          %select_n3A_1130 = arith.select %eq3A_1128, %jit3A_1129, %jit3A_1126 : i32
          %rem3A_1131 = vector.broadcast %select_n3A_1130 : i32 to vector<16xi32>
          %rem3A_1132 = arith.remui %add3A_1125, %rem3A_1131 : vector<16xi32>
          %ne3A_1133 = arith.constant 0 : i32
          %ne3A_1134 = vector.broadcast %ne3A_1133 : i32 to vector<16xi32>
          %ne3A_1135 = arith.cmpi ne, %rem3A_1132, %ne3A_1134 : vector<16xi32>
          %lt3A_1136 = arith.constant 0 : i32
          %lt3A_1137 = vector.broadcast %lt3A_1136 : i32 to vector<16xi32>
          %lt3A_1138 = arith.cmpi ult, %rem3A_1132, %lt3A_1137 : vector<16xi32>
          %lt3A_1139 = arith.constant 0 : i32
          %lt3A_1140 = arith.cmpi ult, %select_n3A_1130, %lt3A_1139 : i32
          %ne3A_1141 = vector.broadcast %lt3A_1140 : i1 to vector<16xi1>
          %ne3A_1142 = vector.broadcast %ne3A_1141 : vector<16xi1> to vector<16xi1>
          %ne3A_1143 = arith.xori %lt3A_1138, %ne3A_1142 : vector<16xi1>
          %and3A_1144 = arith.andi %ne3A_1143, %ne3A_1135 : vector<16xi1>
          %add3A_1145 = vector.broadcast %select_n3A_1130 : i32 to vector<16xi32>
          %add3A_1146 = arith.addi %rem3A_1132, %add3A_1145 : vector<16xi32>
          %select_n3A_1147 = arith.select %and3A_1144, %add3A_1146, %rem3A_1132 : vector<16xi1>, vector<16xi32>
          %swap3A_1148 = arith.constant 1 : i32
          %swap3A_1149 = arith.constant 1 : i32
          %swap3A_1150 = arith.index_cast %swap3A_1148 : i32 to index
          %swap3A_1151 = arith.index_cast %swap3A_1149 : i32 to index
          %swap3A_1152 = arith.index_cast %mul3A_1084 : i32 to index
          %swap3A_1153 = tpu.vector_load %arg13[%swap3A_1150, %swap3A_1151, %swap3A_1152] {strides = array<i32>} : memref<2x10x256xi32, #tpu.memory_space<vmem>>, vector<1x1x16xi32>,
          %swap3A_1154 = vector.shape_cast %swap3A_1153 : vector<1x1x16xi32> to vector<16xi32>
          %swap3A_1155 = vector.shape_cast %select_n3A_1147 : vector<16xi32> to vector<1x1x16xi32>
          tpu.vector_store %arg13[%swap3A_1150, %swap3A_1151, %swap3A_1152], %swap3A_1155 {strides = array<i32>} : memref<2x10x256xi32, #tpu.memory_space<vmem>>, vector<1x1x16xi32>,
          %mul3A_1156 = arith.constant -1028477379 : i32
          %mul3A_1157 = vector.broadcast %mul3A_1156 : i32 to vector<16xi32>
          %mul3A_1158 = arith.muli %get3A_1090, %mul3A_1157 : vector<16xi32>
          %add3A_1159 = arith.constant 1013904223 : i32
          %add3A_1160 = vector.broadcast %add3A_1159 : i32 to vector<16xi32>
          %add3A_1161 = arith.addi %mul3A_1158, %add3A_1160 : vector<16xi32>
          %jit3A_1162 = arith.constant 100000 : i32
          %eq3A_1163 = arith.constant 0 : i32
          %eq3A_1164 = arith.cmpi eq, %jit3A_1162, %eq3A_1163 : i32
          %jit3A_1165 = arith.constant 1 : i32
          %select_n3A_1166 = arith.select %eq3A_1164, %jit3A_1165, %jit3A_1162 : i32
          %rem3A_1167 = vector.broadcast %select_n3A_1166 : i32 to vector<16xi32>
          %rem3A_1168 = arith.remui %add3A_1161, %rem3A_1167 : vector<16xi32>
          %ne3A_1169 = arith.constant 0 : i32
          %ne3A_1170 = vector.broadcast %ne3A_1169 : i32 to vector<16xi32>
          %ne3A_1171 = arith.cmpi ne, %rem3A_1168, %ne3A_1170 : vector<16xi32>
          %lt3A_1172 = arith.constant 0 : i32
          %lt3A_1173 = vector.broadcast %lt3A_1172 : i32 to vector<16xi32>
          %lt3A_1174 = arith.cmpi ult, %rem3A_1168, %lt3A_1173 : vector<16xi32>
          %lt3A_1175 = arith.constant 0 : i32
          %lt3A_1176 = arith.cmpi ult, %select_n3A_1166, %lt3A_1175 : i32
          %ne3A_1177 = vector.broadcast %lt3A_1176 : i1 to vector<16xi1>
          %ne3A_1178 = vector.broadcast %ne3A_1177 : vector<16xi1> to vector<16xi1>
          %ne3A_1179 = arith.xori %lt3A_1174, %ne3A_1178 : vector<16xi1>
          %and3A_1180 = arith.andi %ne3A_1179, %ne3A_1171 : vector<16xi1>
          %add3A_1181 = vector.broadcast %select_n3A_1166 : i32 to vector<16xi32>
          %add3A_1182 = arith.addi %rem3A_1168, %add3A_1181 : vector<16xi32>
          %select_n3A_1183 = arith.select %and3A_1180, %add3A_1182, %rem3A_1168 : vector<16xi1>, vector<16xi32>
          %swap3A_1184 = arith.constant 1 : i32
          %swap3A_1185 = arith.constant 2 : i32
          %swap3A_1186 = arith.index_cast %swap3A_1184 : i32 to index
          %swap3A_1187 = arith.index_cast %swap3A_1185 : i32 to index
          %swap3A_1188 = arith.index_cast %mul3A_1084 : i32 to index
          %swap3A_1189 = tpu.vector_load %arg13[%swap3A_1186, %swap3A_1187, %swap3A_1188] {strides = array<i32>} : memref<2x10x256xi32, #tpu.memory_space<vmem>>, vector<1x1x16xi32>,
          %swap3A_1190 = vector.shape_cast %swap3A_1189 : vector<1x1x16xi32> to vector<16xi32>
          %swap3A_1191 = vector.shape_cast %select_n3A_1183 : vector<16xi32> to vector<1x1x16xi32>
          tpu.vector_store %arg13[%swap3A_1186, %swap3A_1187, %swap3A_1188], %swap3A_1191 {strides = array<i32>} : memref<2x10x256xi32, #tpu.memory_space<vmem>>, vector<1x1x16xi32>,
          %mul3A_1192 = arith.constant 668265263 : i32
          %mul3A_1193 = vector.broadcast %mul3A_1192 : i32 to vector<16xi32>
          %mul3A_1194 = arith.muli %get3A_1090, %mul3A_1193 : vector<16xi32>
          %add3A_1195 = arith.constant -1521486534 : i32
          %add3A_1196 = vector.broadcast %add3A_1195 : i32 to vector<16xi32>
          %add3A_1197 = arith.addi %mul3A_1194, %add3A_1196 : vector<16xi32>
          %jit3A_1198 = arith.constant 100000 : i32
          %eq3A_1199 = arith.constant 0 : i32
          %eq3A_1200 = arith.cmpi eq, %jit3A_1198, %eq3A_1199 : i32
          %jit3A_1201 = arith.constant 1 : i32
          %select_n3A_1202 = arith.select %eq3A_1200, %jit3A_1201, %jit3A_1198 : i32
          %rem3A_1203 = vector.broadcast %select_n3A_1202 : i32 to vector<16xi32>
          %rem3A_1204 = arith.remui %add3A_1197, %rem3A_1203 : vector<16xi32>
          %ne3A_1205 = arith.constant 0 : i32
          %ne3A_1206 = vector.broadcast %ne3A_1205 : i32 to vector<16xi32>
          %ne3A_1207 = arith.cmpi ne, %rem3A_1204, %ne3A_1206 : vector<16xi32>
          %lt3A_1208 = arith.constant 0 : i32
          %lt3A_1209 = vector.broadcast %lt3A_1208 : i32 to vector<16xi32>
          %lt3A_1210 = arith.cmpi ult, %rem3A_1204, %lt3A_1209 : vector<16xi32>
          %lt3A_1211 = arith.constant 0 : i32
          %lt3A_1212 = arith.cmpi ult, %select_n3A_1202, %lt3A_1211 : i32
          %ne3A_1213 = vector.broadcast %lt3A_1212 : i1 to vector<16xi1>
          %ne3A_1214 = vector.broadcast %ne3A_1213 : vector<16xi1> to vector<16xi1>
          %ne3A_1215 = arith.xori %lt3A_1210, %ne3A_1214 : vector<16xi1>
          %and3A_1216 = arith.andi %ne3A_1215, %ne3A_1207 : vector<16xi1>
          %add3A_1217 = vector.broadcast %select_n3A_1202 : i32 to vector<16xi32>
          %add3A_1218 = arith.addi %rem3A_1204, %add3A_1217 : vector<16xi32>
          %select_n3A_1219 = arith.select %and3A_1216, %add3A_1218, %rem3A_1204 : vector<16xi1>, vector<16xi32>
          %swap3A_1220 = arith.constant 1 : i32
          %swap3A_1221 = arith.constant 3 : i32
          %swap3A_1222 = arith.index_cast %swap3A_1220 : i32 to index
          %swap3A_1223 = arith.index_cast %swap3A_1221 : i32 to index
          %swap3A_1224 = arith.index_cast %mul3A_1084 : i32 to index
          %swap3A_1225 = tpu.vector_load %arg13[%swap3A_1222, %swap3A_1223, %swap3A_1224] {strides = array<i32>} : memref<2x10x256xi32, #tpu.memory_space<vmem>>, vector<1x1x16xi32>,
          %swap3A_1226 = vector.shape_cast %swap3A_1225 : vector<1x1x16xi32> to vector<16xi32>
          %swap3A_1227 = vector.shape_cast %select_n3A_1219 : vector<16xi32> to vector<1x1x16xi32>
          tpu.vector_store %arg13[%swap3A_1222, %swap3A_1223, %swap3A_1224], %swap3A_1227 {strides = array<i32>} : memref<2x10x256xi32, #tpu.memory_space<vmem>>, vector<1x1x16xi32>,
          %get3A_1228 = arith.constant 1 : i32
          %get3A_1229 = arith.constant 1 : i32
          %get3A_1230 = arith.index_cast %get3A_1228 : i32 to index
          %get3A_1231 = arith.index_cast %get3A_1229 : i32 to index
          %get3A_1232 = arith.index_cast %mul3A_1084 : i32 to index
          %get3A_1233 = tpu.vector_load %arg12[%get3A_1230, %get3A_1231, %get3A_1232] {strides = array<i32>} : memref<2x7x256xi32, #tpu.memory_space<vmem>>, vector<1x1x16xi32>,
          %get3A_1234 = vector.shape_cast %get3A_1233 : vector<1x1x16xi32> to vector<16xi32>
          %add3A_1235 = arith.constant 0 : i32
          %add3A_1236 = vector.broadcast %add3A_1235 : i32 to vector<16xi32>
          %add3A_1237 = arith.addi %get3A_1234, %add3A_1236 : vector<16xi32>
          %swap3A_1238 = arith.constant 1 : i32
          %swap3A_1239 = arith.constant 4 : i32
          %swap3A_1240 = arith.index_cast %swap3A_1238 : i32 to index
          %swap3A_1241 = arith.index_cast %swap3A_1239 : i32 to index
          %swap3A_1242 = arith.index_cast %mul3A_1084 : i32 to index
          %swap3A_1243 = tpu.vector_load %arg13[%swap3A_1240, %swap3A_1241, %swap3A_1242] {strides = array<i32>} : memref<2x10x256xi32, #tpu.memory_space<vmem>>, vector<1x1x16xi32>,
          %swap3A_1244 = vector.shape_cast %swap3A_1243 : vector<1x1x16xi32> to vector<16xi32>
          %swap3A_1245 = vector.shape_cast %add3A_1237 : vector<16xi32> to vector<1x1x16xi32>
          tpu.vector_store %arg13[%swap3A_1240, %swap3A_1241, %swap3A_1242], %swap3A_1245 {strides = array<i32>} : memref<2x10x256xi32, #tpu.memory_space<vmem>>, vector<1x1x16xi32>,
          %get3A_1246 = arith.constant 1 : i32
          %get3A_1247 = arith.constant 2 : i32
          %get3A_1248 = arith.index_cast %get3A_1246 : i32 to index
          %get3A_1249 = arith.index_cast %get3A_1247 : i32 to index
          %get3A_1250 = arith.index_cast %mul3A_1084 : i32 to index
          %get3A_1251 = tpu.vector_load %arg12[%get3A_1248, %get3A_1249, %get3A_1250] {strides = array<i32>} : memref<2x7x256xi32, #tpu.memory_space<vmem>>, vector<1x1x16xi32>,
          %get3A_1252 = vector.shape_cast %get3A_1251 : vector<1x1x16xi32> to vector<16xi32>
          %add3A_1253 = arith.constant 0 : i32
          %add3A_1254 = vector.broadcast %add3A_1253 : i32 to vector<16xi32>
          %add3A_1255 = arith.addi %get3A_1252, %add3A_1254 : vector<16xi32>
          %swap3A_1256 = arith.constant 1 : i32
          %swap3A_1257 = arith.constant 5 : i32
          %swap3A_1258 = arith.index_cast %swap3A_1256 : i32 to index
          %swap3A_1259 = arith.index_cast %swap3A_1257 : i32 to index
          %swap3A_1260 = arith.index_cast %mul3A_1084 : i32 to index
          %swap3A_1261 = tpu.vector_load %arg13[%swap3A_1258, %swap3A_1259, %swap3A_1260] {strides = array<i32>} : memref<2x10x256xi32, #tpu.memory_space<vmem>>, vector<1x1x16xi32>,
          %swap3A_1262 = vector.shape_cast %swap3A_1261 : vector<1x1x16xi32> to vector<16xi32>
          %swap3A_1263 = vector.shape_cast %add3A_1255 : vector<16xi32> to vector<1x1x16xi32>
          tpu.vector_store %arg13[%swap3A_1258, %swap3A_1259, %swap3A_1260], %swap3A_1263 {strides = array<i32>} : memref<2x10x256xi32, #tpu.memory_space<vmem>>, vector<1x1x16xi32>,
          %get3A_1264 = arith.constant 1 : i32
          %get3A_1265 = arith.constant 3 : i32
          %get3A_1266 = arith.index_cast %get3A_1264 : i32 to index
          %get3A_1267 = arith.index_cast %get3A_1265 : i32 to index
          %get3A_1268 = arith.index_cast %mul3A_1084 : i32 to index
          %get3A_1269 = tpu.vector_load %arg12[%get3A_1266, %get3A_1267, %get3A_1268] {strides = array<i32>} : memref<2x7x256xi32, #tpu.memory_space<vmem>>, vector<1x1x16xi32>,
          %get3A_1270 = vector.shape_cast %get3A_1269 : vector<1x1x16xi32> to vector<16xi32>
          %add3A_1271 = arith.constant 1025 : i32
          %add3A_1272 = vector.broadcast %add3A_1271 : i32 to vector<16xi32>
          %add3A_1273 = arith.addi %get3A_1270, %add3A_1272 : vector<16xi32>
          %swap3A_1274 = arith.constant 1 : i32
          %swap3A_1275 = arith.constant 6 : i32
          %swap3A_1276 = arith.index_cast %swap3A_1274 : i32 to index
          %swap3A_1277 = arith.index_cast %swap3A_1275 : i32 to index
          %swap3A_1278 = arith.index_cast %mul3A_1084 : i32 to index
          %swap3A_1279 = tpu.vector_load %arg13[%swap3A_1276, %swap3A_1277, %swap3A_1278] {strides = array<i32>} : memref<2x10x256xi32, #tpu.memory_space<vmem>>, vector<1x1x16xi32>,
          %swap3A_1280 = vector.shape_cast %swap3A_1279 : vector<1x1x16xi32> to vector<16xi32>
          %swap3A_1281 = vector.shape_cast %add3A_1273 : vector<16xi32> to vector<1x1x16xi32>
          tpu.vector_store %arg13[%swap3A_1276, %swap3A_1277, %swap3A_1278], %swap3A_1281 {strides = array<i32>} : memref<2x10x256xi32, #tpu.memory_space<vmem>>, vector<1x1x16xi32>,
          %get3A_1282 = arith.constant 1 : i32
          %get3A_1283 = arith.constant 4 : i32
          %get3A_1284 = arith.index_cast %get3A_1282 : i32 to index
          %get3A_1285 = arith.index_cast %get3A_1283 : i32 to index
          %get3A_1286 = arith.index_cast %mul3A_1084 : i32 to index
          %get3A_1287 = tpu.vector_load %arg12[%get3A_1284, %get3A_1285, %get3A_1286] {strides = array<i32>} : memref<2x7x256xi32, #tpu.memory_space<vmem>>, vector<1x1x16xi32>,
          %get3A_1288 = vector.shape_cast %get3A_1287 : vector<1x1x16xi32> to vector<16xi32>
          %add3A_1289 = arith.constant 1025 : i32
          %add3A_1290 = vector.broadcast %add3A_1289 : i32 to vector<16xi32>
          %add3A_1291 = arith.addi %get3A_1288, %add3A_1290 : vector<16xi32>
          %swap3A_1292 = arith.constant 1 : i32
          %swap3A_1293 = arith.constant 7 : i32
          %swap3A_1294 = arith.index_cast %swap3A_1292 : i32 to index
          %swap3A_1295 = arith.index_cast %swap3A_1293 : i32 to index
          %swap3A_1296 = arith.index_cast %mul3A_1084 : i32 to index
          %swap3A_1297 = tpu.vector_load %arg13[%swap3A_1294, %swap3A_1295, %swap3A_1296] {strides = array<i32>} : memref<2x10x256xi32, #tpu.memory_space<vmem>>, vector<1x1x16xi32>,
          %swap3A_1298 = vector.shape_cast %swap3A_1297 : vector<1x1x16xi32> to vector<16xi32>
          %swap3A_1299 = vector.shape_cast %add3A_1291 : vector<16xi32> to vector<1x1x16xi32>
          tpu.vector_store %arg13[%swap3A_1294, %swap3A_1295, %swap3A_1296], %swap3A_1299 {strides = array<i32>} : memref<2x10x256xi32, #tpu.memory_space<vmem>>, vector<1x1x16xi32>,
          %get3A_1300 = arith.constant 1 : i32
          %get3A_1301 = arith.constant 5 : i32
          %get3A_1302 = arith.index_cast %get3A_1300 : i32 to index
          %get3A_1303 = arith.index_cast %get3A_1301 : i32 to index
          %get3A_1304 = arith.index_cast %mul3A_1084 : i32 to index
          %get3A_1305 = tpu.vector_load %arg12[%get3A_1302, %get3A_1303, %get3A_1304] {strides = array<i32>} : memref<2x7x256xi32, #tpu.memory_space<vmem>>, vector<1x1x16xi32>,
          %get3A_1306 = vector.shape_cast %get3A_1305 : vector<1x1x16xi32> to vector<16xi32>
          %add3A_1307 = arith.constant 1794 : i32
          %add3A_1308 = vector.broadcast %add3A_1307 : i32 to vector<16xi32>
          %add3A_1309 = arith.addi %get3A_1306, %add3A_1308 : vector<16xi32>
          %swap3A_1310 = arith.constant 1 : i32
          %swap3A_1311 = arith.constant 8 : i32
          %swap3A_1312 = arith.index_cast %swap3A_1310 : i32 to index
          %swap3A_1313 = arith.index_cast %swap3A_1311 : i32 to index
          %swap3A_1314 = arith.index_cast %mul3A_1084 : i32 to index
          %swap3A_1315 = tpu.vector_load %arg13[%swap3A_1312, %swap3A_1313, %swap3A_1314] {strides = array<i32>} : memref<2x10x256xi32, #tpu.memory_space<vmem>>, vector<1x1x16xi32>,
          %swap3A_1316 = vector.shape_cast %swap3A_1315 : vector<1x1x16xi32> to vector<16xi32>
          %swap3A_1317 = vector.shape_cast %add3A_1309 : vector<16xi32> to vector<1x1x16xi32>
          tpu.vector_store %arg13[%swap3A_1312, %swap3A_1313, %swap3A_1314], %swap3A_1317 {strides = array<i32>} : memref<2x10x256xi32, #tpu.memory_space<vmem>>, vector<1x1x16xi32>,
          %get3A_1318 = arith.constant 1 : i32
          %get3A_1319 = arith.constant 6 : i32
          %get3A_1320 = arith.index_cast %get3A_1318 : i32 to index
          %get3A_1321 = arith.index_cast %get3A_1319 : i32 to index
          %get3A_1322 = arith.index_cast %mul3A_1084 : i32 to index
          %get3A_1323 = tpu.vector_load %arg12[%get3A_1320, %get3A_1321, %get3A_1322] {strides = array<i32>} : memref<2x7x256xi32, #tpu.memory_space<vmem>>, vector<1x1x16xi32>,
          %get3A_1324 = vector.shape_cast %get3A_1323 : vector<1x1x16xi32> to vector<16xi32>
          %add3A_1325 = arith.constant 2819 : i32
          %add3A_1326 = vector.broadcast %add3A_1325 : i32 to vector<16xi32>
          %add3A_1327 = arith.addi %get3A_1324, %add3A_1326 : vector<16xi32>
          %swap3A_1328 = arith.constant 1 : i32
          %swap3A_1329 = arith.constant 9 : i32
          %swap3A_1330 = arith.index_cast %swap3A_1328 : i32 to index
          %swap3A_1331 = arith.index_cast %swap3A_1329 : i32 to index
          %swap3A_1332 = arith.index_cast %mul3A_1084 : i32 to index
          %swap3A_1333 = tpu.vector_load %arg13[%swap3A_1330, %swap3A_1331, %swap3A_1332] {strides = array<i32>} : memref<2x10x256xi32, #tpu.memory_space<vmem>>, vector<1x1x16xi32>,
          %swap3A_1334 = vector.shape_cast %swap3A_1333 : vector<1x1x16xi32> to vector<16xi32>
          %swap3A_1335 = vector.shape_cast %add3A_1327 : vector<16xi32> to vector<1x1x16xi32>
          tpu.vector_store %arg13[%swap3A_1330, %swap3A_1331, %swap3A_1332], %swap3A_1335 {strides = array<i32>} : memref<2x10x256xi32, #tpu.memory_space<vmem>>, vector<1x1x16xi32>,
        }
        %scan3A_1055 = arith.constant 16 : i32
        %dma_start3A_1056 = arith.constant 1 : i32
        %dma_start3A_1057 = arith.constant 0 : i32
        %dma_start3A_1058 = arith.constant 1 : i32
        %dma_start3A_1059 = arith.constant 0 : i32
        %dma_start3A_1060 = arith.constant 0 : i32
        %dma_start3A_1061 = tpu.memref_slice %arg14[%dma_start3A_1058, %dma_start3A_1059, %dma_start3A_1060] : memref<2x256x64xf32, #tpu.memory_space<vmem>> -> memref<1x256x64xf32, #tpu.memory_space<vmem>>
        %dma_start3A_1062 = tpu.memref_squeeze %dma_start3A_1061 : memref<1x256x64xf32, #tpu.memory_space<vmem>> -> memref<256x64xf32, #tpu.memory_space<vmem>>
        %dma_start3A_1063 = arith.constant 0 : i32
        %dma_start3A_1064 = tpu.memref_slice %arg13[%dma_start3A_1056, %dma_start3A_1057, %dma_start3A_1063] : memref<2x10x256xi32, #tpu.memory_space<vmem>> -> memref<1x1x256xi32, #tpu.memory_space<vmem>>
        %dma_start3A_1065 = tpu.memref_squeeze %dma_start3A_1064 : memref<1x1x256xi32, #tpu.memory_space<vmem>> -> memref<256xi32, #tpu.memory_space<vmem>>
        %dma_start3A_1066 = arith.constant 0 : i32
        %dma_start3A_1067 = arith.constant 0 : i32
        %dma_start3A_1068 = tpu.memref_slice %arg9[%dma_start3A_1066, %dma_start3A_1067] : memref<100000x64xf32, #tpu.memory_space<hbm>> -> memref<100000x64xf32, #tpu.memory_space<hbm>>
        tpu.enqueue_indirect_dma source(%dma_start3A_1068 : memref<100000x64xf32, #tpu.memory_space<hbm>>) target(%dma_start3A_1062 : memref<256x64xf32, #tpu.memory_space<vmem>>) offsets(%dma_start3A_1065 : memref<256xi32, #tpu.memory_space<vmem>>) semaphore(%arg20 : memref<!tpu.dma_semaphore, #tpu.memory_space<semaphore_mem>>)
        %dma_start3A_1069 = arith.constant 1 : i32
        %dma_start3A_1070 = arith.constant 4 : i32
        %dma_start3A_1071 = arith.constant 1 : i32
        %dma_start3A_1072 = arith.constant 0 : i32
        %dma_start3A_1073 = arith.constant 0 : i32
        %dma_start3A_1074 = tpu.memref_slice %arg15[%dma_start3A_1071, %dma_start3A_1072, %dma_start3A_1073] : memref<2x256x64xf32, #tpu.memory_space<vmem>> -> memref<1x256x64xf32, #tpu.memory_space<vmem>>
        %dma_start3A_1075 = tpu.memref_squeeze %dma_start3A_1074 : memref<1x256x64xf32, #tpu.memory_space<vmem>> -> memref<256x64xf32, #tpu.memory_space<vmem>>
        %dma_start3A_1076 = arith.constant 0 : i32
        %dma_start3A_1077 = tpu.memref_slice %arg13[%dma_start3A_1069, %dma_start3A_1070, %dma_start3A_1076] : memref<2x10x256xi32, #tpu.memory_space<vmem>> -> memref<1x1x256xi32, #tpu.memory_space<vmem>>
        %dma_start3A_1078 = tpu.memref_squeeze %dma_start3A_1077 : memref<1x1x256xi32, #tpu.memory_space<vmem>> -> memref<256xi32, #tpu.memory_space<vmem>>
        %dma_start3A_1079 = arith.constant 0 : i32
        %dma_start3A_1080 = arith.constant 0 : i32
        %dma_start3A_1081 = tpu.memref_slice %arg10[%dma_start3A_1079, %dma_start3A_1080] : memref<3600x64xf32, #tpu.memory_space<hbm>> -> memref<3600x64xf32, #tpu.memory_space<hbm>>
        tpu.enqueue_indirect_dma source(%dma_start3A_1081 : memref<3600x64xf32, #tpu.memory_space<hbm>>) target(%dma_start3A_1075 : memref<256x64xf32, #tpu.memory_space<vmem>>) offsets(%dma_start3A_1078 : memref<256xi32, #tpu.memory_space<vmem>>) semaphore(%arg20 : memref<!tpu.dma_semaphore, #tpu.memory_space<semaphore_mem>>)
      } else {
      }
      %add3A_950 = arith.constant 3 : i32
      %add3A_951 = arith.addi %add3A_804, %add3A_950 : i32
      %lt3A_952 = arith.constant 100 : i32
      %lt3A_953 = arith.cmpi slt, %add3A_951, %lt3A_952 : i32
      %convert_element_type3A_954 = arith.extui %lt3A_953 : i1 to i32
      %cond3A_955 = arith.constant 0 : i32
      %cond3A_956 = arith.cmpi ne, %convert_element_type3A_954, %cond3A_955 : i32
      scf.if %cond3A_956 {
        %add3A_957 = arith.constant 3 : i32
        %add3A_958 = arith.addi %add3A_804, %add3A_957 : i32
        %mul3A_959 = arith.constant 256 : i32
        %mul3A_960 = arith.muli %add3A_958, %mul3A_959 : i32
        %add3A_961 = arith.addi %mul3A_2, %mul3A_960 : i32
        %dma_start3A_962 = arith.constant 0 : i32
        %dma_start3A_963 = arith.constant 0 : i32
        %dma_start3A_964 = arith.constant 0 : i32
        %dma_start3A_965 = tpu.memref_slice %arg12[%dma_start3A_962, %dma_start3A_963, %dma_start3A_964] : memref<2x7x256xi32, #tpu.memory_space<vmem>> -> memref<1x1x256xi32, #tpu.memory_space<vmem>>
        %dma_start3A_966 = tpu.memref_squeeze %dma_start3A_965 : memref<1x1x256xi32, #tpu.memory_space<vmem>> -> memref<256xi32, #tpu.memory_space<vmem>>
        %dma_start3A_967 = tpu.memref_slice %arg2[%add3A_961] : memref<819200xi32, #tpu.memory_space<hbm>> -> memref<256xi32, #tpu.memory_space<hbm>>
        %dma_start3A_968 = arith.constant 0 : i32
        %dma_start3A_969 = tpu.memref_slice %arg12[%dma_start3A_962, %dma_start3A_963, %dma_start3A_968] : memref<2x7x256xi32, #tpu.memory_space<vmem>> -> memref<1x1x256xi32, #tpu.memory_space<vmem>>
        %dma_start3A_970 = tpu.memref_squeeze %dma_start3A_969 : memref<1x1x256xi32, #tpu.memory_space<vmem>> -> memref<256xi32, #tpu.memory_space<vmem>>
        %dma_start3A_971 = tpu.memref_slice %arg2[%add3A_961] : memref<819200xi32, #tpu.memory_space<hbm>> -> memref<256xi32, #tpu.memory_space<hbm>>
        tpu.enqueue_dma source(%dma_start3A_971 : memref<256xi32, #tpu.memory_space<hbm>>) target(%dma_start3A_970 : memref<256xi32, #tpu.memory_space<vmem>>) target_semaphore(%arg17 : memref<!tpu.dma_semaphore, #tpu.memory_space<semaphore_mem>>)
        %mul3A_972 = arith.constant 256 : i32
        %mul3A_973 = arith.muli %add3A_958, %mul3A_972 : i32
        %add3A_974 = arith.addi %mul3A_2, %mul3A_973 : i32
        %dma_start3A_975 = arith.constant 0 : i32
        %dma_start3A_976 = arith.constant 1 : i32
        %dma_start3A_977 = arith.constant 0 : i32
        %dma_start3A_978 = tpu.memref_slice %arg12[%dma_start3A_975, %dma_start3A_976, %dma_start3A_977] : memref<2x7x256xi32, #tpu.memory_space<vmem>> -> memref<1x1x256xi32, #tpu.memory_space<vmem>>
        %dma_start3A_979 = tpu.memref_squeeze %dma_start3A_978 : memref<1x1x256xi32, #tpu.memory_space<vmem>> -> memref<256xi32, #tpu.memory_space<vmem>>
        %dma_start3A_980 = tpu.memref_slice %arg3[%add3A_974] : memref<819200xi32, #tpu.memory_space<hbm>> -> memref<256xi32, #tpu.memory_space<hbm>>
        %dma_start3A_981 = arith.constant 0 : i32
        %dma_start3A_982 = tpu.memref_slice %arg12[%dma_start3A_975, %dma_start3A_976, %dma_start3A_981] : memref<2x7x256xi32, #tpu.memory_space<vmem>> -> memref<1x1x256xi32, #tpu.memory_space<vmem>>
        %dma_start3A_983 = tpu.memref_squeeze %dma_start3A_982 : memref<1x1x256xi32, #tpu.memory_space<vmem>> -> memref<256xi32, #tpu.memory_space<vmem>>
        %dma_start3A_984 = tpu.memref_slice %arg3[%add3A_974] : memref<819200xi32, #tpu.memory_space<hbm>> -> memref<256xi32, #tpu.memory_space<hbm>>
        tpu.enqueue_dma source(%dma_start3A_984 : memref<256xi32, #tpu.memory_space<hbm>>) target(%dma_start3A_983 : memref<256xi32, #tpu.memory_space<vmem>>) target_semaphore(%arg17 : memref<!tpu.dma_semaphore, #tpu.memory_space<semaphore_mem>>)
        %mul3A_985 = arith.constant 256 : i32
        %mul3A_986 = arith.muli %add3A_958, %mul3A_985 : i32
        %add3A_987 = arith.addi %mul3A_2, %mul3A_986 : i32
        %dma_start3A_988 = arith.constant 0 : i32
        %dma_start3A_989 = arith.constant 2 : i32
        %dma_start3A_990 = arith.constant 0 : i32
        %dma_start3A_991 = tpu.memref_slice %arg12[%dma_start3A_988, %dma_start3A_989, %dma_start3A_990] : memref<2x7x256xi32, #tpu.memory_space<vmem>> -> memref<1x1x256xi32, #tpu.memory_space<vmem>>
        %dma_start3A_992 = tpu.memref_squeeze %dma_start3A_991 : memref<1x1x256xi32, #tpu.memory_space<vmem>> -> memref<256xi32, #tpu.memory_space<vmem>>
        %dma_start3A_993 = tpu.memref_slice %arg4[%add3A_987] : memref<819200xi32, #tpu.memory_space<hbm>> -> memref<256xi32, #tpu.memory_space<hbm>>
        %dma_start3A_994 = arith.constant 0 : i32
        %dma_start3A_995 = tpu.memref_slice %arg12[%dma_start3A_988, %dma_start3A_989, %dma_start3A_994] : memref<2x7x256xi32, #tpu.memory_space<vmem>> -> memref<1x1x256xi32, #tpu.memory_space<vmem>>
        %dma_start3A_996 = tpu.memref_squeeze %dma_start3A_995 : memref<1x1x256xi32, #tpu.memory_space<vmem>> -> memref<256xi32, #tpu.memory_space<vmem>>
        %dma_start3A_997 = tpu.memref_slice %arg4[%add3A_987] : memref<819200xi32, #tpu.memory_space<hbm>> -> memref<256xi32, #tpu.memory_space<hbm>>
        tpu.enqueue_dma source(%dma_start3A_997 : memref<256xi32, #tpu.memory_space<hbm>>) target(%dma_start3A_996 : memref<256xi32, #tpu.memory_space<vmem>>) target_semaphore(%arg17 : memref<!tpu.dma_semaphore, #tpu.memory_space<semaphore_mem>>)
        %mul3A_998 = arith.constant 256 : i32
        %mul3A_999 = arith.muli %add3A_958, %mul3A_998 : i32
        %add3A_1000 = arith.addi %mul3A_2, %mul3A_999 : i32
        %dma_start3A_1001 = arith.constant 0 : i32
        %dma_start3A_1002 = arith.constant 3 : i32
        %dma_start3A_1003 = arith.constant 0 : i32
        %dma_start3A_1004 = tpu.memref_slice %arg12[%dma_start3A_1001, %dma_start3A_1002, %dma_start3A_1003] : memref<2x7x256xi32, #tpu.memory_space<vmem>> -> memref<1x1x256xi32, #tpu.memory_space<vmem>>
        %dma_start3A_1005 = tpu.memref_squeeze %dma_start3A_1004 : memref<1x1x256xi32, #tpu.memory_space<vmem>> -> memref<256xi32, #tpu.memory_space<vmem>>
        %dma_start3A_1006 = tpu.memref_slice %arg5[%add3A_1000] : memref<819200xi32, #tpu.memory_space<hbm>> -> memref<256xi32, #tpu.memory_space<hbm>>
        %dma_start3A_1007 = arith.constant 0 : i32
        %dma_start3A_1008 = tpu.memref_slice %arg12[%dma_start3A_1001, %dma_start3A_1002, %dma_start3A_1007] : memref<2x7x256xi32, #tpu.memory_space<vmem>> -> memref<1x1x256xi32, #tpu.memory_space<vmem>>
        %dma_start3A_1009 = tpu.memref_squeeze %dma_start3A_1008 : memref<1x1x256xi32, #tpu.memory_space<vmem>> -> memref<256xi32, #tpu.memory_space<vmem>>
        %dma_start3A_1010 = tpu.memref_slice %arg5[%add3A_1000] : memref<819200xi32, #tpu.memory_space<hbm>> -> memref<256xi32, #tpu.memory_space<hbm>>
        tpu.enqueue_dma source(%dma_start3A_1010 : memref<256xi32, #tpu.memory_space<hbm>>) target(%dma_start3A_1009 : memref<256xi32, #tpu.memory_space<vmem>>) target_semaphore(%arg17 : memref<!tpu.dma_semaphore, #tpu.memory_space<semaphore_mem>>)
        %mul3A_1011 = arith.constant 256 : i32
        %mul3A_1012 = arith.muli %add3A_958, %mul3A_1011 : i32
        %add3A_1013 = arith.addi %mul3A_2, %mul3A_1012 : i32
        %dma_start3A_1014 = arith.constant 0 : i32
        %dma_start3A_1015 = arith.constant 4 : i32
        %dma_start3A_1016 = arith.constant 0 : i32
        %dma_start3A_1017 = tpu.memref_slice %arg12[%dma_start3A_1014, %dma_start3A_1015, %dma_start3A_1016] : memref<2x7x256xi32, #tpu.memory_space<vmem>> -> memref<1x1x256xi32, #tpu.memory_space<vmem>>
        %dma_start3A_1018 = tpu.memref_squeeze %dma_start3A_1017 : memref<1x1x256xi32, #tpu.memory_space<vmem>> -> memref<256xi32, #tpu.memory_space<vmem>>
        %dma_start3A_1019 = tpu.memref_slice %arg6[%add3A_1013] : memref<819200xi32, #tpu.memory_space<hbm>> -> memref<256xi32, #tpu.memory_space<hbm>>
        %dma_start3A_1020 = arith.constant 0 : i32
        %dma_start3A_1021 = tpu.memref_slice %arg12[%dma_start3A_1014, %dma_start3A_1015, %dma_start3A_1020] : memref<2x7x256xi32, #tpu.memory_space<vmem>> -> memref<1x1x256xi32, #tpu.memory_space<vmem>>
        %dma_start3A_1022 = tpu.memref_squeeze %dma_start3A_1021 : memref<1x1x256xi32, #tpu.memory_space<vmem>> -> memref<256xi32, #tpu.memory_space<vmem>>
        %dma_start3A_1023 = tpu.memref_slice %arg6[%add3A_1013] : memref<819200xi32, #tpu.memory_space<hbm>> -> memref<256xi32, #tpu.memory_space<hbm>>
        tpu.enqueue_dma source(%dma_start3A_1023 : memref<256xi32, #tpu.memory_space<hbm>>) target(%dma_start3A_1022 : memref<256xi32, #tpu.memory_space<vmem>>) target_semaphore(%arg17 : memref<!tpu.dma_semaphore, #tpu.memory_space<semaphore_mem>>)
        %mul3A_1024 = arith.constant 256 : i32
        %mul3A_1025 = arith.muli %add3A_958, %mul3A_1024 : i32
        %add3A_1026 = arith.addi %mul3A_2, %mul3A_1025 : i32
        %dma_start3A_1027 = arith.constant 0 : i32
        %dma_start3A_1028 = arith.constant 5 : i32
        %dma_start3A_1029 = arith.constant 0 : i32
        %dma_start3A_1030 = tpu.memref_slice %arg12[%dma_start3A_1027, %dma_start3A_1028, %dma_start3A_1029] : memref<2x7x256xi32, #tpu.memory_space<vmem>> -> memref<1x1x256xi32, #tpu.memory_space<vmem>>
        %dma_start3A_1031 = tpu.memref_squeeze %dma_start3A_1030 : memref<1x1x256xi32, #tpu.memory_space<vmem>> -> memref<256xi32, #tpu.memory_space<vmem>>
        %dma_start3A_1032 = tpu.memref_slice %arg7[%add3A_1026] : memref<819200xi32, #tpu.memory_space<hbm>> -> memref<256xi32, #tpu.memory_space<hbm>>
        %dma_start3A_1033 = arith.constant 0 : i32
        %dma_start3A_1034 = tpu.memref_slice %arg12[%dma_start3A_1027, %dma_start3A_1028, %dma_start3A_1033] : memref<2x7x256xi32, #tpu.memory_space<vmem>> -> memref<1x1x256xi32, #tpu.memory_space<vmem>>
        %dma_start3A_1035 = tpu.memref_squeeze %dma_start3A_1034 : memref<1x1x256xi32, #tpu.memory_space<vmem>> -> memref<256xi32, #tpu.memory_space<vmem>>
        %dma_start3A_1036 = tpu.memref_slice %arg7[%add3A_1026] : memref<819200xi32, #tpu.memory_space<hbm>> -> memref<256xi32, #tpu.memory_space<hbm>>
        tpu.enqueue_dma source(%dma_start3A_1036 : memref<256xi32, #tpu.memory_space<hbm>>) target(%dma_start3A_1035 : memref<256xi32, #tpu.memory_space<vmem>>) target_semaphore(%arg17 : memref<!tpu.dma_semaphore, #tpu.memory_space<semaphore_mem>>)
        %mul3A_1037 = arith.constant 256 : i32
        %mul3A_1038 = arith.muli %add3A_958, %mul3A_1037 : i32
        %add3A_1039 = arith.addi %mul3A_2, %mul3A_1038 : i32
        %dma_start3A_1040 = arith.constant 0 : i32
        %dma_start3A_1041 = arith.constant 6 : i32
        %dma_start3A_1042 = arith.constant 0 : i32
        %dma_start3A_1043 = tpu.memref_slice %arg12[%dma_start3A_1040, %dma_start3A_1041, %dma_start3A_1042] : memref<2x7x256xi32, #tpu.memory_space<vmem>> -> memref<1x1x256xi32, #tpu.memory_space<vmem>>
        %dma_start3A_1044 = tpu.memref_squeeze %dma_start3A_1043 : memref<1x1x256xi32, #tpu.memory_space<vmem>> -> memref<256xi32, #tpu.memory_space<vmem>>
        %dma_start3A_1045 = tpu.memref_slice %arg8[%add3A_1039] : memref<819200xi32, #tpu.memory_space<hbm>> -> memref<256xi32, #tpu.memory_space<hbm>>
        %dma_start3A_1046 = arith.constant 0 : i32
        %dma_start3A_1047 = tpu.memref_slice %arg12[%dma_start3A_1040, %dma_start3A_1041, %dma_start3A_1046] : memref<2x7x256xi32, #tpu.memory_space<vmem>> -> memref<1x1x256xi32, #tpu.memory_space<vmem>>
        %dma_start3A_1048 = tpu.memref_squeeze %dma_start3A_1047 : memref<1x1x256xi32, #tpu.memory_space<vmem>> -> memref<256xi32, #tpu.memory_space<vmem>>
        %dma_start3A_1049 = tpu.memref_slice %arg8[%add3A_1039] : memref<819200xi32, #tpu.memory_space<hbm>> -> memref<256xi32, #tpu.memory_space<hbm>>
        tpu.enqueue_dma source(%dma_start3A_1049 : memref<256xi32, #tpu.memory_space<hbm>>) target(%dma_start3A_1048 : memref<256xi32, #tpu.memory_space<vmem>>) target_semaphore(%arg17 : memref<!tpu.dma_semaphore, #tpu.memory_space<semaphore_mem>>)
      } else {
      }
    }
    %scan3A_619 = arith.constant 50 : i32
    %add3A_620 = arith.constant 25088 : i32
    %add3A_621 = arith.addi %mul3A_2, %add3A_620 : i32
    %dma_wait3A_622 = arith.constant 0 : i32
    %dma_wait3A_623 = arith.constant 0 : i32
    %dma_wait3A_624 = arith.constant 0 : i32
    %dma_wait3A_625 = tpu.memref_slice %arg16[%dma_wait3A_622, %dma_wait3A_623, %dma_wait3A_624] : memref<2x256x64xf32, #tpu.memory_space<vmem>> -> memref<1x256x64xf32, #tpu.memory_space<vmem>>
    %dma_wait3A_626 = tpu.memref_squeeze %dma_wait3A_625 : memref<1x256x64xf32, #tpu.memory_space<vmem>> -> memref<256x64xf32, #tpu.memory_space<vmem>>
    %dma_wait3A_627 = arith.constant 0 : i32
    %dma_wait3A_628 = tpu.memref_slice %arg11[%add3A_621, %dma_wait3A_627] : memref<819200x64xf32, #tpu.memory_space<hbm>> -> memref<256x64xf32, #tpu.memory_space<hbm>>
    %dma_wait3A_629 = arith.constant 0 : i32
    %dma_wait3A_630 = tpu.memref_slice %arg11[%add3A_621, %dma_wait3A_629] : memref<819200x64xf32, #tpu.memory_space<hbm>> -> memref<256x64xf32, #tpu.memory_space<hbm>>
    %dma_wait3A_631 = arith.constant 0 : i32
    %dma_wait3A_632 = arith.constant 0 : i32
    %dma_wait3A_633 = tpu.memref_slice %arg16[%dma_wait3A_622, %dma_wait3A_631, %dma_wait3A_632] : memref<2x256x64xf32, #tpu.memory_space<vmem>> -> memref<1x256x64xf32, #tpu.memory_space<vmem>>
    %dma_wait3A_634 = tpu.memref_squeeze %dma_wait3A_633 : memref<1x256x64xf32, #tpu.memory_space<vmem>> -> memref<256x64xf32, #tpu.memory_space<vmem>>
    tpu.wait_dma2 semaphore(%arg23 : memref<!tpu.dma_semaphore, #tpu.memory_space<semaphore_mem>>) src(%dma_wait3A_634 : memref<256x64xf32, #tpu.memory_space<vmem>>) dst(%dma_wait3A_630 : memref<256x64xf32, #tpu.memory_space<hbm>>)
    %add3A_635 = arith.constant 25344 : i32
    %add3A_636 = arith.addi %mul3A_2, %add3A_635 : i32
    %dma_wait3A_637 = arith.constant 1 : i32
    %dma_wait3A_638 = arith.constant 0 : i32
    %dma_wait3A_639 = arith.constant 0 : i32
    %dma_wait3A_640 = tpu.memref_slice %arg16[%dma_wait3A_637, %dma_wait3A_638, %dma_wait3A_639] : memref<2x256x64xf32, #tpu.memory_space<vmem>> -> memref<1x256x64xf32, #tpu.memory_space<vmem>>
    %dma_wait3A_641 = tpu.memref_squeeze %dma_wait3A_640 : memref<1x256x64xf32, #tpu.memory_space<vmem>> -> memref<256x64xf32, #tpu.memory_space<vmem>>
    %dma_wait3A_642 = arith.constant 0 : i32
    %dma_wait3A_643 = tpu.memref_slice %arg11[%add3A_636, %dma_wait3A_642] : memref<819200x64xf32, #tpu.memory_space<hbm>> -> memref<256x64xf32, #tpu.memory_space<hbm>>
    %dma_wait3A_644 = arith.constant 0 : i32
    %dma_wait3A_645 = tpu.memref_slice %arg11[%add3A_636, %dma_wait3A_644] : memref<819200x64xf32, #tpu.memory_space<hbm>> -> memref<256x64xf32, #tpu.memory_space<hbm>>
    %dma_wait3A_646 = arith.constant 0 : i32
    %dma_wait3A_647 = arith.constant 0 : i32
    %dma_wait3A_648 = tpu.memref_slice %arg16[%dma_wait3A_637, %dma_wait3A_646, %dma_wait3A_647] : memref<2x256x64xf32, #tpu.memory_space<vmem>> -> memref<1x256x64xf32, #tpu.memory_space<vmem>>
    %dma_wait3A_649 = tpu.memref_squeeze %dma_wait3A_648 : memref<1x256x64xf32, #tpu.memory_space<vmem>> -> memref<256x64xf32, #tpu.memory_space<vmem>>
    tpu.wait_dma2 semaphore(%arg24 : memref<!tpu.dma_semaphore, #tpu.memory_space<semaphore_mem>>) src(%dma_wait3A_649 : memref<256x64xf32, #tpu.memory_space<vmem>>) dst(%dma_wait3A_645 : memref<256x64xf32, #tpu.memory_space<hbm>>)
    return
  }
}

module attributes {stable_mosaic.version = 14 : i64} {
  func.func @body(%arg0: memref<3600x64xf32, #tpu.memory_space<vmem>>, %arg1: memref<64x64xf32, #tpu.memory_space<vmem>>, %arg2: memref<3600x64xf32, #tpu.memory_space<vmem>>, %arg3: memref<3600x64xf32, #tpu.memory_space<vmem>>) attributes {dimension_semantics = [], scalar_prefetch = 0 : i64, scratch_operands = 0 : i64, tpu.core_type = #tpu.core_type<tc>} {
    %get3A = arith.constant 0 : index
    %get3A_0 = arith.constant 0 : index
    %get3A_1 = vector.load %arg0[%get3A, %get3A_0] : memref<3600x64xf32, #tpu.memory_space<vmem>>, vector<3600x64xf32>
    %get3A_2 = arith.constant 0 : index
    %get3A_3 = arith.constant 0 : index
    %get3A_4 = vector.load %arg1[%get3A_2, %get3A_3] : memref<64x64xf32, #tpu.memory_space<vmem>>, vector<64x64xf32>
    %dot_general3A = arith.constant dense<0.000000e+00> : vector<3600x64xf32>
    %dot_general3A_5 = tpu.matmul %get3A_1, %get3A_4, %dot_general3A {dimension_numbers = #tpu.dot_dimension_numbers<[1], [1], [0], [0], [0, 0, 1, 0], [], []>, transpose_lhs_hint = false} : vector<3600x64xf32>, vector<64x64xf32>, vector<3600x64xf32> -> vector<3600x64xf32>
    %get3A_6 = arith.constant 0 : index
    %get3A_7 = arith.constant 0 : index
    %get3A_8 = vector.load %arg2[%get3A_6, %get3A_7] : memref<3600x64xf32, #tpu.memory_space<vmem>>, vector<3600x64xf32>
    %add3A = arith.addf %dot_general3A_5, %get3A_8 : vector<3600x64xf32>
    %mul3A = arith.constant 1.000000e-01 : f32
    %mul3A_9 = vector.broadcast %mul3A : f32 to vector<3600x64xf32>
    %mul3A_10 = arith.mulf %mul3A_9, %add3A : vector<3600x64xf32>
    %swap3A = arith.constant 0 : index
    %swap3A_11 = arith.constant 0 : index
    %swap3A_12 = vector.load %arg3[%swap3A, %swap3A_11] : memref<3600x64xf32, #tpu.memory_space<vmem>>, vector<3600x64xf32>
    tpu.vector_store %arg3[%swap3A, %swap3A_11], %mul3A_10 {strides = array<i32>} : memref<3600x64xf32, #tpu.memory_space<vmem>>, vector<3600x64xf32>,
    return
  }
}

</mosaic_0001>

<sc_bundles>
// kernel: kernel.4.cloned.1.call-start
scs
__scs_entry_jumppad:
0x0: {  	(pc) =	sbr.rel $0x88, $3  }
0x1: {  	(tag) =	ssettag $0x0;
	lr =	simm.s32 $0x1  }
0x2: {  	[smem:$0x3F93] =	sst lr;
	_ =	strace $0xD0000000  }
0x3: {  	_ = 	snop  }
0x4: {  	_ = 	snop  }
0x5: {  	_ = 	snop  }
0x6: {  	_ = 	snop  }
0x7: {  	_ = 	snop  }
__scs_overlays_trampoline_lowered:
0x8: {  	[smem:$0x3FA2] =	sst s0  }
0x9: {  	[smem:$0x3FA3] =	sst s1  }
0xa: {  	[smem:$0x3FA4] =	sst s2  }
0xb: {  	[smem:$0x3FA5] =	sst s3  }
0xc: {  	[smem:$0x3FA6] =	sst s4  }
0xd: {  	[smem:$0x3FA7] =	sst s5  }
0xe: {  	[smem:$0x3FA8] =	sst s6  }
0xf: {  	[smem:$0x3FA9] =	sst s7  }
0x10: {  	[smem:$0x3FAA] =	sst s8  }
0x11: {  	[smem:$0x3FAB] =	sst s9;
	s0 =	simm.s32 @!p0 $0x0  }
0x12: {  	s1 =	sld [smem:$0x3F91];
	s0 =	simm.s32 @p0 $0x1  }
0x13: {  	[smem:$0x3FAC] =	sst s0;
	s0 =	simm.s32 @!p1 $0x0  }
0x14: {  	s2 =	sld [smem:$0x3F90];
	s0 =	simm.s32 @p1 $0x1  }
0x15: {  	[smem:$0x3FAD] =	sst s0;
	s0 =	simm.s32 @!p2 $0x0  }
0x16: {  	s3 =	sld [smem:$0x3FDB];
	s0 =	simm.s32 @p2 $0x1  }
0x17: {  	s4 =	simm.s32 $0x1BF5;
	[smem:$0x3FAF] =	sst s0  }
0x18: {  	s0 =	sld [smem:$0x3F92];
	_ =	swait.ge [sflag:s4], $0x0  }
0x19: {  	s7 =	sld [smem:$0x3F93]  }
0x1a: {  	s8 =	sadd.s32 $0xFFFFE003, lr  }
0x1b: {  	s9 =	sadd.s32 $0xFFFFFEF7, lr;
	s5 =	simm.s32 $0xFFFFFFFF;
	p2 =	slt.u32 s8, $0xFFFFF086  }
0x1c: {  	p1 =	slt.u32 s9, $0xF7A;
	s5 =	simm.s32 @!p2 $0x0  }
0x1d: {  	s5 =	simm.s32 @p1 $0x1;
	p0 =	seq.s32 s7, s2  }
0x1e: {  	s7 =	smul.u32 @!p0 $0xF7A, s2;
	p2 =	seq.s32 @!p0 s5, $0x0  }
0x1f: {  	s9 =	smul.u32 $0xF7A, s1;
	s8 =	simm.s32 @!p0 $0x1BF5;
	p2 =	por !p2, p0  }
0x20: {  	[sflag:s8] =	ssyncset.s32 @!p0 $0xFFFFF086;
	s6 =	sadd.s32 @!p0 s3, s7;
	s7 =	simm.s32 @!p0 $0x108  }
0x21: {  	s3 =	sadd.s32 s3, s9;
	s6 =	sadd.s32 @!p0 $0x88, s6;
	s7 =	simm.s32 @p2 $0x1082  }
0x22: {  	[simem:s7], [sflag:s8] =	dma.local @!p0 [hbm:s6], $0xF7A  }
0x23: {  	s9 =	sor.u32 $0xD0000000, s2;
	s6 =	simm.s32 $0x108;
	_ =	swait.ge @!p0 [sflag:s8], $0x0  }
0x24: {  	s3 =	sadd.s32 $0x88, s3;
	s6 =	simm.s32 @!p1 $0x1082;
	[sflag:s4] =	ssyncset.s32 $0xFFFFF086  }
0x25: {  	[simem:s6], [sflag:s4] =	dma.local [hbm:s3], $0xF7A  }
0x26: {  	[smem:$0x3F93] =	sst s1;
	(tag) =	ssettag s2;
	_ =	strace s9  }
0x27: {  	s1 =	sld [smem:$0x3FA3]  }
0x28: {  	s2 =	sld [smem:$0x3FA4]  }
0x29: {  	s4 =	sld [smem:$0x3FA6]  }
0x2a: {  	p0 =	seq.s32 s5, $0x0;
	s5 =	sld [smem:$0x3FA7]  }
0x2b: {  	s6 =	sld [smem:$0x3FA8]  }
0x2c: {  	s7 =	sld [smem:$0x3FA9]  }
0x2d: {  	s3 =	simm.s32 $0x108;
	s8 =	sld [smem:$0x3FAA]  }
0x2e: {  	s3 =	simm.s32 @!p0 $0x1082;
	s9 =	sld [smem:$0x3FAB]  }
0x2f: {  	lr =	sadd.s32 s0, s3;
	s0 =	sld [smem:$0x3FA2]  }
0x30: {  	s3 =	sld [smem:$0x3FA5]  }
0x31: {  	[smem:$0x3FAE] =	sst s10  }
0x32: {  	s10 =	sld [smem:$0x3FAC];
	_ =	sdelay $0x3  }
0x33: {  	p0 =	seq.s32 s10, $0x1;
	s10 =	sld [smem:$0x3FAE];
	_ =	sdelay $0x3  }
0x34: {  	[smem:$0x3FAE] =	sst s10  }
0x35: {  	s10 =	sld [smem:$0x3FAD];
	_ =	sdelay $0x3  }
0x36: {  	p1 =	seq.s32 s10, $0x1;
	s10 =	sld [smem:$0x3FAE];
	_ =	sdelay $0x3  }
0x37: {  	[smem:$0x3FAE] =	sst s10  }
0x38: {  	s10 =	sld [smem:$0x3FAF]  }
0x39: {  	_ = 	snop;
	(pc) =	sbr.ind lr, $3  }
0x3a: {  	_ = 	snop  }
0x3b: {  	_ = 	snop  }
0x3c: {  	p2 =	seq.s32 s10, $0x1;
	s10 =	sld [smem:$0x3FAE]  }
0x3d: {  	_ =	shalt  }
0x3e: {  	_ =	shalt  }
0x3f: {  	_ =	shalt  }
0x40: {  	_ =	shalt  }
0x41: {  	_ =	shalt  }
0x42: {  	_ =	shalt  }
0x43: {  	_ =	shalt  }
0x44: {  	_ =	shalt  }
0x45: {  	_ =	shalt  }
0x46: {  	_ =	shalt  }
0x47: {  	_ =	shalt  }
0x48: {  	_ =	shalt  }
0x49: {  	_ =	shalt  }
0x4a: {  	_ =	shalt  }
0x4b: {  	_ =	shalt  }
0x4c: {  	_ =	shalt  }
0x4d: {  	_ =	shalt  }
0x4e: {  	_ =	shalt  }
0x4f: {  	_ =	shalt  }
0x50: {  	_ =	shalt  }
0x51: {  	_ =	shalt  }
0x52: {  	_ =	shalt  }
0x53: {  	_ =	shalt  }
0x54: {  	_ =	shalt  }
0x55: {  	_ =	shalt  }
0x56: {  	_ =	shalt  }
0x57: {  	_ =	shalt  }
0x58: {  	_ =	shalt  }
0x59: {  	_ =	shalt  }
0x5a: {  	_ =	shalt  }
0x5b: {  	_ =	shalt  }
0x5c: {  	_ =	shalt  }
0x5d: {  	_ =	shalt  }
0x5e: {  	_ =	shalt  }
0x5f: {  	_ =	shalt  }
0x60: {  	_ =	shalt  }
0x61: {  	_ =	shalt  }
0x62: {  	_ =	shalt  }
0x63: {  	_ =	shalt  }
0x64: {  	_ =	shalt  }
0x65: {  	_ =	shalt  }
0x66: {  	_ =	shalt  }
0x67: {  	_ =	shalt  }
0x68: {  	_ =	shalt  }
0x69: {  	_ =	shalt  }
0x6a: {  	_ =	shalt  }
0x6b: {  	_ =	shalt  }
0x6c: {  	_ =	shalt  }
0x6d: {  	_ =	shalt  }
0x6e: {  	_ =	shalt  }
0x6f: {  	_ =	shalt  }
0x70: {  	_ =	shalt  }
0x71: {  	_ =	shalt  }
0x72: {  	_ =	shalt  }
0x73: {  	_ =	shalt  }
0x74: {  	_ =	shalt  }
0x75: {  	_ =	shalt  }
0x76: {  	_ =	shalt  }
0x77: {  	_ =	shalt  }
0x78: {  	_ =	shalt  }
0x79: {  	_ =	shalt  }
0x7a: {  	_ =	shalt  }
0x7b: {  	_ =	shalt  }
0x7c: {  	_ =	shalt  }
0x7d: {  	_ =	shalt  }
0x7e: {  	_ =	shalt  }
0x7f: {  	_ =	shalt  }
0x80: {  	_ =	shalt  }
0x81: {  	_ =	shalt  }
0x82: {  	_ =	shalt  }
0x83: {  	_ =	shalt  }
0x84: {  	_ =	shalt  }
0x85: {  	_ =	shalt  }
0x86: {  	_ =	shalt  }
0x87: {  	_ =	shalt  }
.Lfunc_end0:
.L_simem_size_0:
called_computation.1_lowered:
.L_overlay_start_0:
0x88: {  	s2 =	sld [smem:$0x3FD9]  }
0x89: {  	s3 =	sld [smem:$0x3FFE];
	_ =	sdelay $0x1  }
0x8a: {  	s1 =	srdreg.scid  }
0x8b: {  	s0 =	sand.u32 $0x1, s1  }
0x8c: {  	s17 =	sshll.u32 s0, $0xA;
	s2 =	sadd.s32 s3, s2  }
0x8d: {  	s2 =	sadd.s32 s2, s17  }
0x8e: {  	[smem:$0x3FBA] =	sst s2  }
0x8f: {  	_ = 	snop  }
0x90: {  	s2 =	sld [smem:$0x3FD0];
	(tm) =	ssettm $0x1  }
0x91: {  	s18 =	sld [smem:$0x3FFB];
	_ =	sdelay $0x3  }
0x92: {  	_ =	strace s18  }
0x93: {  	s3 =	sld [smem:$0x3FFC];
	_ =	sdelay $0x3  }
0x94: {  	_ =	strace s3  }
0x95: {  	s3 =	sld [smem:$0x3FFD];
	_ =	sdelay $0x3  }
0x96: {  	_ =	strace s3  }
0x97: {  	_ =	strace $0x8FFFFFFF  }
0x98: {  	s19 =	sld [smem:$0x3FDB];
	_ =	sdelay $0x1  }
0x99: {  	s4 =	simm.s32 $_scs_section_size  }
0x9a: {  	s5 =	simm.s32 $_size__tile_overlayer_lowered;
	s6 =	simm.s32 $_tile_overlayer_lowered  }
0x9b: {  	s22 =	simm.s32 $0x1BFF;
	s21 =	sshll.u32 s6, $0x1;
	s3 =	sadd.s32 s4, s19  }
0x9c: {  	s7 =	simm.s32 $0x0;
	s20 =	sshll.u32 s5, $0x1;
	s5 =	sadd.s32 s21, s3  }
0x9d: {  	[timem:s7], [sflag:s22] =	dma.local [hbm:s5], s20  }
0x9e: {  	_ =	swait.ge [sflag:s22], s20  }
0x9f: {  	s4 =	ssub.s32 $0x0, s20;
	[sflag:s22] =	ssyncset.done $0x0  }
0xa0: {  	[sflag:s22] =	ssyncadd.s32 s4;
	_ =	sdelay $0x1  }
0xa1: {  	s23 =	simm.s32 $0x1B8B  }
0xa2: {  	_ =	swait.ge [sflag:s23], $0x1  }
0xa3: {  	[sflag:s23] =	ssyncset.done $0x0  }
0xa4: {  	s25 =	simm.s32 $0x1B8E;
	s24 =	sld [smem:$0x3FFE];
	[sflag:s23] =	ssyncadd.s32 $0xFFFFFFFF  }
0xa5: {  	s26 =	simm.s32 $execute0_lowered;
	[smem:$0x3FD2] =	sst s25  }
0xa6: {  	s5 =	sshll.u32 s26, $0x1;
	_ =	strace $0x80000046;
	[dreg:$0x1] =	wrdreg $0xFFFFFFFF  }
0xa7: {  	s28 =	simm.s32 $_size_execute0_lowered;
	s3 =	sadd.s32 s3, s5;
	[dreg:$0x0] =	wrdreg $0x0  }
0xa8: {  	s5 =	sshll.u32 s28, $0x1;
	[dreg:$0x2] =	wrdreg s3  }
0xa9: {  	[dreg:$0x3] =	wrdreg s5  }
0xaa: {  	[dreg:$0x4] =	wrdreg $0xC0  }
0xab: {  	_ =	task [dreg:s7], $0x5FFFF  }
0xac: {  	[dreg:$0x1] =	wrdreg $0xFFFFFFFF  }
0xad: {  	[dreg:$0x0] =	wrdreg $0x60  }
0xae: {  	[dreg:$0x2] =	wrdreg s24  }
0xaf: {  	[dreg:$0x3] =	wrdreg s2  }
0xb0: {  	[dreg:$0x4] =	wrdreg $0x9  }
0xb1: {  	_ =	task.clear_ibuf [dreg:s7], $0x5FFFF;
	_ =	strace $0x90000046  }
0xb2: {  	s29 =	simm.s32 $0x9;
	_ =	strace $0x80000048  }
0xb3: {  	_ =	swait.ge [sflag:s29], $0x1  }
0xb4: {  	[sflag:s29] =	ssyncadd.s32 $0xFFFFFFFF  }
0xb5: {  	_ =	strace $0x90000048  }
0xb6: {  	_ =	sfence  }
0xb7: {  	s30 =	sld [smem:$0x0];
	_ =	sdelay $0x2  }
0xb8: {  	s31 =	sshll.u32 s1, $0xD;
	s1 =	sshrl.u32 s1, $0x2  }
0xb9: {  	s3 =	sand.u32 $0x4000, s31;
	s1 =	sadd.s32 s1, s30  }
0xba: {  	s0 =	sor.u32 s3, s0;
	s1 =	sshll.u32 s1, $0x11  }
0xbb: {  	s0 =	sor.u32 s1, s0  }
0xbc: {  	s0 =	sadd.s32 $0x8F2B, s0  }
0xbd: {  	[sflag:s0] =	ssyncadd.remote.s32 $0x1  }
0xbe: {  	_ =	sfence.sel $0xFFFF  }
0xbf: {  	[dreg:$0x0] =	wrdreg $0xFFFFFFFF;
	(pc) =	sbr.abs _section_cstart, $3  }
0xc0: {  	[dreg:$0x1] =	wrdreg $0xFFFFFFFF  }
0xc1: {  	_ =	task.clear_ibuf [dreg:s7], $0x2FFFF;
	_ =	strace $0x9FFFFFFF  }
0xc2: {  	(tm) =	ssettm $0x7FFFFFFF  }
0xc3: {  	_ =	shalt  }
tec
execute0_lowered:
.L_overlay_start_1:
0x0: {  	(tag) =	ssettag $0x1  }
0x1: {  	s0 =	rddreg [dreg:$0x0];
	s3 =	simm.s32 $0x0  }
0x2: {  	s1 =	srdreg.scid;
	s2 =	stileid.u32;
	s4 =	sadd.s32 $0xA800, s0  }
0x3: {  	s1 =	sand.u32 $0x1, s1;
	s2 =	sshll.u32 s2, $0x1;
	s5 =	sadd.s32 $0x23800, s0  }
0x4: {  	s6 =	sadd.s32 $0x55800, s0;
	s7 =	sadd.s32 $0x3C800, s0;
	s8 =	sadd.s32 $0x6E800, s0  }
0x5: {  	s9 =	sadd.s32 $0x87800, s0;
	s2 =	sor.u32 s1, s2;
	s1 =	ssub.s32 $0x2, s1  }
0x6: {  	s10 =	sadd.s32 $0xA0800, s0;
	s13 =	smul.u32 $0x6400, s2;
	s14 =	sshrl.u32 s1, $0x1  }
0x7: {  	s11 =	sadd.s32 $0xB9800, s0;
	s12 =	sadd.s32 $0x3600, s0;
	s0 =	ssub.s32 s1, s14  }
0x8: {  	[smem:$0x7FF] =	sst s3;
	s15 =	sshrl.u32 s13, $0x3;
	s0 =	smax.u32 s0, $0x1  }
0x9: {  	_ =	strace $0x80000047;
	s17 =	sadd.s32 s4, s15;
	[dreg:$0x1a] =	wrdreg s0  }
0xa: {  	s18 =	sadd.s32 s5, s15;
	[dreg:$0x3] =	wrdreg s17  }
0xb: {  	s25 =	sadd.s32 s6, s15;
	[dreg:$0x4] =	wrdreg s18  }
0xc: {  	s26 =	sadd.s32 s7, s15;
	[dreg:$0xc] =	wrdreg s25  }
0xd: {  	s16 =	sor.u32 $0x20, s15;
	s14 =	sadd.s32 s8, s15;
	[dreg:$0xd] =	wrdreg s26  }
0xe: {  	s19 =	sadd.s32 s4, s16;
	[dreg:$0xe] =	wrdreg s14  }
0xf: {  	s20 =	sadd.s32 s5, s16;
	[dreg:$0x5] =	wrdreg s19  }
0x10: {  	s21 =	sadd.s32 s6, s16;
	[dreg:$0x6] =	wrdreg s20  }
0x11: {  	s30 =	simm.s32 $0x400;
	s22 =	sadd.s32 s7, s16;
	[dreg:$0x7] =	wrdreg s21  }
0x12: {  	s29 =	simm.s32 $0x1;
	s23 =	sadd.s32 s8, s16;
	[dreg:$0x8] =	wrdreg s22  }
0x13: {  	s31 =	simm.s32 $0x2200;
	s24 =	sadd.s32 s9, s16;
	[dreg:$0x9] =	wrdreg s23  }
0x14: {  	s28 =	smul.u32 $0x190000, s2;
	s1 =	sadd.s32 s10, s16;
	[dreg:$0xa] =	wrdreg s24  }
0x15: {  	s2 =	simm.s32 $0xA200;
	s16 =	sadd.s32 s9, s15;
	[dreg:$0xb] =	wrdreg s1  }
0x16: {  	s0 =	simm.s32 $0x5;
	s17 =	sadd.s32 s10, s15;
	[dreg:$0xf] =	wrdreg s16  }
0x17: {  	s18 =	sor.u32 $0x40, s15;
	s25 =	sor.u32 $0x300, s13;
	[dreg:$0x10] =	wrdreg s17  }
0x18: {  	s26 =	sadd.s32 $0x400, s13;
	s13 =	simm.s32 $0x2;
	[dreg:$0x18] =	wrdreg s25  }
0x19: {  	s15 =	simm.s32 $0x6;
	s19 =	sadd.s32 s4, s18;
	[dreg:$0x19] =	wrdreg s26  }
0x1a: {  	s14 =	simm.s32 $0x0;
	s20 =	sadd.s32 s5, s18;
	[dreg:$0x11] =	wrdreg s19  }
0x1b: {  	s21 =	sadd.s32 s6, s18;
	s22 =	sadd.s32 s7, s18;
	[dreg:$0x12] =	wrdreg s20  }
0x1c: {  	s23 =	sadd.s32 s8, s18;
	s24 =	sadd.s32 s9, s18;
	[dreg:$0x13] =	wrdreg s21  }
.Ltmp0:
0x1d: {  	s1 =	sadd.s32 s10, s18;
	[dreg:$0x14] =	wrdreg s22;
	(pc) =	sbr.rel .LBB2_1-.Ltmp0, $4  }
0x1e: {  	s18 =	sor.u32 $0x4000, s28;
	s16 =	simm.s32 $0x200;
	[dreg:$0x15] =	wrdreg s23  }
0x1f: {  	s25 =	simm.s32 $0x300;
	s17 =	simm.s32 $0x6200;
	[dreg:$0x16] =	wrdreg s24  }
0x20: {  	s26 =	simm.s32 $0x4;
	[dreg:$0x17] =	wrdreg s1;
	s19 =	simm.s32 $0x100  }
0x21: {  	s24 =	simm.s32 $0xE200;
	s22 =	simm.s32 $0x3;
	s20 =	simm.s32 $0x8  }
.LBB2_19:
0x22: {  	s1 =	simm.s32 $0x7  }
0x23: {  	_ =	swait.ge [sflag:s1], $0x4000  }
0x24: {  	[sflag:s1] =	ssyncset.done $0x0  }
0x25: {  	[sflag:s1] =	ssyncadd.s32 $0xFFFFC000  }
0x26: {  	_ =	swait.ge [sflag:s20], $0x4000  }
0x27: {  	s14 =	rddreg [dreg:$0x1b]  }
0x28: {  	s25 =	rddreg [dreg:$0x1a];
	s14 =	sadd.s32 $0x1, s14  }
0x29: {  	p0 =	sne.s32 s14, s25  }
.Ltmp1:
0x2a: {  	_ = 	snop;
	(pc) =	sbr.rel @!p0 .LBB2_20-.Ltmp1, $3  }
0x2b: {  	_ =	sdelay $0x1  }
0x2c: {  	s16 =	simm.s32 $0x200;
	[sflag:s20] =	ssyncset.done $0x0  }
0x2d: {  	s30 =	simm.s32 $0x400;
	[sflag:s20] =	ssyncadd.s32 $0xFFFFC000;
	s25 =	simm.s32 $0x300  }
.LBB2_1:
0x2e: {  	[dreg:$0x1b] =	wrdreg s14  }
0x2f: {  	s1 =	rddreg [dreg:$0x3]  }
0x30: {  	[tilespmem:s3], [sflag:$0x1] =	stream.linear.gather [hbm4b:s1+s3], $0x100, $0x38;
	[tilespmem:$0x1A200] =	vst v63  }
0x31: {  	s14 =	rddreg [dreg:$0x4]  }
0x32: {  	[tilespmem:s19], [sflag:$0x1] =	stream.linear.gather [hbm4b:s14+s3], $0x100, $0x38;
	[tilespmem:$0x1A200] =	vst v63  }
0x33: {  	s21 =	rddreg [dreg:$0xc]  }
0x34: {  	[tilespmem:s16], [sflag:$0x1] =	stream.linear.gather [hbm4b:s21+s3], $0x100, $0x38;
	[tilespmem:$0x1A200] =	vst v63  }
0x35: {  	s23 =	rddreg [dreg:$0xd]  }
0x36: {  	[tilespmem:s25], [sflag:$0x1] =	stream.linear.gather [hbm4b:s23+s3], $0x100, $0x38;
	[tilespmem:$0x1A200] =	vst v63  }
0x37: {  	s14 =	rddreg [dreg:$0xe]  }
0x38: {  	[tilespmem:s30], [sflag:$0x1] =	stream.linear.gather [hbm4b:s14+s3], $0x100, $0x38;
	[tilespmem:$0x1A200] =	vst v63  }
0x39: {  	s21 =	rddreg [dreg:$0xf];
	s23 =	simm.s32 $0x500  }
0x3a: {  	[tilespmem:s23], [sflag:$0x1] =	stream.linear.gather [hbm4b:s21+s3], $0x100, $0x38;
	[tilespmem:$0x1A200] =	vst v63  }
0x3b: {  	s21 =	rddreg [dreg:$0x10];
	s23 =	simm.s32 $0x600  }
0x3c: {  	[tilespmem:s23], [sflag:$0x1] =	stream.linear.gather [hbm4b:s21+s3], $0x100, $0x38;
	[tilespmem:$0x1A200] =	vst v63  }
0x3d: {  	s21 =	rddreg [dreg:$0x5];
	s23 =	simm.s32 $0x700  }
0x3e: {  	[tilespmem:s23], [sflag:$0x2] =	stream.linear.gather [hbm4b:s21+s3], $0x100, $0x38;
	[tilespmem:$0x1A200] =	vst v63  }
0x3f: {  	s21 =	rddreg [dreg:$0x6];
	s23 =	simm.s32 $0x800  }
0x40: {  	[tilespmem:s23], [sflag:$0x2] =	stream.linear.gather [hbm4b:s21+s3], $0x100, $0x38;
	[tilespmem:$0x1A200] =	vst v63  }
0x41: {  	s21 =	rddreg [dreg:$0x7];
	s23 =	simm.s32 $0x900  }
0x42: {  	[tilespmem:s23], [sflag:$0x2] =	stream.linear.gather [hbm4b:s21+s3], $0x100, $0x38;
	[tilespmem:$0x1A200] =	vst v63  }
0x43: {  	s21 =	rddreg [dreg:$0x8];
	s23 =	simm.s32 $0xA00  }
0x44: {  	[tilespmem:s23], [sflag:$0x2] =	stream.linear.gather [hbm4b:s21+s3], $0x100, $0x38;
	[tilespmem:$0x1A200] =	vst v63  }
0x45: {  	s21 =	rddreg [dreg:$0x9];
	s23 =	simm.s32 $0xB00  }
0x46: {  	[tilespmem:s23], [sflag:$0x2] =	stream.linear.gather [hbm4b:s21+s3], $0x100, $0x38;
	[tilespmem:$0x1A200] =	vst v63  }
0x47: {  	s21 =	rddreg [dreg:$0xa];
	s23 =	simm.s32 $0xC00  }
0x48: {  	[tilespmem:s23], [sflag:$0x2] =	stream.linear.gather [hbm4b:s21+s3], $0x100, $0x38;
	[tilespmem:$0x1A200] =	vst v63  }
0x49: {  	s21 =	rddreg [dreg:$0xb];
	s23 =	simm.s32 $0xD00  }
0x4a: {  	[tilespmem:s23], [sflag:$0x2] =	stream.linear.gather [hbm4b:s21+s3], $0x100, $0x38;
	[tilespmem:$0x1A200] =	vst v63  }
0x4b: {  	_ =	swait.ge [sflag:s29], $0x100  }
0x4c: {  	[sflag:s29] =	ssyncset.done $0x0  }
0x4d: {  	[sflag:s29] =	ssyncadd.s32 $0xFFFFFF00  }
0x4e: {  	_ =	swait.ge [sflag:s29], $0x100  }
0x4f: {  	[sflag:s29] =	ssyncset.done $0x0  }
0x50: {  	[sflag:s29] =	ssyncadd.s32 $0xFFFFFF00  }
0x51: {  	_ =	swait.ge [sflag:s29], $0x100  }
0x52: {  	[sflag:s29] =	ssyncset.done $0x0  }
0x53: {  	[sflag:s29] =	ssyncadd.s32 $0xFFFFFF00  }
0x54: {  	_ =	swait.ge [sflag:s29], $0x100  }
0x55: {  	[sflag:s29] =	ssyncset.done $0x0  }
0x56: {  	[sflag:s29] =	ssyncadd.s32 $0xFFFFFF00  }
0x57: {  	_ =	swait.ge [sflag:s29], $0x100  }
0x58: {  	[sflag:s29] =	ssyncset.done $0x0  }
0x59: {  	[sflag:s29] =	ssyncadd.s32 $0xFFFFFF00  }
0x5a: {  	_ =	swait.ge [sflag:s29], $0x100  }
0x5b: {  	[sflag:s29] =	ssyncset.done $0x0  }
0x5c: {  	[sflag:s29] =	ssyncadd.s32 $0xFFFFFF00  }
0x5d: {  	_ =	swait.ge [sflag:s29], $0x100  }
0x5e: {  	[sflag:s29] =	ssyncset.done $0x0  }
0x5f: {  	s14 =	simm.s32 $0xFFFFFF00;
	[sflag:s29] =	ssyncadd.s32 $0xFFFFFF00  }
0x60: {  	v0 =	vld [tilespmem:s14+$0x100]  }
0x61: {  	v2 =	vld [tilespmem:s14+$0x200]  }
0x62: {  	v1 =	vld [tilespmem:s14+$0x300]  }
0x63: {  	v3 =	vld [tilespmem:s14+$0x400];
	_ =	sdelay $0x1  }
0x64: {  	v5 =	vmul.u32 $0x9E3779B1, v0  }
0x65: {  	v4 =	vld [tilespmem:s14+$0x500];
	[tilespmem:s14+$0x1300] =	vst v2;
	v2 =	vmul.u32 $0x85EBCA77, v0  }
0x66: {  	s23 =	simm.s32 $0xFFFFFF10;
	v5 =	vadd.s32 $0x165667B1, v5  }
0x67: {  	v9 =	vld [tilespmem:s23+$0x100];
	[tilespmem:s14+$0x1400] =	vst v1;
	v1 =	vadd.s32 $0x401, v3;
	v10 =	vadd.s32 $0xBB67AE85, v2;
	v7 =	vshrl.u32 v5, $0x5  }
0x68: {  	v8 =	vld [tilespmem:s14+$0x600];
	[tilespmem:s14+$0x1500] =	vst v1;
	v1 =	vmul.u32 $0x27D4EB2F, v0;
	v2 =	vshrl.u32 v10, $0x5;
	v7 =	vmulhi.u32 $0xA7C5AC5, v7  }
0x69: {  	v12 =	vmul.u32 $0xC2B2AE3D, v0;
	v2 =	vmulhi.u32 $0xA7C5AC5, v2  }
0x6a: {  	v6 =	vld [tilespmem:s14+$0x700];
	v4 =	vadd.s32 $0x401, v4;
	v0 =	vadd.s32 $0xA54FF53A, v1;
	v7 =	vshrl.u32 v7, $0x7  }
0x6b: {  	v1 =	vshrl.u32 v2, $0x7;
	v2 =	vadd.s32 $0x3C6EF35F, v12;
	v11 =	vmul.u32 $0x186A0, v7  }
0x6c: {  	v3 =	vld [tilespmem:s23+$0x300];
	v14 =	vmul.u32 $0x85EBCA77, v9;
	v16 =	vmul.u32 $0xC2B2AE3D, v9;
	v15 =	vmul.u32 $0x186A0, v1  }
0x6d: {  	v7 =	vld [tilespmem:s23+$0x200];
	[tilespmem:s14+$0x1600] =	vst v4;
	v1 =	vadd.s32 $0x702, v8;
	v17 =	vshrl.u32 v2, $0x5;
	v5 =	vsub.s32 v5, v11  }
0x6e: {  	v4 =	vld [tilespmem:s23+$0x500];
	v17 =	vmulhi.u32 $0xA7C5AC5, v17;
	v11 =	vshrl.u32 v0, $0x5;
	[tilespmem:s14+$0xF00] =	vst v5;
	v5 =	vmul.u32 $0x9E3779B1, v9  }
0x6f: {  	v8 =	vmulhi.u32 $0xA7C5AC5, v11;
	v11 =	vadd.s32 $0xB03, v6;
	v9 =	vmul.u32 $0x27D4EB2F, v9  }
0x70: {  	v15 =	vsub.s32 v10, v15;
	v12 =	vld [tilespmem:s23+$0x400];
	[tilespmem:s14+$0x1700] =	vst v1;
	v1 =	vadd.s32 $0xBB67AE85, v14;
	v5 =	vadd.s32 $0x165667B1, v5  }
0x71: {  	v6 =	vld [tilespmem:s23+$0x700];
	v13 =	vshrl.u32 v8, $0x7;
	[tilespmem:s14+$0x1800] =	vst v11;
	v8 =	vadd.s32 $0xA54FF53A, v9;
	v9 =	vadd.s32 $0x3C6EF35F, v16  }
0x72: {  	s21 =	simm.s32 $0xFFFFFC80;
	v14 =	vshrl.u32 v5, $0x5;
	v10 =	vld [tilespmem:s23+$0x600];
	v11 =	vshrl.u32 v8, $0x5;
	[tilespmem:s14+$0x1000] =	vst v15;
	v15 =	vshrl.u32 v17, $0x7  }
.LBB2_2:
0x73: {  	s1 =	sshra.s32 s21, $0x2;
	p0 =	sne.s32 s21, $0xFFFFFFC0;
	s21 =	sadd.s32 $0x40, s21;
	v14 =	vmulhi.u32 $0xA7C5AC5, v14;
	v16 =	vshrl.u32 v1, $0x5;
	[tilespmem:s23+$0x1300] =	vst v7;
	v7 =	vmul.u32 $0x186A0, v13  }
0x74: {  	v13 =	vld [tilespmem:s1+$0x100]  }
0x75: {  	v16 =	vmulhi.u32 $0xA7C5AC5, v16;
	[tilespmem:s23+$0x1400] =	vst v3;
	v3 =	vadd.s32 $0x401, v12;
	v12 =	vmul.u32 $0x186A0, v15  }
0x76: {  	v4 =	vadd.s32 $0x401, v4;
	v14 =	vshrl.u32 v14, $0x7;
	[tilespmem:s23+$0x1500] =	vst v3;
	v3 =	vsub.s32 v0, v7;
	v0 =	vmovc v8  }
0x77: {  	v8 =	vmul.u32 $0x186A0, v14;
	v7 =	vshrl.u32 v16, $0x7;
	v12 =	vsub.s32 v2, v12;
	[tilespmem:s14+$0x1200] =	vst v3;
	v2 =	vmovc v9  }
0x78: {  	v15 =	vadd.s32 $0xB03, v6;
	v3 =	vld [tilespmem:s1+$0x300];
	v9 =	vmul.u32 $0x186A0, v7;
	v10 =	vadd.s32 $0x702, v10;
	[tilespmem:s14+$0x1100] =	vst v12;
	s14 =	smov.u32 s23;
	s23 =	smov.u32 s1  }
0x79: {  	v6 =	vmulhi.u32 $0xA7C5AC5, v11;
	v7 =	vld [tilespmem:s23+$0x200];
	v5 =	vsub.s32 v5, v8;
	[tilespmem:s14+$0x1600] =	vst v4;
	v8 =	vmul.u32 $0x9E3779B1, v13  }
.Ltmp2:
0x7a: {  	v14 =	vshrl.u32 v2, $0x5;
	v11 =	vmul.u32 $0x85EBCA77, v13;
	v4 =	vld [tilespmem:s23+$0x500];
	[tilespmem:s14+$0xF00] =	vst v5;
	(pc) =	sbr.rel @p0 .LBB2_2-.Ltmp2, $4  }
0x7b: {  	v16 =	vmul.u32 $0xC2B2AE3D, v13;
	v17 =	vmul.u32 $0x27D4EB2F, v13;
	v13 =	vshrl.u32 v6, $0x7;
	v12 =	vld [tilespmem:s23+$0x400];
	[tilespmem:s14+$0x1700] =	vst v10  }
0x7c: {  	v18 =	vmulhi.u32 $0xA7C5AC5, v14;
	v5 =	vadd.s32 $0x165667B1, v8;
	v10 =	vadd.s32 $0xBB67AE85, v11  }
0x7d: {  	v8 =	vadd.s32 $0xA54FF53A, v17;
	v17 =	vsub.s32 v1, v9;
	v14 =	vshrl.u32 v5, $0x5;
	v6 =	vld [tilespmem:s23+$0x700];
	[tilespmem:s14+$0x1800] =	vst v15;
	v1 =	vmovc v10  }
0x7e: {  	v9 =	vadd.s32 $0x3C6EF35F, v16;
	v11 =	vshrl.u32 v8, $0x5;
	v15 =	vshrl.u32 v18, $0x7;
	v10 =	vld [tilespmem:s23+$0x600];
	[tilespmem:s14+$0x1000] =	vst v17  }
0x7f: {  	v14 =	vmulhi.u32 $0xA7C5AC5, v14;
	[tilespmem:s23+$0x1300] =	vst v7;
	v7 =	vmul.u32 $0x186A0, v13  }
0x80: {  	[tilespmem:s23+$0x1400] =	vst v3;
	v3 =	vadd.s32 $0x401, v12;
	v12 =	vmul.u32 $0x186A0, v15  }
0x81: {  	v13 =	vshrl.u32 v1, $0x5;
	v14 =	vshrl.u32 v14, $0x7;
	[tilespmem:s23+$0x1500] =	vst v3;
	v0 =	vsub.s32 v0, v7  }
0x82: {  	v3 =	vmulhi.u32 $0xA7C5AC5, v13;
	v7 =	vmul.u32 $0x186A0, v14;
	v2 =	vsub.s32 v2, v12;
	[tilespmem:s14+$0x1200] =	vst v0  }
0x83: {  	v0 =	vadd.s32 $0x401, v4;
	v4 =	vshrl.u32 v9, $0x5;
	[tilespmem:s14+$0x1100] =	vst v2;
	v2 =	vmulhi.u32 $0xA7C5AC5, v11  }
0x84: {  	v3 =	vshrl.u32 v3, $0x7;
	v5 =	vsub.s32 v5, v7;
	[tilespmem:s23+$0x1600] =	vst v0;
	v0 =	vmulhi.u32 $0xA7C5AC5, v4  }
0x85: {  	v3 =	vmul.u32 $0x186A0, v3;
	v4 =	vadd.s32 $0x702, v10;
	[tilespmem:s23+$0xF00] =	vst v5;
	v2 =	vshrl.u32 v2, $0x7  }
0x86: {  	v5 =	vadd.s32 $0xB03, v6;
	[tilespmem:s23+$0x1700] =	vst v4;
	v0 =	vshrl.u32 v0, $0x7;
	v2 =	vmul.u32 $0x186A0, v2  }
0x87: {  	v1 =	vsub.s32 v1, v3;
	[tilespmem:s23+$0x1800] =	vst v5;
	v0 =	vmul.u32 $0x186A0, v0  }
0x88: {  	[tilespmem:s23+$0x1000] =	vst v1;
	v1 =	vsub.s32 v8, v2  }
0x89: {  	v0 =	vsub.s32 v9, v0;
	[tilespmem:s23+$0x1200] =	vst v1  }
0x8a: {  	s1 =	simm.s32 $0xE00;
	[tilespmem:s23+$0x1100] =	vst v0  }
0x8b: {  	[tilespmem:s31], [sflag:$0x3] =	stream.indirect.gather [hbm4b:s11+s19], $0x40, s1, s19, $0xb8;
	[tilespmem:$0x1A200] =	vst v63  }
0x8c: {  	s14 =	simm.s32 $0x1200  }
0x8d: {  	[tilespmem:s2], [sflag:$0x3] =	stream.indirect.gather [hbm4b:s12+s19], $0x40, s14, s19, $0xb8;
	[tilespmem:$0x1A200] =	vst v63  }
0x8e: {  	s21 =	rddreg [dreg:$0x11];
	s1 =	simm.s32 $0x0  }
0x8f: {  	[tilespmem:s1], [sflag:$0x1] =	stream.linear.gather [hbm4b:s21+s1], $0x100, $0x38;
	[tilespmem:$0x1A200] =	vst v63  }
0x90: {  	s23 =	rddreg [dreg:$0x12]  }
0x91: {  	[tilespmem:s19], [sflag:$0x1] =	stream.linear.gather [hbm4b:s23+s1], $0x100, $0x38;
	[tilespmem:$0x1A200] =	vst v63  }
0x92: {  	s21 =	rddreg [dreg:$0x13]  }
0x93: {  	[tilespmem:s16], [sflag:$0x1] =	stream.linear.gather [hbm4b:s21+s1], $0x100, $0x38;
	[tilespmem:$0x1A200] =	vst v63  }
0x94: {  	s23 =	rddreg [dreg:$0x14]  }
0x95: {  	[tilespmem:s25], [sflag:$0x1] =	stream.linear.gather [hbm4b:s23+s1], $0x100, $0x38;
	[tilespmem:$0x1A200] =	vst v63  }
0x96: {  	s16 =	rddreg [dreg:$0x15]  }
0x97: {  	[tilespmem:s30], [sflag:$0x1] =	stream.linear.gather [hbm4b:s16+s1], $0x100, $0x38;
	[tilespmem:$0x1A200] =	vst v63  }
0x98: {  	s21 =	rddreg [dreg:$0x16];
	s23 =	simm.s32 $0x500  }
0x99: {  	[tilespmem:s23], [sflag:$0x1] =	stream.linear.gather [hbm4b:s21+s1], $0x100, $0x38;
	[tilespmem:$0x1A200] =	vst v63  }
0x9a: {  	s25 =	rddreg [dreg:$0x17];
	s30 =	simm.s32 $0x600  }
0x9b: {  	[tilespmem:s30], [sflag:$0x1] =	stream.linear.gather [hbm4b:s25+s1], $0x100, $0x38;
	[tilespmem:$0x1A200] =	vst v63  }
0x9c: {  	_ =	swait.ge [sflag:s13], $0x100  }
0x9d: {  	[sflag:s13] =	ssyncset.done $0x0  }
0x9e: {  	[sflag:s13] =	ssyncadd.s32 $0xFFFFFF00  }
0x9f: {  	_ =	swait.ge [sflag:s13], $0x100  }
0xa0: {  	[sflag:s13] =	ssyncset.done $0x0  }
0xa1: {  	[sflag:s13] =	ssyncadd.s32 $0xFFFFFF00  }
0xa2: {  	_ =	swait.ge [sflag:s13], $0x100  }
0xa3: {  	[sflag:s13] =	ssyncset.done $0x0  }
0xa4: {  	[sflag:s13] =	ssyncadd.s32 $0xFFFFFF00  }
0xa5: {  	_ =	swait.ge [sflag:s13], $0x100  }
0xa6: {  	[sflag:s13] =	ssyncset.done $0x0  }
0xa7: {  	[sflag:s13] =	ssyncadd.s32 $0xFFFFFF00  }
0xa8: {  	_ =	swait.ge [sflag:s13], $0x100  }
0xa9: {  	[sflag:s13] =	ssyncset.done $0x0  }
0xaa: {  	[sflag:s13] =	ssyncadd.s32 $0xFFFFFF00  }
0xab: {  	_ =	swait.ge [sflag:s13], $0x100  }
0xac: {  	[sflag:s13] =	ssyncset.done $0x0  }
0xad: {  	[sflag:s13] =	ssyncadd.s32 $0xFFFFFF00  }
0xae: {  	_ =	swait.ge [sflag:s13], $0x100  }
0xaf: {  	[sflag:s13] =	ssyncset.done $0x0  }
0xb0: {  	s14 =	simm.s32 $0x0;
	[sflag:s13] =	ssyncadd.s32 $0xFFFFFF00  }
0xb1: {  	v0 =	vld [tilespmem:s14+$0x700]  }
0xb2: {  	v2 =	vld [tilespmem:s14+$0x800]  }
0xb3: {  	v1 =	vld [tilespmem:s14+$0x900]  }
0xb4: {  	v3 =	vld [tilespmem:s14+$0xA00];
	_ =	sdelay $0x1  }
0xb5: {  	v5 =	vmul.u32 $0x9E3779B1, v0  }
0xb6: {  	v4 =	vld [tilespmem:s14+$0xB00];
	[tilespmem:s14+$0x1C00] =	vst v2;
	v2 =	vmul.u32 $0x85EBCA77, v0  }
0xb7: {  	s23 =	simm.s32 $0x10;
	v5 =	vadd.s32 $0x165667B1, v5  }
0xb8: {  	v9 =	vld [tilespmem:s23+$0x700];
	[tilespmem:s14+$0x1D00] =	vst v1;
	v1 =	vadd.s32 $0x401, v3;
	v10 =	vadd.s32 $0xBB67AE85, v2;
	v7 =	vshrl.u32 v5, $0x5  }
0xb9: {  	v8 =	vld [tilespmem:s14+$0xC00];
	[tilespmem:s14+$0x1E00] =	vst v1;
	v1 =	vmul.u32 $0x27D4EB2F, v0;
	v2 =	vshrl.u32 v10, $0x5;
	v7 =	vmulhi.u32 $0xA7C5AC5, v7  }
0xba: {  	v12 =	vmul.u32 $0xC2B2AE3D, v0;
	v2 =	vmulhi.u32 $0xA7C5AC5, v2  }
0xbb: {  	v6 =	vld [tilespmem:s14+$0xD00];
	v4 =	vadd.s32 $0x401, v4;
	v0 =	vadd.s32 $0xA54FF53A, v1;
	v7 =	vshrl.u32 v7, $0x7  }
0xbc: {  	v1 =	vshrl.u32 v2, $0x7;
	v2 =	vadd.s32 $0x3C6EF35F, v12;
	v11 =	vmul.u32 $0x186A0, v7  }
0xbd: {  	v3 =	vld [tilespmem:s23+$0x900];
	v14 =	vmul.u32 $0x85EBCA77, v9;
	v16 =	vmul.u32 $0xC2B2AE3D, v9;
	v15 =	vmul.u32 $0x186A0, v1  }
0xbe: {  	v7 =	vld [tilespmem:s23+$0x800];
	[tilespmem:s14+$0x1F00] =	vst v4;
	v1 =	vadd.s32 $0x702, v8;
	v17 =	vshrl.u32 v2, $0x5;
	v5 =	vsub.s32 v5, v11  }
0xbf: {  	v4 =	vld [tilespmem:s23+$0xB00];
	v17 =	vmulhi.u32 $0xA7C5AC5, v17;
	v11 =	vshrl.u32 v0, $0x5;
	[tilespmem:s14+$0x1800] =	vst v5;
	v5 =	vmul.u32 $0x9E3779B1, v9  }
0xc0: {  	v8 =	vmulhi.u32 $0xA7C5AC5, v11;
	v11 =	vadd.s32 $0xB03, v6;
	v9 =	vmul.u32 $0x27D4EB2F, v9  }
0xc1: {  	v15 =	vsub.s32 v10, v15;
	v12 =	vld [tilespmem:s23+$0xA00];
	[tilespmem:s14+$0x2000] =	vst v1;
	v1 =	vadd.s32 $0xBB67AE85, v14;
	v5 =	vadd.s32 $0x165667B1, v5  }
0xc2: {  	v6 =	vld [tilespmem:s23+$0xD00];
	v13 =	vshrl.u32 v8, $0x7;
	[tilespmem:s14+$0x2100] =	vst v11;
	v8 =	vadd.s32 $0xA54FF53A, v9;
	v9 =	vadd.s32 $0x3C6EF35F, v16  }
0xc3: {  	s21 =	simm.s32 $0x80;
	v14 =	vshrl.u32 v5, $0x5;
	v10 =	vld [tilespmem:s23+$0xC00];
	v11 =	vshrl.u32 v8, $0x5;
	[tilespmem:s14+$0x1900] =	vst v15;
	v15 =	vshrl.u32 v17, $0x7  }
.LBB2_4:
0xc4: {  	s1 =	sshra.s32 s21, $0x2;
	p0 =	sne.s32 s21, $0x3C0;
	s21 =	sadd.s32 $0x40, s21;
	v14 =	vmulhi.u32 $0xA7C5AC5, v14;
	v16 =	vshrl.u32 v1, $0x5;
	[tilespmem:s23+$0x1C00] =	vst v7;
	v7 =	vmul.u32 $0x186A0, v13  }
0xc5: {  	v13 =	vld [tilespmem:s1+$0x700]  }
0xc6: {  	v16 =	vmulhi.u32 $0xA7C5AC5, v16;
	[tilespmem:s23+$0x1D00] =	vst v3;
	v3 =	vadd.s32 $0x401, v12;
	v12 =	vmul.u32 $0x186A0, v15  }
0xc7: {  	v4 =	vadd.s32 $0x401, v4;
	v14 =	vshrl.u32 v14, $0x7;
	[tilespmem:s23+$0x1E00] =	vst v3;
	v3 =	vsub.s32 v0, v7;
	v0 =	vmovc v8  }
0xc8: {  	v8 =	vmul.u32 $0x186A0, v14;
	v7 =	vshrl.u32 v16, $0x7;
	v12 =	vsub.s32 v2, v12;
	[tilespmem:s14+$0x1B00] =	vst v3;
	v2 =	vmovc v9  }
0xc9: {  	v15 =	vadd.s32 $0xB03, v6;
	v3 =	vld [tilespmem:s1+$0x900];
	v9 =	vmul.u32 $0x186A0, v7;
	v10 =	vadd.s32 $0x702, v10;
	[tilespmem:s14+$0x1A00] =	vst v12;
	s14 =	smov.u32 s23;
	s23 =	smov.u32 s1  }
0xca: {  	v6 =	vmulhi.u32 $0xA7C5AC5, v11;
	v7 =	vld [tilespmem:s23+$0x800];
	v5 =	vsub.s32 v5, v8;
	[tilespmem:s14+$0x1F00] =	vst v4;
	v8 =	vmul.u32 $0x9E3779B1, v13  }
.Ltmp3:
0xcb: {  	v14 =	vshrl.u32 v2, $0x5;
	v11 =	vmul.u32 $0x85EBCA77, v13;
	v4 =	vld [tilespmem:s23+$0xB00];
	[tilespmem:s14+$0x1800] =	vst v5;
	(pc) =	sbr.rel @p0 .LBB2_4-.Ltmp3, $4  }
0xcc: {  	v16 =	vmul.u32 $0xC2B2AE3D, v13;
	v17 =	vmul.u32 $0x27D4EB2F, v13;
	v13 =	vshrl.u32 v6, $0x7;
	v12 =	vld [tilespmem:s23+$0xA00];
	[tilespmem:s14+$0x2000] =	vst v10  }
0xcd: {  	v18 =	vmulhi.u32 $0xA7C5AC5, v14;
	v5 =	vadd.s32 $0x165667B1, v8;
	v10 =	vadd.s32 $0xBB67AE85, v11  }
0xce: {  	v8 =	vadd.s32 $0xA54FF53A, v17;
	v17 =	vsub.s32 v1, v9;
	v14 =	vshrl.u32 v5, $0x5;
	v6 =	vld [tilespmem:s23+$0xD00];
	[tilespmem:s14+$0x2100] =	vst v15;
	v1 =	vmovc v10  }
0xcf: {  	v9 =	vadd.s32 $0x3C6EF35F, v16;
	v11 =	vshrl.u32 v8, $0x5;
	v15 =	vshrl.u32 v18, $0x7;
	v10 =	vld [tilespmem:s23+$0xC00];
	[tilespmem:s14+$0x1900] =	vst v17  }
0xd0: {  	[tilespmem:s23+$0x1C00] =	vst v7;
	v50 =	vmul.u32 $0x186A0, v13  }
0xd1: {  	v14 =	vmulhi.u32 $0xA7C5AC5, v14;
	[tilespmem:s23+$0x1D00] =	vst v3;
	v52 =	vmul.u32 $0x186A0, v15;
	v51 =	vadd.s32 $0x401, v12  }
0xd2: {  	v53 =	vshrl.u32 v1, $0x5;
	v57 =	vmulhi.u32 $0xA7C5AC5, v11;
	[tilespmem:s23+$0x1E00] =	vst v51;
	v0 =	vsub.s32 v0, v50  }
0xd3: {  	v58 =	vshrl.u32 v9, $0x5;
	v54 =	vmulhi.u32 $0xA7C5AC5, v53;
	v2 =	vsub.s32 v2, v52;
	[tilespmem:s14+$0x1B00] =	vst v0  }
0xd4: {  	v56 =	vadd.s32 $0x401, v4;
	v59 =	vmulhi.u32 $0xA7C5AC5, v58;
	v14 =	vshrl.u32 v14, $0x7;
	[tilespmem:s14+$0x1A00] =	vst v2  }
0xd5: {  	v55 =	vmul.u32 $0x186A0, v14;
	v3 =	vshrl.u32 v54, $0x7;
	v61 =	vadd.s32 $0xB03, v6;
	[tilespmem:s23+$0x1F00] =	vst v56  }
0xd6: {  	v2 =	vshrl.u32 v57, $0x7;
	v3 =	vmul.u32 $0x186A0, v3;
	v60 =	vadd.s32 $0x702, v10;
	[tilespmem:s23+$0x2100] =	vst v61  }
0xd7: {  	v0 =	vshrl.u32 v59, $0x7;
	v2 =	vmul.u32 $0x186A0, v2;
	v5 =	vsub.s32 v5, v55;
	[tilespmem:s23+$0x2000] =	vst v60  }
0xd8: {  	v0 =	vmul.u32 $0x186A0, v0;
	[tilespmem:s23+$0x1800] =	vst v5;
	v62 =	vsub.s32 v1, v3  }
0xd9: {  	v63 =	vsub.s32 v8, v2;
	[tilespmem:s23+$0x1900] =	vst v62  }
0xda: {  	v0 =	vsub.s32 v9, v0;
	[tilespmem:s23+$0x1B00] =	vst v63  }
0xdb: {  	s1 =	simm.s32 $0x1800;
	[tilespmem:s23+$0x1A00] =	vst v0  }
0xdc: {  	[tilespmem:s17], [sflag:$0x4] =	stream.indirect.gather [hbm4b:s11+s19], $0x40, s1, s19, $0xb8;
	[tilespmem:$0x1A200] =	vst v63  }
0xdd: {  	s16 =	simm.s32 $0x1C00  }
0xde: {  	[tilespmem:s24], [sflag:$0x4] =	stream.indirect.gather [hbm4b:s12+s19], $0x40, s16, s19, $0xb8;
	[tilespmem:$0x1A200] =	vst v63  }
0xdf: {  	_ =	swait.ge [sflag:s22], $0x4000  }
0xe0: {  	[sflag:s22] =	ssyncset.done $0x0  }
0xe1: {  	[sflag:s22] =	ssyncadd.s32 $0xFFFFC000  }
0xe2: {  	_ =	swait.ge [sflag:s22], $0x4000  }
0xe3: {  	[sflag:s22] =	ssyncset.done $0x0  }
0xe4: {  	s21 =	simm.s32 $0xF00;
	[sflag:s22] =	ssyncadd.s32 $0xFFFFC000  }
0xe5: {  	[tilespmem:s31], [sflag:$0x5] =	stream.indirect.gather.add.f32 [hbm:s11], $0x40, s21, s19, $0xb8;
	[tilespmem:$0x1A200] =	vst v63  }
0xe6: {  	s23 =	simm.s32 $0x1000  }
0xe7: {  	[tilespmem:s31], [sflag:$0x5] =	stream.indirect.gather.add.f32 [hbm:s11], $0x40, s23, s19, $0xb8;
	[tilespmem:$0x1A200] =	vst v63  }
0xe8: {  	s25 =	simm.s32 $0x1100  }
0xe9: {  	[tilespmem:s31], [sflag:$0x5] =	stream.indirect.gather.add.f32 [hbm:s11], $0x40, s25, s19, $0xb8;
	[tilespmem:$0x1A200] =	vst v63  }
0xea: {  	s14 =	simm.s32 $0x1300  }
0xeb: {  	[tilespmem:s2], [sflag:$0x5] =	stream.indirect.gather.add.f32 [hbm:s12], $0x40, s14, s19, $0xb8;
	[tilespmem:$0x1A200] =	vst v63  }
0xec: {  	s16 =	simm.s32 $0x1400  }
0xed: {  	[tilespmem:s2], [sflag:$0x5] =	stream.indirect.gather.add.f32 [hbm:s12], $0x40, s16, s19, $0xb8;
	[tilespmem:$0x1A200] =	vst v63  }
0xee: {  	s21 =	simm.s32 $0x1500  }
0xef: {  	[tilespmem:s2], [sflag:$0x5] =	stream.indirect.gather.add.f32 [hbm:s12], $0x40, s21, s19, $0xb8;
	[tilespmem:$0x1A200] =	vst v63  }
0xf0: {  	s23 =	simm.s32 $0x1600  }
0xf1: {  	[tilespmem:s2], [sflag:$0x5] =	stream.indirect.gather.add.f32 [hbm:s12], $0x40, s23, s19, $0xb8;
	[tilespmem:$0x1A200] =	vst v63  }
0xf2: {  	s30 =	simm.s32 $0x0;
	s25 =	simm.s32 $0x1700  }
0xf3: {  	[tilespmem:s2], [sflag:$0x5] =	stream.indirect.gather.add.f32 [hbm:s12], $0x40, s25, s19, $0xb8;
	[tilespmem:$0x1A200] =	vst v63  }
.LBB2_6:
0xf4: {  	_ =	swait.ge [sflag:s26], $0x4000  }
0xf5: {  	[sflag:s26] =	ssyncset.done $0x0  }
0xf6: {  	[sflag:s26] =	ssyncadd.s32 $0xFFFFC000  }
0xf7: {  	_ =	swait.ge [sflag:s26], $0x4000  }
0xf8: {  	[sflag:s26] =	ssyncset.done $0x0  }
0xf9: {  	s1 =	simm.s32 $0x1900;
	[sflag:s26] =	ssyncadd.s32 $0xFFFFC000  }
0xfa: {  	[tilespmem:s17], [sflag:$0x6] =	stream.indirect.gather.add.f32 [hbm:s11], $0x40, s1, s19, $0xb8;
	[tilespmem:$0x1A200] =	vst v63  }
0xfb: {  	s23 =	simm.s32 $0x1A00  }
0xfc: {  	[tilespmem:s17], [sflag:$0x6] =	stream.indirect.gather.add.f32 [hbm:s11], $0x40, s23, s19, $0xb8;
	[tilespmem:$0x1A200] =	vst v63  }
0xfd: {  	s25 =	simm.s32 $0x1B00  }
0xfe: {  	[tilespmem:s17], [sflag:$0x6] =	stream.indirect.gather.add.f32 [hbm:s11], $0x40, s25, s19, $0xb8;
	[tilespmem:$0x1A200] =	vst v63  }
0xff: {  	s14 =	simm.s32 $0x1D00  }
0x100: {  	[tilespmem:s24], [sflag:$0x6] =	stream.indirect.gather.add.f32 [hbm:s12], $0x40, s14, s19, $0xb8;
	[tilespmem:$0x1A200] =	vst v63  }
0x101: {  	s16 =	simm.s32 $0x1E00  }
0x102: {  	[tilespmem:s24], [sflag:$0x6] =	stream.indirect.gather.add.f32 [hbm:s12], $0x40, s16, s19, $0xb8;
	[tilespmem:$0x1A200] =	vst v63  }
0x103: {  	s21 =	simm.s32 $0x1F00  }
0x104: {  	[tilespmem:s24], [sflag:$0x6] =	stream.indirect.gather.add.f32 [hbm:s12], $0x40, s21, s19, $0xb8;
	[tilespmem:$0x1A200] =	vst v63  }
0x105: {  	p0 =	seq.s32 s30, $0x0;
	s23 =	simm.s32 $0x2000  }
0x106: {  	[tilespmem:s24], [sflag:$0x6] =	stream.indirect.gather.add.f32 [hbm:s12], $0x40, s23, s19, $0xb8;
	[tilespmem:$0x1A200] =	vst v63  }
0x107: {  	s1 =	simm.s32 @!p0 $0x7;
	s25 =	simm.s32 $0x2100  }
0x108: {  	[tilespmem:s24], [sflag:$0x6] =	stream.indirect.gather.add.f32 [hbm:s12], $0x40, s25, s19, $0xb8;
	[tilespmem:$0x1A200] =	vst v63  }
0x109: {  	_ =	swait.ge @!p0 [sflag:s1], $0x4000  }
0x10a: {  	[sflag:s1] =	ssyncset.done @!p0 $0x0  }
0x10b: {  	[sflag:s1] =	ssyncadd.s32 @!p0 $0xFFFFC000  }
0x10c: {  	_ =	swait.ge [sflag:s0], $0x4000  }
0x10d: {  	[sflag:s0] =	ssyncset.done $0x0  }
0x10e: {  	[sflag:s0] =	ssyncadd.s32 $0xFFFFC000  }
0x10f: {  	_ =	swait.ge [sflag:s0], $0x4000  }
0x110: {  	[sflag:s0] =	ssyncset.done $0x0  }
0x111: {  	[sflag:s0] =	ssyncadd.s32 $0xFFFFC000  }
0x112: {  	_ =	swait.ge [sflag:s0], $0x4000  }
0x113: {  	[sflag:s0] =	ssyncset.done $0x0  }
0x114: {  	[sflag:s0] =	ssyncadd.s32 $0xFFFFC000  }
0x115: {  	_ =	swait.ge [sflag:s0], $0x4000  }
0x116: {  	[sflag:s0] =	ssyncset.done $0x0  }
0x117: {  	[sflag:s0] =	ssyncadd.s32 $0xFFFFC000  }
0x118: {  	_ =	swait.ge [sflag:s0], $0x4000  }
0x119: {  	[sflag:s0] =	ssyncset.done $0x0  }
0x11a: {  	[sflag:s0] =	ssyncadd.s32 $0xFFFFC000  }
0x11b: {  	_ =	swait.ge [sflag:s0], $0x4000  }
0x11c: {  	[sflag:s0] =	ssyncset.done $0x0  }
0x11d: {  	[sflag:s0] =	ssyncadd.s32 $0xFFFFC000  }
0x11e: {  	_ =	swait.ge [sflag:s0], $0x4000  }
0x11f: {  	[sflag:s0] =	ssyncset.done $0x0  }
0x120: {  	[sflag:s0] =	ssyncadd.s32 $0xFFFFC000  }
0x121: {  	_ =	swait.ge [sflag:s0], $0x4000  }
0x122: {  	[sflag:s0] =	ssyncset.done $0x0  }
0x123: {  	s14 =	simm.s32 $0x0;
	[sflag:s0] =	ssyncadd.s32 $0xFFFFC000  }
0x124: {  	v2 =	vld [tilespmem:s14+$0xA230]  }
0x125: {  	v4 =	vld [tilespmem:s14+$0x2230]  }
0x126: {  	v6 =	vld [tilespmem:s14+$0xA200]  }
0x127: {  	v1 =	vld [tilespmem:s14+$0xA210]  }
0x128: {  	v0 =	vld [tilespmem:s14+$0xA220]  }
0x129: {  	v3 =	vld [tilespmem:s14+$0x2200];
	v5 =	vmax.f32 v2, $0.0e+00  }
0x12a: {  	v2 =	vld [tilespmem:s14+$0x2210];
	v5 =	vadd.f32 v5, v4  }
0x12b: {  	s21 =	simm.s32 $0x200;
	s25 =	sshll.u32 s30, $0x9;
	s1 =	simm.s32 $0x40;
	v6 =	vmax.f32 v6, $0.0e+00;
	v4 =	vld [tilespmem:s14+$0x2220]  }
.LBB2_7:
0x12c: {  	p1 =	sne.s32 s21, $0xFF00;
	v7 =	vld [tilespmem:s1+$0xA230];
	v8 =	vmax.f32 v1, $0.0e+00;
	[tilespmem:s14+$0x12230] =	vst v5  }
0x12d: {  	v5 =	vld [tilespmem:s1+$0x2230];
	v9 =	vmax.f32 v0, $0.0e+00  }
0x12e: {  	v10 =	vld [tilespmem:s1+$0xA200];
	v3 =	vadd.f32 v6, v3  }
.Ltmp4:
0x12f: {  	v1 =	vld [tilespmem:s1+$0xA210];
	v2 =	vadd.f32 v8, v2;
	(pc) =	sbr.rel @p1 .LBB2_7-.Ltmp4, $4  }
0x130: {  	v0 =	vld [tilespmem:s1+$0xA220];
	[tilespmem:s14+$0x12200] =	vst v3;
	v4 =	vadd.f32 v9, v4  }
0x131: {  	v3 =	vld [tilespmem:s1+$0x2200];
	v6 =	vmax.f32 v7, $0.0e+00;
	[tilespmem:s14+$0x12210] =	vst v2  }
0x132: {  	v2 =	vld [tilespmem:s1+$0x2210];
	v5 =	vadd.f32 v6, v5;
	[tilespmem:s14+$0x12220] =	vst v4;
	s14 =	smov.u32 s1  }
0x133: {  	s1 =	sshra.s32 s21, $0x2;
	s21 =	sadd.s32 $0x100, s21;
	v6 =	vmax.f32 v10, $0.0e+00;
	v4 =	vld [tilespmem:s14+$0x2220]  }
0x134: {  	v7 =	vld [tilespmem:s1+$0xA230];
	[tilespmem:s14+$0x12230] =	vst v5  }
0x135: {  	v5 =	vld [tilespmem:s1+$0x2230]  }
0x136: {  	v1 =	vmax.f32 v1, $0.0e+00;
	v8 =	vld [tilespmem:s1+$0xA200];
	v3 =	vadd.f32 v6, v3  }
0x137: {  	v58 =	vld [tilespmem:s1+$0xA210];
	v0 =	vmax.f32 v0, $0.0e+00;
	v1 =	vadd.f32 v1, v2  }
0x138: {  	v9 =	vld [tilespmem:s1+$0xA220];
	[tilespmem:s14+$0x12200] =	vst v3;
	v0 =	vadd.f32 v0, v4  }
0x139: {  	v59 =	vld [tilespmem:s1+$0x2200];
	[tilespmem:s14+$0x12210] =	vst v1  }
0x13a: {  	v1 =	vld [tilespmem:s1+$0x2210];
	[tilespmem:s14+$0x12220] =	vst v0  }
0x13b: {  	v0 =	vld [tilespmem:s1+$0x2220]  }
0x13c: {  	v60 =	vmax.f32 v7, $0.0e+00  }
0x13d: {  	v3 =	vadd.f32 v60, v5;
	v61 =	vmax.f32 v8, $0.0e+00  }
0x13e: {  	p1 =	seq.s32 s30, $0x31;
	v62 =	vmax.f32 v58, $0.0e+00;
	v2 =	vadd.f32 v61, v59  }
.Ltmp5:
0x13f: {  	s23 =	sshll.u32 s30, $0xF;
	v63 =	vmax.f32 v9, $0.0e+00;
	[tilespmem:s1+$0x12230] =	vst v3;
	v1 =	vadd.f32 v62, v1;
	(pc) =	sbr.rel @p1 .LBB2_12-.Ltmp5, $4  }
0x140: {  	s21 =	sadd.s32 s28, s23;
	[tilespmem:s1+$0x12200] =	vst v2;
	v0 =	vadd.f32 v63, v0  }
0x141: {  	s16 =	rddreg [dreg:$0x1];
	s14 =	sshrl.u32 s21, $0x3;
	[tilespmem:s1+$0x12210] =	vst v1  }
0x142: {  	s21 =	simm.s32 $0x12200;
	[tilespmem:s1+$0x12220] =	vst v0;
	s1 =	sadd.s32 s16, s14  }
0x143: {  	[hbm4b:s1+s3] =	stream.linear.scatter [tilespmem:s21], [sflag:$0x7], $0x4000, $0x38;
	[tilespmem:$0x1A200] =	vst v63  }
0x144: {  	_ =	swait.ge [sflag:s29], $0x100  }
0x145: {  	[sflag:s29] =	ssyncset.done $0x0  }
0x146: {  	[sflag:s29] =	ssyncadd.s32 $0xFFFFFF00  }
0x147: {  	_ =	swait.ge [sflag:s29], $0x100  }
0x148: {  	[sflag:s29] =	ssyncset.done $0x0  }
0x149: {  	[sflag:s29] =	ssyncadd.s32 $0xFFFFFF00  }
0x14a: {  	_ =	swait.ge [sflag:s29], $0x100  }
0x14b: {  	[sflag:s29] =	ssyncset.done $0x0  }
0x14c: {  	[sflag:s29] =	ssyncadd.s32 $0xFFFFFF00  }
0x14d: {  	_ =	swait.ge [sflag:s29], $0x100  }
0x14e: {  	[sflag:s29] =	ssyncset.done $0x0  }
0x14f: {  	[sflag:s29] =	ssyncadd.s32 $0xFFFFFF00  }
0x150: {  	_ =	swait.ge [sflag:s29], $0x100  }
0x151: {  	[sflag:s29] =	ssyncset.done $0x0  }
0x152: {  	[sflag:s29] =	ssyncadd.s32 $0xFFFFFF00  }
0x153: {  	_ =	swait.ge [sflag:s29], $0x100  }
0x154: {  	[sflag:s29] =	ssyncset.done $0x0  }
0x155: {  	[sflag:s29] =	ssyncadd.s32 $0xFFFFFF00  }
0x156: {  	_ =	swait.ge [sflag:s29], $0x100  }
0x157: {  	[sflag:s29] =	ssyncset.done $0x0  }
0x158: {  	s21 =	simm.s32 $0xFFFFFF00;
	[sflag:s29] =	ssyncadd.s32 $0xFFFFFF00  }
0x159: {  	v0 =	vld [tilespmem:s21+$0x100]  }
0x15a: {  	v2 =	vld [tilespmem:s21+$0x200]  }
0x15b: {  	v1 =	vld [tilespmem:s21+$0x300]  }
0x15c: {  	v3 =	vld [tilespmem:s21+$0x400];
	_ =	sdelay $0x1  }
0x15d: {  	v5 =	vmul.u32 $0x9E3779B1, v0  }
0x15e: {  	v4 =	vld [tilespmem:s21+$0x500];
	[tilespmem:s21+$0x1300] =	vst v2;
	v2 =	vmul.u32 $0x85EBCA77, v0  }
0x15f: {  	s14 =	simm.s32 $0xFFFFFF10;
	v5 =	vadd.s32 $0x165667B1, v5  }
0x160: {  	v9 =	vld [tilespmem:s14+$0x100];
	[tilespmem:s21+$0x1400] =	vst v1;
	v1 =	vadd.s32 $0x401, v3;
	v10 =	vadd.s32 $0xBB67AE85, v2;
	v7 =	vshrl.u32 v5, $0x5  }
0x161: {  	v8 =	vld [tilespmem:s21+$0x600];
	[tilespmem:s21+$0x1500] =	vst v1;
	v1 =	vmul.u32 $0x27D4EB2F, v0;
	v2 =	vshrl.u32 v10, $0x5;
	v7 =	vmulhi.u32 $0xA7C5AC5, v7  }
0x162: {  	v12 =	vmul.u32 $0xC2B2AE3D, v0;
	v2 =	vmulhi.u32 $0xA7C5AC5, v2  }
0x163: {  	v6 =	vld [tilespmem:s21+$0x700];
	v4 =	vadd.s32 $0x401, v4;
	v0 =	vadd.s32 $0xA54FF53A, v1;
	v7 =	vshrl.u32 v7, $0x7  }
0x164: {  	v1 =	vshrl.u32 v2, $0x7;
	v2 =	vadd.s32 $0x3C6EF35F, v12;
	v11 =	vmul.u32 $0x186A0, v7  }
0x165: {  	v3 =	vld [tilespmem:s14+$0x300];
	v14 =	vmul.u32 $0x85EBCA77, v9;
	v16 =	vmul.u32 $0xC2B2AE3D, v9;
	v15 =	vmul.u32 $0x186A0, v1  }
0x166: {  	v7 =	vld [tilespmem:s14+$0x200];
	[tilespmem:s21+$0x1600] =	vst v4;
	v1 =	vadd.s32 $0x702, v8;
	v17 =	vshrl.u32 v2, $0x5;
	v5 =	vsub.s32 v5, v11  }
0x167: {  	v4 =	vld [tilespmem:s14+$0x500];
	v17 =	vmulhi.u32 $0xA7C5AC5, v17;
	v11 =	vshrl.u32 v0, $0x5;
	[tilespmem:s21+$0xF00] =	vst v5;
	v5 =	vmul.u32 $0x9E3779B1, v9  }
0x168: {  	v8 =	vmulhi.u32 $0xA7C5AC5, v11;
	v11 =	vadd.s32 $0xB03, v6;
	v9 =	vmul.u32 $0x27D4EB2F, v9  }
0x169: {  	v15 =	vsub.s32 v10, v15;
	v12 =	vld [tilespmem:s14+$0x400];
	[tilespmem:s21+$0x1700] =	vst v1;
	v1 =	vadd.s32 $0xBB67AE85, v14;
	v5 =	vadd.s32 $0x165667B1, v5  }
0x16a: {  	v6 =	vld [tilespmem:s14+$0x700];
	v13 =	vshrl.u32 v8, $0x7;
	[tilespmem:s21+$0x1800] =	vst v11;
	v8 =	vadd.s32 $0xA54FF53A, v9;
	v9 =	vadd.s32 $0x3C6EF35F, v16  }
0x16b: {  	s1 =	simm.s32 $0xFFFFFC80;
	v14 =	vshrl.u32 v5, $0x5;
	v10 =	vld [tilespmem:s14+$0x600];
	v11 =	vshrl.u32 v8, $0x5;
	[tilespmem:s21+$0x1000] =	vst v15;
	v15 =	vshrl.u32 v17, $0x7  }
.LBB2_10:
0x16c: {  	s16 =	sshra.s32 s1, $0x2;
	p2 =	sne.s32 s1, $0xFFFFFFC0;
	s1 =	sadd.s32 $0x40, s1;
	v14 =	vmulhi.u32 $0xA7C5AC5, v14;
	v16 =	vshrl.u32 v1, $0x5;
	[tilespmem:s14+$0x1300] =	vst v7;
	v7 =	vmul.u32 $0x186A0, v13  }
0x16d: {  	v13 =	vld [tilespmem:s16+$0x100]  }
0x16e: {  	v16 =	vmulhi.u32 $0xA7C5AC5, v16;
	[tilespmem:s14+$0x1400] =	vst v3;
	v3 =	vadd.s32 $0x401, v12;
	v12 =	vmul.u32 $0x186A0, v15  }
0x16f: {  	v4 =	vadd.s32 $0x401, v4;
	v14 =	vshrl.u32 v14, $0x7;
	[tilespmem:s14+$0x1500] =	vst v3;
	v3 =	vsub.s32 v0, v7;
	v0 =	vmovc v8  }
0x170: {  	v8 =	vmul.u32 $0x186A0, v14;
	v7 =	vshrl.u32 v16, $0x7;
	v12 =	vsub.s32 v2, v12;
	[tilespmem:s21+$0x1200] =	vst v3;
	v2 =	vmovc v9  }
0x171: {  	v15 =	vadd.s32 $0xB03, v6;
	v3 =	vld [tilespmem:s16+$0x300];
	v9 =	vmul.u32 $0x186A0, v7;
	v10 =	vadd.s32 $0x702, v10;
	[tilespmem:s21+$0x1100] =	vst v12;
	s21 =	smov.u32 s14;
	s14 =	smov.u32 s16  }
0x172: {  	v6 =	vmulhi.u32 $0xA7C5AC5, v11;
	v7 =	vld [tilespmem:s14+$0x200];
	v5 =	vsub.s32 v5, v8;
	[tilespmem:s21+$0x1600] =	vst v4;
	v8 =	vmul.u32 $0x9E3779B1, v13  }
.Ltmp6:
0x173: {  	v14 =	vshrl.u32 v2, $0x5;
	v11 =	vmul.u32 $0x85EBCA77, v13;
	v4 =	vld [tilespmem:s14+$0x500];
	[tilespmem:s21+$0xF00] =	vst v5;
	(pc) =	sbr.rel @p2 .LBB2_10-.Ltmp6, $4  }
0x174: {  	v16 =	vmul.u32 $0xC2B2AE3D, v13;
	v17 =	vmul.u32 $0x27D4EB2F, v13;
	v13 =	vshrl.u32 v6, $0x7;
	v12 =	vld [tilespmem:s14+$0x400];
	[tilespmem:s21+$0x1700] =	vst v10  }
0x175: {  	v18 =	vmulhi.u32 $0xA7C5AC5, v14;
	v5 =	vadd.s32 $0x165667B1, v8;
	v10 =	vadd.s32 $0xBB67AE85, v11  }
0x176: {  	v8 =	vadd.s32 $0xA54FF53A, v17;
	v17 =	vsub.s32 v1, v9;
	v14 =	vshrl.u32 v5, $0x5;
	v6 =	vld [tilespmem:s14+$0x700];
	[tilespmem:s21+$0x1800] =	vst v15;
	v1 =	vmovc v10  }
0x177: {  	v9 =	vadd.s32 $0x3C6EF35F, v16;
	v11 =	vshrl.u32 v8, $0x5;
	v15 =	vshrl.u32 v18, $0x7;
	v10 =	vld [tilespmem:s14+$0x600];
	[tilespmem:s21+$0x1000] =	vst v17  }
0x178: {  	[tilespmem:s14+$0x1300] =	vst v7;
	v50 =	vmul.u32 $0x186A0, v13  }
0x179: {  	v14 =	vmulhi.u32 $0xA7C5AC5, v14;
	[tilespmem:s14+$0x1400] =	vst v3;
	v52 =	vmul.u32 $0x186A0, v15;
	v51 =	vadd.s32 $0x401, v12  }
0x17a: {  	v53 =	vshrl.u32 v1, $0x5;
	v57 =	vmulhi.u32 $0xA7C5AC5, v11;
	[tilespmem:s14+$0x1500] =	vst v51;
	v0 =	vsub.s32 v0, v50  }
0x17b: {  	v58 =	vshrl.u32 v9, $0x5;
	v54 =	vmulhi.u32 $0xA7C5AC5, v53;
	v2 =	vsub.s32 v2, v52;
	[tilespmem:s21+$0x1200] =	vst v0  }
0x17c: {  	v56 =	vadd.s32 $0x401, v4;
	v59 =	vmulhi.u32 $0xA7C5AC5, v58;
	v14 =	vshrl.u32 v14, $0x7;
	[tilespmem:s21+$0x1100] =	vst v2  }
0x17d: {  	v55 =	vmul.u32 $0x186A0, v14;
	v3 =	vshrl.u32 v54, $0x7;
	v61 =	vadd.s32 $0xB03, v6;
	[tilespmem:s14+$0x1600] =	vst v56  }
0x17e: {  	v2 =	vshrl.u32 v57, $0x7;
	v3 =	vmul.u32 $0x186A0, v3;
	v60 =	vadd.s32 $0x702, v10;
	[tilespmem:s14+$0x1800] =	vst v61  }
0x17f: {  	v0 =	vshrl.u32 v59, $0x7;
	v2 =	vmul.u32 $0x186A0, v2;
	v5 =	vsub.s32 v5, v55;
	[tilespmem:s14+$0x1700] =	vst v60  }
0x180: {  	v0 =	vmul.u32 $0x186A0, v0;
	[tilespmem:s14+$0xF00] =	vst v5;
	v62 =	vsub.s32 v1, v3  }
0x181: {  	v63 =	vsub.s32 v8, v2;
	[tilespmem:s14+$0x1000] =	vst v62  }
0x182: {  	v0 =	vsub.s32 v9, v0;
	[tilespmem:s14+$0x1200] =	vst v63  }
0x183: {  	s1 =	simm.s32 $0xE00;
	s16 =	rddreg [dreg:$0x18];
	[tilespmem:s14+$0x1100] =	vst v0  }
0x184: {  	[tilespmem:s31], [sflag:$0x3] =	stream.indirect.gather [hbm4b:s11+s19], $0x40, s1, s19, $0xb8;
	[tilespmem:$0x1A200] =	vst v63  }
0x185: {  	s1 =	sadd.s32 s25, s16  }
0x186: {  	s14 =	simm.s32 $0x1200;
	s1 =	sshrl.u32 s1, $0x3  }
0x187: {  	[tilespmem:s2], [sflag:$0x3] =	stream.indirect.gather [hbm4b:s12+s19], $0x40, s14, s19, $0xb8;
	[tilespmem:$0x1A200] =	vst v63  }
0x188: {  	s16 =	simm.s32 $0x700;
	s21 =	sadd.s32 s4, s1  }
0x189: {  	[tilespmem:s16], [sflag:$0x2] =	stream.linear.gather [hbm4b:s21+s3], $0x100, $0x38;
	[tilespmem:$0x1A200] =	vst v63  }
0x18a: {  	s16 =	sadd.s32 s5, s1;
	s21 =	simm.s32 $0x800  }
0x18b: {  	[tilespmem:s21], [sflag:$0x2] =	stream.linear.gather [hbm4b:s16+s3], $0x100, $0x38;
	[tilespmem:$0x1A200] =	vst v63  }
0x18c: {  	s16 =	sadd.s32 s6, s1;
	s21 =	simm.s32 $0x900  }
0x18d: {  	[tilespmem:s21], [sflag:$0x2] =	stream.linear.gather [hbm4b:s16+s3], $0x100, $0x38;
	[tilespmem:$0x1A200] =	vst v63  }
0x18e: {  	s16 =	sadd.s32 s7, s1;
	s21 =	simm.s32 $0xA00  }
0x18f: {  	[tilespmem:s21], [sflag:$0x2] =	stream.linear.gather [hbm4b:s16+s3], $0x100, $0x38;
	[tilespmem:$0x1A200] =	vst v63  }
0x190: {  	s16 =	sadd.s32 s8, s1;
	s21 =	simm.s32 $0xB00  }
0x191: {  	[tilespmem:s21], [sflag:$0x2] =	stream.linear.gather [hbm4b:s16+s3], $0x100, $0x38;
	[tilespmem:$0x1A200] =	vst v63  }
0x192: {  	s16 =	sadd.s32 s9, s1;
	s21 =	simm.s32 $0xC00  }
0x193: {  	[tilespmem:s21], [sflag:$0x2] =	stream.linear.gather [hbm4b:s16+s3], $0x100, $0x38;
	[tilespmem:$0x1A200] =	vst v63  }
0x194: {  	s1 =	sadd.s32 s10, s1;
	s21 =	simm.s32 $0xD00  }
0x195: {  	[tilespmem:s21], [sflag:$0x2] =	stream.linear.gather [hbm4b:s1+s3], $0x100, $0x38;
	[tilespmem:$0x1A200] =	vst v63  }
0x196: {  	_ =	swait.ge [sflag:s22], $0x4000  }
0x197: {  	[sflag:s22] =	ssyncset.done $0x0  }
0x198: {  	[sflag:s22] =	ssyncadd.s32 $0xFFFFC000  }
0x199: {  	_ =	swait.ge [sflag:s22], $0x4000  }
0x19a: {  	[sflag:s22] =	ssyncset.done $0x0  }
0x19b: {  	s16 =	simm.s32 $0xF00;
	[sflag:s22] =	ssyncadd.s32 $0xFFFFC000  }
0x19c: {  	[tilespmem:s31], [sflag:$0x5] =	stream.indirect.gather.add.f32 [hbm:s11], $0x40, s16, s19, $0xb8;
	[tilespmem:$0x1A200] =	vst v63  }
0x19d: {  	s21 =	simm.s32 $0x1000  }
0x19e: {  	[tilespmem:s31], [sflag:$0x5] =	stream.indirect.gather.add.f32 [hbm:s11], $0x40, s21, s19, $0xb8;
	[tilespmem:$0x1A200] =	vst v63  }
0x19f: {  	s14 =	simm.s32 $0x1100  }
0x1a0: {  	[tilespmem:s31], [sflag:$0x5] =	stream.indirect.gather.add.f32 [hbm:s11], $0x40, s14, s19, $0xb8;
	[tilespmem:$0x1A200] =	vst v63  }
0x1a1: {  	s16 =	simm.s32 $0x1300  }
0x1a2: {  	[tilespmem:s2], [sflag:$0x5] =	stream.indirect.gather.add.f32 [hbm:s12], $0x40, s16, s19, $0xb8;
	[tilespmem:$0x1A200] =	vst v63  }
0x1a3: {  	s21 =	simm.s32 $0x1400  }
0x1a4: {  	[tilespmem:s2], [sflag:$0x5] =	stream.indirect.gather.add.f32 [hbm:s12], $0x40, s21, s19, $0xb8;
	[tilespmem:$0x1A200] =	vst v63  }
0x1a5: {  	s14 =	simm.s32 $0x1500  }
0x1a6: {  	[tilespmem:s2], [sflag:$0x5] =	stream.indirect.gather.add.f32 [hbm:s12], $0x40, s14, s19, $0xb8;
	[tilespmem:$0x1A200] =	vst v63  }
.Ltmp7:
0x1a7: {  	_ = 	snop;
	(pc) =	sbr.rel @p0 .LBB2_13-.Ltmp7, $4  }
0x1a8: {  	s16 =	simm.s32 $0x1600  }
0x1a9: {  	[tilespmem:s2], [sflag:$0x5] =	stream.indirect.gather.add.f32 [hbm:s12], $0x40, s16, s19, $0xb8;
	[tilespmem:$0x1A200] =	vst v63  }
0x1aa: {  	s21 =	simm.s32 $0x1700  }
0x1ab: {  	[tilespmem:s2], [sflag:$0x5] =	stream.indirect.gather.add.f32 [hbm:s12], $0x40, s21, s19, $0xb8;
	[tilespmem:$0x1A200] =	vst v63  }
.LBB2_12:
0x1ac: {  	_ =	swait.ge [sflag:s20], $0x4000  }
0x1ad: {  	[sflag:s20] =	ssyncset.done $0x0  }
0x1ae: {  	[sflag:s20] =	ssyncadd.s32 $0xFFFFC000  }
.LBB2_13:
0x1af: {  	_ =	swait.ge [sflag:s15], $0x4000  }
0x1b0: {  	[sflag:s15] =	ssyncset.done $0x0  }
0x1b1: {  	[sflag:s15] =	ssyncadd.s32 $0xFFFFC000  }
0x1b2: {  	_ =	swait.ge [sflag:s15], $0x4000  }
0x1b3: {  	[sflag:s15] =	ssyncset.done $0x0  }
0x1b4: {  	[sflag:s15] =	ssyncadd.s32 $0xFFFFC000  }
0x1b5: {  	_ =	swait.ge [sflag:s15], $0x4000  }
0x1b6: {  	[sflag:s15] =	ssyncset.done $0x0  }
0x1b7: {  	[sflag:s15] =	ssyncadd.s32 $0xFFFFC000  }
0x1b8: {  	_ =	swait.ge [sflag:s15], $0x4000  }
0x1b9: {  	[sflag:s15] =	ssyncset.done $0x0  }
0x1ba: {  	[sflag:s15] =	ssyncadd.s32 $0xFFFFC000  }
0x1bb: {  	_ =	swait.ge [sflag:s15], $0x4000  }
0x1bc: {  	[sflag:s15] =	ssyncset.done $0x0  }
0x1bd: {  	[sflag:s15] =	ssyncadd.s32 $0xFFFFC000  }
0x1be: {  	_ =	swait.ge [sflag:s15], $0x4000  }
0x1bf: {  	[sflag:s15] =	ssyncset.done $0x0  }
0x1c0: {  	[sflag:s15] =	ssyncadd.s32 $0xFFFFC000  }
0x1c1: {  	_ =	swait.ge [sflag:s15], $0x4000  }
0x1c2: {  	[sflag:s15] =	ssyncset.done $0x0  }
0x1c3: {  	[sflag:s15] =	ssyncadd.s32 $0xFFFFC000  }
0x1c4: {  	_ =	swait.ge [sflag:s15], $0x4000  }
0x1c5: {  	[sflag:s15] =	ssyncset.done $0x0  }
0x1c6: {  	s14 =	simm.s32 $0x0;
	[sflag:s15] =	ssyncadd.s32 $0xFFFFC000  }
0x1c7: {  	v2 =	vld [tilespmem:s14+$0xE230]  }
0x1c8: {  	v4 =	vld [tilespmem:s14+$0x6230]  }
0x1c9: {  	v6 =	vld [tilespmem:s14+$0xE200]  }
0x1ca: {  	v1 =	vld [tilespmem:s14+$0xE210]  }
0x1cb: {  	v0 =	vld [tilespmem:s14+$0xE220]  }
0x1cc: {  	v3 =	vld [tilespmem:s14+$0x6200];
	v5 =	vmax.f32 v2, $0.0e+00  }
0x1cd: {  	v2 =	vld [tilespmem:s14+$0x6210];
	v5 =	vadd.f32 v5, v4  }
0x1ce: {  	s1 =	simm.s32 $0x40;
	s21 =	simm.s32 $0x200;
	v6 =	vmax.f32 v6, $0.0e+00;
	v4 =	vld [tilespmem:s14+$0x6220]  }
.LBB2_14:
0x1cf: {  	p0 =	sne.s32 s21, $0xFF00;
	v7 =	vld [tilespmem:s1+$0xE230];
	v8 =	vmax.f32 v1, $0.0e+00;
	[tilespmem:s14+$0x16230] =	vst v5  }
0x1d0: {  	v5 =	vld [tilespmem:s1+$0x6230];
	v9 =	vmax.f32 v0, $0.0e+00  }
0x1d1: {  	v10 =	vld [tilespmem:s1+$0xE200];
	v3 =	vadd.f32 v6, v3  }
.Ltmp8:
0x1d2: {  	v1 =	vld [tilespmem:s1+$0xE210];
	v2 =	vadd.f32 v8, v2;
	(pc) =	sbr.rel @p0 .LBB2_14-.Ltmp8, $4  }
0x1d3: {  	v0 =	vld [tilespmem:s1+$0xE220];
	[tilespmem:s14+$0x16200] =	vst v3;
	v4 =	vadd.f32 v9, v4  }
0x1d4: {  	v3 =	vld [tilespmem:s1+$0x6200];
	v6 =	vmax.f32 v7, $0.0e+00;
	[tilespmem:s14+$0x16210] =	vst v2  }
0x1d5: {  	v2 =	vld [tilespmem:s1+$0x6210];
	v5 =	vadd.f32 v6, v5;
	[tilespmem:s14+$0x16220] =	vst v4;
	s14 =	smov.u32 s1  }
0x1d6: {  	s1 =	sshra.s32 s21, $0x2;
	s21 =	sadd.s32 $0x100, s21;
	v6 =	vmax.f32 v10, $0.0e+00;
	v4 =	vld [tilespmem:s14+$0x6220]  }
0x1d7: {  	v7 =	vld [tilespmem:s1+$0xE230];
	[tilespmem:s14+$0x16230] =	vst v5  }
0x1d8: {  	v5 =	vld [tilespmem:s1+$0x6230]  }
0x1d9: {  	v1 =	vmax.f32 v1, $0.0e+00;
	v8 =	vld [tilespmem:s1+$0xE200];
	v3 =	vadd.f32 v6, v3  }
0x1da: {  	v58 =	vld [tilespmem:s1+$0xE210];
	v0 =	vmax.f32 v0, $0.0e+00;
	v1 =	vadd.f32 v1, v2  }
0x1db: {  	v9 =	vld [tilespmem:s1+$0xE220];
	[tilespmem:s14+$0x16200] =	vst v3;
	v0 =	vadd.f32 v0, v4  }
0x1dc: {  	v59 =	vld [tilespmem:s1+$0x6200];
	[tilespmem:s14+$0x16210] =	vst v1  }
0x1dd: {  	v1 =	vld [tilespmem:s1+$0x6210];
	[tilespmem:s14+$0x16220] =	vst v0  }
0x1de: {  	v0 =	vld [tilespmem:s1+$0x6220]  }
0x1df: {  	v60 =	vmax.f32 v7, $0.0e+00  }
0x1e0: {  	v3 =	vadd.f32 v60, v5;
	v61 =	vmax.f32 v8, $0.0e+00  }
0x1e1: {  	v62 =	vmax.f32 v58, $0.0e+00;
	v2 =	vadd.f32 v61, v59  }
.Ltmp9:
0x1e2: {  	v63 =	vmax.f32 v9, $0.0e+00;
	[tilespmem:s1+$0x16230] =	vst v3;
	v1 =	vadd.f32 v62, v1;
	(pc) =	sbr.rel @p1 .LBB2_19-.Ltmp9, $4  }
0x1e3: {  	s16 =	sadd.s32 s23, s18;
	[tilespmem:s1+$0x16200] =	vst v2;
	v0 =	vadd.f32 v63, v0  }
0x1e4: {  	s21 =	rddreg [dreg:$0x1];
	s14 =	sshrl.u32 s16, $0x3;
	[tilespmem:s1+$0x16210] =	vst v1  }
0x1e5: {  	s23 =	simm.s32 $0x16200;
	[tilespmem:s1+$0x16220] =	vst v0;
	s1 =	sadd.s32 s21, s14  }
0x1e6: {  	[hbm4b:s1+s3] =	stream.linear.scatter [tilespmem:s23], [sflag:$0x8], $0x4000, $0x38;
	[tilespmem:$0x1A200] =	vst v63  }
0x1e7: {  	_ =	swait.ge [sflag:s13], $0x100  }
0x1e8: {  	[sflag:s13] =	ssyncset.done $0x0  }
0x1e9: {  	[sflag:s13] =	ssyncadd.s32 $0xFFFFFF00  }
0x1ea: {  	_ =	swait.ge [sflag:s13], $0x100  }
0x1eb: {  	[sflag:s13] =	ssyncset.done $0x0  }
0x1ec: {  	[sflag:s13] =	ssyncadd.s32 $0xFFFFFF00  }
0x1ed: {  	_ =	swait.ge [sflag:s13], $0x100  }
0x1ee: {  	[sflag:s13] =	ssyncset.done $0x0  }
0x1ef: {  	[sflag:s13] =	ssyncadd.s32 $0xFFFFFF00  }
0x1f0: {  	_ =	swait.ge [sflag:s13], $0x100  }
0x1f1: {  	[sflag:s13] =	ssyncset.done $0x0  }
0x1f2: {  	[sflag:s13] =	ssyncadd.s32 $0xFFFFFF00  }
0x1f3: {  	_ =	swait.ge [sflag:s13], $0x100  }
0x1f4: {  	[sflag:s13] =	ssyncset.done $0x0  }
0x1f5: {  	[sflag:s13] =	ssyncadd.s32 $0xFFFFFF00  }
0x1f6: {  	_ =	swait.ge [sflag:s13], $0x100  }
0x1f7: {  	[sflag:s13] =	ssyncset.done $0x0  }
0x1f8: {  	[sflag:s13] =	ssyncadd.s32 $0xFFFFFF00  }
0x1f9: {  	_ =	swait.ge [sflag:s13], $0x100  }
0x1fa: {  	[sflag:s13] =	ssyncset.done $0x0  }
0x1fb: {  	s21 =	simm.s32 $0x0;
	[sflag:s13] =	ssyncadd.s32 $0xFFFFFF00  }
0x1fc: {  	v0 =	vld [tilespmem:s21+$0x700]  }
0x1fd: {  	v2 =	vld [tilespmem:s21+$0x800]  }
0x1fe: {  	v1 =	vld [tilespmem:s21+$0x900]  }
0x1ff: {  	v3 =	vld [tilespmem:s21+$0xA00];
	_ =	sdelay $0x1  }
0x200: {  	v5 =	vmul.u32 $0x9E3779B1, v0  }
0x201: {  	v4 =	vld [tilespmem:s21+$0xB00];
	[tilespmem:s21+$0x1C00] =	vst v2;
	v2 =	vmul.u32 $0x85EBCA77, v0  }
0x202: {  	s14 =	simm.s32 $0x10;
	v5 =	vadd.s32 $0x165667B1, v5  }
0x203: {  	v9 =	vld [tilespmem:s14+$0x700];
	[tilespmem:s21+$0x1D00] =	vst v1;
	v1 =	vadd.s32 $0x401, v3;
	v10 =	vadd.s32 $0xBB67AE85, v2;
	v7 =	vshrl.u32 v5, $0x5  }
0x204: {  	v8 =	vld [tilespmem:s21+$0xC00];
	[tilespmem:s21+$0x1E00] =	vst v1;
	v1 =	vmul.u32 $0x27D4EB2F, v0;
	v2 =	vshrl.u32 v10, $0x5;
	v7 =	vmulhi.u32 $0xA7C5AC5, v7  }
0x205: {  	v12 =	vmul.u32 $0xC2B2AE3D, v0;
	v2 =	vmulhi.u32 $0xA7C5AC5, v2  }
0x206: {  	v6 =	vld [tilespmem:s21+$0xD00];
	v4 =	vadd.s32 $0x401, v4;
	v0 =	vadd.s32 $0xA54FF53A, v1;
	v7 =	vshrl.u32 v7, $0x7  }
0x207: {  	v1 =	vshrl.u32 v2, $0x7;
	v2 =	vadd.s32 $0x3C6EF35F, v12;
	v11 =	vmul.u32 $0x186A0, v7  }
0x208: {  	v3 =	vld [tilespmem:s14+$0x900];
	v14 =	vmul.u32 $0x85EBCA77, v9;
	v16 =	vmul.u32 $0xC2B2AE3D, v9;
	v15 =	vmul.u32 $0x186A0, v1  }
0x209: {  	v7 =	vld [tilespmem:s14+$0x800];
	[tilespmem:s21+$0x1F00] =	vst v4;
	v1 =	vadd.s32 $0x702, v8;
	v17 =	vshrl.u32 v2, $0x5;
	v5 =	vsub.s32 v5, v11  }
0x20a: {  	v4 =	vld [tilespmem:s14+$0xB00];
	v17 =	vmulhi.u32 $0xA7C5AC5, v17;
	v11 =	vshrl.u32 v0, $0x5;
	[tilespmem:s21+$0x1800] =	vst v5;
	v5 =	vmul.u32 $0x9E3779B1, v9  }
0x20b: {  	v8 =	vmulhi.u32 $0xA7C5AC5, v11;
	v11 =	vadd.s32 $0xB03, v6;
	v9 =	vmul.u32 $0x27D4EB2F, v9  }
0x20c: {  	v15 =	vsub.s32 v10, v15;
	v12 =	vld [tilespmem:s14+$0xA00];
	[tilespmem:s21+$0x2000] =	vst v1;
	v1 =	vadd.s32 $0xBB67AE85, v14;
	v5 =	vadd.s32 $0x165667B1, v5  }
0x20d: {  	v6 =	vld [tilespmem:s14+$0xD00];
	v13 =	vshrl.u32 v8, $0x7;
	[tilespmem:s21+$0x2100] =	vst v11;
	v8 =	vadd.s32 $0xA54FF53A, v9;
	v9 =	vadd.s32 $0x3C6EF35F, v16  }
0x20e: {  	s1 =	simm.s32 $0x80;
	v14 =	vshrl.u32 v5, $0x5;
	v10 =	vld [tilespmem:s14+$0xC00];
	v11 =	vshrl.u32 v8, $0x5;
	[tilespmem:s21+$0x1900] =	vst v15;
	v15 =	vshrl.u32 v17, $0x7  }
.LBB2_17:
0x20f: {  	s16 =	sshra.s32 s1, $0x2;
	p0 =	sne.s32 s1, $0x3C0;
	s1 =	sadd.s32 $0x40, s1;
	v14 =	vmulhi.u32 $0xA7C5AC5, v14;
	v16 =	vshrl.u32 v1, $0x5;
	[tilespmem:s14+$0x1C00] =	vst v7;
	v7 =	vmul.u32 $0x186A0, v13  }
0x210: {  	v13 =	vld [tilespmem:s16+$0x700]  }
0x211: {  	v16 =	vmulhi.u32 $0xA7C5AC5, v16;
	[tilespmem:s14+$0x1D00] =	vst v3;
	v3 =	vadd.s32 $0x401, v12;
	v12 =	vmul.u32 $0x186A0, v15  }
0x212: {  	v4 =	vadd.s32 $0x401, v4;
	v14 =	vshrl.u32 v14, $0x7;
	[tilespmem:s14+$0x1E00] =	vst v3;
	v3 =	vsub.s32 v0, v7;
	v0 =	vmovc v8  }
0x213: {  	v8 =	vmul.u32 $0x186A0, v14;
	v7 =	vshrl.u32 v16, $0x7;
	v12 =	vsub.s32 v2, v12;
	[tilespmem:s21+$0x1B00] =	vst v3;
	v2 =	vmovc v9  }
0x214: {  	v15 =	vadd.s32 $0xB03, v6;
	v3 =	vld [tilespmem:s16+$0x900];
	v9 =	vmul.u32 $0x186A0, v7;
	v10 =	vadd.s32 $0x702, v10;
	[tilespmem:s21+$0x1A00] =	vst v12;
	s21 =	smov.u32 s14;
	s14 =	smov.u32 s16  }
0x215: {  	v6 =	vmulhi.u32 $0xA7C5AC5, v11;
	v7 =	vld [tilespmem:s14+$0x800];
	v5 =	vsub.s32 v5, v8;
	[tilespmem:s21+$0x1F00] =	vst v4;
	v8 =	vmul.u32 $0x9E3779B1, v13  }
.Ltmp10:
0x216: {  	v14 =	vshrl.u32 v2, $0x5;
	v11 =	vmul.u32 $0x85EBCA77, v13;
	v4 =	vld [tilespmem:s14+$0xB00];
	[tilespmem:s21+$0x1800] =	vst v5;
	(pc) =	sbr.rel @p0 .LBB2_17-.Ltmp10, $4  }
0x217: {  	v16 =	vmul.u32 $0xC2B2AE3D, v13;
	v17 =	vmul.u32 $0x27D4EB2F, v13;
	v13 =	vshrl.u32 v6, $0x7;
	v12 =	vld [tilespmem:s14+$0xA00];
	[tilespmem:s21+$0x2000] =	vst v10  }
0x218: {  	v18 =	vmulhi.u32 $0xA7C5AC5, v14;
	v5 =	vadd.s32 $0x165667B1, v8;
	v10 =	vadd.s32 $0xBB67AE85, v11  }
0x219: {  	v8 =	vadd.s32 $0xA54FF53A, v17;
	v17 =	vsub.s32 v1, v9;
	v14 =	vshrl.u32 v5, $0x5;
	v6 =	vld [tilespmem:s14+$0xD00];
	[tilespmem:s21+$0x2100] =	vst v15;
	v1 =	vmovc v10  }
0x21a: {  	v9 =	vadd.s32 $0x3C6EF35F, v16;
	v11 =	vshrl.u32 v8, $0x5;
	v15 =	vshrl.u32 v18, $0x7;
	v10 =	vld [tilespmem:s14+$0xC00];
	[tilespmem:s21+$0x1900] =	vst v17  }
0x21b: {  	[tilespmem:s14+$0x1C00] =	vst v7;
	v50 =	vmul.u32 $0x186A0, v13  }
0x21c: {  	v14 =	vmulhi.u32 $0xA7C5AC5, v14;
	[tilespmem:s14+$0x1D00] =	vst v3;
	v52 =	vmul.u32 $0x186A0, v15;
	v51 =	vadd.s32 $0x401, v12  }
0x21d: {  	v53 =	vshrl.u32 v1, $0x5;
	v57 =	vmulhi.u32 $0xA7C5AC5, v11;
	[tilespmem:s14+$0x1E00] =	vst v51;
	v0 =	vsub.s32 v0, v50  }
0x21e: {  	v58 =	vshrl.u32 v9, $0x5;
	v54 =	vmulhi.u32 $0xA7C5AC5, v53;
	v2 =	vsub.s32 v2, v52;
	[tilespmem:s21+$0x1B00] =	vst v0  }
0x21f: {  	v56 =	vadd.s32 $0x401, v4;
	v59 =	vmulhi.u32 $0xA7C5AC5, v58;
	v14 =	vshrl.u32 v14, $0x7;
	[tilespmem:s21+$0x1A00] =	vst v2  }
0x220: {  	v55 =	vmul.u32 $0x186A0, v14;
	v3 =	vshrl.u32 v54, $0x7;
	v61 =	vadd.s32 $0xB03, v6;
	[tilespmem:s14+$0x1F00] =	vst v56  }
0x221: {  	v2 =	vshrl.u32 v57, $0x7;
	v3 =	vmul.u32 $0x186A0, v3;
	v60 =	vadd.s32 $0x702, v10;
	[tilespmem:s14+$0x2100] =	vst v61  }
0x222: {  	v0 =	vshrl.u32 v59, $0x7;
	v2 =	vmul.u32 $0x186A0, v2;
	v5 =	vsub.s32 v5, v55;
	[tilespmem:s14+$0x2000] =	vst v60  }
0x223: {  	v0 =	vmul.u32 $0x186A0, v0;
	[tilespmem:s14+$0x1800] =	vst v5;
	v62 =	vsub.s32 v1, v3  }
0x224: {  	v63 =	vsub.s32 v8, v2;
	[tilespmem:s14+$0x1900] =	vst v62  }
0x225: {  	v0 =	vsub.s32 v9, v0;
	[tilespmem:s14+$0x1B00] =	vst v63  }
0x226: {  	s1 =	simm.s32 $0x1800;
	[tilespmem:s14+$0x1A00] =	vst v0  }
0x227: {  	[tilespmem:s17], [sflag:$0x4] =	stream.indirect.gather [hbm4b:s11+s19], $0x40, s1, s19, $0xb8;
	[tilespmem:$0x1A200] =	vst v63  }
0x228: {  	p0 =	sgt.u32 s30, $0x2F;
	s1 =	rddreg [dreg:$0x19]  }
0x229: {  	s23 =	simm.s32 $0x1C00;
	s1 =	sadd.s32 @!p0 s25, s1  }
0x22a: {  	[tilespmem:s24], [sflag:$0x4] =	stream.indirect.gather [hbm4b:s12+s19], $0x40, s23, s19, $0xb8;
	[tilespmem:$0x1A200] =	vst v63  }
0x22b: {  	s1 =	sshrl.u32 @!p0 s1, $0x3  }
0x22c: {  	s16 =	simm.s32 @!p0 $0x0;
	s14 =	sadd.s32 @!p0 s4, s1  }
0x22d: {  	[tilespmem:s16], [sflag:$0x1] =	stream.linear.gather @!p0 [hbm4b:s14+s16], $0x100, $0x38;
	[tilespmem:$0x1A200] =	vst v63  }
0x22e: {  	s21 =	simm.s32 @!p0 $0x100;
	s14 =	sadd.s32 @!p0 s5, s1  }
0x22f: {  	[tilespmem:s21], [sflag:$0x1] =	stream.linear.gather @!p0 [hbm4b:s14+s16], $0x100, $0x38;
	[tilespmem:$0x1A200] =	vst v63  }
0x230: {  	s14 =	sadd.s32 @!p0 s6, s1;
	s21 =	simm.s32 @!p0 $0x200  }
0x231: {  	[tilespmem:s21], [sflag:$0x1] =	stream.linear.gather @!p0 [hbm4b:s14+s16], $0x100, $0x38;
	[tilespmem:$0x1A200] =	vst v63  }
0x232: {  	s14 =	sadd.s32 @!p0 s7, s1;
	s21 =	simm.s32 @!p0 $0x300  }
0x233: {  	[tilespmem:s21], [sflag:$0x1] =	stream.linear.gather @!p0 [hbm4b:s14+s16], $0x100, $0x38;
	[tilespmem:$0x1A200] =	vst v63  }
0x234: {  	s14 =	sadd.s32 @!p0 s8, s1;
	s21 =	simm.s32 @!p0 $0x400  }
0x235: {  	[tilespmem:s21], [sflag:$0x1] =	stream.linear.gather @!p0 [hbm4b:s14+s16], $0x100, $0x38;
	[tilespmem:$0x1A200] =	vst v63  }
0x236: {  	s14 =	sadd.s32 @!p0 s9, s1;
	s21 =	simm.s32 @!p0 $0x500  }
0x237: {  	[tilespmem:s21], [sflag:$0x1] =	stream.linear.gather @!p0 [hbm4b:s14+s16], $0x100, $0x38;
	[tilespmem:$0x1A200] =	vst v63  }
0x238: {  	s30 =	sadd.s32 $0x1, s30;
	s1 =	sadd.s32 @!p0 s10, s1;
	s14 =	simm.s32 @!p0 $0x600  }
0x239: {  	[tilespmem:s14], [sflag:$0x1] =	stream.linear.gather @!p0 [hbm4b:s1+s16], $0x100, $0x38;
	[tilespmem:$0x1A200] =	vst v63  }
0x23a: {  	p0 =	sne.s32 s30, $0x32  }
.Ltmp11:
0x23b: {  	_ = 	snop;
	(pc) =	sbr.rel @p0 .LBB2_6-.Ltmp11, $4  }
.Ltmp12:
0x23c: {  	_ = 	snop;
	(pc) =	sbr.rel @!p0 .LBB2_19-.Ltmp12, $4  }
0x23d: {  	_ = 	snop  }
0x23e: {  	_ = 	snop  }
0x23f: {  	_ = 	snop  }
0x240: {  	_ = 	snop  }
.LBB2_20:
0x241: {  	_ =	sfence.sel $0x180000  }
0x242: {  	[bflag:$0x0] =	sbarrier.arrive $0xFFFF  }
0x243: {  	_ =	strace $0x90000047  }
0x244: {  	s0 =	stileid.u32;
	[bflag:$0x2] =	sbarrier.arrive $0xFFFF  }
0x245: {  	p0 =	sne.s32 s0, $0x0;
	s0 =	rddreg [dreg:$0x2]  }
0x246: {  	s0 =	sadd.s32 @!p0 $0x100000, s0  }
0x247: {  	[sflag:s0] =	ssyncadd.tile.s32 @!p0 $0x1;
	_ =	shalt  }
.Lfunc_end2:
_tile_overlayer_lowered:
.L_overlay_start_2:
0x248: {  	(tag) =	ssettag $0x2  }
0x249: {  	s0 =	rddreg [dreg:$0x0];
	s2 =	stileid.u32  }
0x24a: {  	s1 =	rddreg [dreg:$0x1];
	p0 =	sne.s32 s2, $0x0  }
0x24b: {  	s3 =	rddreg [dreg:$0x2];
	[bflag:$0x3] =	sbarrier.arrive $0xFFFF;
	s2 =	simm.s32 @!p0 $0x1C09  }
0x24c: {  	[timem:s3], [sflag:s2] =	dma.local @!p0 [hbm:s0], s1  }
0x24d: {  	s0 =	simm.s32 @!p0 $0x9  }
0x24e: {  	_ =	swait.ge @!p0 [sflag:s0], s1  }
0x24f: {  	s1 =	ssub.s32 @!p0 $0x0, s1;
	[sflag:s0] =	ssyncset.done @!p0 $0x0  }
0x250: {  	[sflag:s0] =	ssyncadd.s32 @!p0 s1  }
0x251: {  	[bflag:$0x3] =	sbarrier.arrive $0xFFFF  }
0x252: {  	_ =	shalt  }

// kernel: sparse-core-data-format-call.cloned.1.call-start
scs
called_computation_lowered:
.L_overlay_start_0:
0x0: {  	s2 =	sld [smem:$0x3FD9]  }
0x1: {  	s3 =	sld [smem:$0x3FFE];
	_ =	sdelay $0x1  }
0x2: {  	s1 =	srdreg.scid  }
0x3: {  	s0 =	sand.u32 $0x1, s1  }
0x4: {  	s18 =	sshll.u32 s0, $0xA;
	s2 =	sadd.s32 s3, s2  }
0x5: {  	s2 =	sadd.s32 s2, s18  }
0x6: {  	[smem:$0x3FBA] =	sst s2  }
0x7: {  	_ = 	snop  }
0x8: {  	s2 =	sld [smem:$0x3FD0];
	(tm) =	ssettm $0x1  }
0x9: {  	s19 =	sld [smem:$0x3FFB];
	_ =	sdelay $0x3  }
0xa: {  	_ =	strace s19  }
0xb: {  	s3 =	sld [smem:$0x3FFC];
	_ =	sdelay $0x3  }
0xc: {  	_ =	strace s3  }
0xd: {  	s3 =	sld [smem:$0x3FFD];
	_ =	sdelay $0x3  }
0xe: {  	_ =	strace s3  }
0xf: {  	_ =	strace $0x8FFFFFFF  }
0x10: {  	s20 =	sld [smem:$0x3FDB];
	_ =	sdelay $0x1  }
0x11: {  	s4 =	simm.s32 $_scs_section_size  }
0x12: {  	s5 =	simm.s32 $_size__tile_overlayer_lowered;
	s6 =	simm.s32 $_tile_overlayer_lowered  }
0x13: {  	s23 =	simm.s32 $0x1BFF;
	s22 =	sshll.u32 s6, $0x1;
	s3 =	sadd.s32 s4, s20  }
0x14: {  	s7 =	simm.s32 $0x0;
	s21 =	sshll.u32 s5, $0x1;
	s5 =	sadd.s32 s22, s3  }
0x15: {  	[timem:s7], [sflag:s23] =	dma.local [hbm:s5], s21  }
0x16: {  	_ =	swait.ge [sflag:s23], s21  }
0x17: {  	s4 =	ssub.s32 $0x0, s21;
	[sflag:s23] =	ssyncset.done $0x0  }
0x18: {  	[sflag:s23] =	ssyncadd.s32 s4;
	_ =	sdelay $0x1  }
0x19: {  	s24 =	simm.s32 $0x1B8B  }
0x1a: {  	_ =	swait.ge [sflag:s24], $0x1  }
0x1b: {  	[sflag:s24] =	ssyncset.done $0x0  }
0x1c: {  	s26 =	simm.s32 $0x1B8E;
	s25 =	sld [smem:$0x3FFE];
	[sflag:s24] =	ssyncadd.s32 $0xFFFFFFFF  }
0x1d: {  	s27 =	simm.s32 $execute0_lowered;
	[smem:$0x3FD2] =	sst s26  }
0x1e: {  	s5 =	sshll.u32 s27, $0x1;
	_ =	strace $0x80000049;
	[dreg:$0x1] =	wrdreg $0xFFFFFFFF  }
0x1f: {  	s28 =	simm.s32 $_size_execute0_lowered;
	s3 =	sadd.s32 s3, s5;
	[dreg:$0x0] =	wrdreg $0x0  }
0x20: {  	s5 =	sshll.u32 s28, $0x1;
	[dreg:$0x2] =	wrdreg s3  }
0x21: {  	[dreg:$0x3] =	wrdreg s5  }
0x22: {  	[dreg:$0x4] =	wrdreg $0xC0  }
0x23: {  	_ =	task [dreg:s7], $0x5FFFF  }
0x24: {  	[dreg:$0x1] =	wrdreg $0xFFFFFFFF  }
0x25: {  	[dreg:$0x0] =	wrdreg $0x60  }
0x26: {  	[dreg:$0x2] =	wrdreg s25  }
0x27: {  	[dreg:$0x3] =	wrdreg s2  }
0x28: {  	[dreg:$0x4] =	wrdreg $0x9  }
0x29: {  	_ =	task.clear_ibuf [dreg:s7], $0x5FFFF;
	_ =	strace $0x90000049  }
0x2a: {  	s29 =	simm.s32 $0x9;
	_ =	strace $0x8000004B  }
0x2b: {  	_ =	swait.ge [sflag:s29], $0x1  }
0x2c: {  	[sflag:s29] =	ssyncadd.s32 $0xFFFFFFFF  }
0x2d: {  	_ =	strace $0x9000004B  }
0x2e: {  	_ =	sfence  }
0x2f: {  	s30 =	sld [smem:$0x0];
	_ =	sdelay $0x2  }
0x30: {  	s31 =	sshll.u32 s1, $0xD;
	s1 =	sshrl.u32 s1, $0x2  }
0x31: {  	s3 =	sand.u32 $0x4000, s31;
	s1 =	sadd.s32 s1, s30  }
0x32: {  	s0 =	sor.u32 s3, s0;
	s1 =	sshll.u32 s1, $0x11  }
0x33: {  	s0 =	sor.u32 s1, s0  }
0x34: {  	s0 =	sadd.s32 $0x8F2B, s0  }
0x35: {  	[sflag:s0] =	ssyncadd.remote.s32 $0x1  }
0x36: {  	_ =	sfence.sel $0xFFFF  }
0x37: {  	[dreg:$0x0] =	wrdreg $0xFFFFFFFF;
	(pc) =	sbr.abs _section_cstart, $3  }
0x38: {  	[dreg:$0x1] =	wrdreg $0xFFFFFFFF  }
0x39: {  	_ =	task.clear_ibuf [dreg:s7], $0x2FFFF;
	_ =	strace $0x9FFFFFFF  }
0x3a: {  	(tm) =	ssettm $0x7FFFFFFF  }
0x3b: {  	_ =	shalt  }
tec
execute0_lowered:
.L_overlay_start_1:
0x0: {  	(tag) =	ssettag $0x1  }
0x1: {  	s0 =	srdreg.scid  }
0x2: {  	s1 =	sshll.u32 s0, $0x4  }
0x3: {  	s0 =	stileid.u32;
	s1 =	sand.u32 $0x10, s1  }
0x4: {  	s1 =	sor.u32 s0, s1  }
0x5: {  	s6 =	rddreg [dreg:$0x0];
	s4 =	simm.s32 $0x1;
	s2 =	sshll.u32 s1, $0x7  }
0x6: {  	s7 =	simm.s32 $0x2;
	s12 =	simm.s32 $0x0;
	s1 =	ssub.s32 $0x1000, s2  }
0x7: {  	s8 =	simm.s32 $0x8000;
	s13 =	simm.s32 $0x0;
	s3 =	sand.u32 $0xF80, s1  }
0x8: {  	s9 =	simm.s32 $0x0;
	s5 =	sshrl.u32 s1, $0xC;
	p0 =	sne.s32 s3, $0x0  }
.Ltmp0:
0x9: {  	s1 =	rddreg [dreg:$0x2];
	s4 =	simm.s32 @!p0 $0x0;
	(pc) =	sbr.rel .LBB1_1-.Ltmp0, $4  }
0xa: {  	s11 =	simm.s32 $0x0;
	s3 =	rddreg [dreg:$0x1];
	s5 =	sadd.s32 s4, s5  }
0xb: {  	_ =	strace $0x8000004A;
	s4 =	simm.s32 $0x1;
	s5 =	smul.u32 $0xC8, s5  }
0xc: {  	s6 =	sadd.s32 $0x3600, s6;
	s10 =	smov.u32 s2;
	[sflag:s4] =	ssyncpa.u1 $0x0  }
0xd: {  	p0 =	por $0x0, $0x0;
	[sflag:s7] =	ssyncpa.u1 $0x0;
	s7 =	sor.u32 $0x1, s5  }
.LBB1_4:
0xe: {  	s16 =	sshll.u32 s13, $0x3;
	s17 =	sand.u32 $0x78, s13  }
0xf: {  	s30 =	sand.u32 $0x7E00, s13;
	s12 =	sshll.u32 s12, $0xF;
	s16 =	sand.u32 $0xC00, s16  }
0x10: {  	[tilespmem:s15+$0x810 ss:$0x81] =	vst.msk $0xffff, v2;
	s31 =	sand.u32 $0x7, s13;
	s16 =	sor.u32 s17, s16;
	s17 =	sadd.s32 s3, s30  }
0x11: {  	[tilespmem:s15+$0x1020 ss:$0x81] =	vst.msk $0xffff, v0;
	s13 =	sshll.u32 s31, $0x12;
	s12 =	sadd.s32 s12, s17;
	s16 =	sshrl.u32 s16, $0x3  }
0x12: {  	[tilespmem:s15+$0x0 ss:$0x81] =	vst.msk $0xffff, v1;
	s13 =	sor.u32 $0x400, s13;
	s12 =	sadd.s32 s16, s12  }
0x13: {  	[hbm4b:s12+s13] =	stream.strided.scatter [tilespmem:s14], [sflag:$0x2], $0x2000, s8, s13, $0x20;
	[tilespmem:$0x8080] =	vst v63  }
.LBB1_5:
0x14: {  	s14 =	sadd.s32 $0x1, s9  }
0x15: {  	s12 =	sadd.s32 $0x1000, s10;
	s16 =	smov.u32 s10;
	p2 =	sgt.s32 s14, $0xC7  }
0x16: {  	s16 =	smov.u32 @p2 s12  }
0x17: {  	s14 =	simm.s32 @p2 $0x0;
	p2 =	sgt.s32 s16, $0xFFF  }
0x18: {  	s16 =	smov.u32 @p2 s2;
	p2 =	sne.s32 s11, s7  }
.Ltmp1:
0x19: {  	p1 =	slt.u32 s11, $0x2;
	(pc) =	sbr.rel @!p2 .LBB1_6-.Ltmp1, $4  }
0x1a: {  	s15 =	simm.s32 @!p1 $0x2  }
0x1b: {  	s13 =	smov.u32 s10;
	p0 =	por !p0, !p0;
	_ =	swait.ge @!p1 [sflag:s15], $0x2000  }
0x1c: {  	s12 =	smov.u32 s9;
	[sflag:s15] =	ssyncset.done @!p1 $0x0;
	s9 =	smov.u32 s14  }
0x1d: {  	s11 =	sadd.s32 $0x1, s11;
	[sflag:s15] =	ssyncadd.s32 @!p1 $0xFFFFE000;
	s10 =	smov.u32 s16  }
.LBB1_1:
0x1e: {  	p1 =	sge.u32 s11, s5  }
0x1f: {  	s14 =	sand.u32 @!p1 $0x1FFFFFF, s9  }
0x20: {  	s15 =	smulhi.u32 @!p1 $0x147AE15, s14;
	_ =	sdelay $0x1  }
0x21: {  	s15 =	smul.u32 @!p1 $0xC8, s15  }
0x22: {  	s16 =	sxor.u32 @!p1 $0xFFFFFFFF, s11;
	s17 =	smul.u32 @!p1 $0xC80, s10  }
0x23: {  	s31 =	sadd.s32 $0xFFFFFFFF, s11;
	s16 =	sshll.u32 @!p1 s16, $0xD;
	s14 =	ssub.s32 @!p1 s14, s15  }
0x24: {  	s15 =	sand.u32 @!p1 $0x2000, s16;
	s16 =	sadd.s32 @!p1 s6, s17;
	s14 =	sshll.u32 @!p1 s14, $0x4  }
0x25: {  	s17 =	simm.s32 @!p1 $0x6400;
	s14 =	sadd.s32 @!p1 s14, s16;
	s16 =	simm.s32 @!p1 $0x40  }
0x26: {  	[tilespmem:s15], [sflag:$0x1] =	stream.strided.gather @!p1 [hbm4b:s14+s16], $0x2000, s17, s16, $0x38;
	[tilespmem:$0x8080] =	vst v63  }
0x27: {  	p1 =	sge.u32 s31, s5  }
.Ltmp2:
0x28: {  	_ = 	snop;
	(pc) =	sbr.rel @p1 .LBB1_5-.Ltmp2, $1  }
0x29: {  	_ =	sdelay $0x3  }
0x2a: {  	s14 =	simm.s32 $0x1  }
0x2b: {  	_ =	swait.ge [sflag:s4], $0x2000;
	s14 =	simm.s32 @!p0 $0x0  }
0x2c: {  	[sflag:s4] =	ssyncset.done $0x0;
	s15 =	sshll.u32 s14, $0xD  }
0x2d: {  	[sflag:s4] =	ssyncadd.s32 $0xFFFFE000;
	s18 =	sor.u32 $0x20, s15  }
0x2e: {  	s14 =	smul.u32 $0x8100, s14;
	v3 =	vld [tilespmem:s18+$0x10]  }
0x2f: {  	s30 =	sand.u32 $0x1, s11;
	v2 =	vld [tilespmem:s18+$0xFFFFFFF0]  }
0x30: {  	s15 =	smul.u32 $0x8100, s30;
	s14 =	sshrl.u32 s14, $0x2;
	v0 =	vld [tilespmem:s18+$0x0]  }
0x31: {  	v1 =	vld [tilespmem:s18+$0xFFFFFFE0];
	s16 =	sor.u32 $0x4000, s14  }
0x32: {  	s31 =	sshrl.u32 s15, $0x2;
	s15 =	sadd.s32 $0x0, s16  }
0x33: {  	s17 =	simm.s32 $0x4;
	s18 =	sadd.s32 $0x40, s18;
	s14 =	sor.u32 $0x4000, s31;
	[tilespmem:s15+$0x1830 ss:$0x81] =	vst.msk $0xffff, v3  }
.LBB1_3:
0x34: {  	v3 =	vld [tilespmem:s18+$0x10];
	p1 =	sne.s32 s17, $0x1FC;
	[tilespmem:s15+$0x810 ss:$0x81] =	vst.msk $0xffff, v2;
	s19 =	smov.u32 s17;
	s17 =	sadd.s32 $0x4, s17  }
.Ltmp3:
0x35: {  	v2 =	vld [tilespmem:s18+$0xFFFFFFF0];
	[tilespmem:s15+$0x1020 ss:$0x81] =	vst.msk $0xffff, v0;
	(pc) =	sbr.rel @p1 .LBB1_3-.Ltmp3, $4  }
0x36: {  	v0 =	vld [tilespmem:s18+$0x0];
	[tilespmem:s15+$0x0 ss:$0x81] =	vst.msk $0xffff, v1  }
0x37: {  	s15 =	sshra.s32 s19, $0x2;
	v1 =	vld [tilespmem:s18+$0xFFFFFFE0]  }
0x38: {  	s15 =	sadd.s32 s15, s16  }
0x39: {  	s18 =	sadd.s32 $0x40, s18;
	[tilespmem:s15+$0x1830 ss:$0x81] =	vst.msk $0xffff, v3  }
.Ltmp4:
0x3a: {  	_ = 	snop;
	(pc) =	sbr.rel .LBB1_4-.Ltmp4, $1  }
0x3b: {  	_ =	sdelay $0x3  }
.LBB1_6:
0x3c: {  	_ =	sfence.sel $0x180000  }
0x3d: {  	s2 =	simm.s32 $0x1;
	[bflag:$0x0] =	sbarrier.arrive $0xFFFF  }
0x3e: {  	s31 =	simm.s32 $0x2;
	[sflag:s2] =	ssyncpa.u1 $0x1  }
0x3f: {  	[sflag:s31] =	ssyncpa.u1 $0x1  }
0x40: {  	p0 =	sne.s32 s0, $0x0;
	_ =	strace $0x9000004A  }
0x41: {  	s0 =	sadd.s32 @!p0 $0x100000, s1;
	[bflag:$0x2] =	sbarrier.arrive $0xFFFF  }
0x42: {  	[sflag:s0] =	ssyncadd.tile.s32 @!p0 $0x1;
	_ =	shalt  }
.Lfunc_end1:
_tile_overlayer_lowered:
.L_overlay_start_2:
0x43: {  	(tag) =	ssettag $0x2  }
0x44: {  	s0 =	rddreg [dreg:$0x0];
	s2 =	stileid.u32  }
0x45: {  	s1 =	rddreg [dreg:$0x1];
	p0 =	sne.s32 s2, $0x0  }
0x46: {  	s3 =	rddreg [dreg:$0x2];
	[bflag:$0x3] =	sbarrier.arrive $0xFFFF;
	s2 =	simm.s32 @!p0 $0x1C01  }
0x47: {  	[timem:s3], [sflag:s2] =	dma.local @!p0 [hbm:s0], s1  }
0x48: {  	s0 =	simm.s32 @!p0 $0x1  }
0x49: {  	_ =	swait.ge @!p0 [sflag:s0], s1  }
0x4a: {  	s1 =	ssub.s32 @!p0 $0x0, s1;
	[sflag:s0] =	ssyncset.done @!p0 $0x0  }
0x4b: {  	[sflag:s0] =	ssyncadd.s32 @!p0 s1  }
0x4c: {  	[bflag:$0x3] =	sbarrier.arrive $0xFFFF  }
0x4d: {  	_ =	shalt  }

</sc_bundles>
